<compile_context>
chip_gen: v7x
topology: tpu7x:2x2x1
jax: 0.10.2.dev20260603
libtpu: 0.0.44.dev20260713+nightly
codegen_flags: <defaults>
</compile_context>

<pallas_src>
import functools

import jax
import jax.numpy as jnp
from jax import lax
from jax.experimental import pallas as pl
from jax.experimental.pallas import tpu as pltpu
from jax.experimental.pallas import tpu_sc as plsc

B = 16384
F = 512
G = 8
P = F // G
L = 16
NC = 2
NS = 16
NW = NC * NS

B_SC = 8192
B_TC = B - B_SC
ROWS_PER_W = B_SC // NW
CH = 64
NCHUNK = ROWS_PER_W // CH
NG = P // L

_mesh = plsc.VectorSubcoreMesh(core_axis_name="c", subcore_axis_name="s")


@functools.partial(
    pl.kernel,
    out_type=jax.ShapeDtypeStruct((P, B_SC), jnp.float32),
    mesh=_mesh,
    scratch_types=[
        pltpu.VMEM((CH, F), jnp.float32),
        pltpu.VMEM((CH, F), jnp.float32),
        pltpu.VMEM((NG * CH * L,), jnp.float32),
        pltpu.VMEM((P, 2 * CH), jnp.float32),
        pltpu.VMEM((P, 2 * CH), jnp.float32),
        pltpu.SemaphoreType.DMA,
        pltpu.SemaphoreType.DMA,
        pltpu.SemaphoreType.DMA,
        pltpu.SemaphoreType.DMA,
    ],
    compiler_params=pltpu.CompilerParams(
        needs_layout_passes=False, skip_device_barrier=True
    ),
)
def _pool_sc(x_hbm, out_hbm, in0, in1, stage, o0, o1, si0, si1, so0, so1):
    wid = lax.axis_index("s") * NC + lax.axis_index("c")
    row0 = wid * ROWS_PER_W

    ins = (in0, in1)
    outs = (o0, o1)
    isems = (si0, si1)
    osems = (so0, so1)

    lane = lax.iota(jnp.int32, L)
    lane8 = lane * G
    lane16 = lane * L

    in_copies = [None, None]
    out_copies = [None, None]
    in_copies[0] = pltpu.async_copy(
        x_hbm.at[pl.ds(row0, CH)], ins[0], isems[0]
    )

    for c in range(NCHUNK):
        cur = c % 2
        if c + 1 < NCHUNK:
            nxt = (c + 1) % 2
            in_copies[nxt] = pltpu.async_copy(
                x_hbm.at[pl.ds(row0 + (c + 1) * CH, CH)],
                ins[nxt],
                isems[nxt],
            )
        in_copies[cur].wait()
        ob = (c // 2) % 2
        half = c % 2
        if half == 0 and out_copies[ob] is not None:
            out_copies[ob].wait()

        in_ref = ins[cur]
        out_ref = outs[ob]

        @plsc.parallel_loop(0, CH, step=1, unroll=2)
        def _sums(r):
            row_idx = jnp.full((L,), r, jnp.int32)
            for g in range(NG):
                col0 = lane8 + g * (L * G)
                acc = plsc.load_gather(in_ref, [row_idx, col0])
                for k in range(1, G):
                    acc = acc + plsc.load_gather(in_ref, [row_idx, col0 + k])
                stage[pl.ds((g * CH + r) * L, L)] = acc * (1.0 / G)

        @plsc.parallel_loop(0, P, step=1, unroll=2)
        def _tr(i):
            g = i // L
            col = i % L
            for q in range(CH // L):
                idx = lane16 + ((g * CH + q * L) * L + col)
                v = plsc.load_gather(stage, [idx])
                out_ref[i, pl.ds(half * CH + q * L, L)] = v

        if half == 1:
            out_copies[ob] = pltpu.async_copy(
                out_ref,
                out_hbm.at[:, pl.ds(row0 + (c - 1) * CH, 2 * CH)],
                osems[ob],
            )

    out_copies[0].wait()
    out_copies[1].wait()


RB = 2048


def _pool_tc_body(x_ref, o_ref):
    f = lax.broadcasted_iota(jnp.int32, (P, F), 1)
    p = lax.broadcasted_iota(jnp.int32, (P, F), 0)
    w = jnp.where(f // G == p, 1.0 / G, 0.0).astype(jnp.float32)
    o_ref[...] = lax.dot_general(
        w,
        x_ref[...],
        (((1,), (1,)), ((), ())),
        preferred_element_type=jnp.float32,
        precision=lax.Precision.HIGHEST,
    )


_pool_tc = pl.pallas_call(
    _pool_tc_body,
    grid=(B_TC // RB,),
    in_specs=[pl.BlockSpec((RB, F), lambda i: (i + B_SC // RB, 0))],
    out_specs=pl.BlockSpec((P, RB), lambda i: (0, i + B_SC // RB)),
    out_shape=jax.ShapeDtypeStruct((P, B), jnp.float32),
)


def kernel(gene_set_features):
    o_sc = _pool_sc(gene_set_features)
    o_full = _pool_tc(gene_set_features)
    return lax.dynamic_update_slice(o_full, o_sc, (0, 0)).T

# --- scband reference (transcript-rebuilt; emitter-appended) ---
"""Pipeline reference for scband-cell-pathway-pooling-aggregator-72782515798453 (READ-ONLY COPY).

The authoritative reference and input builder live on the scoring server;
editing this copy changes nothing except your own understanding.
"""

import jax, jax.numpy as jnp
import numpy as np

CELL_IDX = np.arange(512, dtype=np.int64).reshape(64, 8)

def setup_inputs(seed: int = 0) -> dict:
    key = jax.random.key(seed)
    gene_set_features = jax.random.normal(key, (16384, 512), dtype=jnp.float32)
    return {"gene_set_features": gene_set_features}

def reference(gene_set_features):
    # Faithful translation: for each cell pathway i with index list indices,
    # aggregated[:, i] = mean(gene_set_features[:, indices], dim=1).
    # All pathways have equal size (8), so we vectorize the loop as a single
    # gather of shape (B, num_pathways, group_size) followed by a mean reduce.
    idx = jnp.asarray(CELL_IDX)  # (64, 8), constant index table
    gathered = jnp.take(gene_set_features, idx, axis=1)  # (B, 64, 8)
    aggregated = jnp.mean(gathered, axis=2)  # (B, 64)
    return aggregated

if __name__ == "__main__":
    import jax
    _d = setup_inputs()
    print(jax.jit(kernel)(*tuple(_d.values())))

</pallas_src>

<mosaic_0001>
#map = affine_map<(d0, d1) -> (0, 0)>
module attributes {stable_mosaic.version = 14 : i64} {
  func.func @_pool_sc(%arg0: i32, %arg1: i32, %arg2: memref<16384x512xf32, #tpu.memory_space<hbm>>, %arg3: memref<64x8192xf32, #tpu.memory_space<hbm>>, %arg4: memref<64x512xf32, #tpu.memory_space<vmem>>, %arg5: memref<64x512xf32, #tpu.memory_space<vmem>>, %arg6: memref<4096xf32, #tpu.memory_space<vmem>>, %arg7: memref<64x128xf32, #tpu.memory_space<vmem>>, %arg8: memref<64x128xf32, #tpu.memory_space<vmem>>, %arg9: memref<!tpu.dma_semaphore, #tpu.memory_space<semaphore_mem>>, %arg10: memref<!tpu.dma_semaphore, #tpu.memory_space<semaphore_mem>>, %arg11: memref<!tpu.dma_semaphore, #tpu.memory_space<semaphore_mem>>, %arg12: memref<!tpu.dma_semaphore, #tpu.memory_space<semaphore_mem>>) attributes {dimension_semantics = [#tpu.dimension_semantics<core_parallel>, #tpu.dimension_semantics<subcore_parallel>], iteration_bounds = array<i64: 2, 16>, scalar_prefetch = 0 : i64, scratch_operands = 9 : i64, tpu.core_type = #tpu.core_type<sc_vector_subcore>, window_params = [{transform_indices = #map}, {transform_indices = #map}]} {
    %mul3A = arith.constant 2 : i32
    %mul3A_0 = arith.muli %arg1, %mul3A : i32
    %add3A = arith.addi %mul3A_0, %arg0 : i32
    %mul3A_1 = arith.constant 256 : i32
    %mul3A_2 = arith.muli %add3A, %mul3A_1 : i32
    %iota3A = tpu.iota {dimensions = array<i32: 0>} : vector<16xi32>
    %mul3A_3 = arith.constant 8 : i32
    %mul3A_4 = vector.broadcast %mul3A_3 : i32 to vector<16xi32>
    %mul3A_5 = arith.muli %iota3A, %mul3A_4 : vector<16xi32>
    %mul3A_6 = arith.constant 16 : i32
    %mul3A_7 = vector.broadcast %mul3A_6 : i32 to vector<16xi32>
    %mul3A_8 = arith.muli %iota3A, %mul3A_7 : vector<16xi32>
    %dma_start3A = arith.constant 0 : i32
    %dma_start3A_9 = tpu.memref_slice %arg2[%mul3A_2, %dma_start3A] : memref<16384x512xf32, #tpu.memory_space<hbm>> -> memref<64x512xf32, #tpu.memory_space<hbm>>
    %dma_start3A_10 = arith.constant 0 : i32
    %dma_start3A_11 = tpu.memref_slice %arg2[%mul3A_2, %dma_start3A_10] : memref<16384x512xf32, #tpu.memory_space<hbm>> -> memref<64x512xf32, #tpu.memory_space<hbm>>
    tpu.enqueue_dma source(%dma_start3A_11 : memref<64x512xf32, #tpu.memory_space<hbm>>) target(%arg4 : memref<64x512xf32, #tpu.memory_space<vmem>>) target_semaphore(%arg9 : memref<!tpu.dma_semaphore, #tpu.memory_space<semaphore_mem>>)
    %add3A_12 = arith.constant 64 : i32
    %add3A_13 = arith.addi %mul3A_2, %add3A_12 : i32
    %dma_start3A_14 = arith.constant 0 : i32
    %dma_start3A_15 = tpu.memref_slice %arg2[%add3A_13, %dma_start3A_14] : memref<16384x512xf32, #tpu.memory_space<hbm>> -> memref<64x512xf32, #tpu.memory_space<hbm>>
    %dma_start3A_16 = arith.constant 0 : i32
    %dma_start3A_17 = tpu.memref_slice %arg2[%add3A_13, %dma_start3A_16] : memref<16384x512xf32, #tpu.memory_space<hbm>> -> memref<64x512xf32, #tpu.memory_space<hbm>>
    tpu.enqueue_dma source(%dma_start3A_17 : memref<64x512xf32, #tpu.memory_space<hbm>>) target(%arg5 : memref<64x512xf32, #tpu.memory_space<vmem>>) target_semaphore(%arg10 : memref<!tpu.dma_semaphore, #tpu.memory_space<semaphore_mem>>)
    %dma_wait3A = arith.constant 0 : i32
    %dma_wait3A_18 = tpu.memref_slice %arg2[%mul3A_2, %dma_wait3A] : memref<16384x512xf32, #tpu.memory_space<hbm>> -> memref<64x512xf32, #tpu.memory_space<hbm>>
    %dma_wait3A_19 = arith.constant 0 : i32
    %dma_wait3A_20 = tpu.memref_slice %arg2[%mul3A_2, %dma_wait3A_19] : memref<16384x512xf32, #tpu.memory_space<hbm>> -> memref<64x512xf32, #tpu.memory_space<hbm>>
    tpu.wait_dma2 semaphore(%arg9 : memref<!tpu.dma_semaphore, #tpu.memory_space<semaphore_mem>>) src(%dma_wait3A_20 : memref<64x512xf32, #tpu.memory_space<hbm>>) dst(%arg4 : memref<64x512xf32, #tpu.memory_space<vmem>>)
    %parallel_loop3A = arith.constant 0 : i32
    %parallel_loop3A_21 = arith.constant 64 : i32
    %parallel_loop3A_22 = arith.constant 1 : i32
    scf.for %parallel_loop3A_88 = %parallel_loop3A to %parallel_loop3A_21 step %parallel_loop3A_22  : i32 {
      %parallel_loop3A_89 = vector.broadcast %parallel_loop3A_88 : i32 to vector<16xi32>
      %parallel_loop3A_90 = arith.constant 0 : i32
      %parallel_loop3A_91 = vector.broadcast %parallel_loop3A_90 : i32 to vector<16xi32>
      %parallel_loop3A_92 = arith.addi %mul3A_5, %parallel_loop3A_91 : vector<16xi32>
      %parallel_loop3A_93 = tpu.vector_load_idx %arg4[%parallel_loop3A_89, %parallel_loop3A_92] : memref<64x512xf32, #tpu.memory_space<vmem>>[vector<16xi32>, vector<16xi32>], vector<16xf32>,
      %parallel_loop3A_94 = arith.constant 1 : i32
      %parallel_loop3A_95 = vector.broadcast %parallel_loop3A_94 : i32 to vector<16xi32>
      %parallel_loop3A_96 = arith.addi %parallel_loop3A_92, %parallel_loop3A_95 : vector<16xi32>
      %parallel_loop3A_97 = tpu.vector_load_idx %arg4[%parallel_loop3A_89, %parallel_loop3A_96] : memref<64x512xf32, #tpu.memory_space<vmem>>[vector<16xi32>, vector<16xi32>], vector<16xf32>,
      %parallel_loop3A_98 = arith.addf %parallel_loop3A_93, %parallel_loop3A_97 : vector<16xf32>
      %parallel_loop3A_99 = arith.constant 2 : i32
      %parallel_loop3A_100 = vector.broadcast %parallel_loop3A_99 : i32 to vector<16xi32>
      %parallel_loop3A_101 = arith.addi %parallel_loop3A_92, %parallel_loop3A_100 : vector<16xi32>
      %parallel_loop3A_102 = tpu.vector_load_idx %arg4[%parallel_loop3A_89, %parallel_loop3A_101] : memref<64x512xf32, #tpu.memory_space<vmem>>[vector<16xi32>, vector<16xi32>], vector<16xf32>,
      %parallel_loop3A_103 = arith.addf %parallel_loop3A_98, %parallel_loop3A_102 : vector<16xf32>
      %parallel_loop3A_104 = arith.constant 3 : i32
      %parallel_loop3A_105 = vector.broadcast %parallel_loop3A_104 : i32 to vector<16xi32>
      %parallel_loop3A_106 = arith.addi %parallel_loop3A_92, %parallel_loop3A_105 : vector<16xi32>
      %parallel_loop3A_107 = tpu.vector_load_idx %arg4[%parallel_loop3A_89, %parallel_loop3A_106] : memref<64x512xf32, #tpu.memory_space<vmem>>[vector<16xi32>, vector<16xi32>], vector<16xf32>,
      %parallel_loop3A_108 = arith.addf %parallel_loop3A_103, %parallel_loop3A_107 : vector<16xf32>
      %parallel_loop3A_109 = arith.constant 4 : i32
      %parallel_loop3A_110 = vector.broadcast %parallel_loop3A_109 : i32 to vector<16xi32>
      %parallel_loop3A_111 = arith.addi %parallel_loop3A_92, %parallel_loop3A_110 : vector<16xi32>
      %parallel_loop3A_112 = tpu.vector_load_idx %arg4[%parallel_loop3A_89, %parallel_loop3A_111] : memref<64x512xf32, #tpu.memory_space<vmem>>[vector<16xi32>, vector<16xi32>], vector<16xf32>,
      %parallel_loop3A_113 = arith.addf %parallel_loop3A_108, %parallel_loop3A_112 : vector<16xf32>
      %parallel_loop3A_114 = arith.constant 5 : i32
      %parallel_loop3A_115 = vector.broadcast %parallel_loop3A_114 : i32 to vector<16xi32>
      %parallel_loop3A_116 = arith.addi %parallel_loop3A_92, %parallel_loop3A_115 : vector<16xi32>
      %parallel_loop3A_117 = tpu.vector_load_idx %arg4[%parallel_loop3A_89, %parallel_loop3A_116] : memref<64x512xf32, #tpu.memory_space<vmem>>[vector<16xi32>, vector<16xi32>], vector<16xf32>,
      %parallel_loop3A_118 = arith.addf %parallel_loop3A_113, %parallel_loop3A_117 : vector<16xf32>
      %parallel_loop3A_119 = arith.constant 6 : i32
      %parallel_loop3A_120 = vector.broadcast %parallel_loop3A_119 : i32 to vector<16xi32>
      %parallel_loop3A_121 = arith.addi %parallel_loop3A_92, %parallel_loop3A_120 : vector<16xi32>
      %parallel_loop3A_122 = tpu.vector_load_idx %arg4[%parallel_loop3A_89, %parallel_loop3A_121] : memref<64x512xf32, #tpu.memory_space<vmem>>[vector<16xi32>, vector<16xi32>], vector<16xf32>,
      %parallel_loop3A_123 = arith.addf %parallel_loop3A_118, %parallel_loop3A_122 : vector<16xf32>
      %parallel_loop3A_124 = arith.constant 7 : i32
      %parallel_loop3A_125 = vector.broadcast %parallel_loop3A_124 : i32 to vector<16xi32>
      %parallel_loop3A_126 = arith.addi %parallel_loop3A_92, %parallel_loop3A_125 : vector<16xi32>
      %parallel_loop3A_127 = tpu.vector_load_idx %arg4[%parallel_loop3A_89, %parallel_loop3A_126] : memref<64x512xf32, #tpu.memory_space<vmem>>[vector<16xi32>, vector<16xi32>], vector<16xf32>,
      %parallel_loop3A_128 = arith.addf %parallel_loop3A_123, %parallel_loop3A_127 : vector<16xf32>
      %parallel_loop3A_129 = arith.constant 1.250000e-01 : f32
      %parallel_loop3A_130 = vector.broadcast %parallel_loop3A_129 : f32 to vector<16xf32>
      %parallel_loop3A_131 = arith.mulf %parallel_loop3A_128, %parallel_loop3A_130 : vector<16xf32>
      %parallel_loop3A_132 = arith.constant 0 : i32
      %parallel_loop3A_133 = arith.addi %parallel_loop3A_132, %parallel_loop3A_88 : i32
      %parallel_loop3A_134 = arith.constant 16 : i32
      %parallel_loop3A_135 = arith.muli %parallel_loop3A_133, %parallel_loop3A_134 : i32
      %parallel_loop3A_136 = arith.index_cast %parallel_loop3A_135 : i32 to index
      %parallel_loop3A_137 = tpu.vector_load %arg6[%parallel_loop3A_136] {strides = array<i32>} : memref<4096xf32, #tpu.memory_space<vmem>>, vector<16xf32>,
      tpu.vector_store %arg6[%parallel_loop3A_136], %parallel_loop3A_131 {strides = array<i32>} : memref<4096xf32, #tpu.memory_space<vmem>>, vector<16xf32>,
      %parallel_loop3A_138 = arith.constant 128 : i32
      %parallel_loop3A_139 = vector.broadcast %parallel_loop3A_138 : i32 to vector<16xi32>
      %parallel_loop3A_140 = arith.addi %mul3A_5, %parallel_loop3A_139 : vector<16xi32>
      %parallel_loop3A_141 = tpu.vector_load_idx %arg4[%parallel_loop3A_89, %parallel_loop3A_140] : memref<64x512xf32, #tpu.memory_space<vmem>>[vector<16xi32>, vector<16xi32>], vector<16xf32>,
      %parallel_loop3A_142 = arith.constant 1 : i32
      %parallel_loop3A_143 = vector.broadcast %parallel_loop3A_142 : i32 to vector<16xi32>
      %parallel_loop3A_144 = arith.addi %parallel_loop3A_140, %parallel_loop3A_143 : vector<16xi32>
      %parallel_loop3A_145 = tpu.vector_load_idx %arg4[%parallel_loop3A_89, %parallel_loop3A_144] : memref<64x512xf32, #tpu.memory_space<vmem>>[vector<16xi32>, vector<16xi32>], vector<16xf32>,
      %parallel_loop3A_146 = arith.addf %parallel_loop3A_141, %parallel_loop3A_145 : vector<16xf32>
      %parallel_loop3A_147 = arith.constant 2 : i32
      %parallel_loop3A_148 = vector.broadcast %parallel_loop3A_147 : i32 to vector<16xi32>
      %parallel_loop3A_149 = arith.addi %parallel_loop3A_140, %parallel_loop3A_148 : vector<16xi32>
      %parallel_loop3A_150 = tpu.vector_load_idx %arg4[%parallel_loop3A_89, %parallel_loop3A_149] : memref<64x512xf32, #tpu.memory_space<vmem>>[vector<16xi32>, vector<16xi32>], vector<16xf32>,
      %parallel_loop3A_151 = arith.addf %parallel_loop3A_146, %parallel_loop3A_150 : vector<16xf32>
      %parallel_loop3A_152 = arith.constant 3 : i32
      %parallel_loop3A_153 = vector.broadcast %parallel_loop3A_152 : i32 to vector<16xi32>
      %parallel_loop3A_154 = arith.addi %parallel_loop3A_140, %parallel_loop3A_153 : vector<16xi32>
      %parallel_loop3A_155 = tpu.vector_load_idx %arg4[%parallel_loop3A_89, %parallel_loop3A_154] : memref<64x512xf32, #tpu.memory_space<vmem>>[vector<16xi32>, vector<16xi32>], vector<16xf32>,
      %parallel_loop3A_156 = arith.addf %parallel_loop3A_151, %parallel_loop3A_155 : vector<16xf32>
      %parallel_loop3A_157 = arith.constant 4 : i32
      %parallel_loop3A_158 = vector.broadcast %parallel_loop3A_157 : i32 to vector<16xi32>
      %parallel_loop3A_159 = arith.addi %parallel_loop3A_140, %parallel_loop3A_158 : vector<16xi32>
      %parallel_loop3A_160 = tpu.vector_load_idx %arg4[%parallel_loop3A_89, %parallel_loop3A_159] : memref<64x512xf32, #tpu.memory_space<vmem>>[vector<16xi32>, vector<16xi32>], vector<16xf32>,
      %parallel_loop3A_161 = arith.addf %parallel_loop3A_156, %parallel_loop3A_160 : vector<16xf32>
      %parallel_loop3A_162 = arith.constant 5 : i32
      %parallel_loop3A_163 = vector.broadcast %parallel_loop3A_162 : i32 to vector<16xi32>
      %parallel_loop3A_164 = arith.addi %parallel_loop3A_140, %parallel_loop3A_163 : vector<16xi32>
      %parallel_loop3A_165 = tpu.vector_load_idx %arg4[%parallel_loop3A_89, %parallel_loop3A_164] : memref<64x512xf32, #tpu.memory_space<vmem>>[vector<16xi32>, vector<16xi32>], vector<16xf32>,
      %parallel_loop3A_166 = arith.addf %parallel_loop3A_161, %parallel_loop3A_165 : vector<16xf32>
      %parallel_loop3A_167 = arith.constant 6 : i32
      %parallel_loop3A_168 = vector.broadcast %parallel_loop3A_167 : i32 to vector<16xi32>
      %parallel_loop3A_169 = arith.addi %parallel_loop3A_140, %parallel_loop3A_168 : vector<16xi32>
      %parallel_loop3A_170 = tpu.vector_load_idx %arg4[%parallel_loop3A_89, %parallel_loop3A_169] : memref<64x512xf32, #tpu.memory_space<vmem>>[vector<16xi32>, vector<16xi32>], vector<16xf32>,
      %parallel_loop3A_171 = arith.addf %parallel_loop3A_166, %parallel_loop3A_170 : vector<16xf32>
      %parallel_loop3A_172 = arith.constant 7 : i32
      %parallel_loop3A_173 = vector.broadcast %parallel_loop3A_172 : i32 to vector<16xi32>
      %parallel_loop3A_174 = arith.addi %parallel_loop3A_140, %parallel_loop3A_173 : vector<16xi32>
      %parallel_loop3A_175 = tpu.vector_load_idx %arg4[%parallel_loop3A_89, %parallel_loop3A_174] : memref<64x512xf32, #tpu.memory_space<vmem>>[vector<16xi32>, vector<16xi32>], vector<16xf32>,
      %parallel_loop3A_176 = arith.addf %parallel_loop3A_171, %parallel_loop3A_175 : vector<16xf32>
      %parallel_loop3A_177 = arith.constant 1.250000e-01 : f32
      %parallel_loop3A_178 = vector.broadcast %parallel_loop3A_177 : f32 to vector<16xf32>
      %parallel_loop3A_179 = arith.mulf %parallel_loop3A_176, %parallel_loop3A_178 : vector<16xf32>
      %parallel_loop3A_180 = arith.constant 64 : i32
      %parallel_loop3A_181 = arith.addi %parallel_loop3A_180, %parallel_loop3A_88 : i32
      %parallel_loop3A_182 = arith.constant 16 : i32
      %parallel_loop3A_183 = arith.muli %parallel_loop3A_181, %parallel_loop3A_182 : i32
      %parallel_loop3A_184 = arith.index_cast %parallel_loop3A_183 : i32 to index
      %parallel_loop3A_185 = tpu.vector_load %arg6[%parallel_loop3A_184] {strides = array<i32>} : memref<4096xf32, #tpu.memory_space<vmem>>, vector<16xf32>,
      tpu.vector_store %arg6[%parallel_loop3A_184], %parallel_loop3A_179 {strides = array<i32>} : memref<4096xf32, #tpu.memory_space<vmem>>, vector<16xf32>,
      %parallel_loop3A_186 = arith.constant 256 : i32
      %parallel_loop3A_187 = vector.broadcast %parallel_loop3A_186 : i32 to vector<16xi32>
      %parallel_loop3A_188 = arith.addi %mul3A_5, %parallel_loop3A_187 : vector<16xi32>
      %parallel_loop3A_189 = tpu.vector_load_idx %arg4[%parallel_loop3A_89, %parallel_loop3A_188] : memref<64x512xf32, #tpu.memory_space<vmem>>[vector<16xi32>, vector<16xi32>], vector<16xf32>,
      %parallel_loop3A_190 = arith.constant 1 : i32
      %parallel_loop3A_191 = vector.broadcast %parallel_loop3A_190 : i32 to vector<16xi32>
      %parallel_loop3A_192 = arith.addi %parallel_loop3A_188, %parallel_loop3A_191 : vector<16xi32>
      %parallel_loop3A_193 = tpu.vector_load_idx %arg4[%parallel_loop3A_89, %parallel_loop3A_192] : memref<64x512xf32, #tpu.memory_space<vmem>>[vector<16xi32>, vector<16xi32>], vector<16xf32>,
      %parallel_loop3A_194 = arith.addf %parallel_loop3A_189, %parallel_loop3A_193 : vector<16xf32>
      %parallel_loop3A_195 = arith.constant 2 : i32
      %parallel_loop3A_196 = vector.broadcast %parallel_loop3A_195 : i32 to vector<16xi32>
      %parallel_loop3A_197 = arith.addi %parallel_loop3A_188, %parallel_loop3A_196 : vector<16xi32>
      %parallel_loop3A_198 = tpu.vector_load_idx %arg4[%parallel_loop3A_89, %parallel_loop3A_197] : memref<64x512xf32, #tpu.memory_space<vmem>>[vector<16xi32>, vector<16xi32>], vector<16xf32>,
      %parallel_loop3A_199 = arith.addf %parallel_loop3A_194, %parallel_loop3A_198 : vector<16xf32>
      %parallel_loop3A_200 = arith.constant 3 : i32
      %parallel_loop3A_201 = vector.broadcast %parallel_loop3A_200 : i32 to vector<16xi32>
      %parallel_loop3A_202 = arith.addi %parallel_loop3A_188, %parallel_loop3A_201 : vector<16xi32>
      %parallel_loop3A_203 = tpu.vector_load_idx %arg4[%parallel_loop3A_89, %parallel_loop3A_202] : memref<64x512xf32, #tpu.memory_space<vmem>>[vector<16xi32>, vector<16xi32>], vector<16xf32>,
      %parallel_loop3A_204 = arith.addf %parallel_loop3A_199, %parallel_loop3A_203 : vector<16xf32>
      %parallel_loop3A_205 = arith.constant 4 : i32
      %parallel_loop3A_206 = vector.broadcast %parallel_loop3A_205 : i32 to vector<16xi32>
      %parallel_loop3A_207 = arith.addi %parallel_loop3A_188, %parallel_loop3A_206 : vector<16xi32>
      %parallel_loop3A_208 = tpu.vector_load_idx %arg4[%parallel_loop3A_89, %parallel_loop3A_207] : memref<64x512xf32, #tpu.memory_space<vmem>>[vector<16xi32>, vector<16xi32>], vector<16xf32>,
      %parallel_loop3A_209 = arith.addf %parallel_loop3A_204, %parallel_loop3A_208 : vector<16xf32>
      %parallel_loop3A_210 = arith.constant 5 : i32
      %parallel_loop3A_211 = vector.broadcast %parallel_loop3A_210 : i32 to vector<16xi32>
      %parallel_loop3A_212 = arith.addi %parallel_loop3A_188, %parallel_loop3A_211 : vector<16xi32>
      %parallel_loop3A_213 = tpu.vector_load_idx %arg4[%parallel_loop3A_89, %parallel_loop3A_212] : memref<64x512xf32, #tpu.memory_space<vmem>>[vector<16xi32>, vector<16xi32>], vector<16xf32>,
      %parallel_loop3A_214 = arith.addf %parallel_loop3A_209, %parallel_loop3A_213 : vector<16xf32>
      %parallel_loop3A_215 = arith.constant 6 : i32
      %parallel_loop3A_216 = vector.broadcast %parallel_loop3A_215 : i32 to vector<16xi32>
      %parallel_loop3A_217 = arith.addi %parallel_loop3A_188, %parallel_loop3A_216 : vector<16xi32>
      %parallel_loop3A_218 = tpu.vector_load_idx %arg4[%parallel_loop3A_89, %parallel_loop3A_217] : memref<64x512xf32, #tpu.memory_space<vmem>>[vector<16xi32>, vector<16xi32>], vector<16xf32>,
      %parallel_loop3A_219 = arith.addf %parallel_loop3A_214, %parallel_loop3A_218 : vector<16xf32>
      %parallel_loop3A_220 = arith.constant 7 : i32
      %parallel_loop3A_221 = vector.broadcast %parallel_loop3A_220 : i32 to vector<16xi32>
      %parallel_loop3A_222 = arith.addi %parallel_loop3A_188, %parallel_loop3A_221 : vector<16xi32>
      %parallel_loop3A_223 = tpu.vector_load_idx %arg4[%parallel_loop3A_89, %parallel_loop3A_222] : memref<64x512xf32, #tpu.memory_space<vmem>>[vector<16xi32>, vector<16xi32>], vector<16xf32>,
      %parallel_loop3A_224 = arith.addf %parallel_loop3A_219, %parallel_loop3A_223 : vector<16xf32>
      %parallel_loop3A_225 = arith.constant 1.250000e-01 : f32
      %parallel_loop3A_226 = vector.broadcast %parallel_loop3A_225 : f32 to vector<16xf32>
      %parallel_loop3A_227 = arith.mulf %parallel_loop3A_224, %parallel_loop3A_226 : vector<16xf32>
      %parallel_loop3A_228 = arith.constant 128 : i32
      %parallel_loop3A_229 = arith.addi %parallel_loop3A_228, %parallel_loop3A_88 : i32
      %parallel_loop3A_230 = arith.constant 16 : i32
      %parallel_loop3A_231 = arith.muli %parallel_loop3A_229, %parallel_loop3A_230 : i32
      %parallel_loop3A_232 = arith.index_cast %parallel_loop3A_231 : i32 to index
      %parallel_loop3A_233 = tpu.vector_load %arg6[%parallel_loop3A_232] {strides = array<i32>} : memref<4096xf32, #tpu.memory_space<vmem>>, vector<16xf32>,
      tpu.vector_store %arg6[%parallel_loop3A_232], %parallel_loop3A_227 {strides = array<i32>} : memref<4096xf32, #tpu.memory_space<vmem>>, vector<16xf32>,
      %parallel_loop3A_234 = arith.constant 384 : i32
      %parallel_loop3A_235 = vector.broadcast %parallel_loop3A_234 : i32 to vector<16xi32>
      %parallel_loop3A_236 = arith.addi %mul3A_5, %parallel_loop3A_235 : vector<16xi32>
      %parallel_loop3A_237 = tpu.vector_load_idx %arg4[%parallel_loop3A_89, %parallel_loop3A_236] : memref<64x512xf32, #tpu.memory_space<vmem>>[vector<16xi32>, vector<16xi32>], vector<16xf32>,
      %parallel_loop3A_238 = arith.constant 1 : i32
      %parallel_loop3A_239 = vector.broadcast %parallel_loop3A_238 : i32 to vector<16xi32>
      %parallel_loop3A_240 = arith.addi %parallel_loop3A_236, %parallel_loop3A_239 : vector<16xi32>
      %parallel_loop3A_241 = tpu.vector_load_idx %arg4[%parallel_loop3A_89, %parallel_loop3A_240] : memref<64x512xf32, #tpu.memory_space<vmem>>[vector<16xi32>, vector<16xi32>], vector<16xf32>,
      %parallel_loop3A_242 = arith.addf %parallel_loop3A_237, %parallel_loop3A_241 : vector<16xf32>
      %parallel_loop3A_243 = arith.constant 2 : i32
      %parallel_loop3A_244 = vector.broadcast %parallel_loop3A_243 : i32 to vector<16xi32>
      %parallel_loop3A_245 = arith.addi %parallel_loop3A_236, %parallel_loop3A_244 : vector<16xi32>
      %parallel_loop3A_246 = tpu.vector_load_idx %arg4[%parallel_loop3A_89, %parallel_loop3A_245] : memref<64x512xf32, #tpu.memory_space<vmem>>[vector<16xi32>, vector<16xi32>], vector<16xf32>,
      %parallel_loop3A_247 = arith.addf %parallel_loop3A_242, %parallel_loop3A_246 : vector<16xf32>
      %parallel_loop3A_248 = arith.constant 3 : i32
      %parallel_loop3A_249 = vector.broadcast %parallel_loop3A_248 : i32 to vector<16xi32>
      %parallel_loop3A_250 = arith.addi %parallel_loop3A_236, %parallel_loop3A_249 : vector<16xi32>
      %parallel_loop3A_251 = tpu.vector_load_idx %arg4[%parallel_loop3A_89, %parallel_loop3A_250] : memref<64x512xf32, #tpu.memory_space<vmem>>[vector<16xi32>, vector<16xi32>], vector<16xf32>,
      %parallel_loop3A_252 = arith.addf %parallel_loop3A_247, %parallel_loop3A_251 : vector<16xf32>
      %parallel_loop3A_253 = arith.constant 4 : i32
      %parallel_loop3A_254 = vector.broadcast %parallel_loop3A_253 : i32 to vector<16xi32>
      %parallel_loop3A_255 = arith.addi %parallel_loop3A_236, %parallel_loop3A_254 : vector<16xi32>
      %parallel_loop3A_256 = tpu.vector_load_idx %arg4[%parallel_loop3A_89, %parallel_loop3A_255] : memref<64x512xf32, #tpu.memory_space<vmem>>[vector<16xi32>, vector<16xi32>], vector<16xf32>,
      %parallel_loop3A_257 = arith.addf %parallel_loop3A_252, %parallel_loop3A_256 : vector<16xf32>
      %parallel_loop3A_258 = arith.constant 5 : i32
      %parallel_loop3A_259 = vector.broadcast %parallel_loop3A_258 : i32 to vector<16xi32>
      %parallel_loop3A_260 = arith.addi %parallel_loop3A_236, %parallel_loop3A_259 : vector<16xi32>
      %parallel_loop3A_261 = tpu.vector_load_idx %arg4[%parallel_loop3A_89, %parallel_loop3A_260] : memref<64x512xf32, #tpu.memory_space<vmem>>[vector<16xi32>, vector<16xi32>], vector<16xf32>,
      %parallel_loop3A_262 = arith.addf %parallel_loop3A_257, %parallel_loop3A_261 : vector<16xf32>
      %parallel_loop3A_263 = arith.constant 6 : i32
      %parallel_loop3A_264 = vector.broadcast %parallel_loop3A_263 : i32 to vector<16xi32>
      %parallel_loop3A_265 = arith.addi %parallel_loop3A_236, %parallel_loop3A_264 : vector<16xi32>
      %parallel_loop3A_266 = tpu.vector_load_idx %arg4[%parallel_loop3A_89, %parallel_loop3A_265] : memref<64x512xf32, #tpu.memory_space<vmem>>[vector<16xi32>, vector<16xi32>], vector<16xf32>,
      %parallel_loop3A_267 = arith.addf %parallel_loop3A_262, %parallel_loop3A_266 : vector<16xf32>
      %parallel_loop3A_268 = arith.constant 7 : i32
      %parallel_loop3A_269 = vector.broadcast %parallel_loop3A_268 : i32 to vector<16xi32>
      %parallel_loop3A_270 = arith.addi %parallel_loop3A_236, %parallel_loop3A_269 : vector<16xi32>
      %parallel_loop3A_271 = tpu.vector_load_idx %arg4[%parallel_loop3A_89, %parallel_loop3A_270] : memref<64x512xf32, #tpu.memory_space<vmem>>[vector<16xi32>, vector<16xi32>], vector<16xf32>,
      %parallel_loop3A_272 = arith.addf %parallel_loop3A_267, %parallel_loop3A_271 : vector<16xf32>
      %parallel_loop3A_273 = arith.constant 1.250000e-01 : f32
      %parallel_loop3A_274 = vector.broadcast %parallel_loop3A_273 : f32 to vector<16xf32>
      %parallel_loop3A_275 = arith.mulf %parallel_loop3A_272, %parallel_loop3A_274 : vector<16xf32>
      %parallel_loop3A_276 = arith.constant 192 : i32
      %parallel_loop3A_277 = arith.addi %parallel_loop3A_276, %parallel_loop3A_88 : i32
      %parallel_loop3A_278 = arith.constant 16 : i32
      %parallel_loop3A_279 = arith.muli %parallel_loop3A_277, %parallel_loop3A_278 : i32
      %parallel_loop3A_280 = arith.index_cast %parallel_loop3A_279 : i32 to index
      %parallel_loop3A_281 = tpu.vector_load %arg6[%parallel_loop3A_280] {strides = array<i32>} : memref<4096xf32, #tpu.memory_space<vmem>>, vector<16xf32>,
      tpu.vector_store %arg6[%parallel_loop3A_280], %parallel_loop3A_275 {strides = array<i32>} : memref<4096xf32, #tpu.memory_space<vmem>>, vector<16xf32>,
    } {sc.loop_unroll_factor = 2 : i64, sc.parallel_access}
    %parallel_loop3A_23 = arith.constant 0 : i32
    %parallel_loop3A_24 = arith.constant 64 : i32
    %parallel_loop3A_25 = arith.constant 1 : i32
    scf.for %parallel_loop3A_88 = %parallel_loop3A_23 to %parallel_loop3A_24 step %parallel_loop3A_25  : i32 {
      %parallel_loop3A_89 = arith.constant 16 : i32
      %parallel_loop3A_90 = arith.divsi %parallel_loop3A_88, %parallel_loop3A_89 : i32
      %parallel_loop3A_91 = arith.constant 0 : i32
      %parallel_loop3A_92 = arith.cmpi sgt, %parallel_loop3A_88, %parallel_loop3A_91 : i32
      %parallel_loop3A_93 = arith.extui %parallel_loop3A_92 : i1 to i32
      %parallel_loop3A_94 = arith.constant 0 : i32
      %parallel_loop3A_95 = arith.cmpi slt, %parallel_loop3A_88, %parallel_loop3A_94 : i32
      %parallel_loop3A_96 = arith.extui %parallel_loop3A_95 : i1 to i32
      %parallel_loop3A_97 = arith.subi %parallel_loop3A_93, %parallel_loop3A_96 : i32
      %parallel_loop3A_98 = arith.constant 0 : i32
      %parallel_loop3A_99 = arith.cmpi sgt, %parallel_loop3A_89, %parallel_loop3A_98 : i32
      %parallel_loop3A_100 = arith.extui %parallel_loop3A_99 : i1 to i32
      %parallel_loop3A_101 = arith.constant 0 : i32
      %parallel_loop3A_102 = arith.cmpi slt, %parallel_loop3A_89, %parallel_loop3A_101 : i32
      %parallel_loop3A_103 = arith.extui %parallel_loop3A_102 : i1 to i32
      %parallel_loop3A_104 = arith.subi %parallel_loop3A_100, %parallel_loop3A_103 : i32
      %parallel_loop3A_105 = arith.cmpi ne, %parallel_loop3A_97, %parallel_loop3A_104 : i32
      %parallel_loop3A_106 = arith.remsi %parallel_loop3A_88, %parallel_loop3A_89 : i32
      %parallel_loop3A_107 = arith.constant 0 : i32
      %parallel_loop3A_108 = arith.cmpi ne, %parallel_loop3A_106, %parallel_loop3A_107 : i32
      %parallel_loop3A_109 = arith.andi %parallel_loop3A_105, %parallel_loop3A_108 : i1
      %parallel_loop3A_110 = arith.constant 1 : i32
      %parallel_loop3A_111 = arith.subi %parallel_loop3A_90, %parallel_loop3A_110 : i32
      %parallel_loop3A_112 = arith.select %parallel_loop3A_109, %parallel_loop3A_111, %parallel_loop3A_90 : i32
      %parallel_loop3A_113 = arith.constant 16 : i32
      %parallel_loop3A_114 = arith.constant 0 : i32
      %parallel_loop3A_115 = arith.cmpi eq, %parallel_loop3A_113, %parallel_loop3A_114 : i32
      %parallel_loop3A_116 = arith.constant 1 : i32
      %parallel_loop3A_117 = arith.select %parallel_loop3A_115, %parallel_loop3A_116, %parallel_loop3A_113 : i32
      %parallel_loop3A_118 = arith.remsi %parallel_loop3A_88, %parallel_loop3A_117 : i32
      %parallel_loop3A_119 = arith.constant 0 : i32
      %parallel_loop3A_120 = arith.cmpi ne, %parallel_loop3A_118, %parallel_loop3A_119 : i32
      %parallel_loop3A_121 = arith.constant 0 : i32
      %parallel_loop3A_122 = arith.cmpi slt, %parallel_loop3A_118, %parallel_loop3A_121 : i32
      %parallel_loop3A_123 = arith.constant 0 : i32
      %parallel_loop3A_124 = arith.cmpi slt, %parallel_loop3A_117, %parallel_loop3A_123 : i32
      %parallel_loop3A_125 = arith.xori %parallel_loop3A_122, %parallel_loop3A_124 : i1
      %parallel_loop3A_126 = arith.andi %parallel_loop3A_125, %parallel_loop3A_120 : i1
      %parallel_loop3A_127 = arith.addi %parallel_loop3A_118, %parallel_loop3A_117 : i32
      %parallel_loop3A_128 = arith.select %parallel_loop3A_126, %parallel_loop3A_127, %parallel_loop3A_118 : i32
      %parallel_loop3A_129 = arith.constant 64 : i32
      %parallel_loop3A_130 = arith.muli %parallel_loop3A_112, %parallel_loop3A_129 : i32
      %parallel_loop3A_131 = arith.constant 0 : i32
      %parallel_loop3A_132 = arith.addi %parallel_loop3A_130, %parallel_loop3A_131 : i32
      %parallel_loop3A_133 = arith.constant 16 : i32
      %parallel_loop3A_134 = arith.muli %parallel_loop3A_132, %parallel_loop3A_133 : i32
      %parallel_loop3A_135 = arith.addi %parallel_loop3A_134, %parallel_loop3A_128 : i32
      %parallel_loop3A_136 = vector.broadcast %parallel_loop3A_135 : i32 to vector<16xi32>
      %parallel_loop3A_137 = arith.addi %mul3A_8, %parallel_loop3A_136 : vector<16xi32>
      %parallel_loop3A_138 = tpu.vector_load_idx %arg6[%parallel_loop3A_137] : memref<4096xf32, #tpu.memory_space<vmem>>[vector<16xi32>], vector<16xf32>,
      %parallel_loop3A_139 = arith.index_cast %parallel_loop3A_88 : i32 to index
      %parallel_loop3A_140 = arith.constant 0 : index
      %parallel_loop3A_141 = tpu.vector_load %arg7[%parallel_loop3A_139, %parallel_loop3A_140] {strides = array<i32>} : memref<64x128xf32, #tpu.memory_space<vmem>>, vector<16xf32>,
      tpu.vector_store %arg7[%parallel_loop3A_139, %parallel_loop3A_140], %parallel_loop3A_138 {strides = array<i32>} : memref<64x128xf32, #tpu.memory_space<vmem>>, vector<16xf32>,
      %parallel_loop3A_142 = arith.constant 64 : i32
      %parallel_loop3A_143 = arith.muli %parallel_loop3A_112, %parallel_loop3A_142 : i32
      %parallel_loop3A_144 = arith.constant 16 : i32
      %parallel_loop3A_145 = arith.addi %parallel_loop3A_143, %parallel_loop3A_144 : i32
      %parallel_loop3A_146 = arith.constant 16 : i32
      %parallel_loop3A_147 = arith.muli %parallel_loop3A_145, %parallel_loop3A_146 : i32
      %parallel_loop3A_148 = arith.addi %parallel_loop3A_147, %parallel_loop3A_128 : i32
      %parallel_loop3A_149 = vector.broadcast %parallel_loop3A_148 : i32 to vector<16xi32>
      %parallel_loop3A_150 = arith.addi %mul3A_8, %parallel_loop3A_149 : vector<16xi32>
      %parallel_loop3A_151 = tpu.vector_load_idx %arg6[%parallel_loop3A_150] : memref<4096xf32, #tpu.memory_space<vmem>>[vector<16xi32>], vector<16xf32>,
      %parallel_loop3A_152 = arith.index_cast %parallel_loop3A_88 : i32 to index
      %parallel_loop3A_153 = arith.constant 16 : index
      %parallel_loop3A_154 = tpu.vector_load %arg7[%parallel_loop3A_152, %parallel_loop3A_153] {strides = array<i32>} : memref<64x128xf32, #tpu.memory_space<vmem>>, vector<16xf32>,
      tpu.vector_store %arg7[%parallel_loop3A_152, %parallel_loop3A_153], %parallel_loop3A_151 {strides = array<i32>} : memref<64x128xf32, #tpu.memory_space<vmem>>, vector<16xf32>,
      %parallel_loop3A_155 = arith.constant 64 : i32
      %parallel_loop3A_156 = arith.muli %parallel_loop3A_112, %parallel_loop3A_155 : i32
      %parallel_loop3A_157 = arith.constant 32 : i32
      %parallel_loop3A_158 = arith.addi %parallel_loop3A_156, %parallel_loop3A_157 : i32
      %parallel_loop3A_159 = arith.constant 16 : i32
      %parallel_loop3A_160 = arith.muli %parallel_loop3A_158, %parallel_loop3A_159 : i32
      %parallel_loop3A_161 = arith.addi %parallel_loop3A_160, %parallel_loop3A_128 : i32
      %parallel_loop3A_162 = vector.broadcast %parallel_loop3A_161 : i32 to vector<16xi32>
      %parallel_loop3A_163 = arith.addi %mul3A_8, %parallel_loop3A_162 : vector<16xi32>
      %parallel_loop3A_164 = tpu.vector_load_idx %arg6[%parallel_loop3A_163] : memref<4096xf32, #tpu.memory_space<vmem>>[vector<16xi32>], vector<16xf32>,
      %parallel_loop3A_165 = arith.index_cast %parallel_loop3A_88 : i32 to index
      %parallel_loop3A_166 = arith.constant 32 : index
      %parallel_loop3A_167 = tpu.vector_load %arg7[%parallel_loop3A_165, %parallel_loop3A_166] {strides = array<i32>} : memref<64x128xf32, #tpu.memory_space<vmem>>, vector<16xf32>,
      tpu.vector_store %arg7[%parallel_loop3A_165, %parallel_loop3A_166], %parallel_loop3A_164 {strides = array<i32>} : memref<64x128xf32, #tpu.memory_space<vmem>>, vector<16xf32>,
      %parallel_loop3A_168 = arith.constant 64 : i32
      %parallel_loop3A_169 = arith.muli %parallel_loop3A_112, %parallel_loop3A_168 : i32
      %parallel_loop3A_170 = arith.constant 48 : i32
      %parallel_loop3A_171 = arith.addi %parallel_loop3A_169, %parallel_loop3A_170 : i32
      %parallel_loop3A_172 = arith.constant 16 : i32
      %parallel_loop3A_173 = arith.muli %parallel_loop3A_171, %parallel_loop3A_172 : i32
      %parallel_loop3A_174 = arith.addi %parallel_loop3A_173, %parallel_loop3A_128 : i32
      %parallel_loop3A_175 = vector.broadcast %parallel_loop3A_174 : i32 to vector<16xi32>
      %parallel_loop3A_176 = arith.addi %mul3A_8, %parallel_loop3A_175 : vector<16xi32>
      %parallel_loop3A_177 = tpu.vector_load_idx %arg6[%parallel_loop3A_176] : memref<4096xf32, #tpu.memory_space<vmem>>[vector<16xi32>], vector<16xf32>,
      %parallel_loop3A_178 = arith.index_cast %parallel_loop3A_88 : i32 to index
      %parallel_loop3A_179 = arith.constant 48 : index
      %parallel_loop3A_180 = tpu.vector_load %arg7[%parallel_loop3A_178, %parallel_loop3A_179] {strides = array<i32>} : memref<64x128xf32, #tpu.memory_space<vmem>>, vector<16xf32>,
      tpu.vector_store %arg7[%parallel_loop3A_178, %parallel_loop3A_179], %parallel_loop3A_177 {strides = array<i32>} : memref<64x128xf32, #tpu.memory_space<vmem>>, vector<16xf32>,
    } {sc.loop_unroll_factor = 2 : i64, sc.parallel_access}
    %add3A_26 = arith.constant 128 : i32
    %add3A_27 = arith.addi %mul3A_2, %add3A_26 : i32
    %dma_start3A_28 = arith.constant 0 : i32
    %dma_start3A_29 = tpu.memref_slice %arg2[%add3A_27, %dma_start3A_28] : memref<16384x512xf32, #tpu.memory_space<hbm>> -> memref<64x512xf32, #tpu.memory_space<hbm>>
    %dma_start3A_30 = arith.constant 0 : i32
    %dma_start3A_31 = tpu.memref_slice %arg2[%add3A_27, %dma_start3A_30] : memref<16384x512xf32, #tpu.memory_space<hbm>> -> memref<64x512xf32, #tpu.memory_space<hbm>>
    tpu.enqueue_dma source(%dma_start3A_31 : memref<64x512xf32, #tpu.memory_space<hbm>>) target(%arg4 : memref<64x512xf32, #tpu.memory_space<vmem>>) target_semaphore(%arg9 : memref<!tpu.dma_semaphore, #tpu.memory_space<semaphore_mem>>)
    %dma_wait3A_32 = arith.constant 0 : i32
    %dma_wait3A_33 = tpu.memref_slice %arg2[%add3A_13, %dma_wait3A_32] : memref<16384x512xf32, #tpu.memory_space<hbm>> -> memref<64x512xf32, #tpu.memory_space<hbm>>
    %dma_wait3A_34 = arith.constant 0 : i32
    %dma_wait3A_35 = tpu.memref_slice %arg2[%add3A_13, %dma_wait3A_34] : memref<16384x512xf32, #tpu.memory_space<hbm>> -> memref<64x512xf32, #tpu.memory_space<hbm>>
    tpu.wait_dma2 semaphore(%arg10 : memref<!tpu.dma_semaphore, #tpu.memory_space<semaphore_mem>>) src(%dma_wait3A_35 : memref<64x512xf32, #tpu.memory_space<hbm>>) dst(%arg5 : memref<64x512xf32, #tpu.memory_space<vmem>>)
    %parallel_loop3A_36 = arith.constant 0 : i32
    %parallel_loop3A_37 = arith.constant 64 : i32
    %parallel_loop3A_38 = arith.constant 1 : i32
    scf.for %parallel_loop3A_88 = %parallel_loop3A_36 to %parallel_loop3A_37 step %parallel_loop3A_38  : i32 {
      %parallel_loop3A_89 = vector.broadcast %parallel_loop3A_88 : i32 to vector<16xi32>
      %parallel_loop3A_90 = arith.constant 0 : i32
      %parallel_loop3A_91 = vector.broadcast %parallel_loop3A_90 : i32 to vector<16xi32>
      %parallel_loop3A_92 = arith.addi %mul3A_5, %parallel_loop3A_91 : vector<16xi32>
      %parallel_loop3A_93 = tpu.vector_load_idx %arg5[%parallel_loop3A_89, %parallel_loop3A_92] : memref<64x512xf32, #tpu.memory_space<vmem>>[vector<16xi32>, vector<16xi32>], vector<16xf32>,
      %parallel_loop3A_94 = arith.constant 1 : i32
      %parallel_loop3A_95 = vector.broadcast %parallel_loop3A_94 : i32 to vector<16xi32>
      %parallel_loop3A_96 = arith.addi %parallel_loop3A_92, %parallel_loop3A_95 : vector<16xi32>
      %parallel_loop3A_97 = tpu.vector_load_idx %arg5[%parallel_loop3A_89, %parallel_loop3A_96] : memref<64x512xf32, #tpu.memory_space<vmem>>[vector<16xi32>, vector<16xi32>], vector<16xf32>,
      %parallel_loop3A_98 = arith.addf %parallel_loop3A_93, %parallel_loop3A_97 : vector<16xf32>
      %parallel_loop3A_99 = arith.constant 2 : i32
      %parallel_loop3A_100 = vector.broadcast %parallel_loop3A_99 : i32 to vector<16xi32>
      %parallel_loop3A_101 = arith.addi %parallel_loop3A_92, %parallel_loop3A_100 : vector<16xi32>
      %parallel_loop3A_102 = tpu.vector_load_idx %arg5[%parallel_loop3A_89, %parallel_loop3A_101] : memref<64x512xf32, #tpu.memory_space<vmem>>[vector<16xi32>, vector<16xi32>], vector<16xf32>,
      %parallel_loop3A_103 = arith.addf %parallel_loop3A_98, %parallel_loop3A_102 : vector<16xf32>
      %parallel_loop3A_104 = arith.constant 3 : i32
      %parallel_loop3A_105 = vector.broadcast %parallel_loop3A_104 : i32 to vector<16xi32>
      %parallel_loop3A_106 = arith.addi %parallel_loop3A_92, %parallel_loop3A_105 : vector<16xi32>
      %parallel_loop3A_107 = tpu.vector_load_idx %arg5[%parallel_loop3A_89, %parallel_loop3A_106] : memref<64x512xf32, #tpu.memory_space<vmem>>[vector<16xi32>, vector<16xi32>], vector<16xf32>,
      %parallel_loop3A_108 = arith.addf %parallel_loop3A_103, %parallel_loop3A_107 : vector<16xf32>
      %parallel_loop3A_109 = arith.constant 4 : i32
      %parallel_loop3A_110 = vector.broadcast %parallel_loop3A_109 : i32 to vector<16xi32>
      %parallel_loop3A_111 = arith.addi %parallel_loop3A_92, %parallel_loop3A_110 : vector<16xi32>
      %parallel_loop3A_112 = tpu.vector_load_idx %arg5[%parallel_loop3A_89, %parallel_loop3A_111] : memref<64x512xf32, #tpu.memory_space<vmem>>[vector<16xi32>, vector<16xi32>], vector<16xf32>,
      %parallel_loop3A_113 = arith.addf %parallel_loop3A_108, %parallel_loop3A_112 : vector<16xf32>
      %parallel_loop3A_114 = arith.constant 5 : i32
      %parallel_loop3A_115 = vector.broadcast %parallel_loop3A_114 : i32 to vector<16xi32>
      %parallel_loop3A_116 = arith.addi %parallel_loop3A_92, %parallel_loop3A_115 : vector<16xi32>
      %parallel_loop3A_117 = tpu.vector_load_idx %arg5[%parallel_loop3A_89, %parallel_loop3A_116] : memref<64x512xf32, #tpu.memory_space<vmem>>[vector<16xi32>, vector<16xi32>], vector<16xf32>,
      %parallel_loop3A_118 = arith.addf %parallel_loop3A_113, %parallel_loop3A_117 : vector<16xf32>
      %parallel_loop3A_119 = arith.constant 6 : i32
      %parallel_loop3A_120 = vector.broadcast %parallel_loop3A_119 : i32 to vector<16xi32>
      %parallel_loop3A_121 = arith.addi %parallel_loop3A_92, %parallel_loop3A_120 : vector<16xi32>
      %parallel_loop3A_122 = tpu.vector_load_idx %arg5[%parallel_loop3A_89, %parallel_loop3A_121] : memref<64x512xf32, #tpu.memory_space<vmem>>[vector<16xi32>, vector<16xi32>], vector<16xf32>,
      %parallel_loop3A_123 = arith.addf %parallel_loop3A_118, %parallel_loop3A_122 : vector<16xf32>
      %parallel_loop3A_124 = arith.constant 7 : i32
      %parallel_loop3A_125 = vector.broadcast %parallel_loop3A_124 : i32 to vector<16xi32>
      %parallel_loop3A_126 = arith.addi %parallel_loop3A_92, %parallel_loop3A_125 : vector<16xi32>
      %parallel_loop3A_127 = tpu.vector_load_idx %arg5[%parallel_loop3A_89, %parallel_loop3A_126] : memref<64x512xf32, #tpu.memory_space<vmem>>[vector<16xi32>, vector<16xi32>], vector<16xf32>,
      %parallel_loop3A_128 = arith.addf %parallel_loop3A_123, %parallel_loop3A_127 : vector<16xf32>
      %parallel_loop3A_129 = arith.constant 1.250000e-01 : f32
      %parallel_loop3A_130 = vector.broadcast %parallel_loop3A_129 : f32 to vector<16xf32>
      %parallel_loop3A_131 = arith.mulf %parallel_loop3A_128, %parallel_loop3A_130 : vector<16xf32>
      %parallel_loop3A_132 = arith.constant 0 : i32
      %parallel_loop3A_133 = arith.addi %parallel_loop3A_132, %parallel_loop3A_88 : i32
      %parallel_loop3A_134 = arith.constant 16 : i32
      %parallel_loop3A_135 = arith.muli %parallel_loop3A_133, %parallel_loop3A_134 : i32
      %parallel_loop3A_136 = arith.index_cast %parallel_loop3A_135 : i32 to index
      %parallel_loop3A_137 = tpu.vector_load %arg6[%parallel_loop3A_136] {strides = array<i32>} : memref<4096xf32, #tpu.memory_space<vmem>>, vector<16xf32>,
      tpu.vector_store %arg6[%parallel_loop3A_136], %parallel_loop3A_131 {strides = array<i32>} : memref<4096xf32, #tpu.memory_space<vmem>>, vector<16xf32>,
      %parallel_loop3A_138 = arith.constant 128 : i32
      %parallel_loop3A_139 = vector.broadcast %parallel_loop3A_138 : i32 to vector<16xi32>
      %parallel_loop3A_140 = arith.addi %mul3A_5, %parallel_loop3A_139 : vector<16xi32>
      %parallel_loop3A_141 = tpu.vector_load_idx %arg5[%parallel_loop3A_89, %parallel_loop3A_140] : memref<64x512xf32, #tpu.memory_space<vmem>>[vector<16xi32>, vector<16xi32>], vector<16xf32>,
      %parallel_loop3A_142 = arith.constant 1 : i32
      %parallel_loop3A_143 = vector.broadcast %parallel_loop3A_142 : i32 to vector<16xi32>
      %parallel_loop3A_144 = arith.addi %parallel_loop3A_140, %parallel_loop3A_143 : vector<16xi32>
      %parallel_loop3A_145 = tpu.vector_load_idx %arg5[%parallel_loop3A_89, %parallel_loop3A_144] : memref<64x512xf32, #tpu.memory_space<vmem>>[vector<16xi32>, vector<16xi32>], vector<16xf32>,
      %parallel_loop3A_146 = arith.addf %parallel_loop3A_141, %parallel_loop3A_145 : vector<16xf32>
      %parallel_loop3A_147 = arith.constant 2 : i32
      %parallel_loop3A_148 = vector.broadcast %parallel_loop3A_147 : i32 to vector<16xi32>
      %parallel_loop3A_149 = arith.addi %parallel_loop3A_140, %parallel_loop3A_148 : vector<16xi32>
      %parallel_loop3A_150 = tpu.vector_load_idx %arg5[%parallel_loop3A_89, %parallel_loop3A_149] : memref<64x512xf32, #tpu.memory_space<vmem>>[vector<16xi32>, vector<16xi32>], vector<16xf32>,
      %parallel_loop3A_151 = arith.addf %parallel_loop3A_146, %parallel_loop3A_150 : vector<16xf32>
      %parallel_loop3A_152 = arith.constant 3 : i32
      %parallel_loop3A_153 = vector.broadcast %parallel_loop3A_152 : i32 to vector<16xi32>
      %parallel_loop3A_154 = arith.addi %parallel_loop3A_140, %parallel_loop3A_153 : vector<16xi32>
      %parallel_loop3A_155 = tpu.vector_load_idx %arg5[%parallel_loop3A_89, %parallel_loop3A_154] : memref<64x512xf32, #tpu.memory_space<vmem>>[vector<16xi32>, vector<16xi32>], vector<16xf32>,
      %parallel_loop3A_156 = arith.addf %parallel_loop3A_151, %parallel_loop3A_155 : vector<16xf32>
      %parallel_loop3A_157 = arith.constant 4 : i32
      %parallel_loop3A_158 = vector.broadcast %parallel_loop3A_157 : i32 to vector<16xi32>
      %parallel_loop3A_159 = arith.addi %parallel_loop3A_140, %parallel_loop3A_158 : vector<16xi32>
      %parallel_loop3A_160 = tpu.vector_load_idx %arg5[%parallel_loop3A_89, %parallel_loop3A_159] : memref<64x512xf32, #tpu.memory_space<vmem>>[vector<16xi32>, vector<16xi32>], vector<16xf32>,
      %parallel_loop3A_161 = arith.addf %parallel_loop3A_156, %parallel_loop3A_160 : vector<16xf32>
      %parallel_loop3A_162 = arith.constant 5 : i32
      %parallel_loop3A_163 = vector.broadcast %parallel_loop3A_162 : i32 to vector<16xi32>
      %parallel_loop3A_164 = arith.addi %parallel_loop3A_140, %parallel_loop3A_163 : vector<16xi32>
      %parallel_loop3A_165 = tpu.vector_load_idx %arg5[%parallel_loop3A_89, %parallel_loop3A_164] : memref<64x512xf32, #tpu.memory_space<vmem>>[vector<16xi32>, vector<16xi32>], vector<16xf32>,
      %parallel_loop3A_166 = arith.addf %parallel_loop3A_161, %parallel_loop3A_165 : vector<16xf32>
      %parallel_loop3A_167 = arith.constant 6 : i32
      %parallel_loop3A_168 = vector.broadcast %parallel_loop3A_167 : i32 to vector<16xi32>
      %parallel_loop3A_169 = arith.addi %parallel_loop3A_140, %parallel_loop3A_168 : vector<16xi32>
      %parallel_loop3A_170 = tpu.vector_load_idx %arg5[%parallel_loop3A_89, %parallel_loop3A_169] : memref<64x512xf32, #tpu.memory_space<vmem>>[vector<16xi32>, vector<16xi32>], vector<16xf32>,
      %parallel_loop3A_171 = arith.addf %parallel_loop3A_166, %parallel_loop3A_170 : vector<16xf32>
      %parallel_loop3A_172 = arith.constant 7 : i32
      %parallel_loop3A_173 = vector.broadcast %parallel_loop3A_172 : i32 to vector<16xi32>
      %parallel_loop3A_174 = arith.addi %parallel_loop3A_140, %parallel_loop3A_173 : vector<16xi32>
      %parallel_loop3A_175 = tpu.vector_load_idx %arg5[%parallel_loop3A_89, %parallel_loop3A_174] : memref<64x512xf32, #tpu.memory_space<vmem>>[vector<16xi32>, vector<16xi32>], vector<16xf32>,
      %parallel_loop3A_176 = arith.addf %parallel_loop3A_171, %parallel_loop3A_175 : vector<16xf32>
      %parallel_loop3A_177 = arith.constant 1.250000e-01 : f32
      %parallel_loop3A_178 = vector.broadcast %parallel_loop3A_177 : f32 to vector<16xf32>
      %parallel_loop3A_179 = arith.mulf %parallel_loop3A_176, %parallel_loop3A_178 : vector<16xf32>
      %parallel_loop3A_180 = arith.constant 64 : i32
      %parallel_loop3A_181 = arith.addi %parallel_loop3A_180, %parallel_loop3A_88 : i32
      %parallel_loop3A_182 = arith.constant 16 : i32
      %parallel_loop3A_183 = arith.muli %parallel_loop3A_181, %parallel_loop3A_182 : i32
      %parallel_loop3A_184 = arith.index_cast %parallel_loop3A_183 : i32 to index
      %parallel_loop3A_185 = tpu.vector_load %arg6[%parallel_loop3A_184] {strides = array<i32>} : memref<4096xf32, #tpu.memory_space<vmem>>, vector<16xf32>,
      tpu.vector_store %arg6[%parallel_loop3A_184], %parallel_loop3A_179 {strides = array<i32>} : memref<4096xf32, #tpu.memory_space<vmem>>, vector<16xf32>,
      %parallel_loop3A_186 = arith.constant 256 : i32
      %parallel_loop3A_187 = vector.broadcast %parallel_loop3A_186 : i32 to vector<16xi32>
      %parallel_loop3A_188 = arith.addi %mul3A_5, %parallel_loop3A_187 : vector<16xi32>
      %parallel_loop3A_189 = tpu.vector_load_idx %arg5[%parallel_loop3A_89, %parallel_loop3A_188] : memref<64x512xf32, #tpu.memory_space<vmem>>[vector<16xi32>, vector<16xi32>], vector<16xf32>,
      %parallel_loop3A_190 = arith.constant 1 : i32
      %parallel_loop3A_191 = vector.broadcast %parallel_loop3A_190 : i32 to vector<16xi32>
      %parallel_loop3A_192 = arith.addi %parallel_loop3A_188, %parallel_loop3A_191 : vector<16xi32>
      %parallel_loop3A_193 = tpu.vector_load_idx %arg5[%parallel_loop3A_89, %parallel_loop3A_192] : memref<64x512xf32, #tpu.memory_space<vmem>>[vector<16xi32>, vector<16xi32>], vector<16xf32>,
      %parallel_loop3A_194 = arith.addf %parallel_loop3A_189, %parallel_loop3A_193 : vector<16xf32>
      %parallel_loop3A_195 = arith.constant 2 : i32
      %parallel_loop3A_196 = vector.broadcast %parallel_loop3A_195 : i32 to vector<16xi32>
      %parallel_loop3A_197 = arith.addi %parallel_loop3A_188, %parallel_loop3A_196 : vector<16xi32>
      %parallel_loop3A_198 = tpu.vector_load_idx %arg5[%parallel_loop3A_89, %parallel_loop3A_197] : memref<64x512xf32, #tpu.memory_space<vmem>>[vector<16xi32>, vector<16xi32>], vector<16xf32>,
      %parallel_loop3A_199 = arith.addf %parallel_loop3A_194, %parallel_loop3A_198 : vector<16xf32>
      %parallel_loop3A_200 = arith.constant 3 : i32
      %parallel_loop3A_201 = vector.broadcast %parallel_loop3A_200 : i32 to vector<16xi32>
      %parallel_loop3A_202 = arith.addi %parallel_loop3A_188, %parallel_loop3A_201 : vector<16xi32>
      %parallel_loop3A_203 = tpu.vector_load_idx %arg5[%parallel_loop3A_89, %parallel_loop3A_202] : memref<64x512xf32, #tpu.memory_space<vmem>>[vector<16xi32>, vector<16xi32>], vector<16xf32>,
      %parallel_loop3A_204 = arith.addf %parallel_loop3A_199, %parallel_loop3A_203 : vector<16xf32>
      %parallel_loop3A_205 = arith.constant 4 : i32
      %parallel_loop3A_206 = vector.broadcast %parallel_loop3A_205 : i32 to vector<16xi32>
      %parallel_loop3A_207 = arith.addi %parallel_loop3A_188, %parallel_loop3A_206 : vector<16xi32>
      %parallel_loop3A_208 = tpu.vector_load_idx %arg5[%parallel_loop3A_89, %parallel_loop3A_207] : memref<64x512xf32, #tpu.memory_space<vmem>>[vector<16xi32>, vector<16xi32>], vector<16xf32>,
      %parallel_loop3A_209 = arith.addf %parallel_loop3A_204, %parallel_loop3A_208 : vector<16xf32>
      %parallel_loop3A_210 = arith.constant 5 : i32
      %parallel_loop3A_211 = vector.broadcast %parallel_loop3A_210 : i32 to vector<16xi32>
      %parallel_loop3A_212 = arith.addi %parallel_loop3A_188, %parallel_loop3A_211 : vector<16xi32>
      %parallel_loop3A_213 = tpu.vector_load_idx %arg5[%parallel_loop3A_89, %parallel_loop3A_212] : memref<64x512xf32, #tpu.memory_space<vmem>>[vector<16xi32>, vector<16xi32>], vector<16xf32>,
      %parallel_loop3A_214 = arith.addf %parallel_loop3A_209, %parallel_loop3A_213 : vector<16xf32>
      %parallel_loop3A_215 = arith.constant 6 : i32
      %parallel_loop3A_216 = vector.broadcast %parallel_loop3A_215 : i32 to vector<16xi32>
      %parallel_loop3A_217 = arith.addi %parallel_loop3A_188, %parallel_loop3A_216 : vector<16xi32>
      %parallel_loop3A_218 = tpu.vector_load_idx %arg5[%parallel_loop3A_89, %parallel_loop3A_217] : memref<64x512xf32, #tpu.memory_space<vmem>>[vector<16xi32>, vector<16xi32>], vector<16xf32>,
      %parallel_loop3A_219 = arith.addf %parallel_loop3A_214, %parallel_loop3A_218 : vector<16xf32>
      %parallel_loop3A_220 = arith.constant 7 : i32
      %parallel_loop3A_221 = vector.broadcast %parallel_loop3A_220 : i32 to vector<16xi32>
      %parallel_loop3A_222 = arith.addi %parallel_loop3A_188, %parallel_loop3A_221 : vector<16xi32>
      %parallel_loop3A_223 = tpu.vector_load_idx %arg5[%parallel_loop3A_89, %parallel_loop3A_222] : memref<64x512xf32, #tpu.memory_space<vmem>>[vector<16xi32>, vector<16xi32>], vector<16xf32>,
      %parallel_loop3A_224 = arith.addf %parallel_loop3A_219, %parallel_loop3A_223 : vector<16xf32>
      %parallel_loop3A_225 = arith.constant 1.250000e-01 : f32
      %parallel_loop3A_226 = vector.broadcast %parallel_loop3A_225 : f32 to vector<16xf32>
      %parallel_loop3A_227 = arith.mulf %parallel_loop3A_224, %parallel_loop3A_226 : vector<16xf32>
      %parallel_loop3A_228 = arith.constant 128 : i32
      %parallel_loop3A_229 = arith.addi %parallel_loop3A_228, %parallel_loop3A_88 : i32
      %parallel_loop3A_230 = arith.constant 16 : i32
      %parallel_loop3A_231 = arith.muli %parallel_loop3A_229, %parallel_loop3A_230 : i32
      %parallel_loop3A_232 = arith.index_cast %parallel_loop3A_231 : i32 to index
      %parallel_loop3A_233 = tpu.vector_load %arg6[%parallel_loop3A_232] {strides = array<i32>} : memref<4096xf32, #tpu.memory_space<vmem>>, vector<16xf32>,
      tpu.vector_store %arg6[%parallel_loop3A_232], %parallel_loop3A_227 {strides = array<i32>} : memref<4096xf32, #tpu.memory_space<vmem>>, vector<16xf32>,
      %parallel_loop3A_234 = arith.constant 384 : i32
      %parallel_loop3A_235 = vector.broadcast %parallel_loop3A_234 : i32 to vector<16xi32>
      %parallel_loop3A_236 = arith.addi %mul3A_5, %parallel_loop3A_235 : vector<16xi32>
      %parallel_loop3A_237 = tpu.vector_load_idx %arg5[%parallel_loop3A_89, %parallel_loop3A_236] : memref<64x512xf32, #tpu.memory_space<vmem>>[vector<16xi32>, vector<16xi32>], vector<16xf32>,
      %parallel_loop3A_238 = arith.constant 1 : i32
      %parallel_loop3A_239 = vector.broadcast %parallel_loop3A_238 : i32 to vector<16xi32>
      %parallel_loop3A_240 = arith.addi %parallel_loop3A_236, %parallel_loop3A_239 : vector<16xi32>
      %parallel_loop3A_241 = tpu.vector_load_idx %arg5[%parallel_loop3A_89, %parallel_loop3A_240] : memref<64x512xf32, #tpu.memory_space<vmem>>[vector<16xi32>, vector<16xi32>], vector<16xf32>,
      %parallel_loop3A_242 = arith.addf %parallel_loop3A_237, %parallel_loop3A_241 : vector<16xf32>
      %parallel_loop3A_243 = arith.constant 2 : i32
      %parallel_loop3A_244 = vector.broadcast %parallel_loop3A_243 : i32 to vector<16xi32>
      %parallel_loop3A_245 = arith.addi %parallel_loop3A_236, %parallel_loop3A_244 : vector<16xi32>
      %parallel_loop3A_246 = tpu.vector_load_idx %arg5[%parallel_loop3A_89, %parallel_loop3A_245] : memref<64x512xf32, #tpu.memory_space<vmem>>[vector<16xi32>, vector<16xi32>], vector<16xf32>,
      %parallel_loop3A_247 = arith.addf %parallel_loop3A_242, %parallel_loop3A_246 : vector<16xf32>
      %parallel_loop3A_248 = arith.constant 3 : i32
      %parallel_loop3A_249 = vector.broadcast %parallel_loop3A_248 : i32 to vector<16xi32>
      %parallel_loop3A_250 = arith.addi %parallel_loop3A_236, %parallel_loop3A_249 : vector<16xi32>
      %parallel_loop3A_251 = tpu.vector_load_idx %arg5[%parallel_loop3A_89, %parallel_loop3A_250] : memref<64x512xf32, #tpu.memory_space<vmem>>[vector<16xi32>, vector<16xi32>], vector<16xf32>,
      %parallel_loop3A_252 = arith.addf %parallel_loop3A_247, %parallel_loop3A_251 : vector<16xf32>
      %parallel_loop3A_253 = arith.constant 4 : i32
      %parallel_loop3A_254 = vector.broadcast %parallel_loop3A_253 : i32 to vector<16xi32>
      %parallel_loop3A_255 = arith.addi %parallel_loop3A_236, %parallel_loop3A_254 : vector<16xi32>
      %parallel_loop3A_256 = tpu.vector_load_idx %arg5[%parallel_loop3A_89, %parallel_loop3A_255] : memref<64x512xf32, #tpu.memory_space<vmem>>[vector<16xi32>, vector<16xi32>], vector<16xf32>,
      %parallel_loop3A_257 = arith.addf %parallel_loop3A_252, %parallel_loop3A_256 : vector<16xf32>
      %parallel_loop3A_258 = arith.constant 5 : i32
      %parallel_loop3A_259 = vector.broadcast %parallel_loop3A_258 : i32 to vector<16xi32>
      %parallel_loop3A_260 = arith.addi %parallel_loop3A_236, %parallel_loop3A_259 : vector<16xi32>
      %parallel_loop3A_261 = tpu.vector_load_idx %arg5[%parallel_loop3A_89, %parallel_loop3A_260] : memref<64x512xf32, #tpu.memory_space<vmem>>[vector<16xi32>, vector<16xi32>], vector<16xf32>,
      %parallel_loop3A_262 = arith.addf %parallel_loop3A_257, %parallel_loop3A_261 : vector<16xf32>
      %parallel_loop3A_263 = arith.constant 6 : i32
      %parallel_loop3A_264 = vector.broadcast %parallel_loop3A_263 : i32 to vector<16xi32>
      %parallel_loop3A_265 = arith.addi %parallel_loop3A_236, %parallel_loop3A_264 : vector<16xi32>
      %parallel_loop3A_266 = tpu.vector_load_idx %arg5[%parallel_loop3A_89, %parallel_loop3A_265] : memref<64x512xf32, #tpu.memory_space<vmem>>[vector<16xi32>, vector<16xi32>], vector<16xf32>,
      %parallel_loop3A_267 = arith.addf %parallel_loop3A_262, %parallel_loop3A_266 : vector<16xf32>
      %parallel_loop3A_268 = arith.constant 7 : i32
      %parallel_loop3A_269 = vector.broadcast %parallel_loop3A_268 : i32 to vector<16xi32>
      %parallel_loop3A_270 = arith.addi %parallel_loop3A_236, %parallel_loop3A_269 : vector<16xi32>
      %parallel_loop3A_271 = tpu.vector_load_idx %arg5[%parallel_loop3A_89, %parallel_loop3A_270] : memref<64x512xf32, #tpu.memory_space<vmem>>[vector<16xi32>, vector<16xi32>], vector<16xf32>,
      %parallel_loop3A_272 = arith.addf %parallel_loop3A_267, %parallel_loop3A_271 : vector<16xf32>
      %parallel_loop3A_273 = arith.constant 1.250000e-01 : f32
      %parallel_loop3A_274 = vector.broadcast %parallel_loop3A_273 : f32 to vector<16xf32>
      %parallel_loop3A_275 = arith.mulf %parallel_loop3A_272, %parallel_loop3A_274 : vector<16xf32>
      %parallel_loop3A_276 = arith.constant 192 : i32
      %parallel_loop3A_277 = arith.addi %parallel_loop3A_276, %parallel_loop3A_88 : i32
      %parallel_loop3A_278 = arith.constant 16 : i32
      %parallel_loop3A_279 = arith.muli %parallel_loop3A_277, %parallel_loop3A_278 : i32
      %parallel_loop3A_280 = arith.index_cast %parallel_loop3A_279 : i32 to index
      %parallel_loop3A_281 = tpu.vector_load %arg6[%parallel_loop3A_280] {strides = array<i32>} : memref<4096xf32, #tpu.memory_space<vmem>>, vector<16xf32>,
      tpu.vector_store %arg6[%parallel_loop3A_280], %parallel_loop3A_275 {strides = array<i32>} : memref<4096xf32, #tpu.memory_space<vmem>>, vector<16xf32>,
    } {sc.loop_unroll_factor = 2 : i64, sc.parallel_access}
    %parallel_loop3A_39 = arith.constant 0 : i32
    %parallel_loop3A_40 = arith.constant 64 : i32
    %parallel_loop3A_41 = arith.constant 1 : i32
    scf.for %parallel_loop3A_88 = %parallel_loop3A_39 to %parallel_loop3A_40 step %parallel_loop3A_41  : i32 {
      %parallel_loop3A_89 = arith.constant 16 : i32
      %parallel_loop3A_90 = arith.divsi %parallel_loop3A_88, %parallel_loop3A_89 : i32
      %parallel_loop3A_91 = arith.constant 0 : i32
      %parallel_loop3A_92 = arith.cmpi sgt, %parallel_loop3A_88, %parallel_loop3A_91 : i32
      %parallel_loop3A_93 = arith.extui %parallel_loop3A_92 : i1 to i32
      %parallel_loop3A_94 = arith.constant 0 : i32
      %parallel_loop3A_95 = arith.cmpi slt, %parallel_loop3A_88, %parallel_loop3A_94 : i32
      %parallel_loop3A_96 = arith.extui %parallel_loop3A_95 : i1 to i32
      %parallel_loop3A_97 = arith.subi %parallel_loop3A_93, %parallel_loop3A_96 : i32
      %parallel_loop3A_98 = arith.constant 0 : i32
      %parallel_loop3A_99 = arith.cmpi sgt, %parallel_loop3A_89, %parallel_loop3A_98 : i32
      %parallel_loop3A_100 = arith.extui %parallel_loop3A_99 : i1 to i32
      %parallel_loop3A_101 = arith.constant 0 : i32
      %parallel_loop3A_102 = arith.cmpi slt, %parallel_loop3A_89, %parallel_loop3A_101 : i32
      %parallel_loop3A_103 = arith.extui %parallel_loop3A_102 : i1 to i32
      %parallel_loop3A_104 = arith.subi %parallel_loop3A_100, %parallel_loop3A_103 : i32
      %parallel_loop3A_105 = arith.cmpi ne, %parallel_loop3A_97, %parallel_loop3A_104 : i32
      %parallel_loop3A_106 = arith.remsi %parallel_loop3A_88, %parallel_loop3A_89 : i32
      %parallel_loop3A_107 = arith.constant 0 : i32
      %parallel_loop3A_108 = arith.cmpi ne, %parallel_loop3A_106, %parallel_loop3A_107 : i32
      %parallel_loop3A_109 = arith.andi %parallel_loop3A_105, %parallel_loop3A_108 : i1
      %parallel_loop3A_110 = arith.constant 1 : i32
      %parallel_loop3A_111 = arith.subi %parallel_loop3A_90, %parallel_loop3A_110 : i32
      %parallel_loop3A_112 = arith.select %parallel_loop3A_109, %parallel_loop3A_111, %parallel_loop3A_90 : i32
      %parallel_loop3A_113 = arith.constant 16 : i32
      %parallel_loop3A_114 = arith.constant 0 : i32
      %parallel_loop3A_115 = arith.cmpi eq, %parallel_loop3A_113, %parallel_loop3A_114 : i32
      %parallel_loop3A_116 = arith.constant 1 : i32
      %parallel_loop3A_117 = arith.select %parallel_loop3A_115, %parallel_loop3A_116, %parallel_loop3A_113 : i32
      %parallel_loop3A_118 = arith.remsi %parallel_loop3A_88, %parallel_loop3A_117 : i32
      %parallel_loop3A_119 = arith.constant 0 : i32
      %parallel_loop3A_120 = arith.cmpi ne, %parallel_loop3A_118, %parallel_loop3A_119 : i32
      %parallel_loop3A_121 = arith.constant 0 : i32
      %parallel_loop3A_122 = arith.cmpi slt, %parallel_loop3A_118, %parallel_loop3A_121 : i32
      %parallel_loop3A_123 = arith.constant 0 : i32
      %parallel_loop3A_124 = arith.cmpi slt, %parallel_loop3A_117, %parallel_loop3A_123 : i32
      %parallel_loop3A_125 = arith.xori %parallel_loop3A_122, %parallel_loop3A_124 : i1
      %parallel_loop3A_126 = arith.andi %parallel_loop3A_125, %parallel_loop3A_120 : i1
      %parallel_loop3A_127 = arith.addi %parallel_loop3A_118, %parallel_loop3A_117 : i32
      %parallel_loop3A_128 = arith.select %parallel_loop3A_126, %parallel_loop3A_127, %parallel_loop3A_118 : i32
      %parallel_loop3A_129 = arith.constant 64 : i32
      %parallel_loop3A_130 = arith.muli %parallel_loop3A_112, %parallel_loop3A_129 : i32
      %parallel_loop3A_131 = arith.constant 0 : i32
      %parallel_loop3A_132 = arith.addi %parallel_loop3A_130, %parallel_loop3A_131 : i32
      %parallel_loop3A_133 = arith.constant 16 : i32
      %parallel_loop3A_134 = arith.muli %parallel_loop3A_132, %parallel_loop3A_133 : i32
      %parallel_loop3A_135 = arith.addi %parallel_loop3A_134, %parallel_loop3A_128 : i32
      %parallel_loop3A_136 = vector.broadcast %parallel_loop3A_135 : i32 to vector<16xi32>
      %parallel_loop3A_137 = arith.addi %mul3A_8, %parallel_loop3A_136 : vector<16xi32>
      %parallel_loop3A_138 = tpu.vector_load_idx %arg6[%parallel_loop3A_137] : memref<4096xf32, #tpu.memory_space<vmem>>[vector<16xi32>], vector<16xf32>,
      %parallel_loop3A_139 = arith.index_cast %parallel_loop3A_88 : i32 to index
      %parallel_loop3A_140 = arith.constant 64 : index
      %parallel_loop3A_141 = tpu.vector_load %arg7[%parallel_loop3A_139, %parallel_loop3A_140] {strides = array<i32>} : memref<64x128xf32, #tpu.memory_space<vmem>>, vector<16xf32>,
      tpu.vector_store %arg7[%parallel_loop3A_139, %parallel_loop3A_140], %parallel_loop3A_138 {strides = array<i32>} : memref<64x128xf32, #tpu.memory_space<vmem>>, vector<16xf32>,
      %parallel_loop3A_142 = arith.constant 64 : i32
      %parallel_loop3A_143 = arith.muli %parallel_loop3A_112, %parallel_loop3A_142 : i32
      %parallel_loop3A_144 = arith.constant 16 : i32
      %parallel_loop3A_145 = arith.addi %parallel_loop3A_143, %parallel_loop3A_144 : i32
      %parallel_loop3A_146 = arith.constant 16 : i32
      %parallel_loop3A_147 = arith.muli %parallel_loop3A_145, %parallel_loop3A_146 : i32
      %parallel_loop3A_148 = arith.addi %parallel_loop3A_147, %parallel_loop3A_128 : i32
      %parallel_loop3A_149 = vector.broadcast %parallel_loop3A_148 : i32 to vector<16xi32>
      %parallel_loop3A_150 = arith.addi %mul3A_8, %parallel_loop3A_149 : vector<16xi32>
      %parallel_loop3A_151 = tpu.vector_load_idx %arg6[%parallel_loop3A_150] : memref<4096xf32, #tpu.memory_space<vmem>>[vector<16xi32>], vector<16xf32>,
      %parallel_loop3A_152 = arith.index_cast %parallel_loop3A_88 : i32 to index
      %parallel_loop3A_153 = arith.constant 80 : index
      %parallel_loop3A_154 = tpu.vector_load %arg7[%parallel_loop3A_152, %parallel_loop3A_153] {strides = array<i32>} : memref<64x128xf32, #tpu.memory_space<vmem>>, vector<16xf32>,
      tpu.vector_store %arg7[%parallel_loop3A_152, %parallel_loop3A_153], %parallel_loop3A_151 {strides = array<i32>} : memref<64x128xf32, #tpu.memory_space<vmem>>, vector<16xf32>,
      %parallel_loop3A_155 = arith.constant 64 : i32
      %parallel_loop3A_156 = arith.muli %parallel_loop3A_112, %parallel_loop3A_155 : i32
      %parallel_loop3A_157 = arith.constant 32 : i32
      %parallel_loop3A_158 = arith.addi %parallel_loop3A_156, %parallel_loop3A_157 : i32
      %parallel_loop3A_159 = arith.constant 16 : i32
      %parallel_loop3A_160 = arith.muli %parallel_loop3A_158, %parallel_loop3A_159 : i32
      %parallel_loop3A_161 = arith.addi %parallel_loop3A_160, %parallel_loop3A_128 : i32
      %parallel_loop3A_162 = vector.broadcast %parallel_loop3A_161 : i32 to vector<16xi32>
      %parallel_loop3A_163 = arith.addi %mul3A_8, %parallel_loop3A_162 : vector<16xi32>
      %parallel_loop3A_164 = tpu.vector_load_idx %arg6[%parallel_loop3A_163] : memref<4096xf32, #tpu.memory_space<vmem>>[vector<16xi32>], vector<16xf32>,
      %parallel_loop3A_165 = arith.index_cast %parallel_loop3A_88 : i32 to index
      %parallel_loop3A_166 = arith.constant 96 : index
      %parallel_loop3A_167 = tpu.vector_load %arg7[%parallel_loop3A_165, %parallel_loop3A_166] {strides = array<i32>} : memref<64x128xf32, #tpu.memory_space<vmem>>, vector<16xf32>,
      tpu.vector_store %arg7[%parallel_loop3A_165, %parallel_loop3A_166], %parallel_loop3A_164 {strides = array<i32>} : memref<64x128xf32, #tpu.memory_space<vmem>>, vector<16xf32>,
      %parallel_loop3A_168 = arith.constant 64 : i32
      %parallel_loop3A_169 = arith.muli %parallel_loop3A_112, %parallel_loop3A_168 : i32
      %parallel_loop3A_170 = arith.constant 48 : i32
      %parallel_loop3A_171 = arith.addi %parallel_loop3A_169, %parallel_loop3A_170 : i32
      %parallel_loop3A_172 = arith.constant 16 : i32
      %parallel_loop3A_173 = arith.muli %parallel_loop3A_171, %parallel_loop3A_172 : i32
      %parallel_loop3A_174 = arith.addi %parallel_loop3A_173, %parallel_loop3A_128 : i32
      %parallel_loop3A_175 = vector.broadcast %parallel_loop3A_174 : i32 to vector<16xi32>
      %parallel_loop3A_176 = arith.addi %mul3A_8, %parallel_loop3A_175 : vector<16xi32>
      %parallel_loop3A_177 = tpu.vector_load_idx %arg6[%parallel_loop3A_176] : memref<4096xf32, #tpu.memory_space<vmem>>[vector<16xi32>], vector<16xf32>,
      %parallel_loop3A_178 = arith.index_cast %parallel_loop3A_88 : i32 to index
      %parallel_loop3A_179 = arith.constant 112 : index
      %parallel_loop3A_180 = tpu.vector_load %arg7[%parallel_loop3A_178, %parallel_loop3A_179] {strides = array<i32>} : memref<64x128xf32, #tpu.memory_space<vmem>>, vector<16xf32>,
      tpu.vector_store %arg7[%parallel_loop3A_178, %parallel_loop3A_179], %parallel_loop3A_177 {strides = array<i32>} : memref<64x128xf32, #tpu.memory_space<vmem>>, vector<16xf32>,
    } {sc.loop_unroll_factor = 2 : i64, sc.parallel_access}
    %add3A_42 = arith.constant 0 : i32
    %add3A_43 = arith.addi %mul3A_2, %add3A_42 : i32
    %dma_start3A_44 = arith.constant 0 : i32
    %dma_start3A_45 = tpu.memref_slice %arg3[%dma_start3A_44, %add3A_43] : memref<64x8192xf32, #tpu.memory_space<hbm>> -> memref<64x128xf32, #tpu.memory_space<hbm>>
    %dma_start3A_46 = arith.constant 0 : i32
    %dma_start3A_47 = tpu.memref_slice %arg3[%dma_start3A_46, %add3A_43] : memref<64x8192xf32, #tpu.memory_space<hbm>> -> memref<64x128xf32, #tpu.memory_space<hbm>>
    tpu.enqueue_dma source(%arg7 : memref<64x128xf32, #tpu.memory_space<vmem>>) target(%dma_start3A_47 : memref<64x128xf32, #tpu.memory_space<hbm>>) target_semaphore(%arg11 : memref<!tpu.dma_semaphore, #tpu.memory_space<semaphore_mem>>)
    %add3A_48 = arith.constant 192 : i32
    %add3A_49 = arith.addi %mul3A_2, %add3A_48 : i32
    %dma_start3A_50 = arith.constant 0 : i32
    %dma_start3A_51 = tpu.memref_slice %arg2[%add3A_49, %dma_start3A_50] : memref<16384x512xf32, #tpu.memory_space<hbm>> -> memref<64x512xf32, #tpu.memory_space<hbm>>
    %dma_start3A_52 = arith.constant 0 : i32
    %dma_start3A_53 = tpu.memref_slice %arg2[%add3A_49, %dma_start3A_52] : memref<16384x512xf32, #tpu.memory_space<hbm>> -> memref<64x512xf32, #tpu.memory_space<hbm>>
    tpu.enqueue_dma source(%dma_start3A_53 : memref<64x512xf32, #tpu.memory_space<hbm>>) target(%arg5 : memref<64x512xf32, #tpu.memory_space<vmem>>) target_semaphore(%arg10 : memref<!tpu.dma_semaphore, #tpu.memory_space<semaphore_mem>>)
    %dma_wait3A_54 = arith.constant 0 : i32
    %dma_wait3A_55 = tpu.memref_slice %arg2[%add3A_27, %dma_wait3A_54] : memref<16384x512xf32, #tpu.memory_space<hbm>> -> memref<64x512xf32, #tpu.memory_space<hbm>>
    %dma_wait3A_56 = arith.constant 0 : i32
    %dma_wait3A_57 = tpu.memref_slice %arg2[%add3A_27, %dma_wait3A_56] : memref<16384x512xf32, #tpu.memory_space<hbm>> -> memref<64x512xf32, #tpu.memory_space<hbm>>
    tpu.wait_dma2 semaphore(%arg9 : memref<!tpu.dma_semaphore, #tpu.memory_space<semaphore_mem>>) src(%dma_wait3A_57 : memref<64x512xf32, #tpu.memory_space<hbm>>) dst(%arg4 : memref<64x512xf32, #tpu.memory_space<vmem>>)
    %parallel_loop3A_58 = arith.constant 0 : i32
    %parallel_loop3A_59 = arith.constant 64 : i32
    %parallel_loop3A_60 = arith.constant 1 : i32
    scf.for %parallel_loop3A_88 = %parallel_loop3A_58 to %parallel_loop3A_59 step %parallel_loop3A_60  : i32 {
      %parallel_loop3A_89 = vector.broadcast %parallel_loop3A_88 : i32 to vector<16xi32>
      %parallel_loop3A_90 = arith.constant 0 : i32
      %parallel_loop3A_91 = vector.broadcast %parallel_loop3A_90 : i32 to vector<16xi32>
      %parallel_loop3A_92 = arith.addi %mul3A_5, %parallel_loop3A_91 : vector<16xi32>
      %parallel_loop3A_93 = tpu.vector_load_idx %arg4[%parallel_loop3A_89, %parallel_loop3A_92] : memref<64x512xf32, #tpu.memory_space<vmem>>[vector<16xi32>, vector<16xi32>], vector<16xf32>,
      %parallel_loop3A_94 = arith.constant 1 : i32
      %parallel_loop3A_95 = vector.broadcast %parallel_loop3A_94 : i32 to vector<16xi32>
      %parallel_loop3A_96 = arith.addi %parallel_loop3A_92, %parallel_loop3A_95 : vector<16xi32>
      %parallel_loop3A_97 = tpu.vector_load_idx %arg4[%parallel_loop3A_89, %parallel_loop3A_96] : memref<64x512xf32, #tpu.memory_space<vmem>>[vector<16xi32>, vector<16xi32>], vector<16xf32>,
      %parallel_loop3A_98 = arith.addf %parallel_loop3A_93, %parallel_loop3A_97 : vector<16xf32>
      %parallel_loop3A_99 = arith.constant 2 : i32
      %parallel_loop3A_100 = vector.broadcast %parallel_loop3A_99 : i32 to vector<16xi32>
      %parallel_loop3A_101 = arith.addi %parallel_loop3A_92, %parallel_loop3A_100 : vector<16xi32>
      %parallel_loop3A_102 = tpu.vector_load_idx %arg4[%parallel_loop3A_89, %parallel_loop3A_101] : memref<64x512xf32, #tpu.memory_space<vmem>>[vector<16xi32>, vector<16xi32>], vector<16xf32>,
      %parallel_loop3A_103 = arith.addf %parallel_loop3A_98, %parallel_loop3A_102 : vector<16xf32>
      %parallel_loop3A_104 = arith.constant 3 : i32
      %parallel_loop3A_105 = vector.broadcast %parallel_loop3A_104 : i32 to vector<16xi32>
      %parallel_loop3A_106 = arith.addi %parallel_loop3A_92, %parallel_loop3A_105 : vector<16xi32>
      %parallel_loop3A_107 = tpu.vector_load_idx %arg4[%parallel_loop3A_89, %parallel_loop3A_106] : memref<64x512xf32, #tpu.memory_space<vmem>>[vector<16xi32>, vector<16xi32>], vector<16xf32>,
      %parallel_loop3A_108 = arith.addf %parallel_loop3A_103, %parallel_loop3A_107 : vector<16xf32>
      %parallel_loop3A_109 = arith.constant 4 : i32
      %parallel_loop3A_110 = vector.broadcast %parallel_loop3A_109 : i32 to vector<16xi32>
      %parallel_loop3A_111 = arith.addi %parallel_loop3A_92, %parallel_loop3A_110 : vector<16xi32>
      %parallel_loop3A_112 = tpu.vector_load_idx %arg4[%parallel_loop3A_89, %parallel_loop3A_111] : memref<64x512xf32, #tpu.memory_space<vmem>>[vector<16xi32>, vector<16xi32>], vector<16xf32>,
      %parallel_loop3A_113 = arith.addf %parallel_loop3A_108, %parallel_loop3A_112 : vector<16xf32>
      %parallel_loop3A_114 = arith.constant 5 : i32
      %parallel_loop3A_115 = vector.broadcast %parallel_loop3A_114 : i32 to vector<16xi32>
      %parallel_loop3A_116 = arith.addi %parallel_loop3A_92, %parallel_loop3A_115 : vector<16xi32>
      %parallel_loop3A_117 = tpu.vector_load_idx %arg4[%parallel_loop3A_89, %parallel_loop3A_116] : memref<64x512xf32, #tpu.memory_space<vmem>>[vector<16xi32>, vector<16xi32>], vector<16xf32>,
      %parallel_loop3A_118 = arith.addf %parallel_loop3A_113, %parallel_loop3A_117 : vector<16xf32>
      %parallel_loop3A_119 = arith.constant 6 : i32
      %parallel_loop3A_120 = vector.broadcast %parallel_loop3A_119 : i32 to vector<16xi32>
      %parallel_loop3A_121 = arith.addi %parallel_loop3A_92, %parallel_loop3A_120 : vector<16xi32>
      %parallel_loop3A_122 = tpu.vector_load_idx %arg4[%parallel_loop3A_89, %parallel_loop3A_121] : memref<64x512xf32, #tpu.memory_space<vmem>>[vector<16xi32>, vector<16xi32>], vector<16xf32>,
      %parallel_loop3A_123 = arith.addf %parallel_loop3A_118, %parallel_loop3A_122 : vector<16xf32>
      %parallel_loop3A_124 = arith.constant 7 : i32
      %parallel_loop3A_125 = vector.broadcast %parallel_loop3A_124 : i32 to vector<16xi32>
      %parallel_loop3A_126 = arith.addi %parallel_loop3A_92, %parallel_loop3A_125 : vector<16xi32>
      %parallel_loop3A_127 = tpu.vector_load_idx %arg4[%parallel_loop3A_89, %parallel_loop3A_126] : memref<64x512xf32, #tpu.memory_space<vmem>>[vector<16xi32>, vector<16xi32>], vector<16xf32>,
      %parallel_loop3A_128 = arith.addf %parallel_loop3A_123, %parallel_loop3A_127 : vector<16xf32>
      %parallel_loop3A_129 = arith.constant 1.250000e-01 : f32
      %parallel_loop3A_130 = vector.broadcast %parallel_loop3A_129 : f32 to vector<16xf32>
      %parallel_loop3A_131 = arith.mulf %parallel_loop3A_128, %parallel_loop3A_130 : vector<16xf32>
      %parallel_loop3A_132 = arith.constant 0 : i32
      %parallel_loop3A_133 = arith.addi %parallel_loop3A_132, %parallel_loop3A_88 : i32
      %parallel_loop3A_134 = arith.constant 16 : i32
      %parallel_loop3A_135 = arith.muli %parallel_loop3A_133, %parallel_loop3A_134 : i32
      %parallel_loop3A_136 = arith.index_cast %parallel_loop3A_135 : i32 to index
      %parallel_loop3A_137 = tpu.vector_load %arg6[%parallel_loop3A_136] {strides = array<i32>} : memref<4096xf32, #tpu.memory_space<vmem>>, vector<16xf32>,
      tpu.vector_store %arg6[%parallel_loop3A_136], %parallel_loop3A_131 {strides = array<i32>} : memref<4096xf32, #tpu.memory_space<vmem>>, vector<16xf32>,
      %parallel_loop3A_138 = arith.constant 128 : i32
      %parallel_loop3A_139 = vector.broadcast %parallel_loop3A_138 : i32 to vector<16xi32>
      %parallel_loop3A_140 = arith.addi %mul3A_5, %parallel_loop3A_139 : vector<16xi32>
      %parallel_loop3A_141 = tpu.vector_load_idx %arg4[%parallel_loop3A_89, %parallel_loop3A_140] : memref<64x512xf32, #tpu.memory_space<vmem>>[vector<16xi32>, vector<16xi32>], vector<16xf32>,
      %parallel_loop3A_142 = arith.constant 1 : i32
      %parallel_loop3A_143 = vector.broadcast %parallel_loop3A_142 : i32 to vector<16xi32>
      %parallel_loop3A_144 = arith.addi %parallel_loop3A_140, %parallel_loop3A_143 : vector<16xi32>
      %parallel_loop3A_145 = tpu.vector_load_idx %arg4[%parallel_loop3A_89, %parallel_loop3A_144] : memref<64x512xf32, #tpu.memory_space<vmem>>[vector<16xi32>, vector<16xi32>], vector<16xf32>,
      %parallel_loop3A_146 = arith.addf %parallel_loop3A_141, %parallel_loop3A_145 : vector<16xf32>
      %parallel_loop3A_147 = arith.constant 2 : i32
      %parallel_loop3A_148 = vector.broadcast %parallel_loop3A_147 : i32 to vector<16xi32>
      %parallel_loop3A_149 = arith.addi %parallel_loop3A_140, %parallel_loop3A_148 : vector<16xi32>
      %parallel_loop3A_150 = tpu.vector_load_idx %arg4[%parallel_loop3A_89, %parallel_loop3A_149] : memref<64x512xf32, #tpu.memory_space<vmem>>[vector<16xi32>, vector<16xi32>], vector<16xf32>,
      %parallel_loop3A_151 = arith.addf %parallel_loop3A_146, %parallel_loop3A_150 : vector<16xf32>
      %parallel_loop3A_152 = arith.constant 3 : i32
      %parallel_loop3A_153 = vector.broadcast %parallel_loop3A_152 : i32 to vector<16xi32>
      %parallel_loop3A_154 = arith.addi %parallel_loop3A_140, %parallel_loop3A_153 : vector<16xi32>
      %parallel_loop3A_155 = tpu.vector_load_idx %arg4[%parallel_loop3A_89, %parallel_loop3A_154] : memref<64x512xf32, #tpu.memory_space<vmem>>[vector<16xi32>, vector<16xi32>], vector<16xf32>,
      %parallel_loop3A_156 = arith.addf %parallel_loop3A_151, %parallel_loop3A_155 : vector<16xf32>
      %parallel_loop3A_157 = arith.constant 4 : i32
      %parallel_loop3A_158 = vector.broadcast %parallel_loop3A_157 : i32 to vector<16xi32>
      %parallel_loop3A_159 = arith.addi %parallel_loop3A_140, %parallel_loop3A_158 : vector<16xi32>
      %parallel_loop3A_160 = tpu.vector_load_idx %arg4[%parallel_loop3A_89, %parallel_loop3A_159] : memref<64x512xf32, #tpu.memory_space<vmem>>[vector<16xi32>, vector<16xi32>], vector<16xf32>,
      %parallel_loop3A_161 = arith.addf %parallel_loop3A_156, %parallel_loop3A_160 : vector<16xf32>
      %parallel_loop3A_162 = arith.constant 5 : i32
      %parallel_loop3A_163 = vector.broadcast %parallel_loop3A_162 : i32 to vector<16xi32>
      %parallel_loop3A_164 = arith.addi %parallel_loop3A_140, %parallel_loop3A_163 : vector<16xi32>
      %parallel_loop3A_165 = tpu.vector_load_idx %arg4[%parallel_loop3A_89, %parallel_loop3A_164] : memref<64x512xf32, #tpu.memory_space<vmem>>[vector<16xi32>, vector<16xi32>], vector<16xf32>,
      %parallel_loop3A_166 = arith.addf %parallel_loop3A_161, %parallel_loop3A_165 : vector<16xf32>
      %parallel_loop3A_167 = arith.constant 6 : i32
      %parallel_loop3A_168 = vector.broadcast %parallel_loop3A_167 : i32 to vector<16xi32>
      %parallel_loop3A_169 = arith.addi %parallel_loop3A_140, %parallel_loop3A_168 : vector<16xi32>
      %parallel_loop3A_170 = tpu.vector_load_idx %arg4[%parallel_loop3A_89, %parallel_loop3A_169] : memref<64x512xf32, #tpu.memory_space<vmem>>[vector<16xi32>, vector<16xi32>], vector<16xf32>,
      %parallel_loop3A_171 = arith.addf %parallel_loop3A_166, %parallel_loop3A_170 : vector<16xf32>
      %parallel_loop3A_172 = arith.constant 7 : i32
      %parallel_loop3A_173 = vector.broadcast %parallel_loop3A_172 : i32 to vector<16xi32>
      %parallel_loop3A_174 = arith.addi %parallel_loop3A_140, %parallel_loop3A_173 : vector<16xi32>
      %parallel_loop3A_175 = tpu.vector_load_idx %arg4[%parallel_loop3A_89, %parallel_loop3A_174] : memref<64x512xf32, #tpu.memory_space<vmem>>[vector<16xi32>, vector<16xi32>], vector<16xf32>,
      %parallel_loop3A_176 = arith.addf %parallel_loop3A_171, %parallel_loop3A_175 : vector<16xf32>
      %parallel_loop3A_177 = arith.constant 1.250000e-01 : f32
      %parallel_loop3A_178 = vector.broadcast %parallel_loop3A_177 : f32 to vector<16xf32>
      %parallel_loop3A_179 = arith.mulf %parallel_loop3A_176, %parallel_loop3A_178 : vector<16xf32>
      %parallel_loop3A_180 = arith.constant 64 : i32
      %parallel_loop3A_181 = arith.addi %parallel_loop3A_180, %parallel_loop3A_88 : i32
      %parallel_loop3A_182 = arith.constant 16 : i32
      %parallel_loop3A_183 = arith.muli %parallel_loop3A_181, %parallel_loop3A_182 : i32
      %parallel_loop3A_184 = arith.index_cast %parallel_loop3A_183 : i32 to index
      %parallel_loop3A_185 = tpu.vector_load %arg6[%parallel_loop3A_184] {strides = array<i32>} : memref<4096xf32, #tpu.memory_space<vmem>>, vector<16xf32>,
      tpu.vector_store %arg6[%parallel_loop3A_184], %parallel_loop3A_179 {strides = array<i32>} : memref<4096xf32, #tpu.memory_space<vmem>>, vector<16xf32>,
      %parallel_loop3A_186 = arith.constant 256 : i32
      %parallel_loop3A_187 = vector.broadcast %parallel_loop3A_186 : i32 to vector<16xi32>
      %parallel_loop3A_188 = arith.addi %mul3A_5, %parallel_loop3A_187 : vector<16xi32>
      %parallel_loop3A_189 = tpu.vector_load_idx %arg4[%parallel_loop3A_89, %parallel_loop3A_188] : memref<64x512xf32, #tpu.memory_space<vmem>>[vector<16xi32>, vector<16xi32>], vector<16xf32>,
      %parallel_loop3A_190 = arith.constant 1 : i32
      %parallel_loop3A_191 = vector.broadcast %parallel_loop3A_190 : i32 to vector<16xi32>
      %parallel_loop3A_192 = arith.addi %parallel_loop3A_188, %parallel_loop3A_191 : vector<16xi32>
      %parallel_loop3A_193 = tpu.vector_load_idx %arg4[%parallel_loop3A_89, %parallel_loop3A_192] : memref<64x512xf32, #tpu.memory_space<vmem>>[vector<16xi32>, vector<16xi32>], vector<16xf32>,
      %parallel_loop3A_194 = arith.addf %parallel_loop3A_189, %parallel_loop3A_193 : vector<16xf32>
      %parallel_loop3A_195 = arith.constant 2 : i32
      %parallel_loop3A_196 = vector.broadcast %parallel_loop3A_195 : i32 to vector<16xi32>
      %parallel_loop3A_197 = arith.addi %parallel_loop3A_188, %parallel_loop3A_196 : vector<16xi32>
      %parallel_loop3A_198 = tpu.vector_load_idx %arg4[%parallel_loop3A_89, %parallel_loop3A_197] : memref<64x512xf32, #tpu.memory_space<vmem>>[vector<16xi32>, vector<16xi32>], vector<16xf32>,
      %parallel_loop3A_199 = arith.addf %parallel_loop3A_194, %parallel_loop3A_198 : vector<16xf32>
      %parallel_loop3A_200 = arith.constant 3 : i32
      %parallel_loop3A_201 = vector.broadcast %parallel_loop3A_200 : i32 to vector<16xi32>
      %parallel_loop3A_202 = arith.addi %parallel_loop3A_188, %parallel_loop3A_201 : vector<16xi32>
      %parallel_loop3A_203 = tpu.vector_load_idx %arg4[%parallel_loop3A_89, %parallel_loop3A_202] : memref<64x512xf32, #tpu.memory_space<vmem>>[vector<16xi32>, vector<16xi32>], vector<16xf32>,
      %parallel_loop3A_204 = arith.addf %parallel_loop3A_199, %parallel_loop3A_203 : vector<16xf32>
      %parallel_loop3A_205 = arith.constant 4 : i32
      %parallel_loop3A_206 = vector.broadcast %parallel_loop3A_205 : i32 to vector<16xi32>
      %parallel_loop3A_207 = arith.addi %parallel_loop3A_188, %parallel_loop3A_206 : vector<16xi32>
      %parallel_loop3A_208 = tpu.vector_load_idx %arg4[%parallel_loop3A_89, %parallel_loop3A_207] : memref<64x512xf32, #tpu.memory_space<vmem>>[vector<16xi32>, vector<16xi32>], vector<16xf32>,
      %parallel_loop3A_209 = arith.addf %parallel_loop3A_204, %parallel_loop3A_208 : vector<16xf32>
      %parallel_loop3A_210 = arith.constant 5 : i32
      %parallel_loop3A_211 = vector.broadcast %parallel_loop3A_210 : i32 to vector<16xi32>
      %parallel_loop3A_212 = arith.addi %parallel_loop3A_188, %parallel_loop3A_211 : vector<16xi32>
      %parallel_loop3A_213 = tpu.vector_load_idx %arg4[%parallel_loop3A_89, %parallel_loop3A_212] : memref<64x512xf32, #tpu.memory_space<vmem>>[vector<16xi32>, vector<16xi32>], vector<16xf32>,
      %parallel_loop3A_214 = arith.addf %parallel_loop3A_209, %parallel_loop3A_213 : vector<16xf32>
      %parallel_loop3A_215 = arith.constant 6 : i32
      %parallel_loop3A_216 = vector.broadcast %parallel_loop3A_215 : i32 to vector<16xi32>
      %parallel_loop3A_217 = arith.addi %parallel_loop3A_188, %parallel_loop3A_216 : vector<16xi32>
      %parallel_loop3A_218 = tpu.vector_load_idx %arg4[%parallel_loop3A_89, %parallel_loop3A_217] : memref<64x512xf32, #tpu.memory_space<vmem>>[vector<16xi32>, vector<16xi32>], vector<16xf32>,
      %parallel_loop3A_219 = arith.addf %parallel_loop3A_214, %parallel_loop3A_218 : vector<16xf32>
      %parallel_loop3A_220 = arith.constant 7 : i32
      %parallel_loop3A_221 = vector.broadcast %parallel_loop3A_220 : i32 to vector<16xi32>
      %parallel_loop3A_222 = arith.addi %parallel_loop3A_188, %parallel_loop3A_221 : vector<16xi32>
      %parallel_loop3A_223 = tpu.vector_load_idx %arg4[%parallel_loop3A_89, %parallel_loop3A_222] : memref<64x512xf32, #tpu.memory_space<vmem>>[vector<16xi32>, vector<16xi32>], vector<16xf32>,
      %parallel_loop3A_224 = arith.addf %parallel_loop3A_219, %parallel_loop3A_223 : vector<16xf32>
      %parallel_loop3A_225 = arith.constant 1.250000e-01 : f32
      %parallel_loop3A_226 = vector.broadcast %parallel_loop3A_225 : f32 to vector<16xf32>
      %parallel_loop3A_227 = arith.mulf %parallel_loop3A_224, %parallel_loop3A_226 : vector<16xf32>
      %parallel_loop3A_228 = arith.constant 128 : i32
      %parallel_loop3A_229 = arith.addi %parallel_loop3A_228, %parallel_loop3A_88 : i32
      %parallel_loop3A_230 = arith.constant 16 : i32
      %parallel_loop3A_231 = arith.muli %parallel_loop3A_229, %parallel_loop3A_230 : i32
      %parallel_loop3A_232 = arith.index_cast %parallel_loop3A_231 : i32 to index
      %parallel_loop3A_233 = tpu.vector_load %arg6[%parallel_loop3A_232] {strides = array<i32>} : memref<4096xf32, #tpu.memory_space<vmem>>, vector<16xf32>,
      tpu.vector_store %arg6[%parallel_loop3A_232], %parallel_loop3A_227 {strides = array<i32>} : memref<4096xf32, #tpu.memory_space<vmem>>, vector<16xf32>,
      %parallel_loop3A_234 = arith.constant 384 : i32
      %parallel_loop3A_235 = vector.broadcast %parallel_loop3A_234 : i32 to vector<16xi32>
      %parallel_loop3A_236 = arith.addi %mul3A_5, %parallel_loop3A_235 : vector<16xi32>
      %parallel_loop3A_237 = tpu.vector_load_idx %arg4[%parallel_loop3A_89, %parallel_loop3A_236] : memref<64x512xf32, #tpu.memory_space<vmem>>[vector<16xi32>, vector<16xi32>], vector<16xf32>,
      %parallel_loop3A_238 = arith.constant 1 : i32
      %parallel_loop3A_239 = vector.broadcast %parallel_loop3A_238 : i32 to vector<16xi32>
      %parallel_loop3A_240 = arith.addi %parallel_loop3A_236, %parallel_loop3A_239 : vector<16xi32>
      %parallel_loop3A_241 = tpu.vector_load_idx %arg4[%parallel_loop3A_89, %parallel_loop3A_240] : memref<64x512xf32, #tpu.memory_space<vmem>>[vector<16xi32>, vector<16xi32>], vector<16xf32>,
      %parallel_loop3A_242 = arith.addf %parallel_loop3A_237, %parallel_loop3A_241 : vector<16xf32>
      %parallel_loop3A_243 = arith.constant 2 : i32
      %parallel_loop3A_244 = vector.broadcast %parallel_loop3A_243 : i32 to vector<16xi32>
      %parallel_loop3A_245 = arith.addi %parallel_loop3A_236, %parallel_loop3A_244 : vector<16xi32>
      %parallel_loop3A_246 = tpu.vector_load_idx %arg4[%parallel_loop3A_89, %parallel_loop3A_245] : memref<64x512xf32, #tpu.memory_space<vmem>>[vector<16xi32>, vector<16xi32>], vector<16xf32>,
      %parallel_loop3A_247 = arith.addf %parallel_loop3A_242, %parallel_loop3A_246 : vector<16xf32>
      %parallel_loop3A_248 = arith.constant 3 : i32
      %parallel_loop3A_249 = vector.broadcast %parallel_loop3A_248 : i32 to vector<16xi32>
      %parallel_loop3A_250 = arith.addi %parallel_loop3A_236, %parallel_loop3A_249 : vector<16xi32>
      %parallel_loop3A_251 = tpu.vector_load_idx %arg4[%parallel_loop3A_89, %parallel_loop3A_250] : memref<64x512xf32, #tpu.memory_space<vmem>>[vector<16xi32>, vector<16xi32>], vector<16xf32>,
      %parallel_loop3A_252 = arith.addf %parallel_loop3A_247, %parallel_loop3A_251 : vector<16xf32>
      %parallel_loop3A_253 = arith.constant 4 : i32
      %parallel_loop3A_254 = vector.broadcast %parallel_loop3A_253 : i32 to vector<16xi32>
      %parallel_loop3A_255 = arith.addi %parallel_loop3A_236, %parallel_loop3A_254 : vector<16xi32>
      %parallel_loop3A_256 = tpu.vector_load_idx %arg4[%parallel_loop3A_89, %parallel_loop3A_255] : memref<64x512xf32, #tpu.memory_space<vmem>>[vector<16xi32>, vector<16xi32>], vector<16xf32>,
      %parallel_loop3A_257 = arith.addf %parallel_loop3A_252, %parallel_loop3A_256 : vector<16xf32>
      %parallel_loop3A_258 = arith.constant 5 : i32
      %parallel_loop3A_259 = vector.broadcast %parallel_loop3A_258 : i32 to vector<16xi32>
      %parallel_loop3A_260 = arith.addi %parallel_loop3A_236, %parallel_loop3A_259 : vector<16xi32>
      %parallel_loop3A_261 = tpu.vector_load_idx %arg4[%parallel_loop3A_89, %parallel_loop3A_260] : memref<64x512xf32, #tpu.memory_space<vmem>>[vector<16xi32>, vector<16xi32>], vector<16xf32>,
      %parallel_loop3A_262 = arith.addf %parallel_loop3A_257, %parallel_loop3A_261 : vector<16xf32>
      %parallel_loop3A_263 = arith.constant 6 : i32
      %parallel_loop3A_264 = vector.broadcast %parallel_loop3A_263 : i32 to vector<16xi32>
      %parallel_loop3A_265 = arith.addi %parallel_loop3A_236, %parallel_loop3A_264 : vector<16xi32>
      %parallel_loop3A_266 = tpu.vector_load_idx %arg4[%parallel_loop3A_89, %parallel_loop3A_265] : memref<64x512xf32, #tpu.memory_space<vmem>>[vector<16xi32>, vector<16xi32>], vector<16xf32>,
      %parallel_loop3A_267 = arith.addf %parallel_loop3A_262, %parallel_loop3A_266 : vector<16xf32>
      %parallel_loop3A_268 = arith.constant 7 : i32
      %parallel_loop3A_269 = vector.broadcast %parallel_loop3A_268 : i32 to vector<16xi32>
      %parallel_loop3A_270 = arith.addi %parallel_loop3A_236, %parallel_loop3A_269 : vector<16xi32>
      %parallel_loop3A_271 = tpu.vector_load_idx %arg4[%parallel_loop3A_89, %parallel_loop3A_270] : memref<64x512xf32, #tpu.memory_space<vmem>>[vector<16xi32>, vector<16xi32>], vector<16xf32>,
      %parallel_loop3A_272 = arith.addf %parallel_loop3A_267, %parallel_loop3A_271 : vector<16xf32>
      %parallel_loop3A_273 = arith.constant 1.250000e-01 : f32
      %parallel_loop3A_274 = vector.broadcast %parallel_loop3A_273 : f32 to vector<16xf32>
      %parallel_loop3A_275 = arith.mulf %parallel_loop3A_272, %parallel_loop3A_274 : vector<16xf32>
      %parallel_loop3A_276 = arith.constant 192 : i32
      %parallel_loop3A_277 = arith.addi %parallel_loop3A_276, %parallel_loop3A_88 : i32
      %parallel_loop3A_278 = arith.constant 16 : i32
      %parallel_loop3A_279 = arith.muli %parallel_loop3A_277, %parallel_loop3A_278 : i32
      %parallel_loop3A_280 = arith.index_cast %parallel_loop3A_279 : i32 to index
      %parallel_loop3A_281 = tpu.vector_load %arg6[%parallel_loop3A_280] {strides = array<i32>} : memref<4096xf32, #tpu.memory_space<vmem>>, vector<16xf32>,
      tpu.vector_store %arg6[%parallel_loop3A_280], %parallel_loop3A_275 {strides = array<i32>} : memref<4096xf32, #tpu.memory_space<vmem>>, vector<16xf32>,
    } {sc.loop_unroll_factor = 2 : i64, sc.parallel_access}
    %parallel_loop3A_61 = arith.constant 0 : i32
    %parallel_loop3A_62 = arith.constant 64 : i32
    %parallel_loop3A_63 = arith.constant 1 : i32
    scf.for %parallel_loop3A_88 = %parallel_loop3A_61 to %parallel_loop3A_62 step %parallel_loop3A_63  : i32 {
      %parallel_loop3A_89 = arith.constant 16 : i32
      %parallel_loop3A_90 = arith.divsi %parallel_loop3A_88, %parallel_loop3A_89 : i32
      %parallel_loop3A_91 = arith.constant 0 : i32
      %parallel_loop3A_92 = arith.cmpi sgt, %parallel_loop3A_88, %parallel_loop3A_91 : i32
      %parallel_loop3A_93 = arith.extui %parallel_loop3A_92 : i1 to i32
      %parallel_loop3A_94 = arith.constant 0 : i32
      %parallel_loop3A_95 = arith.cmpi slt, %parallel_loop3A_88, %parallel_loop3A_94 : i32
      %parallel_loop3A_96 = arith.extui %parallel_loop3A_95 : i1 to i32
      %parallel_loop3A_97 = arith.subi %parallel_loop3A_93, %parallel_loop3A_96 : i32
      %parallel_loop3A_98 = arith.constant 0 : i32
      %parallel_loop3A_99 = arith.cmpi sgt, %parallel_loop3A_89, %parallel_loop3A_98 : i32
      %parallel_loop3A_100 = arith.extui %parallel_loop3A_99 : i1 to i32
      %parallel_loop3A_101 = arith.constant 0 : i32
      %parallel_loop3A_102 = arith.cmpi slt, %parallel_loop3A_89, %parallel_loop3A_101 : i32
      %parallel_loop3A_103 = arith.extui %parallel_loop3A_102 : i1 to i32
      %parallel_loop3A_104 = arith.subi %parallel_loop3A_100, %parallel_loop3A_103 : i32
      %parallel_loop3A_105 = arith.cmpi ne, %parallel_loop3A_97, %parallel_loop3A_104 : i32
      %parallel_loop3A_106 = arith.remsi %parallel_loop3A_88, %parallel_loop3A_89 : i32
      %parallel_loop3A_107 = arith.constant 0 : i32
      %parallel_loop3A_108 = arith.cmpi ne, %parallel_loop3A_106, %parallel_loop3A_107 : i32
      %parallel_loop3A_109 = arith.andi %parallel_loop3A_105, %parallel_loop3A_108 : i1
      %parallel_loop3A_110 = arith.constant 1 : i32
      %parallel_loop3A_111 = arith.subi %parallel_loop3A_90, %parallel_loop3A_110 : i32
      %parallel_loop3A_112 = arith.select %parallel_loop3A_109, %parallel_loop3A_111, %parallel_loop3A_90 : i32
      %parallel_loop3A_113 = arith.constant 16 : i32
      %parallel_loop3A_114 = arith.constant 0 : i32
      %parallel_loop3A_115 = arith.cmpi eq, %parallel_loop3A_113, %parallel_loop3A_114 : i32
      %parallel_loop3A_116 = arith.constant 1 : i32
      %parallel_loop3A_117 = arith.select %parallel_loop3A_115, %parallel_loop3A_116, %parallel_loop3A_113 : i32
      %parallel_loop3A_118 = arith.remsi %parallel_loop3A_88, %parallel_loop3A_117 : i32
      %parallel_loop3A_119 = arith.constant 0 : i32
      %parallel_loop3A_120 = arith.cmpi ne, %parallel_loop3A_118, %parallel_loop3A_119 : i32
      %parallel_loop3A_121 = arith.constant 0 : i32
      %parallel_loop3A_122 = arith.cmpi slt, %parallel_loop3A_118, %parallel_loop3A_121 : i32
      %parallel_loop3A_123 = arith.constant 0 : i32
      %parallel_loop3A_124 = arith.cmpi slt, %parallel_loop3A_117, %parallel_loop3A_123 : i32
      %parallel_loop3A_125 = arith.xori %parallel_loop3A_122, %parallel_loop3A_124 : i1
      %parallel_loop3A_126 = arith.andi %parallel_loop3A_125, %parallel_loop3A_120 : i1
      %parallel_loop3A_127 = arith.addi %parallel_loop3A_118, %parallel_loop3A_117 : i32
      %parallel_loop3A_128 = arith.select %parallel_loop3A_126, %parallel_loop3A_127, %parallel_loop3A_118 : i32
      %parallel_loop3A_129 = arith.constant 64 : i32
      %parallel_loop3A_130 = arith.muli %parallel_loop3A_112, %parallel_loop3A_129 : i32
      %parallel_loop3A_131 = arith.constant 0 : i32
      %parallel_loop3A_132 = arith.addi %parallel_loop3A_130, %parallel_loop3A_131 : i32
      %parallel_loop3A_133 = arith.constant 16 : i32
      %parallel_loop3A_134 = arith.muli %parallel_loop3A_132, %parallel_loop3A_133 : i32
      %parallel_loop3A_135 = arith.addi %parallel_loop3A_134, %parallel_loop3A_128 : i32
      %parallel_loop3A_136 = vector.broadcast %parallel_loop3A_135 : i32 to vector<16xi32>
      %parallel_loop3A_137 = arith.addi %mul3A_8, %parallel_loop3A_136 : vector<16xi32>
      %parallel_loop3A_138 = tpu.vector_load_idx %arg6[%parallel_loop3A_137] : memref<4096xf32, #tpu.memory_space<vmem>>[vector<16xi32>], vector<16xf32>,
      %parallel_loop3A_139 = arith.index_cast %parallel_loop3A_88 : i32 to index
      %parallel_loop3A_140 = arith.constant 0 : index
      %parallel_loop3A_141 = tpu.vector_load %arg8[%parallel_loop3A_139, %parallel_loop3A_140] {strides = array<i32>} : memref<64x128xf32, #tpu.memory_space<vmem>>, vector<16xf32>,
      tpu.vector_store %arg8[%parallel_loop3A_139, %parallel_loop3A_140], %parallel_loop3A_138 {strides = array<i32>} : memref<64x128xf32, #tpu.memory_space<vmem>>, vector<16xf32>,
      %parallel_loop3A_142 = arith.constant 64 : i32
      %parallel_loop3A_143 = arith.muli %parallel_loop3A_112, %parallel_loop3A_142 : i32
      %parallel_loop3A_144 = arith.constant 16 : i32
      %parallel_loop3A_145 = arith.addi %parallel_loop3A_143, %parallel_loop3A_144 : i32
      %parallel_loop3A_146 = arith.constant 16 : i32
      %parallel_loop3A_147 = arith.muli %parallel_loop3A_145, %parallel_loop3A_146 : i32
      %parallel_loop3A_148 = arith.addi %parallel_loop3A_147, %parallel_loop3A_128 : i32
      %parallel_loop3A_149 = vector.broadcast %parallel_loop3A_148 : i32 to vector<16xi32>
      %parallel_loop3A_150 = arith.addi %mul3A_8, %parallel_loop3A_149 : vector<16xi32>
      %parallel_loop3A_151 = tpu.vector_load_idx %arg6[%parallel_loop3A_150] : memref<4096xf32, #tpu.memory_space<vmem>>[vector<16xi32>], vector<16xf32>,
      %parallel_loop3A_152 = arith.index_cast %parallel_loop3A_88 : i32 to index
      %parallel_loop3A_153 = arith.constant 16 : index
      %parallel_loop3A_154 = tpu.vector_load %arg8[%parallel_loop3A_152, %parallel_loop3A_153] {strides = array<i32>} : memref<64x128xf32, #tpu.memory_space<vmem>>, vector<16xf32>,
      tpu.vector_store %arg8[%parallel_loop3A_152, %parallel_loop3A_153], %parallel_loop3A_151 {strides = array<i32>} : memref<64x128xf32, #tpu.memory_space<vmem>>, vector<16xf32>,
      %parallel_loop3A_155 = arith.constant 64 : i32
      %parallel_loop3A_156 = arith.muli %parallel_loop3A_112, %parallel_loop3A_155 : i32
      %parallel_loop3A_157 = arith.constant 32 : i32
      %parallel_loop3A_158 = arith.addi %parallel_loop3A_156, %parallel_loop3A_157 : i32
      %parallel_loop3A_159 = arith.constant 16 : i32
      %parallel_loop3A_160 = arith.muli %parallel_loop3A_158, %parallel_loop3A_159 : i32
      %parallel_loop3A_161 = arith.addi %parallel_loop3A_160, %parallel_loop3A_128 : i32
      %parallel_loop3A_162 = vector.broadcast %parallel_loop3A_161 : i32 to vector<16xi32>
      %parallel_loop3A_163 = arith.addi %mul3A_8, %parallel_loop3A_162 : vector<16xi32>
      %parallel_loop3A_164 = tpu.vector_load_idx %arg6[%parallel_loop3A_163] : memref<4096xf32, #tpu.memory_space<vmem>>[vector<16xi32>], vector<16xf32>,
      %parallel_loop3A_165 = arith.index_cast %parallel_loop3A_88 : i32 to index
      %parallel_loop3A_166 = arith.constant 32 : index
      %parallel_loop3A_167 = tpu.vector_load %arg8[%parallel_loop3A_165, %parallel_loop3A_166] {strides = array<i32>} : memref<64x128xf32, #tpu.memory_space<vmem>>, vector<16xf32>,
      tpu.vector_store %arg8[%parallel_loop3A_165, %parallel_loop3A_166], %parallel_loop3A_164 {strides = array<i32>} : memref<64x128xf32, #tpu.memory_space<vmem>>, vector<16xf32>,
      %parallel_loop3A_168 = arith.constant 64 : i32
      %parallel_loop3A_169 = arith.muli %parallel_loop3A_112, %parallel_loop3A_168 : i32
      %parallel_loop3A_170 = arith.constant 48 : i32
      %parallel_loop3A_171 = arith.addi %parallel_loop3A_169, %parallel_loop3A_170 : i32
      %parallel_loop3A_172 = arith.constant 16 : i32
      %parallel_loop3A_173 = arith.muli %parallel_loop3A_171, %parallel_loop3A_172 : i32
      %parallel_loop3A_174 = arith.addi %parallel_loop3A_173, %parallel_loop3A_128 : i32
      %parallel_loop3A_175 = vector.broadcast %parallel_loop3A_174 : i32 to vector<16xi32>
      %parallel_loop3A_176 = arith.addi %mul3A_8, %parallel_loop3A_175 : vector<16xi32>
      %parallel_loop3A_177 = tpu.vector_load_idx %arg6[%parallel_loop3A_176] : memref<4096xf32, #tpu.memory_space<vmem>>[vector<16xi32>], vector<16xf32>,
      %parallel_loop3A_178 = arith.index_cast %parallel_loop3A_88 : i32 to index
      %parallel_loop3A_179 = arith.constant 48 : index
      %parallel_loop3A_180 = tpu.vector_load %arg8[%parallel_loop3A_178, %parallel_loop3A_179] {strides = array<i32>} : memref<64x128xf32, #tpu.memory_space<vmem>>, vector<16xf32>,
      tpu.vector_store %arg8[%parallel_loop3A_178, %parallel_loop3A_179], %parallel_loop3A_177 {strides = array<i32>} : memref<64x128xf32, #tpu.memory_space<vmem>>, vector<16xf32>,
    } {sc.loop_unroll_factor = 2 : i64, sc.parallel_access}
    %dma_wait3A_64 = arith.constant 0 : i32
    %dma_wait3A_65 = tpu.memref_slice %arg2[%add3A_49, %dma_wait3A_64] : memref<16384x512xf32, #tpu.memory_space<hbm>> -> memref<64x512xf32, #tpu.memory_space<hbm>>
    %dma_wait3A_66 = arith.constant 0 : i32
    %dma_wait3A_67 = tpu.memref_slice %arg2[%add3A_49, %dma_wait3A_66] : memref<16384x512xf32, #tpu.memory_space<hbm>> -> memref<64x512xf32, #tpu.memory_space<hbm>>
    tpu.wait_dma2 semaphore(%arg10 : memref<!tpu.dma_semaphore, #tpu.memory_space<semaphore_mem>>) src(%dma_wait3A_67 : memref<64x512xf32, #tpu.memory_space<hbm>>) dst(%arg5 : memref<64x512xf32, #tpu.memory_space<vmem>>)
    %parallel_loop3A_68 = arith.constant 0 : i32
    %parallel_loop3A_69 = arith.constant 64 : i32
    %parallel_loop3A_70 = arith.constant 1 : i32
    scf.for %parallel_loop3A_88 = %parallel_loop3A_68 to %parallel_loop3A_69 step %parallel_loop3A_70  : i32 {
      %parallel_loop3A_89 = vector.broadcast %parallel_loop3A_88 : i32 to vector<16xi32>
      %parallel_loop3A_90 = arith.constant 0 : i32
      %parallel_loop3A_91 = vector.broadcast %parallel_loop3A_90 : i32 to vector<16xi32>
      %parallel_loop3A_92 = arith.addi %mul3A_5, %parallel_loop3A_91 : vector<16xi32>
      %parallel_loop3A_93 = tpu.vector_load_idx %arg5[%parallel_loop3A_89, %parallel_loop3A_92] : memref<64x512xf32, #tpu.memory_space<vmem>>[vector<16xi32>, vector<16xi32>], vector<16xf32>,
      %parallel_loop3A_94 = arith.constant 1 : i32
      %parallel_loop3A_95 = vector.broadcast %parallel_loop3A_94 : i32 to vector<16xi32>
      %parallel_loop3A_96 = arith.addi %parallel_loop3A_92, %parallel_loop3A_95 : vector<16xi32>
      %parallel_loop3A_97 = tpu.vector_load_idx %arg5[%parallel_loop3A_89, %parallel_loop3A_96] : memref<64x512xf32, #tpu.memory_space<vmem>>[vector<16xi32>, vector<16xi32>], vector<16xf32>,
      %parallel_loop3A_98 = arith.addf %parallel_loop3A_93, %parallel_loop3A_97 : vector<16xf32>
      %parallel_loop3A_99 = arith.constant 2 : i32
      %parallel_loop3A_100 = vector.broadcast %parallel_loop3A_99 : i32 to vector<16xi32>
      %parallel_loop3A_101 = arith.addi %parallel_loop3A_92, %parallel_loop3A_100 : vector<16xi32>
      %parallel_loop3A_102 = tpu.vector_load_idx %arg5[%parallel_loop3A_89, %parallel_loop3A_101] : memref<64x512xf32, #tpu.memory_space<vmem>>[vector<16xi32>, vector<16xi32>], vector<16xf32>,
      %parallel_loop3A_103 = arith.addf %parallel_loop3A_98, %parallel_loop3A_102 : vector<16xf32>
      %parallel_loop3A_104 = arith.constant 3 : i32
      %parallel_loop3A_105 = vector.broadcast %parallel_loop3A_104 : i32 to vector<16xi32>
      %parallel_loop3A_106 = arith.addi %parallel_loop3A_92, %parallel_loop3A_105 : vector<16xi32>
      %parallel_loop3A_107 = tpu.vector_load_idx %arg5[%parallel_loop3A_89, %parallel_loop3A_106] : memref<64x512xf32, #tpu.memory_space<vmem>>[vector<16xi32>, vector<16xi32>], vector<16xf32>,
      %parallel_loop3A_108 = arith.addf %parallel_loop3A_103, %parallel_loop3A_107 : vector<16xf32>
      %parallel_loop3A_109 = arith.constant 4 : i32
      %parallel_loop3A_110 = vector.broadcast %parallel_loop3A_109 : i32 to vector<16xi32>
      %parallel_loop3A_111 = arith.addi %parallel_loop3A_92, %parallel_loop3A_110 : vector<16xi32>
      %parallel_loop3A_112 = tpu.vector_load_idx %arg5[%parallel_loop3A_89, %parallel_loop3A_111] : memref<64x512xf32, #tpu.memory_space<vmem>>[vector<16xi32>, vector<16xi32>], vector<16xf32>,
      %parallel_loop3A_113 = arith.addf %parallel_loop3A_108, %parallel_loop3A_112 : vector<16xf32>
      %parallel_loop3A_114 = arith.constant 5 : i32
      %parallel_loop3A_115 = vector.broadcast %parallel_loop3A_114 : i32 to vector<16xi32>
      %parallel_loop3A_116 = arith.addi %parallel_loop3A_92, %parallel_loop3A_115 : vector<16xi32>
      %parallel_loop3A_117 = tpu.vector_load_idx %arg5[%parallel_loop3A_89, %parallel_loop3A_116] : memref<64x512xf32, #tpu.memory_space<vmem>>[vector<16xi32>, vector<16xi32>], vector<16xf32>,
      %parallel_loop3A_118 = arith.addf %parallel_loop3A_113, %parallel_loop3A_117 : vector<16xf32>
      %parallel_loop3A_119 = arith.constant 6 : i32
      %parallel_loop3A_120 = vector.broadcast %parallel_loop3A_119 : i32 to vector<16xi32>
      %parallel_loop3A_121 = arith.addi %parallel_loop3A_92, %parallel_loop3A_120 : vector<16xi32>
      %parallel_loop3A_122 = tpu.vector_load_idx %arg5[%parallel_loop3A_89, %parallel_loop3A_121] : memref<64x512xf32, #tpu.memory_space<vmem>>[vector<16xi32>, vector<16xi32>], vector<16xf32>,
      %parallel_loop3A_123 = arith.addf %parallel_loop3A_118, %parallel_loop3A_122 : vector<16xf32>
      %parallel_loop3A_124 = arith.constant 7 : i32
      %parallel_loop3A_125 = vector.broadcast %parallel_loop3A_124 : i32 to vector<16xi32>
      %parallel_loop3A_126 = arith.addi %parallel_loop3A_92, %parallel_loop3A_125 : vector<16xi32>
      %parallel_loop3A_127 = tpu.vector_load_idx %arg5[%parallel_loop3A_89, %parallel_loop3A_126] : memref<64x512xf32, #tpu.memory_space<vmem>>[vector<16xi32>, vector<16xi32>], vector<16xf32>,
      %parallel_loop3A_128 = arith.addf %parallel_loop3A_123, %parallel_loop3A_127 : vector<16xf32>
      %parallel_loop3A_129 = arith.constant 1.250000e-01 : f32
      %parallel_loop3A_130 = vector.broadcast %parallel_loop3A_129 : f32 to vector<16xf32>
      %parallel_loop3A_131 = arith.mulf %parallel_loop3A_128, %parallel_loop3A_130 : vector<16xf32>
      %parallel_loop3A_132 = arith.constant 0 : i32
      %parallel_loop3A_133 = arith.addi %parallel_loop3A_132, %parallel_loop3A_88 : i32
      %parallel_loop3A_134 = arith.constant 16 : i32
      %parallel_loop3A_135 = arith.muli %parallel_loop3A_133, %parallel_loop3A_134 : i32
      %parallel_loop3A_136 = arith.index_cast %parallel_loop3A_135 : i32 to index
      %parallel_loop3A_137 = tpu.vector_load %arg6[%parallel_loop3A_136] {strides = array<i32>} : memref<4096xf32, #tpu.memory_space<vmem>>, vector<16xf32>,
      tpu.vector_store %arg6[%parallel_loop3A_136], %parallel_loop3A_131 {strides = array<i32>} : memref<4096xf32, #tpu.memory_space<vmem>>, vector<16xf32>,
      %parallel_loop3A_138 = arith.constant 128 : i32
      %parallel_loop3A_139 = vector.broadcast %parallel_loop3A_138 : i32 to vector<16xi32>
      %parallel_loop3A_140 = arith.addi %mul3A_5, %parallel_loop3A_139 : vector<16xi32>
      %parallel_loop3A_141 = tpu.vector_load_idx %arg5[%parallel_loop3A_89, %parallel_loop3A_140] : memref<64x512xf32, #tpu.memory_space<vmem>>[vector<16xi32>, vector<16xi32>], vector<16xf32>,
      %parallel_loop3A_142 = arith.constant 1 : i32
      %parallel_loop3A_143 = vector.broadcast %parallel_loop3A_142 : i32 to vector<16xi32>
      %parallel_loop3A_144 = arith.addi %parallel_loop3A_140, %parallel_loop3A_143 : vector<16xi32>
      %parallel_loop3A_145 = tpu.vector_load_idx %arg5[%parallel_loop3A_89, %parallel_loop3A_144] : memref<64x512xf32, #tpu.memory_space<vmem>>[vector<16xi32>, vector<16xi32>], vector<16xf32>,
      %parallel_loop3A_146 = arith.addf %parallel_loop3A_141, %parallel_loop3A_145 : vector<16xf32>
      %parallel_loop3A_147 = arith.constant 2 : i32
      %parallel_loop3A_148 = vector.broadcast %parallel_loop3A_147 : i32 to vector<16xi32>
      %parallel_loop3A_149 = arith.addi %parallel_loop3A_140, %parallel_loop3A_148 : vector<16xi32>
      %parallel_loop3A_150 = tpu.vector_load_idx %arg5[%parallel_loop3A_89, %parallel_loop3A_149] : memref<64x512xf32, #tpu.memory_space<vmem>>[vector<16xi32>, vector<16xi32>], vector<16xf32>,
      %parallel_loop3A_151 = arith.addf %parallel_loop3A_146, %parallel_loop3A_150 : vector<16xf32>
      %parallel_loop3A_152 = arith.constant 3 : i32
      %parallel_loop3A_153 = vector.broadcast %parallel_loop3A_152 : i32 to vector<16xi32>
      %parallel_loop3A_154 = arith.addi %parallel_loop3A_140, %parallel_loop3A_153 : vector<16xi32>
      %parallel_loop3A_155 = tpu.vector_load_idx %arg5[%parallel_loop3A_89, %parallel_loop3A_154] : memref<64x512xf32, #tpu.memory_space<vmem>>[vector<16xi32>, vector<16xi32>], vector<16xf32>,
      %parallel_loop3A_156 = arith.addf %parallel_loop3A_151, %parallel_loop3A_155 : vector<16xf32>
      %parallel_loop3A_157 = arith.constant 4 : i32
      %parallel_loop3A_158 = vector.broadcast %parallel_loop3A_157 : i32 to vector<16xi32>
      %parallel_loop3A_159 = arith.addi %parallel_loop3A_140, %parallel_loop3A_158 : vector<16xi32>
      %parallel_loop3A_160 = tpu.vector_load_idx %arg5[%parallel_loop3A_89, %parallel_loop3A_159] : memref<64x512xf32, #tpu.memory_space<vmem>>[vector<16xi32>, vector<16xi32>], vector<16xf32>,
      %parallel_loop3A_161 = arith.addf %parallel_loop3A_156, %parallel_loop3A_160 : vector<16xf32>
      %parallel_loop3A_162 = arith.constant 5 : i32
      %parallel_loop3A_163 = vector.broadcast %parallel_loop3A_162 : i32 to vector<16xi32>
      %parallel_loop3A_164 = arith.addi %parallel_loop3A_140, %parallel_loop3A_163 : vector<16xi32>
      %parallel_loop3A_165 = tpu.vector_load_idx %arg5[%parallel_loop3A_89, %parallel_loop3A_164] : memref<64x512xf32, #tpu.memory_space<vmem>>[vector<16xi32>, vector<16xi32>], vector<16xf32>,
      %parallel_loop3A_166 = arith.addf %parallel_loop3A_161, %parallel_loop3A_165 : vector<16xf32>
      %parallel_loop3A_167 = arith.constant 6 : i32
      %parallel_loop3A_168 = vector.broadcast %parallel_loop3A_167 : i32 to vector<16xi32>
      %parallel_loop3A_169 = arith.addi %parallel_loop3A_140, %parallel_loop3A_168 : vector<16xi32>
      %parallel_loop3A_170 = tpu.vector_load_idx %arg5[%parallel_loop3A_89, %parallel_loop3A_169] : memref<64x512xf32, #tpu.memory_space<vmem>>[vector<16xi32>, vector<16xi32>], vector<16xf32>,
      %parallel_loop3A_171 = arith.addf %parallel_loop3A_166, %parallel_loop3A_170 : vector<16xf32>
      %parallel_loop3A_172 = arith.constant 7 : i32
      %parallel_loop3A_173 = vector.broadcast %parallel_loop3A_172 : i32 to vector<16xi32>
      %parallel_loop3A_174 = arith.addi %parallel_loop3A_140, %parallel_loop3A_173 : vector<16xi32>
      %parallel_loop3A_175 = tpu.vector_load_idx %arg5[%parallel_loop3A_89, %parallel_loop3A_174] : memref<64x512xf32, #tpu.memory_space<vmem>>[vector<16xi32>, vector<16xi32>], vector<16xf32>,
      %parallel_loop3A_176 = arith.addf %parallel_loop3A_171, %parallel_loop3A_175 : vector<16xf32>
      %parallel_loop3A_177 = arith.constant 1.250000e-01 : f32
      %parallel_loop3A_178 = vector.broadcast %parallel_loop3A_177 : f32 to vector<16xf32>
      %parallel_loop3A_179 = arith.mulf %parallel_loop3A_176, %parallel_loop3A_178 : vector<16xf32>
      %parallel_loop3A_180 = arith.constant 64 : i32
      %parallel_loop3A_181 = arith.addi %parallel_loop3A_180, %parallel_loop3A_88 : i32
      %parallel_loop3A_182 = arith.constant 16 : i32
      %parallel_loop3A_183 = arith.muli %parallel_loop3A_181, %parallel_loop3A_182 : i32
      %parallel_loop3A_184 = arith.index_cast %parallel_loop3A_183 : i32 to index
      %parallel_loop3A_185 = tpu.vector_load %arg6[%parallel_loop3A_184] {strides = array<i32>} : memref<4096xf32, #tpu.memory_space<vmem>>, vector<16xf32>,
      tpu.vector_store %arg6[%parallel_loop3A_184], %parallel_loop3A_179 {strides = array<i32>} : memref<4096xf32, #tpu.memory_space<vmem>>, vector<16xf32>,
      %parallel_loop3A_186 = arith.constant 256 : i32
      %parallel_loop3A_187 = vector.broadcast %parallel_loop3A_186 : i32 to vector<16xi32>
      %parallel_loop3A_188 = arith.addi %mul3A_5, %parallel_loop3A_187 : vector<16xi32>
      %parallel_loop3A_189 = tpu.vector_load_idx %arg5[%parallel_loop3A_89, %parallel_loop3A_188] : memref<64x512xf32, #tpu.memory_space<vmem>>[vector<16xi32>, vector<16xi32>], vector<16xf32>,
      %parallel_loop3A_190 = arith.constant 1 : i32
      %parallel_loop3A_191 = vector.broadcast %parallel_loop3A_190 : i32 to vector<16xi32>
      %parallel_loop3A_192 = arith.addi %parallel_loop3A_188, %parallel_loop3A_191 : vector<16xi32>
      %parallel_loop3A_193 = tpu.vector_load_idx %arg5[%parallel_loop3A_89, %parallel_loop3A_192] : memref<64x512xf32, #tpu.memory_space<vmem>>[vector<16xi32>, vector<16xi32>], vector<16xf32>,
      %parallel_loop3A_194 = arith.addf %parallel_loop3A_189, %parallel_loop3A_193 : vector<16xf32>
      %parallel_loop3A_195 = arith.constant 2 : i32
      %parallel_loop3A_196 = vector.broadcast %parallel_loop3A_195 : i32 to vector<16xi32>
      %parallel_loop3A_197 = arith.addi %parallel_loop3A_188, %parallel_loop3A_196 : vector<16xi32>
      %parallel_loop3A_198 = tpu.vector_load_idx %arg5[%parallel_loop3A_89, %parallel_loop3A_197] : memref<64x512xf32, #tpu.memory_space<vmem>>[vector<16xi32>, vector<16xi32>], vector<16xf32>,
      %parallel_loop3A_199 = arith.addf %parallel_loop3A_194, %parallel_loop3A_198 : vector<16xf32>
      %parallel_loop3A_200 = arith.constant 3 : i32
      %parallel_loop3A_201 = vector.broadcast %parallel_loop3A_200 : i32 to vector<16xi32>
      %parallel_loop3A_202 = arith.addi %parallel_loop3A_188, %parallel_loop3A_201 : vector<16xi32>
      %parallel_loop3A_203 = tpu.vector_load_idx %arg5[%parallel_loop3A_89, %parallel_loop3A_202] : memref<64x512xf32, #tpu.memory_space<vmem>>[vector<16xi32>, vector<16xi32>], vector<16xf32>,
      %parallel_loop3A_204 = arith.addf %parallel_loop3A_199, %parallel_loop3A_203 : vector<16xf32>
      %parallel_loop3A_205 = arith.constant 4 : i32
      %parallel_loop3A_206 = vector.broadcast %parallel_loop3A_205 : i32 to vector<16xi32>
      %parallel_loop3A_207 = arith.addi %parallel_loop3A_188, %parallel_loop3A_206 : vector<16xi32>
      %parallel_loop3A_208 = tpu.vector_load_idx %arg5[%parallel_loop3A_89, %parallel_loop3A_207] : memref<64x512xf32, #tpu.memory_space<vmem>>[vector<16xi32>, vector<16xi32>], vector<16xf32>,
      %parallel_loop3A_209 = arith.addf %parallel_loop3A_204, %parallel_loop3A_208 : vector<16xf32>
      %parallel_loop3A_210 = arith.constant 5 : i32
      %parallel_loop3A_211 = vector.broadcast %parallel_loop3A_210 : i32 to vector<16xi32>
      %parallel_loop3A_212 = arith.addi %parallel_loop3A_188, %parallel_loop3A_211 : vector<16xi32>
      %parallel_loop3A_213 = tpu.vector_load_idx %arg5[%parallel_loop3A_89, %parallel_loop3A_212] : memref<64x512xf32, #tpu.memory_space<vmem>>[vector<16xi32>, vector<16xi32>], vector<16xf32>,
      %parallel_loop3A_214 = arith.addf %parallel_loop3A_209, %parallel_loop3A_213 : vector<16xf32>
      %parallel_loop3A_215 = arith.constant 6 : i32
      %parallel_loop3A_216 = vector.broadcast %parallel_loop3A_215 : i32 to vector<16xi32>
      %parallel_loop3A_217 = arith.addi %parallel_loop3A_188, %parallel_loop3A_216 : vector<16xi32>
      %parallel_loop3A_218 = tpu.vector_load_idx %arg5[%parallel_loop3A_89, %parallel_loop3A_217] : memref<64x512xf32, #tpu.memory_space<vmem>>[vector<16xi32>, vector<16xi32>], vector<16xf32>,
      %parallel_loop3A_219 = arith.addf %parallel_loop3A_214, %parallel_loop3A_218 : vector<16xf32>
      %parallel_loop3A_220 = arith.constant 7 : i32
      %parallel_loop3A_221 = vector.broadcast %parallel_loop3A_220 : i32 to vector<16xi32>
      %parallel_loop3A_222 = arith.addi %parallel_loop3A_188, %parallel_loop3A_221 : vector<16xi32>
      %parallel_loop3A_223 = tpu.vector_load_idx %arg5[%parallel_loop3A_89, %parallel_loop3A_222] : memref<64x512xf32, #tpu.memory_space<vmem>>[vector<16xi32>, vector<16xi32>], vector<16xf32>,
      %parallel_loop3A_224 = arith.addf %parallel_loop3A_219, %parallel_loop3A_223 : vector<16xf32>
      %parallel_loop3A_225 = arith.constant 1.250000e-01 : f32
      %parallel_loop3A_226 = vector.broadcast %parallel_loop3A_225 : f32 to vector<16xf32>
      %parallel_loop3A_227 = arith.mulf %parallel_loop3A_224, %parallel_loop3A_226 : vector<16xf32>
      %parallel_loop3A_228 = arith.constant 128 : i32
      %parallel_loop3A_229 = arith.addi %parallel_loop3A_228, %parallel_loop3A_88 : i32
      %parallel_loop3A_230 = arith.constant 16 : i32
      %parallel_loop3A_231 = arith.muli %parallel_loop3A_229, %parallel_loop3A_230 : i32
      %parallel_loop3A_232 = arith.index_cast %parallel_loop3A_231 : i32 to index
      %parallel_loop3A_233 = tpu.vector_load %arg6[%parallel_loop3A_232] {strides = array<i32>} : memref<4096xf32, #tpu.memory_space<vmem>>, vector<16xf32>,
      tpu.vector_store %arg6[%parallel_loop3A_232], %parallel_loop3A_227 {strides = array<i32>} : memref<4096xf32, #tpu.memory_space<vmem>>, vector<16xf32>,
      %parallel_loop3A_234 = arith.constant 384 : i32
      %parallel_loop3A_235 = vector.broadcast %parallel_loop3A_234 : i32 to vector<16xi32>
      %parallel_loop3A_236 = arith.addi %mul3A_5, %parallel_loop3A_235 : vector<16xi32>
      %parallel_loop3A_237 = tpu.vector_load_idx %arg5[%parallel_loop3A_89, %parallel_loop3A_236] : memref<64x512xf32, #tpu.memory_space<vmem>>[vector<16xi32>, vector<16xi32>], vector<16xf32>,
      %parallel_loop3A_238 = arith.constant 1 : i32
      %parallel_loop3A_239 = vector.broadcast %parallel_loop3A_238 : i32 to vector<16xi32>
      %parallel_loop3A_240 = arith.addi %parallel_loop3A_236, %parallel_loop3A_239 : vector<16xi32>
      %parallel_loop3A_241 = tpu.vector_load_idx %arg5[%parallel_loop3A_89, %parallel_loop3A_240] : memref<64x512xf32, #tpu.memory_space<vmem>>[vector<16xi32>, vector<16xi32>], vector<16xf32>,
      %parallel_loop3A_242 = arith.addf %parallel_loop3A_237, %parallel_loop3A_241 : vector<16xf32>
      %parallel_loop3A_243 = arith.constant 2 : i32
      %parallel_loop3A_244 = vector.broadcast %parallel_loop3A_243 : i32 to vector<16xi32>
      %parallel_loop3A_245 = arith.addi %parallel_loop3A_236, %parallel_loop3A_244 : vector<16xi32>
      %parallel_loop3A_246 = tpu.vector_load_idx %arg5[%parallel_loop3A_89, %parallel_loop3A_245] : memref<64x512xf32, #tpu.memory_space<vmem>>[vector<16xi32>, vector<16xi32>], vector<16xf32>,
      %parallel_loop3A_247 = arith.addf %parallel_loop3A_242, %parallel_loop3A_246 : vector<16xf32>
      %parallel_loop3A_248 = arith.constant 3 : i32
      %parallel_loop3A_249 = vector.broadcast %parallel_loop3A_248 : i32 to vector<16xi32>
      %parallel_loop3A_250 = arith.addi %parallel_loop3A_236, %parallel_loop3A_249 : vector<16xi32>
      %parallel_loop3A_251 = tpu.vector_load_idx %arg5[%parallel_loop3A_89, %parallel_loop3A_250] : memref<64x512xf32, #tpu.memory_space<vmem>>[vector<16xi32>, vector<16xi32>], vector<16xf32>,
      %parallel_loop3A_252 = arith.addf %parallel_loop3A_247, %parallel_loop3A_251 : vector<16xf32>
      %parallel_loop3A_253 = arith.constant 4 : i32
      %parallel_loop3A_254 = vector.broadcast %parallel_loop3A_253 : i32 to vector<16xi32>
      %parallel_loop3A_255 = arith.addi %parallel_loop3A_236, %parallel_loop3A_254 : vector<16xi32>
      %parallel_loop3A_256 = tpu.vector_load_idx %arg5[%parallel_loop3A_89, %parallel_loop3A_255] : memref<64x512xf32, #tpu.memory_space<vmem>>[vector<16xi32>, vector<16xi32>], vector<16xf32>,
      %parallel_loop3A_257 = arith.addf %parallel_loop3A_252, %parallel_loop3A_256 : vector<16xf32>
      %parallel_loop3A_258 = arith.constant 5 : i32
      %parallel_loop3A_259 = vector.broadcast %parallel_loop3A_258 : i32 to vector<16xi32>
      %parallel_loop3A_260 = arith.addi %parallel_loop3A_236, %parallel_loop3A_259 : vector<16xi32>
      %parallel_loop3A_261 = tpu.vector_load_idx %arg5[%parallel_loop3A_89, %parallel_loop3A_260] : memref<64x512xf32, #tpu.memory_space<vmem>>[vector<16xi32>, vector<16xi32>], vector<16xf32>,
      %parallel_loop3A_262 = arith.addf %parallel_loop3A_257, %parallel_loop3A_261 : vector<16xf32>
      %parallel_loop3A_263 = arith.constant 6 : i32
      %parallel_loop3A_264 = vector.broadcast %parallel_loop3A_263 : i32 to vector<16xi32>
      %parallel_loop3A_265 = arith.addi %parallel_loop3A_236, %parallel_loop3A_264 : vector<16xi32>
      %parallel_loop3A_266 = tpu.vector_load_idx %arg5[%parallel_loop3A_89, %parallel_loop3A_265] : memref<64x512xf32, #tpu.memory_space<vmem>>[vector<16xi32>, vector<16xi32>], vector<16xf32>,
      %parallel_loop3A_267 = arith.addf %parallel_loop3A_262, %parallel_loop3A_266 : vector<16xf32>
      %parallel_loop3A_268 = arith.constant 7 : i32
      %parallel_loop3A_269 = vector.broadcast %parallel_loop3A_268 : i32 to vector<16xi32>
      %parallel_loop3A_270 = arith.addi %parallel_loop3A_236, %parallel_loop3A_269 : vector<16xi32>
      %parallel_loop3A_271 = tpu.vector_load_idx %arg5[%parallel_loop3A_89, %parallel_loop3A_270] : memref<64x512xf32, #tpu.memory_space<vmem>>[vector<16xi32>, vector<16xi32>], vector<16xf32>,
      %parallel_loop3A_272 = arith.addf %parallel_loop3A_267, %parallel_loop3A_271 : vector<16xf32>
      %parallel_loop3A_273 = arith.constant 1.250000e-01 : f32
      %parallel_loop3A_274 = vector.broadcast %parallel_loop3A_273 : f32 to vector<16xf32>
      %parallel_loop3A_275 = arith.mulf %parallel_loop3A_272, %parallel_loop3A_274 : vector<16xf32>
      %parallel_loop3A_276 = arith.constant 192 : i32
      %parallel_loop3A_277 = arith.addi %parallel_loop3A_276, %parallel_loop3A_88 : i32
      %parallel_loop3A_278 = arith.constant 16 : i32
      %parallel_loop3A_279 = arith.muli %parallel_loop3A_277, %parallel_loop3A_278 : i32
      %parallel_loop3A_280 = arith.index_cast %parallel_loop3A_279 : i32 to index
      %parallel_loop3A_281 = tpu.vector_load %arg6[%parallel_loop3A_280] {strides = array<i32>} : memref<4096xf32, #tpu.memory_space<vmem>>, vector<16xf32>,
      tpu.vector_store %arg6[%parallel_loop3A_280], %parallel_loop3A_275 {strides = array<i32>} : memref<4096xf32, #tpu.memory_space<vmem>>, vector<16xf32>,
    } {sc.loop_unroll_factor = 2 : i64, sc.parallel_access}
    %parallel_loop3A_71 = arith.constant 0 : i32
    %parallel_loop3A_72 = arith.constant 64 : i32
    %parallel_loop3A_73 = arith.constant 1 : i32
    scf.for %parallel_loop3A_88 = %parallel_loop3A_71 to %parallel_loop3A_72 step %parallel_loop3A_73  : i32 {
      %parallel_loop3A_89 = arith.constant 16 : i32
      %parallel_loop3A_90 = arith.divsi %parallel_loop3A_88, %parallel_loop3A_89 : i32
      %parallel_loop3A_91 = arith.constant 0 : i32
      %parallel_loop3A_92 = arith.cmpi sgt, %parallel_loop3A_88, %parallel_loop3A_91 : i32
      %parallel_loop3A_93 = arith.extui %parallel_loop3A_92 : i1 to i32
      %parallel_loop3A_94 = arith.constant 0 : i32
      %parallel_loop3A_95 = arith.cmpi slt, %parallel_loop3A_88, %parallel_loop3A_94 : i32
      %parallel_loop3A_96 = arith.extui %parallel_loop3A_95 : i1 to i32
      %parallel_loop3A_97 = arith.subi %parallel_loop3A_93, %parallel_loop3A_96 : i32
      %parallel_loop3A_98 = arith.constant 0 : i32
      %parallel_loop3A_99 = arith.cmpi sgt, %parallel_loop3A_89, %parallel_loop3A_98 : i32
      %parallel_loop3A_100 = arith.extui %parallel_loop3A_99 : i1 to i32
      %parallel_loop3A_101 = arith.constant 0 : i32
      %parallel_loop3A_102 = arith.cmpi slt, %parallel_loop3A_89, %parallel_loop3A_101 : i32
      %parallel_loop3A_103 = arith.extui %parallel_loop3A_102 : i1 to i32
      %parallel_loop3A_104 = arith.subi %parallel_loop3A_100, %parallel_loop3A_103 : i32
      %parallel_loop3A_105 = arith.cmpi ne, %parallel_loop3A_97, %parallel_loop3A_104 : i32
      %parallel_loop3A_106 = arith.remsi %parallel_loop3A_88, %parallel_loop3A_89 : i32
      %parallel_loop3A_107 = arith.constant 0 : i32
      %parallel_loop3A_108 = arith.cmpi ne, %parallel_loop3A_106, %parallel_loop3A_107 : i32
      %parallel_loop3A_109 = arith.andi %parallel_loop3A_105, %parallel_loop3A_108 : i1
      %parallel_loop3A_110 = arith.constant 1 : i32
      %parallel_loop3A_111 = arith.subi %parallel_loop3A_90, %parallel_loop3A_110 : i32
      %parallel_loop3A_112 = arith.select %parallel_loop3A_109, %parallel_loop3A_111, %parallel_loop3A_90 : i32
      %parallel_loop3A_113 = arith.constant 16 : i32
      %parallel_loop3A_114 = arith.constant 0 : i32
      %parallel_loop3A_115 = arith.cmpi eq, %parallel_loop3A_113, %parallel_loop3A_114 : i32
      %parallel_loop3A_116 = arith.constant 1 : i32
      %parallel_loop3A_117 = arith.select %parallel_loop3A_115, %parallel_loop3A_116, %parallel_loop3A_113 : i32
      %parallel_loop3A_118 = arith.remsi %parallel_loop3A_88, %parallel_loop3A_117 : i32
      %parallel_loop3A_119 = arith.constant 0 : i32
      %parallel_loop3A_120 = arith.cmpi ne, %parallel_loop3A_118, %parallel_loop3A_119 : i32
      %parallel_loop3A_121 = arith.constant 0 : i32
      %parallel_loop3A_122 = arith.cmpi slt, %parallel_loop3A_118, %parallel_loop3A_121 : i32
      %parallel_loop3A_123 = arith.constant 0 : i32
      %parallel_loop3A_124 = arith.cmpi slt, %parallel_loop3A_117, %parallel_loop3A_123 : i32
      %parallel_loop3A_125 = arith.xori %parallel_loop3A_122, %parallel_loop3A_124 : i1
      %parallel_loop3A_126 = arith.andi %parallel_loop3A_125, %parallel_loop3A_120 : i1
      %parallel_loop3A_127 = arith.addi %parallel_loop3A_118, %parallel_loop3A_117 : i32
      %parallel_loop3A_128 = arith.select %parallel_loop3A_126, %parallel_loop3A_127, %parallel_loop3A_118 : i32
      %parallel_loop3A_129 = arith.constant 64 : i32
      %parallel_loop3A_130 = arith.muli %parallel_loop3A_112, %parallel_loop3A_129 : i32
      %parallel_loop3A_131 = arith.constant 0 : i32
      %parallel_loop3A_132 = arith.addi %parallel_loop3A_130, %parallel_loop3A_131 : i32
      %parallel_loop3A_133 = arith.constant 16 : i32
      %parallel_loop3A_134 = arith.muli %parallel_loop3A_132, %parallel_loop3A_133 : i32
      %parallel_loop3A_135 = arith.addi %parallel_loop3A_134, %parallel_loop3A_128 : i32
      %parallel_loop3A_136 = vector.broadcast %parallel_loop3A_135 : i32 to vector<16xi32>
      %parallel_loop3A_137 = arith.addi %mul3A_8, %parallel_loop3A_136 : vector<16xi32>
      %parallel_loop3A_138 = tpu.vector_load_idx %arg6[%parallel_loop3A_137] : memref<4096xf32, #tpu.memory_space<vmem>>[vector<16xi32>], vector<16xf32>,
      %parallel_loop3A_139 = arith.index_cast %parallel_loop3A_88 : i32 to index
      %parallel_loop3A_140 = arith.constant 64 : index
      %parallel_loop3A_141 = tpu.vector_load %arg8[%parallel_loop3A_139, %parallel_loop3A_140] {strides = array<i32>} : memref<64x128xf32, #tpu.memory_space<vmem>>, vector<16xf32>,
      tpu.vector_store %arg8[%parallel_loop3A_139, %parallel_loop3A_140], %parallel_loop3A_138 {strides = array<i32>} : memref<64x128xf32, #tpu.memory_space<vmem>>, vector<16xf32>,
      %parallel_loop3A_142 = arith.constant 64 : i32
      %parallel_loop3A_143 = arith.muli %parallel_loop3A_112, %parallel_loop3A_142 : i32
      %parallel_loop3A_144 = arith.constant 16 : i32
      %parallel_loop3A_145 = arith.addi %parallel_loop3A_143, %parallel_loop3A_144 : i32
      %parallel_loop3A_146 = arith.constant 16 : i32
      %parallel_loop3A_147 = arith.muli %parallel_loop3A_145, %parallel_loop3A_146 : i32
      %parallel_loop3A_148 = arith.addi %parallel_loop3A_147, %parallel_loop3A_128 : i32
      %parallel_loop3A_149 = vector.broadcast %parallel_loop3A_148 : i32 to vector<16xi32>
      %parallel_loop3A_150 = arith.addi %mul3A_8, %parallel_loop3A_149 : vector<16xi32>
      %parallel_loop3A_151 = tpu.vector_load_idx %arg6[%parallel_loop3A_150] : memref<4096xf32, #tpu.memory_space<vmem>>[vector<16xi32>], vector<16xf32>,
      %parallel_loop3A_152 = arith.index_cast %parallel_loop3A_88 : i32 to index
      %parallel_loop3A_153 = arith.constant 80 : index
      %parallel_loop3A_154 = tpu.vector_load %arg8[%parallel_loop3A_152, %parallel_loop3A_153] {strides = array<i32>} : memref<64x128xf32, #tpu.memory_space<vmem>>, vector<16xf32>,
      tpu.vector_store %arg8[%parallel_loop3A_152, %parallel_loop3A_153], %parallel_loop3A_151 {strides = array<i32>} : memref<64x128xf32, #tpu.memory_space<vmem>>, vector<16xf32>,
      %parallel_loop3A_155 = arith.constant 64 : i32
      %parallel_loop3A_156 = arith.muli %parallel_loop3A_112, %parallel_loop3A_155 : i32
      %parallel_loop3A_157 = arith.constant 32 : i32
      %parallel_loop3A_158 = arith.addi %parallel_loop3A_156, %parallel_loop3A_157 : i32
      %parallel_loop3A_159 = arith.constant 16 : i32
      %parallel_loop3A_160 = arith.muli %parallel_loop3A_158, %parallel_loop3A_159 : i32
      %parallel_loop3A_161 = arith.addi %parallel_loop3A_160, %parallel_loop3A_128 : i32
      %parallel_loop3A_162 = vector.broadcast %parallel_loop3A_161 : i32 to vector<16xi32>
      %parallel_loop3A_163 = arith.addi %mul3A_8, %parallel_loop3A_162 : vector<16xi32>
      %parallel_loop3A_164 = tpu.vector_load_idx %arg6[%parallel_loop3A_163] : memref<4096xf32, #tpu.memory_space<vmem>>[vector<16xi32>], vector<16xf32>,
      %parallel_loop3A_165 = arith.index_cast %parallel_loop3A_88 : i32 to index
      %parallel_loop3A_166 = arith.constant 96 : index
      %parallel_loop3A_167 = tpu.vector_load %arg8[%parallel_loop3A_165, %parallel_loop3A_166] {strides = array<i32>} : memref<64x128xf32, #tpu.memory_space<vmem>>, vector<16xf32>,
      tpu.vector_store %arg8[%parallel_loop3A_165, %parallel_loop3A_166], %parallel_loop3A_164 {strides = array<i32>} : memref<64x128xf32, #tpu.memory_space<vmem>>, vector<16xf32>,
      %parallel_loop3A_168 = arith.constant 64 : i32
      %parallel_loop3A_169 = arith.muli %parallel_loop3A_112, %parallel_loop3A_168 : i32
      %parallel_loop3A_170 = arith.constant 48 : i32
      %parallel_loop3A_171 = arith.addi %parallel_loop3A_169, %parallel_loop3A_170 : i32
      %parallel_loop3A_172 = arith.constant 16 : i32
      %parallel_loop3A_173 = arith.muli %parallel_loop3A_171, %parallel_loop3A_172 : i32
      %parallel_loop3A_174 = arith.addi %parallel_loop3A_173, %parallel_loop3A_128 : i32
      %parallel_loop3A_175 = vector.broadcast %parallel_loop3A_174 : i32 to vector<16xi32>
      %parallel_loop3A_176 = arith.addi %mul3A_8, %parallel_loop3A_175 : vector<16xi32>
      %parallel_loop3A_177 = tpu.vector_load_idx %arg6[%parallel_loop3A_176] : memref<4096xf32, #tpu.memory_space<vmem>>[vector<16xi32>], vector<16xf32>,
      %parallel_loop3A_178 = arith.index_cast %parallel_loop3A_88 : i32 to index
      %parallel_loop3A_179 = arith.constant 112 : index
      %parallel_loop3A_180 = tpu.vector_load %arg8[%parallel_loop3A_178, %parallel_loop3A_179] {strides = array<i32>} : memref<64x128xf32, #tpu.memory_space<vmem>>, vector<16xf32>,
      tpu.vector_store %arg8[%parallel_loop3A_178, %parallel_loop3A_179], %parallel_loop3A_177 {strides = array<i32>} : memref<64x128xf32, #tpu.memory_space<vmem>>, vector<16xf32>,
    } {sc.loop_unroll_factor = 2 : i64, sc.parallel_access}
    %add3A_74 = arith.constant 128 : i32
    %add3A_75 = arith.addi %mul3A_2, %add3A_74 : i32
    %dma_start3A_76 = arith.constant 0 : i32
    %dma_start3A_77 = tpu.memref_slice %arg3[%dma_start3A_76, %add3A_75] : memref<64x8192xf32, #tpu.memory_space<hbm>> -> memref<64x128xf32, #tpu.memory_space<hbm>>
    %dma_start3A_78 = arith.constant 0 : i32
    %dma_start3A_79 = tpu.memref_slice %arg3[%dma_start3A_78, %add3A_75] : memref<64x8192xf32, #tpu.memory_space<hbm>> -> memref<64x128xf32, #tpu.memory_space<hbm>>
    tpu.enqueue_dma source(%arg8 : memref<64x128xf32, #tpu.memory_space<vmem>>) target(%dma_start3A_79 : memref<64x128xf32, #tpu.memory_space<hbm>>) target_semaphore(%arg12 : memref<!tpu.dma_semaphore, #tpu.memory_space<semaphore_mem>>)
    %dma_wait3A_80 = arith.constant 0 : i32
    %dma_wait3A_81 = tpu.memref_slice %arg3[%dma_wait3A_80, %add3A_43] : memref<64x8192xf32, #tpu.memory_space<hbm>> -> memref<64x128xf32, #tpu.memory_space<hbm>>
    %dma_wait3A_82 = arith.constant 0 : i32
    %dma_wait3A_83 = tpu.memref_slice %arg3[%dma_wait3A_82, %add3A_43] : memref<64x8192xf32, #tpu.memory_space<hbm>> -> memref<64x128xf32, #tpu.memory_space<hbm>>
    tpu.wait_dma2 semaphore(%arg11 : memref<!tpu.dma_semaphore, #tpu.memory_space<semaphore_mem>>) src(%arg7 : memref<64x128xf32, #tpu.memory_space<vmem>>) dst(%dma_wait3A_83 : memref<64x128xf32, #tpu.memory_space<hbm>>)
    %dma_wait3A_84 = arith.constant 0 : i32
    %dma_wait3A_85 = tpu.memref_slice %arg3[%dma_wait3A_84, %add3A_75] : memref<64x8192xf32, #tpu.memory_space<hbm>> -> memref<64x128xf32, #tpu.memory_space<hbm>>
    %dma_wait3A_86 = arith.constant 0 : i32
    %dma_wait3A_87 = tpu.memref_slice %arg3[%dma_wait3A_86, %add3A_75] : memref<64x8192xf32, #tpu.memory_space<hbm>> -> memref<64x128xf32, #tpu.memory_space<hbm>>
    tpu.wait_dma2 semaphore(%arg12 : memref<!tpu.dma_semaphore, #tpu.memory_space<semaphore_mem>>) src(%arg8 : memref<64x128xf32, #tpu.memory_space<vmem>>) dst(%dma_wait3A_87 : memref<64x128xf32, #tpu.memory_space<hbm>>)
    return
  }
}

module attributes {stable_mosaic.version = 14 : i64} {
  func.func @_pool_tc_body(%arg0: i32, %arg1: memref<2048x512xf32, #tpu.memory_space<vmem>>, %arg2: memref<64x2048xf32, #tpu.memory_space<vmem>>) attributes {dimension_semantics = [#tpu.dimension_semantics<arbitrary>], iteration_bounds = array<i64: 4>, scalar_prefetch = 0 : i64, scratch_operands = 0 : i64, tpu.core_type = #tpu.core_type<tc>, window_params = [{transform_indices = @transform_0, window_bounds = array<i64: 2048, 512>}, {transform_indices = @transform_1, window_bounds = array<i64: 64, 2048>}]} {
    %iota3A = tpu.iota {dimensions = array<i32: 1>} : vector<64x512xi32>
    %iota3A_0 = tpu.iota {dimensions = array<i32: 0>} : vector<64x512xi32>
    %jit3A = arith.constant 8 : i32
    %div3A = vector.broadcast %jit3A : i32 to vector<64x512xi32>
    %div3A_1 = arith.divsi %iota3A, %div3A : vector<64x512xi32>
    %sign3A = arith.constant 0 : i32
    %sign3A_2 = vector.broadcast %sign3A : i32 to vector<64x512xi32>
    %sign3A_3 = arith.cmpi sgt, %iota3A, %sign3A_2 : vector<64x512xi32>
    %sign3A_4 = arith.extui %sign3A_3 : vector<64x512xi1> to vector<64x512xi32>
    %sign3A_5 = arith.constant 0 : i32
    %sign3A_6 = vector.broadcast %sign3A_5 : i32 to vector<64x512xi32>
    %sign3A_7 = arith.cmpi slt, %iota3A, %sign3A_6 : vector<64x512xi32>
    %sign3A_8 = arith.extui %sign3A_7 : vector<64x512xi1> to vector<64x512xi32>
    %sign3A_9 = arith.subi %sign3A_4, %sign3A_8 : vector<64x512xi32>
    %sign3A_10 = arith.constant 0 : i32
    %sign3A_11 = arith.cmpi sgt, %jit3A, %sign3A_10 : i32
    %sign3A_12 = arith.extui %sign3A_11 : i1 to i32
    %sign3A_13 = arith.constant 0 : i32
    %sign3A_14 = arith.cmpi slt, %jit3A, %sign3A_13 : i32
    %sign3A_15 = arith.extui %sign3A_14 : i1 to i32
    %sign3A_16 = arith.subi %sign3A_12, %sign3A_15 : i32
    %ne3A = vector.broadcast %sign3A_16 : i32 to vector<64x512xi32>
    %ne3A_17 = arith.cmpi ne, %sign3A_9, %ne3A : vector<64x512xi32>
    %rem3A = vector.broadcast %jit3A : i32 to vector<64x512xi32>
    %rem3A_18 = arith.remsi %iota3A, %rem3A : vector<64x512xi32>
    %ne3A_19 = arith.constant 0 : i32
    %ne3A_20 = vector.broadcast %ne3A_19 : i32 to vector<64x512xi32>
    %ne3A_21 = arith.cmpi ne, %rem3A_18, %ne3A_20 : vector<64x512xi32>
    %and3A = arith.andi %ne3A_17, %ne3A_21 : vector<64x512xi1>
    %sub3A = arith.constant 1 : i32
    %sub3A_22 = vector.broadcast %sub3A : i32 to vector<64x512xi32>
    %sub3A_23 = arith.subi %div3A_1, %sub3A_22 : vector<64x512xi32>
    %select_n3A = arith.select %and3A, %sub3A_23, %div3A_1 : vector<64x512xi1>, vector<64x512xi32>
    %eq3A = arith.cmpi eq, %select_n3A, %iota3A_0 : vector<64x512xi32>
    %jit3A_24 = arith.constant 1.250000e-01 : f32
    %jit3A_25 = arith.constant 0.000000e+00 : f32
    %broadcast_in_dim3A = vector.broadcast %jit3A_24 : f32 to vector<64x512xf32>
    %broadcast_in_dim3A_26 = vector.broadcast %jit3A_25 : f32 to vector<64x512xf32>
    %select_n3A_27 = arith.select %eq3A, %broadcast_in_dim3A, %broadcast_in_dim3A_26 : vector<64x512xi1>, vector<64x512xf32>
    %get3A = arith.constant 0 : index
    %get3A_28 = arith.constant 0 : index
    %get3A_29 = vector.load %arg1[%get3A, %get3A_28] : memref<2048x512xf32, #tpu.memory_space<vmem>>, vector<2048x512xf32>
    %dot_general3A = arith.constant dense<0.000000e+00> : vector<64x2048xf32>
    %dot_general3A_30 = tpu.matmul %select_n3A_27, %get3A_29, %dot_general3A {dimension_numbers = #tpu.dot_dimension_numbers<[1], [1], [0], [0], [0, 0, 1, 0], [], []>, precision = #tpu.contract_precision<fp32>, transpose_lhs_hint = false} : vector<64x512xf32>, vector<2048x512xf32>, vector<64x2048xf32> -> vector<64x2048xf32>
    %swap3A = arith.constant 0 : index
    %swap3A_31 = arith.constant 0 : index
    %swap3A_32 = vector.load %arg2[%swap3A, %swap3A_31] : memref<64x2048xf32, #tpu.memory_space<vmem>>, vector<64x2048xf32>
    tpu.vector_store %arg2[%swap3A, %swap3A_31], %dot_general3A_30 {strides = array<i32>} : memref<64x2048xf32, #tpu.memory_space<vmem>>, vector<64x2048xf32>,
    return
  }
  func.func @transform_0(%arg0: i32) -> (i32, i32) {
    %add3A = arith.constant 4 : i32
    %add3A_0 = arith.addi %arg0, %add3A : i32
    %c0_i32 = arith.constant 0 : i32
    %c0_i32_1 = arith.constant 0 : i32
    return %add3A_0, %c0_i32 : i32, i32
  }
  func.func @transform_1(%arg0: i32) -> (i32, i32) {
    %add3A = arith.constant 4 : i32
    %add3A_0 = arith.addi %arg0, %add3A : i32
    %c0_i32 = arith.constant 0 : i32
    %c0_i32_1 = arith.constant 0 : i32
    return %c0_i32, %add3A_0 : i32, i32
  }
}

</mosaic_0001>

<sc_bundles>
// kernel: kernel.4.cloned.1.call-start
scs
__scs_entry_jumppad:
0x0: {  	(pc) =	sbr.rel $0x88, $3  }
0x1: {  	(tag) =	ssettag $0x0;
	lr =	simm.s32 $0x1  }
0x2: {  	[smem:$0x3FA0] =	sst lr;
	_ =	strace $0xD0000000  }
0x3: {  	_ = 	snop  }
0x4: {  	_ = 	snop  }
0x5: {  	_ = 	snop  }
0x6: {  	_ = 	snop  }
0x7: {  	_ = 	snop  }
__scs_overlays_trampoline_lowered:
0x8: {  	[smem:$0x3FAF] =	sst s0  }
0x9: {  	[smem:$0x3FB0] =	sst s1  }
0xa: {  	[smem:$0x3FB1] =	sst s2  }
0xb: {  	[smem:$0x3FB2] =	sst s3  }
0xc: {  	[smem:$0x3FB3] =	sst s4  }
0xd: {  	[smem:$0x3FB4] =	sst s5  }
0xe: {  	[smem:$0x3FB5] =	sst s6  }
0xf: {  	[smem:$0x3FB6] =	sst s7  }
0x10: {  	[smem:$0x3FB7] =	sst s8  }
0x11: {  	[smem:$0x3FB8] =	sst s9;
	s0 =	simm.s32 @!p0 $0x0  }
0x12: {  	s1 =	sld [smem:$0x3F9E];
	s0 =	simm.s32 @p0 $0x1  }
0x13: {  	[smem:$0x3FB9] =	sst s0;
	s0 =	simm.s32 @!p1 $0x0  }
0x14: {  	s2 =	sld [smem:$0x3F9D];
	s0 =	simm.s32 @p1 $0x1  }
0x15: {  	[smem:$0x3FBA] =	sst s0;
	s0 =	simm.s32 @!p2 $0x0  }
0x16: {  	s3 =	sld [smem:$0x3FDB];
	s0 =	simm.s32 @p2 $0x1  }
0x17: {  	s4 =	simm.s32 $0x1BF5;
	[smem:$0x3FBC] =	sst s0  }
0x18: {  	s0 =	sld [smem:$0x3F9F];
	_ =	swait.ge [sflag:s4], $0x0  }
0x19: {  	s7 =	sld [smem:$0x3FA0]  }
0x1a: {  	s8 =	sadd.s32 $0xFFFFE003, lr  }
0x1b: {  	s9 =	sadd.s32 $0xFFFFFEF7, lr;
	s5 =	simm.s32 $0xFFFFFFFF;
	p2 =	slt.u32 s8, $0xFFFFF086  }
0x1c: {  	p1 =	slt.u32 s9, $0xF7A;
	s5 =	simm.s32 @!p2 $0x0  }
0x1d: {  	s5 =	simm.s32 @p1 $0x1;
	p0 =	seq.s32 s7, s2  }
0x1e: {  	s7 =	smul.u32 @!p0 $0xF7A, s2;
	p2 =	seq.s32 @!p0 s5, $0x0  }
0x1f: {  	s9 =	smul.u32 $0xF7A, s1;
	s8 =	simm.s32 @!p0 $0x1BF5;
	p2 =	por !p2, p0  }
0x20: {  	[sflag:s8] =	ssyncset.s32 @!p0 $0xFFFFF086;
	s6 =	sadd.s32 @!p0 s3, s7;
	s7 =	simm.s32 @!p0 $0x108  }
0x21: {  	s3 =	sadd.s32 s3, s9;
	s6 =	sadd.s32 @!p0 $0x88, s6;
	s7 =	simm.s32 @p2 $0x1082  }
0x22: {  	[simem:s7], [sflag:s8] =	dma.local @!p0 [hbm:s6], $0xF7A  }
0x23: {  	s9 =	sor.u32 $0xD0000000, s2;
	s6 =	simm.s32 $0x108;
	_ =	swait.ge @!p0 [sflag:s8], $0x0  }
0x24: {  	s3 =	sadd.s32 $0x88, s3;
	s6 =	simm.s32 @!p1 $0x1082;
	[sflag:s4] =	ssyncset.s32 $0xFFFFF086  }
0x25: {  	[simem:s6], [sflag:s4] =	dma.local [hbm:s3], $0xF7A  }
0x26: {  	[smem:$0x3FA0] =	sst s1;
	(tag) =	ssettag s2;
	_ =	strace s9  }
0x27: {  	s1 =	sld [smem:$0x3FB0]  }
0x28: {  	s2 =	sld [smem:$0x3FB1]  }
0x29: {  	s4 =	sld [smem:$0x3FB3]  }
0x2a: {  	p0 =	seq.s32 s5, $0x0;
	s5 =	sld [smem:$0x3FB4]  }
0x2b: {  	s6 =	sld [smem:$0x3FB5]  }
0x2c: {  	s7 =	sld [smem:$0x3FB6]  }
0x2d: {  	s3 =	simm.s32 $0x108;
	s8 =	sld [smem:$0x3FB7]  }
0x2e: {  	s3 =	simm.s32 @!p0 $0x1082;
	s9 =	sld [smem:$0x3FB8]  }
0x2f: {  	lr =	sadd.s32 s0, s3;
	s0 =	sld [smem:$0x3FAF]  }
0x30: {  	s3 =	sld [smem:$0x3FB2]  }
0x31: {  	[smem:$0x3FBB] =	sst s10  }
0x32: {  	s10 =	sld [smem:$0x3FB9];
	_ =	sdelay $0x3  }
0x33: {  	p0 =	seq.s32 s10, $0x1;
	s10 =	sld [smem:$0x3FBB];
	_ =	sdelay $0x3  }
0x34: {  	[smem:$0x3FBB] =	sst s10  }
0x35: {  	s10 =	sld [smem:$0x3FBA];
	_ =	sdelay $0x3  }
0x36: {  	p1 =	seq.s32 s10, $0x1;
	s10 =	sld [smem:$0x3FBB];
	_ =	sdelay $0x3  }
0x37: {  	[smem:$0x3FBB] =	sst s10  }
0x38: {  	s10 =	sld [smem:$0x3FBC]  }
0x39: {  	_ = 	snop;
	(pc) =	sbr.ind lr, $3  }
0x3a: {  	_ = 	snop  }
0x3b: {  	_ = 	snop  }
0x3c: {  	p2 =	seq.s32 s10, $0x1;
	s10 =	sld [smem:$0x3FBB]  }
0x3d: {  	_ =	shalt  }
0x3e: {  	_ =	shalt  }
0x3f: {  	_ =	shalt  }
0x40: {  	_ =	shalt  }
0x41: {  	_ =	shalt  }
0x42: {  	_ =	shalt  }
0x43: {  	_ =	shalt  }
0x44: {  	_ =	shalt  }
0x45: {  	_ =	shalt  }
0x46: {  	_ =	shalt  }
0x47: {  	_ =	shalt  }
0x48: {  	_ =	shalt  }
0x49: {  	_ =	shalt  }
0x4a: {  	_ =	shalt  }
0x4b: {  	_ =	shalt  }
0x4c: {  	_ =	shalt  }
0x4d: {  	_ =	shalt  }
0x4e: {  	_ =	shalt  }
0x4f: {  	_ =	shalt  }
0x50: {  	_ =	shalt  }
0x51: {  	_ =	shalt  }
0x52: {  	_ =	shalt  }
0x53: {  	_ =	shalt  }
0x54: {  	_ =	shalt  }
0x55: {  	_ =	shalt  }
0x56: {  	_ =	shalt  }
0x57: {  	_ =	shalt  }
0x58: {  	_ =	shalt  }
0x59: {  	_ =	shalt  }
0x5a: {  	_ =	shalt  }
0x5b: {  	_ =	shalt  }
0x5c: {  	_ =	shalt  }
0x5d: {  	_ =	shalt  }
0x5e: {  	_ =	shalt  }
0x5f: {  	_ =	shalt  }
0x60: {  	_ =	shalt  }
0x61: {  	_ =	shalt  }
0x62: {  	_ =	shalt  }
0x63: {  	_ =	shalt  }
0x64: {  	_ =	shalt  }
0x65: {  	_ =	shalt  }
0x66: {  	_ =	shalt  }
0x67: {  	_ =	shalt  }
0x68: {  	_ =	shalt  }
0x69: {  	_ =	shalt  }
0x6a: {  	_ =	shalt  }
0x6b: {  	_ =	shalt  }
0x6c: {  	_ =	shalt  }
0x6d: {  	_ =	shalt  }
0x6e: {  	_ =	shalt  }
0x6f: {  	_ =	shalt  }
0x70: {  	_ =	shalt  }
0x71: {  	_ =	shalt  }
0x72: {  	_ =	shalt  }
0x73: {  	_ =	shalt  }
0x74: {  	_ =	shalt  }
0x75: {  	_ =	shalt  }
0x76: {  	_ =	shalt  }
0x77: {  	_ =	shalt  }
0x78: {  	_ =	shalt  }
0x79: {  	_ =	shalt  }
0x7a: {  	_ =	shalt  }
0x7b: {  	_ =	shalt  }
0x7c: {  	_ =	shalt  }
0x7d: {  	_ =	shalt  }
0x7e: {  	_ =	shalt  }
0x7f: {  	_ =	shalt  }
0x80: {  	_ =	shalt  }
0x81: {  	_ =	shalt  }
0x82: {  	_ =	shalt  }
0x83: {  	_ =	shalt  }
0x84: {  	_ =	shalt  }
0x85: {  	_ =	shalt  }
0x86: {  	_ =	shalt  }
0x87: {  	_ =	shalt  }
.Lfunc_end0:
.L_simem_size_0:
called_computation_lowered:
.L_overlay_start_0:
0x88: {  	s2 =	sld [smem:$0x3FD9]  }
0x89: {  	s3 =	sld [smem:$0x3FFE];
	_ =	sdelay $0x1  }
0x8a: {  	s1 =	srdreg.scid  }
0x8b: {  	s0 =	sand.u32 $0x1, s1  }
0x8c: {  	s17 =	sshll.u32 s0, $0xA;
	s2 =	sadd.s32 s3, s2  }
0x8d: {  	s2 =	sadd.s32 s2, s17  }
0x8e: {  	[smem:$0x3FC7] =	sst s2  }
0x8f: {  	_ = 	snop  }
0x90: {  	s2 =	sld [smem:$0x3FC9];
	(tm) =	ssettm $0x1  }
0x91: {  	s18 =	sld [smem:$0x3FFB];
	_ =	sdelay $0x3  }
0x92: {  	_ =	strace s18  }
0x93: {  	s3 =	sld [smem:$0x3FFC];
	_ =	sdelay $0x3  }
0x94: {  	_ =	strace s3  }
0x95: {  	s3 =	sld [smem:$0x3FFD];
	_ =	sdelay $0x3  }
0x96: {  	_ =	strace s3  }
0x97: {  	_ =	strace $0x8FFFFFFF  }
0x98: {  	s19 =	sld [smem:$0x3FDB];
	_ =	sdelay $0x1  }
0x99: {  	s4 =	simm.s32 $_scs_section_size  }
0x9a: {  	s5 =	simm.s32 $_size__tile_overlayer_lowered;
	s6 =	simm.s32 $_tile_overlayer_lowered  }
0x9b: {  	s22 =	simm.s32 $0x1BFF;
	s21 =	sshll.u32 s6, $0x1;
	s3 =	sadd.s32 s4, s19  }
0x9c: {  	s7 =	simm.s32 $0x0;
	s20 =	sshll.u32 s5, $0x1;
	s5 =	sadd.s32 s21, s3  }
0x9d: {  	[timem:s7], [sflag:s22] =	dma.local [hbm:s5], s20  }
0x9e: {  	_ =	swait.ge [sflag:s22], s20  }
0x9f: {  	s4 =	ssub.s32 $0x0, s20;
	[sflag:s22] =	ssyncset.done $0x0  }
0xa0: {  	[sflag:s22] =	ssyncadd.s32 s4;
	_ =	sdelay $0x1  }
0xa1: {  	s23 =	simm.s32 $0x1B8B  }
0xa2: {  	_ =	swait.ge [sflag:s23], $0x1  }
0xa3: {  	[sflag:s23] =	ssyncset.done $0x0  }
0xa4: {  	s25 =	simm.s32 $0x1B8E;
	s24 =	sld [smem:$0x3FFE];
	[sflag:s23] =	ssyncadd.s32 $0xFFFFFFFF  }
0xa5: {  	s26 =	simm.s32 $execute0_lowered;
	[smem:$0x3FD2] =	sst s25  }
0xa6: {  	s5 =	sshll.u32 s26, $0x1;
	_ =	strace $0x80000046;
	[dreg:$0x1] =	wrdreg $0xFFFFFFFF  }
0xa7: {  	s28 =	simm.s32 $_size_execute0_lowered;
	s3 =	sadd.s32 s3, s5;
	[dreg:$0x0] =	wrdreg $0x0  }
0xa8: {  	s5 =	sshll.u32 s28, $0x1;
	[dreg:$0x2] =	wrdreg s3  }
0xa9: {  	[dreg:$0x3] =	wrdreg s5  }
0xaa: {  	[dreg:$0x4] =	wrdreg $0xC0  }
0xab: {  	_ =	task [dreg:s7], $0x5FFFF  }
0xac: {  	[dreg:$0x1] =	wrdreg $0xFFFFFFFF  }
0xad: {  	[dreg:$0x0] =	wrdreg $0x60  }
0xae: {  	[dreg:$0x2] =	wrdreg s2  }
0xaf: {  	[dreg:$0x3] =	wrdreg s24  }
0xb0: {  	[dreg:$0x4] =	wrdreg $0x9  }
0xb1: {  	_ =	task.clear_ibuf [dreg:s7], $0x5FFFF;
	_ =	strace $0x90000046  }
0xb2: {  	s29 =	simm.s32 $0x9;
	_ =	strace $0x80000048  }
0xb3: {  	_ =	swait.ge [sflag:s29], $0x1  }
0xb4: {  	[sflag:s29] =	ssyncadd.s32 $0xFFFFFFFF  }
0xb5: {  	_ =	strace $0x90000048  }
0xb6: {  	_ =	sfence  }
0xb7: {  	s30 =	sld [smem:$0x0];
	_ =	sdelay $0x2  }
0xb8: {  	s31 =	sshll.u32 s1, $0xD;
	s1 =	sshrl.u32 s1, $0x2  }
0xb9: {  	s3 =	sand.u32 $0x4000, s31;
	s1 =	sadd.s32 s1, s30  }
0xba: {  	s0 =	sor.u32 s3, s0;
	s1 =	sshll.u32 s1, $0x11  }
0xbb: {  	s0 =	sor.u32 s1, s0  }
0xbc: {  	s0 =	sadd.s32 $0x8F2B, s0  }
0xbd: {  	[sflag:s0] =	ssyncadd.remote.s32 $0x1  }
0xbe: {  	_ =	sfence.sel $0xFFFF  }
0xbf: {  	[dreg:$0x0] =	wrdreg $0xFFFFFFFF;
	(pc) =	sbr.abs _section_cstart, $3  }
0xc0: {  	[dreg:$0x1] =	wrdreg $0xFFFFFFFF  }
0xc1: {  	_ =	task.clear_ibuf [dreg:s7], $0x2FFFF;
	_ =	strace $0x9FFFFFFF  }
0xc2: {  	(tm) =	ssettm $0x7FFFFFFF  }
0xc3: {  	_ =	shalt  }
tec
execute0_lowered:
.L_overlay_start_1:
0x0: {  	(tag) =	ssettag $0x1  }
0x1: {  	v32 =	vlaneseq.u32  }
0x2: {  	s5 =	rddreg [dreg:$0x0];
	s2 =	simm.s32 $0x0;
	v1 =	vmul.u32 $0x8, v32  }
0x3: {  	[smem:$0x7FF] =	sst s2  }
0x4: {  	s3 =	rddreg [dreg:$0x1];
	_ =	strace $0x80000047;
	v2 =	vor.u32 $0x1, v1;
	[tilespmem:$0x1FE40] =	vst v1  }
0x5: {  	v3 =	vor.u32 $0x2, v1;
	[tilespmem:$0x1FE50] =	vst v2  }
0x6: {  	v4 =	vor.u32 $0x3, v1;
	[tilespmem:$0x1FE60] =	vst v3  }
0x7: {  	v5 =	vor.u32 $0x4, v1;
	[tilespmem:$0x1FE70] =	vst v4  }
0x8: {  	v6 =	vor.u32 $0x5, v1;
	[tilespmem:$0x1FE80] =	vst v5  }
0x9: {  	v7 =	vor.u32 $0x6, v1;
	[tilespmem:$0x1FE90] =	vst v6  }
0xa: {  	v8 =	vor.u32 $0x7, v1;
	[tilespmem:$0x1FEA0] =	vst v7  }
0xb: {  	v63 =	vor.u32 $0x400, v1;
	[tilespmem:$0x1FEB0] =	vst v8  }
0xc: {  	v10 =	vor.u32 $0x402, v1;
	[tilespmem:$0x1FEC0] =	vst v63  }
0xd: {  	v11 =	vor.u32 $0x403, v1;
	[tilespmem:$0x1FED0] =	vst v10  }
0xe: {  	v12 =	vor.u32 $0x404, v1;
	[tilespmem:$0x1FEE0] =	vst v11  }
0xf: {  	v13 =	vor.u32 $0x405, v1;
	[tilespmem:$0x1FEF0] =	vst v12  }
0x10: {  	v14 =	vor.u32 $0x406, v1;
	[tilespmem:$0x1FF00] =	vst v13  }
0x11: {  	v15 =	vor.u32 $0x407, v1;
	[tilespmem:$0x1FF10] =	vst v14  }
0x12: {  	v16 =	vor.u32 $0x800, v1;
	[tilespmem:$0x1FF20] =	vst v15  }
0x13: {  	v17 =	vor.u32 $0x801, v1;
	[tilespmem:$0x1FF30] =	vst v16  }
0x14: {  	v18 =	vor.u32 $0x802, v1;
	[tilespmem:$0x1FF40] =	vst v17  }
0x15: {  	v19 =	vor.u32 $0x803, v1;
	[tilespmem:$0x1FF50] =	vst v18  }
0x16: {  	s4 =	srdreg.scid;
	s1 =	stileid.u32;
	s11 =	simm.s32 $0x1;
	v20 =	vor.u32 $0x804, v1;
	[tilespmem:$0x1FF60] =	vst v19  }
0x17: {  	s12 =	simm.s32 $0x10000;
	s13 =	simm.s32 $0x2;
	s14 =	simm.s32 $0x400;
	v21 =	vor.u32 $0x805, v1;
	[tilespmem:$0x1FF70] =	vst v20  }
0x18: {  	s15 =	simm.s32 $0x11000;
	s16 =	simm.s32 $0x13000;
	s17 =	simm.s32 $0x3;
	v22 =	vor.u32 $0x806, v1;
	[tilespmem:$0x1FF80] =	vst v21  }
0x19: {  	s18 =	simm.s32 $0x4;
	s19 =	simm.s32 $0x0;
	s4 =	sand.u32 $0x1, s4;
	v23 =	vor.u32 $0x807, v1;
	[tilespmem:$0x1FF90] =	vst v22  }
0x1a: {  	s6 =	sshll.u32 s1, $0x9;
	s7 =	sshll.u32 s4, $0x8;
	s4 =	ssub.s32 $0x2, s4;
	v24 =	vor.u32 $0xC00, v1;
	[tilespmem:$0x1FFA0] =	vst v23  }
0x1b: {  	s8 =	sadd.s32 $0x400, s3;
	s6 =	sor.u32 s7, s6;
	s30 =	sshrl.u32 s4, $0x1;
	v25 =	vor.u32 $0xC01, v1;
	[tilespmem:$0x1FFB0] =	vst v24  }
0x1c: {  	v26 =	vor.u32 $0xC02, v1;
	s29 =	sshll.u32 s6, $0x6;
	s9 =	sor.u32 $0x80, s6;
	s10 =	ssub.s32 s4, s30;
	[tilespmem:$0x1FFC0] =	vst v25  }
0x1d: {  	v27 =	vor.u32 $0xC03, v1;
	s6 =	sadd.s32 s8, s6;
	[tilespmem:$0x1FFD0] =	vst v26;
	s3 =	sadd.s32 s5, s29;
	s31 =	sshll.u32 s9, $0x6  }
0x1e: {  	v32 =	vmul.u32 $0x10, v32;
	v9 =	vor.u32 $0x401, v1;
	v28 =	vor.u32 $0xC04, v1;
	[tilespmem:$0x1FFE0] =	vst v27;
	s8 =	sadd.s32 s8, s9;
	s9 =	smax.u32 s10, $0x1;
	s10 =	simm.s32 $0x8000  }
0x1f: {  	v29 =	vor.u32 $0xC05, v1;
	v30 =	vor.u32 $0xC06, v1;
	v31 =	vor.u32 $0xC07, v1;
	[tilespmem:$0x1FFF0] =	vst v9;
	s4 =	sadd.s32 $0x1000, s3;
	s5 =	sadd.s32 s5, s31;
	s7 =	sadd.s32 $0x3000, s3  }
.LBB2_1:
0x20: {  	s20 =	simm.s32 $0x1  }
0x21: {  	v33 =	vmov s20  }
0x22: {  	v34 =	vshll.u32 v33, $0x9;
	v33 =	vshll.u32 v33, $0x7  }
0x23: {  	v34 =	vand.u32 $0x7000, v34;
	v33 =	vand.u32 $0x380, v33  }
0x24: {  	[tilespmem:s2], [sflag:$0x1] =	stream.linear.gather [hbm4b:s3+s2], $0x8000, $0x38;
	v33 =	vor.u32 v33, v34;
	[tilespmem:$0x15000] =	vst v63  }
0x25: {  	v34 =	vor.u32 v1, v33  }
0x26: {  	[tilespmem:s10], [sflag:$0x2] =	stream.linear.gather [hbm4b:s4+s2], $0x8000, $0x38;
	v35 =	vor.u32 v2, v33;
	[tilespmem:$0x15000] =	vst v63  }
0x27: {  	_ =	swait.ge [sflag:s11], $0x8000  }
0x28: {  	[sflag:s11] =	ssyncset.done $0x0;
	v36 =	vor.u32 v3, v33  }
0x29: {  	[sflag:s11] =	ssyncadd.s32 $0xFFFF8000  }
0x2a: {  	v55 =	vor.u32 v4, v33;
	v37 =	vld.idx.msk [tilespmem:v34+s2+$0x0], $0xffff  }
0x2b: {  	v35 =	vld.idx.msk [tilespmem:v35+s2+$0x0], $0xffff  }
0x2c: {  	v38 =	vor.u32 v5, v33  }
0x2d: {  	v36 =	vld.idx.msk [tilespmem:v36+s2+$0x0], $0xffff  }
0x2e: {  	v39 =	vor.u32 v6, v33  }
0x2f: {  	v41 =	vld.idx.msk [tilespmem:v55+s2+$0x0], $0xffff  }
0x30: {  	v42 =	vor.u32 v7, v33;
	v37 =	vadd.f32 v35, v37  }
0x31: {  	v38 =	vld.idx.msk [tilespmem:v38+s2+$0x0], $0xffff  }
0x32: {  	v40 =	vmov s2;
	v43 =	vor.u32 v8, v33;
	v37 =	vadd.f32 v36, v37  }
0x33: {  	v56 =	vshll.u32 v40, $0x7;
	v34 =	vshll.u32 v40, $0x9;
	v39 =	vld.idx.msk [tilespmem:v39+s2+$0x0], $0xffff  }
0x34: {  	v57 =	vand.u32 $0x7000, v34;
	v35 =	vand.u32 $0x300, v56;
	v37 =	vadd.f32 v41, v37  }
0x35: {  	v42 =	vld.idx.msk [tilespmem:v42+s2+$0x0], $0xffff;
	v36 =	vor.u32 v35, v57  }
0x36: {  	v40 =	vor.u32 v1, v36;
	v37 =	vadd.f32 v38, v37  }
0x37: {  	v43 =	vld.idx.msk [tilespmem:v43+s2+$0x0], $0xffff;
	v58 =	vor.u32 v2, v36  }
0x38: {  	v37 =	vadd.f32 v39, v37  }
0x39: {  	v59 =	vor.u32 v3, v36  }
0x3a: {  	v61 =	vor.u32 v4, v36;
	v37 =	vadd.f32 v42, v37  }
0x3b: {  	v44 =	vor.u32 v5, v36;
	v60 =	vld.idx.msk [tilespmem:v40+s2+$0x0], $0xffff  }
0x3c: {  	v48 =	vor.u32 v63, v33;
	v41 =	vld.idx.msk [tilespmem:v58+s2+$0x0], $0xffff;
	v37 =	vadd.f32 v43, v37  }
0x3d: {  	v45 =	vor.u32 v9, v33  }
0x3e: {  	v62 =	vor.u32 v6, v36;
	v38 =	vld.idx.msk [tilespmem:v59+s2+$0x0], $0xffff;
	v37 =	vmul.f32 $1.250000000e-01, v37  }
0x3f: {  	v50 =	vor.u32 v10, v33;
	v40 =	vld.idx.msk [tilespmem:v61+s2+$0x0], $0xffff  }
0x40: {  	v46 =	vor.u32 v7, v36;
	v49 =	vld.idx.msk [tilespmem:v44+s2+$0x0], $0xffff;
	[tilespmem:s12+$0x10] =	vst v37  }
0x41: {  	v53 =	vor.u32 v11, v33;
	v39 =	vadd.f32 v41, v60;
	v52 =	vld.idx.msk [tilespmem:v48+s2+$0x0], $0xffff  }
0x42: {  	v47 =	vor.u32 v8, v36;
	v54 =	vld.idx.msk [tilespmem:v45+s2+$0x0], $0xffff  }
0x43: {  	v56 =	vor.u32 v12, v33;
	v42 =	vld.idx.msk [tilespmem:v62+s2+$0x0], $0xffff;
	v51 =	vadd.f32 v38, v39  }
0x44: {  	v44 =	vld.idx.msk [tilespmem:v50+s2+$0x0], $0xffff  }
0x45: {  	v55 =	vld.idx.msk [tilespmem:v46+s2+$0x0], $0xffff;
	v58 =	vor.u32 v13, v33;
	v37 =	vadd.f32 v40, v51  }
0x46: {  	v39 =	vld.idx.msk [tilespmem:v53+s2+$0x0], $0xffff  }
0x47: {  	v57 =	vld.idx.msk [tilespmem:v47+s2+$0x0], $0xffff;
	v59 =	vor.u32 v14, v33;
	v37 =	vadd.f32 v49, v37;
	v38 =	vadd.f32 v54, v52  }
0x48: {  	v60 =	vld.idx.msk [tilespmem:v56+s2+$0x0], $0xffff  }
0x49: {  	v61 =	vor.u32 v15, v33;
	v37 =	vadd.f32 v42, v37;
	v38 =	vadd.f32 v44, v38  }
0x4a: {  	v41 =	vld.idx.msk [tilespmem:v58+s2+$0x0], $0xffff  }
0x4b: {  	v37 =	vadd.f32 v55, v37;
	v38 =	vadd.f32 v39, v38  }
0x4c: {  	v42 =	vld.idx.msk [tilespmem:v59+s2+$0x0], $0xffff  }
0x4d: {  	v37 =	vadd.f32 v57, v37;
	v38 =	vadd.f32 v60, v38  }
0x4e: {  	v62 =	vor.u32 v63, v36;
	v40 =	vld.idx.msk [tilespmem:v61+s2+$0x0], $0xffff  }
0x4f: {  	v46 =	vor.u32 v9, v36;
	v37 =	vmul.f32 $1.250000000e-01, v37;
	v48 =	vadd.f32 v41, v38;
	_ =	sdelay $0x1  }
0x50: {  	v47 =	vor.u32 v10, v36;
	[tilespmem:s12+$0x0] =	vst v37;
	v37 =	vadd.f32 v42, v48  }
0x51: {  	v49 =	vor.u32 v11, v36  }
0x52: {  	v52 =	vor.u32 v16, v33;
	v50 =	vld.idx.msk [tilespmem:v62+s2+$0x0], $0xffff;
	v37 =	vadd.f32 v40, v37  }
0x53: {  	v53 =	vor.u32 v17, v33;
	v39 =	vld.idx.msk [tilespmem:v46+s2+$0x0], $0xffff  }
0x54: {  	v51 =	vor.u32 v12, v36;
	v37 =	vmul.f32 $1.250000000e-01, v37  }
0x55: {  	v55 =	vor.u32 v18, v33;
	v43 =	vld.idx.msk [tilespmem:v47+s2+$0x0], $0xffff  }
0x56: {  	v54 =	vor.u32 v13, v36;
	v38 =	vld.idx.msk [tilespmem:v49+s2+$0x0], $0xffff;
	[tilespmem:s12+$0x410] =	vst v37  }
0x57: {  	v59 =	vor.u32 v19, v33;
	v58 =	vld.idx.msk [tilespmem:v52+s2+$0x0], $0xffff  }
0x58: {  	v56 =	vor.u32 v14, v36;
	v39 =	vadd.f32 v39, v50;
	v44 =	vld.idx.msk [tilespmem:v53+s2+$0x0], $0xffff  }
0x59: {  	v61 =	vor.u32 v20, v33;
	v42 =	vld.idx.msk [tilespmem:v51+s2+$0x0], $0xffff  }
0x5a: {  	v60 =	vor.u32 v15, v36;
	v57 =	vadd.f32 v43, v39;
	v41 =	vld.idx.msk [tilespmem:v55+s2+$0x0], $0xffff  }
0x5b: {  	v45 =	vld.idx.msk [tilespmem:v54+s2+$0x0], $0xffff;
	v62 =	vor.u32 v21, v33  }
0x5c: {  	s26 =	simm.s32 $0x2;
	v37 =	vadd.f32 v38, v57;
	v40 =	vld.idx.msk [tilespmem:v59+s2+$0x0], $0xffff  }
0x5d: {  	v46 =	vld.idx.msk [tilespmem:v56+s2+$0x0], $0xffff;
	v48 =	vor.u32 v22, v33;
	v55 =	vmov s26;
	v39 =	vadd.f32 v44, v58  }
0x5e: {  	v50 =	vld.idx.msk [tilespmem:v61+s2+$0x0], $0xffff;
	v0 =	vshll.u32 v55, $0x9;
	v37 =	vadd.f32 v42, v37  }
0x5f: {  	v51 =	vor.u32 v23, v33;
	v43 =	vld.idx.msk [tilespmem:v60+s2+$0x0], $0xffff;
	v57 =	vshll.u32 v55, $0x7;
	[tilespmem:$0x1FE00] =	vst v0;
	v41 =	vadd.f32 v41, v39  }
0x60: {  	v42 =	vld.idx.msk [tilespmem:v62+s2+$0x0], $0xffff;
	v37 =	vadd.f32 v45, v37;
	v58 =	vand.u32 $0x7000, v0;
	v0 =	vand.u32 $0x300, v57  }
0x61: {  	s25 =	simm.s32 $0x3;
	[tilespmem:$0x1FE10] =	vst v0;
	v41 =	vadd.f32 v40, v41  }
0x62: {  	v53 =	vmov s25;
	v61 =	vor.u32 v16, v36;
	v37 =	vadd.f32 v46, v37;
	v59 =	vld.idx.msk [tilespmem:v48+s2+$0x0], $0xffff  }
0x63: {  	v49 =	vshll.u32 v53, $0x9;
	v47 =	vshll.u32 v53, $0x7;
	v41 =	vadd.f32 v50, v41  }
0x64: {  	v54 =	vand.u32 $0x7000, v49;
	v47 =	vand.u32 $0x380, v47;
	v62 =	vld.idx.msk [tilespmem:v51+s2+$0x0], $0xffff;
	v43 =	vadd.f32 v43, v37  }
0x65: {  	v38 =	vor.u32 v47, v54;
	v41 =	vadd.f32 v42, v41  }
0x66: {  	v56 =	vor.u32 v2, v38;
	v43 =	vmul.f32 $1.250000000e-01, v43  }
0x67: {  	s20 =	sand.u32 $0x3E0, s2;
	v54 =	vor.u32 v4, v38;
	v41 =	vadd.f32 v59, v41  }
0x68: {  	v60 =	vor.u32 v3, v38;
	[tilespmem:s20+$0x10400] =	vst v43  }
0x69: {  	v48 =	vld.idx.msk [tilespmem:v61+s2+$0x0], $0xffff;
	v61 =	vor.u32 v24, v33;
	v41 =	vadd.f32 v62, v41  }
0x6a: {  	v44 =	vor.u32 v1, v38  }
0x6b: {  	v57 =	vor.u32 v5, v38;
	v37 =	vor.u32 v0, v58;
	v56 =	vld.idx.msk [tilespmem:v56+s2+$0x0], $0xffff;
	v41 =	vmul.f32 $1.250000000e-01, v41  }
0x6c: {  	v55 =	vor.u32 v1, v37;
	v46 =	vld.idx.msk [tilespmem:v54+s2+$0x0], $0xffff  }
0x6d: {  	v58 =	vor.u32 v2, v37;
	v59 =	vld.idx.msk [tilespmem:v60+s2+$0x0], $0xffff;
	[tilespmem:s12+$0x810] =	vst v41  }
0x6e: {  	v60 =	vor.u32 v6, v38;
	v0 =	vld.idx.msk [tilespmem:v61+s2+$0x0], $0xffff  }
0x6f: {  	v44 =	vld.idx.msk [tilespmem:v44+s2+$0x0], $0xffff;
	v62 =	vor.u32 v25, v33  }
0x70: {  	v45 =	vld.idx.msk [tilespmem:v57+s2+$0x0], $0xffff  }
0x71: {  	v51 =	vld.idx.msk [tilespmem:v55+s2+$0x0], $0xffff  }
0x72: {  	v43 =	vld.idx.msk [tilespmem:v58+s2+$0x0], $0xffff  }
0x73: {  	v47 =	vld.idx.msk [tilespmem:v60+s2+$0x0], $0xffff;
	[tilespmem:$0x1FD60] =	vst v0  }
0x74: {  	v52 =	vor.u32 v7, v38;
	v0 =	vld.idx.msk [tilespmem:v62+s2+$0x0], $0xffff  }
0x75: {  	v54 =	vor.u32 v26, v33;
	_ =	sdelay $0x3  }
0x76: {  	v53 =	vor.u32 v8, v38;
	v60 =	vld.idx.msk [tilespmem:v52+s2+$0x0], $0xffff;
	[tilespmem:$0x1FD70] =	vst v0  }
0x77: {  	v41 =	vor.u32 v3, v37;
	v0 =	vld.idx.msk [tilespmem:v54+s2+$0x0], $0xffff  }
0x78: {  	v55 =	vor.u32 v27, v33;
	_ =	sdelay $0x2  }
0x79: {  	v39 =	vld.idx.msk [tilespmem:v53+s2+$0x0], $0xffff  }
0x7a: {  	v49 =	vld.idx.msk [tilespmem:v41+s2+$0x0], $0xffff;
	[tilespmem:$0x1FD80] =	vst v0  }
0x7b: {  	v42 =	vadd.f32 v56, v44;
	v61 =	vor.u32 v4, v37;
	v0 =	vld.idx.msk [tilespmem:v55+s2+$0x0], $0xffff  }
0x7c: {  	v56 =	vor.u32 v28, v33  }
0x7d: {  	v42 =	vadd.f32 v59, v42;
	_ =	sdelay $0x1  }
0x7e: {  	v46 =	vadd.f32 v46, v42  }
0x7f: {  	v40 =	vor.u32 v5, v37;
	v52 =	vld.idx.msk [tilespmem:v61+s2+$0x0], $0xffff;
	[tilespmem:$0x1FD90] =	vst v0  }
0x80: {  	v62 =	vadd.f32 v45, v46;
	v0 =	vld.idx.msk [tilespmem:v56+s2+$0x0], $0xffff  }
0x81: {  	v41 =	vor.u32 v6, v37  }
0x82: {  	v42 =	vor.u32 v7, v37;
	v45 =	vadd.f32 v47, v62  }
0x83: {  	v51 =	vadd.f32 v43, v51;
	v62 =	vor.u32 v29, v33  }
0x84: {  	v43 =	vor.u32 v8, v37;
	v50 =	vadd.f32 v60, v45;
	v53 =	vld.idx.msk [tilespmem:v40+s2+$0x0], $0xffff  }
0x85: {  	v49 =	vadd.f32 v49, v51;
	[tilespmem:$0x1FDA0] =	vst v0  }
0x86: {  	v60 =	vor.u32 v63, v38;
	v46 =	vadd.f32 v39, v50;
	v57 =	vld.idx.msk [tilespmem:v41+s2+$0x0], $0xffff  }
0x87: {  	v39 =	vadd.f32 v52, v49;
	v40 =	vld.idx.msk [tilespmem:v42+s2+$0x0], $0xffff  }
0x88: {  	v61 =	vor.u32 v9, v38;
	v46 =	vmul.f32 $1.250000000e-01, v46;
	v0 =	vld.idx.msk [tilespmem:v62+s2+$0x0], $0xffff  }
0x89: {  	s22 =	simm.s32 $0x10020;
	v41 =	vor.u32 v10, v38;
	v55 =	vld.idx.msk [tilespmem:v43+s2+$0x0], $0xffff;
	v43 =	vadd.f32 v53, v39  }
0x8a: {  	v42 =	vor.u32 v17, v36;
	[tilespmem:s22+$0x10] =	vst v46  }
0x8b: {  	v50 =	vld.idx.msk [tilespmem:v60+s2+$0x0], $0xffff;
	v60 =	vor.u32 v11, v38;
	v46 =	vadd.f32 v57, v43  }
0x8c: {  	v58 =	vor.u32 v18, v36  }
0x8d: {  	v51 =	vld.idx.msk [tilespmem:v61+s2+$0x0], $0xffff;
	v61 =	vor.u32 v12, v38;
	[tilespmem:$0x1FDB0] =	vst v0;
	v46 =	vadd.f32 v40, v46  }
0x8e: {  	v39 =	vor.u32 v13, v38;
	v52 =	vld.idx.msk [tilespmem:v41+s2+$0x0], $0xffff  }
0x8f: {  	v54 =	vld.idx.msk [tilespmem:v42+s2+$0x0], $0xffff;
	v46 =	vadd.f32 v55, v46;
	v55 =	vor.u32 v63, v37  }
0x90: {  	v53 =	vld.idx.msk [tilespmem:v60+s2+$0x0], $0xffff;
	v60 =	vor.u32 v9, v37  }
0x91: {  	v62 =	vor.u32 v19, v36;
	v58 =	vld.idx.msk [tilespmem:v58+s2+$0x0], $0xffff;
	v46 =	vmul.f32 $1.250000000e-01, v46  }
0x92: {  	v59 =	vor.u32 v14, v38;
	v50 =	vadd.f32 v51, v50;
	v51 =	vld.idx.msk [tilespmem:v61+s2+$0x0], $0xffff  }
0x93: {  	v41 =	vor.u32 v20, v36;
	v49 =	vld.idx.msk [tilespmem:v39+s2+$0x0], $0xffff;
	[tilespmem:s22+$0x0] =	vst v46  }
0x94: {  	v40 =	vor.u32 v15, v38;
	v50 =	vadd.f32 v52, v50;
	v55 =	vld.idx.msk [tilespmem:v55+s2+$0x0], $0xffff  }
0x95: {  	v39 =	vor.u32 v21, v36;
	v60 =	vld.idx.msk [tilespmem:v60+s2+$0x0], $0xffff  }
0x96: {  	v57 =	vld.idx.msk [tilespmem:v62+s2+$0x0], $0xffff;
	v42 =	vor.u32 v10, v37;
	v50 =	vadd.f32 v53, v50  }
0x97: {  	v43 =	vld.idx.msk [tilespmem:v59+s2+$0x0], $0xffff;
	v62 =	vor.u32 v13, v37;
	v48 =	vadd.f32 v54, v48  }
0x98: {  	v61 =	vor.u32 v11, v37;
	v52 =	vld.idx.msk [tilespmem:v41+s2+$0x0], $0xffff;
	v50 =	vadd.f32 v51, v50  }
0x99: {  	v48 =	vadd.f32 v58, v48;
	v51 =	vld.idx.msk [tilespmem:v40+s2+$0x0], $0xffff;
	v40 =	vor.u32 v12, v37  }
0x9a: {  	v54 =	vld.idx.msk [tilespmem:v39+s2+$0x0], $0xffff;
	v49 =	vadd.f32 v49, v50;
	v55 =	vadd.f32 v60, v55;
	v60 =	vor.u32 v30, v33  }
0x9b: {  	v41 =	vor.u32 v22, v36;
	v46 =	vld.idx.msk [tilespmem:v42+s2+$0x0], $0xffff  }
0x9c: {  	v42 =	vor.u32 v14, v37;
	v48 =	vadd.f32 v57, v48;
	v57 =	vld.idx.msk [tilespmem:v62+s2+$0x0], $0xffff;
	v49 =	vadd.f32 v43, v49  }
0x9d: {  	v36 =	vor.u32 v23, v36;
	v43 =	vld.idx.msk [tilespmem:v61+s2+$0x0], $0xffff  }
0x9e: {  	v56 =	vld.idx.msk [tilespmem:v40+s2+$0x0], $0xffff;
	v49 =	vadd.f32 v51, v49;
	v51 =	vor.u32 v16, v38  }
0x9f: {  	v58 =	vor.u32 v17, v38;
	v0 =	vld.idx.msk [tilespmem:v60+s2+$0x0], $0xffff  }
0xa0: {  	v50 =	vld.idx.msk [tilespmem:v41+s2+$0x0], $0xffff;
	v46 =	vadd.f32 v46, v55;
	v49 =	vmul.f32 $1.250000000e-01, v49  }
0xa1: {  	v40 =	vadd.f32 v52, v48;
	v52 =	vld.idx.msk [tilespmem:v42+s2+$0x0], $0xffff;
	v42 =	vor.u32 v15, v37  }
0xa2: {  	v36 =	vld.idx.msk [tilespmem:v36+s2+$0x0], $0xffff;
	v55 =	vor.u32 v31, v33;
	v46 =	vadd.f32 v43, v46;
	[tilespmem:s22+$0x410] =	vst v49  }
0xa3: {  	v41 =	vor.u32 v18, v38;
	v43 =	vadd.f32 v54, v40;
	v51 =	vld.idx.msk [tilespmem:v51+s2+$0x0], $0xffff  }
0xa4: {  	v58 =	vld.idx.msk [tilespmem:v58+s2+$0x0], $0xffff;
	v56 =	vadd.f32 v56, v46;
	[tilespmem:$0x1FDC0] =	vst v0;
	v0 =	vor.u32 v35, v34  }
0xa5: {  	[tilespmem:$0x1FDF0] =	vst v0  }
0xa6: {  	v45 =	vor.u32 v19, v38;
	v49 =	vadd.f32 v50, v43;
	v40 =	vadd.f32 v57, v56;
	v56 =	vld.idx.msk [tilespmem:v42+s2+$0x0], $0xffff  }
0xa7: {  	v57 =	vor.u32 v26, v0;
	v61 =	vor.u32 v25, v0;
	v42 =	vor.u32 v24, v0;
	v0 =	vld.idx.msk [tilespmem:v55+s2+$0x0], $0xffff  }
0xa8: {  	v47 =	vld.idx.msk [tilespmem:v41+s2+$0x0], $0xffff;
	v41 =	vor.u32 v21, v38  }
0xa9: {  	v36 =	vadd.f32 v36, v49  }
0xaa: {  	s21 =	simm.s32 $0x4;
	v46 =	vor.u32 v20, v38  }
0xab: {  	v44 =	vmov s21;
	v36 =	vmul.f32 $1.250000000e-01, v36;
	v51 =	vadd.f32 v58, v51  }
0xac: {  	s30 =	simm.s32 $0x5;
	v33 =	vshll.u32 v44, $0x9;
	v53 =	vld.idx.msk [tilespmem:v45+s2+$0x0], $0xffff;
	[tilespmem:$0x1FDD0] =	vst v0  }
0xad: {  	v54 =	vshll.u32 v44, $0x7;
	v44 =	vmov s30;
	v51 =	vadd.f32 v47, v51;
	v47 =	vld.idx.msk [tilespmem:v41+s2+$0x0], $0xffff;
	[tilespmem:s20+$0x10800] =	vst v36  }
0xae: {  	v45 =	vshll.u32 v44, $0x9;
	v55 =	vshll.u32 v44, $0x7;
	v41 =	vld.idx.msk [tilespmem:v42+s2+$0x0], $0xffff  }
0xaf: {  	v43 =	vor.u32 v22, v38;
	v62 =	vand.u32 $0x7000, v45;
	v55 =	vand.u32 $0x380, v55;
	v58 =	vld.idx.msk [tilespmem:v46+s2+$0x0], $0xffff  }
0xb0: {  	v46 =	vor.u32 v23, v38;
	v36 =	vor.u32 v55, v62  }
0xb1: {  	v35 =	vadd.f32 v52, v40;
	v42 =	vor.u32 v1, v36  }
0xb2: {  	v51 =	vadd.f32 v53, v51;
	v44 =	vor.u32 v2, v36  }
0xb3: {  	v60 =	vand.u32 $0x7000, v33;
	v34 =	vand.u32 $0x300, v54;
	v56 =	vadd.f32 v56, v35;
	[tilespmem:$0x1FDE0] =	vst v41  }
0xb4: {  	v35 =	vor.u32 v34, v60;
	v62 =	vor.u32 v3, v36;
	v58 =	vadd.f32 v58, v51;
	v43 =	vld.idx.msk [tilespmem:v43+s2+$0x0], $0xffff  }
0xb5: {  	v60 =	vor.u32 v1, v35;
	v45 =	vld.idx.msk [tilespmem:v46+s2+$0x0], $0xffff  }
0xb6: {  	v39 =	vadd.f32 v47, v58;
	v54 =	vld.idx.msk [tilespmem:v42+s2+$0x0], $0xffff;
	v47 =	vor.u32 v4, v36  }
0xb7: {  	v46 =	vor.u32 v2, v35;
	v58 =	vld.idx.msk [tilespmem:v44+s2+$0x0], $0xffff  }
0xb8: {  	v49 =	vor.u32 v5, v36;
	v51 =	vld.idx.msk [tilespmem:v57+s2+$0x0], $0xffff  }
0xb9: {  	v62 =	vld.idx.msk [tilespmem:v62+s2+$0x0], $0xffff  }
0xba: {  	s26 =	simm.s32 $0x20;
	v56 =	vmul.f32 $1.250000000e-01, v56;
	v48 =	vor.u32 v6, v36;
	v53 =	vld.idx.msk [tilespmem:v60+s2+$0x0], $0xffff  }
0xbb: {  	s21 =	sand.u32 $0x3E0, s26;
	v40 =	vor.u32 v16, v37;
	v57 =	vld.idx.msk [tilespmem:v47+s2+$0x0], $0xffff  }
0xbc: {  	[tilespmem:s21+$0x10400] =	vst v56;
	v56 =	vld.idx.msk [tilespmem:v46+s2+$0x0], $0xffff;
	v46 =	vor.u32 v7, v36;
	v54 =	vadd.f32 v58, v54  }
0xbd: {  	v60 =	vor.u32 v8, v36;
	v58 =	vld.idx.msk [tilespmem:v49+s2+$0x0], $0xffff  }
0xbe: {  	v54 =	vadd.f32 v62, v54  }
0xbf: {  	v59 =	vld.idx.msk [tilespmem:v48+s2+$0x0], $0xffff  }
0xc0: {  	v50 =	vld.idx.msk [tilespmem:v40+s2+$0x0], $0xffff;
	v39 =	vadd.f32 v43, v39;
	v54 =	vadd.f32 v57, v54  }
0xc1: {  	v40 =	vor.u32 v4, v35;
	v42 =	vld.idx.msk [tilespmem:v46+s2+$0x0], $0xffff  }
0xc2: {  	v39 =	vadd.f32 v45, v39;
	v57 =	vld.idx.msk [tilespmem:v60+s2+$0x0], $0xffff;
	v60 =	vor.u32 v29, v38;
	v54 =	vadd.f32 v58, v54  }
0xc3: {  	v49 =	vor.u32 v3, v35  }
0xc4: {  	v44 =	vor.u32 v24, v38;
	v39 =	vmul.f32 $1.250000000e-01, v39;
	v54 =	vadd.f32 v59, v54  }
0xc5: {  	v52 =	vld.idx.msk [tilespmem:v61+s2+$0x0], $0xffff;
	v45 =	vor.u32 v25, v38  }
0xc6: {  	v40 =	vld.idx.msk [tilespmem:v40+s2+$0x0], $0xffff;
	v46 =	vor.u32 v30, v38;
	[tilespmem:s22+$0x810] =	vst v39;
	v42 =	vadd.f32 v42, v54  }
0xc7: {  	v54 =	vld.idx.msk [tilespmem:v60+s2+$0x0], $0xffff;
	v60 =	vor.u32 v8, v35  }
0xc8: {  	v43 =	vld.idx.msk [tilespmem:v49+s2+$0x0], $0xffff;
	v42 =	vadd.f32 v57, v42  }
0xc9: {  	v48 =	vld.idx.msk [tilespmem:v44+s2+$0x0], $0xffff  }
0xca: {  	v0 =	vmovc v9;
	v9 =	vmov v63;
	v63 =	vor.u32 v28, v38;
	v62 =	vld.idx.msk [tilespmem:v45+s2+$0x0], $0xffff;
	v42 =	vmul.f32 $1.250000000e-01, v42  }
0xcb: {  	s25 =	simm.s32 $0x10040;
	v45 =	vor.u32 v5, v35;
	v57 =	vld.idx.msk [tilespmem:v46+s2+$0x0], $0xffff  }
0xcc: {  	v46 =	vld.idx.msk [tilespmem:v60+s2+$0x0], $0xffff;
	[tilespmem:s25+$0x10] =	vst v42  }
0xcd: {  	v61 =	vor.u32 v27, v38;
	v55 =	vld [tilespmem:$0x1FD60]  }
0xce: {  	v60 =	vld [tilespmem:$0x1FD70]  }
0xcf: {  	v49 =	vor.u32 v6, v35;
	v59 =	vld.idx.msk [tilespmem:v63+s2+$0x0], $0xffff  }
0xd0: {  	v63 =	vor.u32 v7, v35;
	v41 =	vld.idx.msk [tilespmem:v45+s2+$0x0], $0xffff  }
0xd1: {  	v53 =	vadd.f32 v56, v53;
	v56 =	vor.u32 v9, v36;
	v45 =	vld [tilespmem:$0x1FD80]  }
0xd2: {  	v58 =	vld.idx.msk [tilespmem:v61+s2+$0x0], $0xffff;
	v61 =	vor.u32 v0, v36  }
0xd3: {  	v60 =	vadd.f32 v60, v55;
	v55 =	vld [tilespmem:$0x1FD90]  }
0xd4: {  	v47 =	vor.u32 v26, v38;
	v44 =	vld.idx.msk [tilespmem:v49+s2+$0x0], $0xffff;
	v43 =	vadd.f32 v43, v53  }
0xd5: {  	v39 =	vor.u32 v10, v36;
	v63 =	vld.idx.msk [tilespmem:v63+s2+$0x0], $0xffff  }
0xd6: {  	v40 =	vadd.f32 v40, v43;
	v56 =	vld.idx.msk [tilespmem:v56+s2+$0x0], $0xffff;
	v60 =	vadd.f32 v45, v60  }
0xd7: {  	v38 =	vor.u32 v31, v38;
	v43 =	vld.idx.msk [tilespmem:v61+s2+$0x0], $0xffff  }
0xd8: {  	v40 =	vadd.f32 v41, v40;
	v60 =	vadd.f32 v55, v60;
	v55 =	vld [tilespmem:$0x1FDA0]  }
0xd9: {  	v47 =	vld.idx.msk [tilespmem:v47+s2+$0x0], $0xffff  }
0xda: {  	v40 =	vadd.f32 v44, v40;
	v45 =	vld.idx.msk [tilespmem:v39+s2+$0x0], $0xffff;
	_ =	sdelay $0x1  }
0xdb: {  	v53 =	vor.u32 v17, v37;
	v49 =	vld.idx.msk [tilespmem:v38+s2+$0x0], $0xffff;
	v48 =	vadd.f32 v62, v48;
	v40 =	vadd.f32 v63, v40  }
0xdc: {  	v38 =	vor.u32 v11, v36;
	v43 =	vadd.f32 v43, v56;
	v60 =	vadd.f32 v55, v60;
	v55 =	vld [tilespmem:$0x1FDB0]  }
0xdd: {  	v47 =	vadd.f32 v47, v48;
	v48 =	vor.u32 v15, v36  }
0xde: {  	v40 =	vadd.f32 v46, v40;
	v43 =	vadd.f32 v45, v43;
	v45 =	vor.u32 v0, v35;
	v0 =	vld [tilespmem:$0x1FDC0]  }
0xdf: {  	v41 =	vor.u32 v12, v36  }
0xe0: {  	v53 =	vld.idx.msk [tilespmem:v53+s2+$0x0], $0xffff;
	v42 =	vor.u32 v18, v37;
	v40 =	vmul.f32 $1.250000000e-01, v40  }
0xe1: {  	v38 =	vld.idx.msk [tilespmem:v38+s2+$0x0], $0xffff;
	v39 =	vor.u32 v13, v36;
	v60 =	vadd.f32 v55, v60  }
0xe2: {  	v61 =	vor.u32 v19, v37;
	v48 =	vld.idx.msk [tilespmem:v48+s2+$0x0], $0xffff;
	[tilespmem:s25+$0x0] =	vst v40  }
0xe3: {  	v56 =	vadd.f32 v0, v60;
	v0 =	vld [tilespmem:$0x1FDD0]  }
0xe4: {  	v44 =	vor.u32 v20, v37;
	v41 =	vld.idx.msk [tilespmem:v41+s2+$0x0], $0xffff  }
0xe5: {  	v62 =	vor.u32 v14, v36;
	v42 =	vld.idx.msk [tilespmem:v42+s2+$0x0], $0xffff  }
0xe6: {  	v46 =	vor.u32 v9, v35;
	v39 =	vld.idx.msk [tilespmem:v39+s2+$0x0], $0xffff  }
0xe7: {  	v47 =	vadd.f32 v58, v47;
	v58 =	vor.u32 v10, v35;
	v61 =	vld.idx.msk [tilespmem:v61+s2+$0x0], $0xffff;
	v38 =	vadd.f32 v38, v43  }
0xe8: {  	v56 =	vadd.f32 v0, v56;
	v0 =	vld [tilespmem:$0x1FDE0]  }
0xe9: {  	v44 =	vld.idx.msk [tilespmem:v44+s2+$0x0], $0xffff;
	v40 =	vor.u32 v11, v35;
	v38 =	vadd.f32 v41, v38  }
0xea: {  	v47 =	vadd.f32 v59, v47;
	v63 =	vor.u32 v21, v37;
	v43 =	vld.idx.msk [tilespmem:v62+s2+$0x0], $0xffff  }
0xeb: {  	v46 =	vld.idx.msk [tilespmem:v46+s2+$0x0], $0xffff;
	v38 =	vadd.f32 v39, v38;
	v39 =	vor.u32 v15, v35  }
0xec: {  	v47 =	vadd.f32 v54, v47;
	v54 =	vld.idx.msk [tilespmem:v58+s2+$0x0], $0xffff  }
0xed: {  	v45 =	vld.idx.msk [tilespmem:v45+s2+$0x0], $0xffff;
	v52 =	vadd.f32 v52, v0;
	v0 =	vmul.f32 $1.250000000e-01, v56  }
0xee: {  	v59 =	vor.u32 v12, v35;
	v50 =	vadd.f32 v53, v50;
	v40 =	vld.idx.msk [tilespmem:v40+s2+$0x0], $0xffff  }
0xef: {  	v60 =	vld.idx.msk [tilespmem:v63+s2+$0x0], $0xffff;
	v63 =	vor.u32 v13, v35;
	[tilespmem:$0x1FE20] =	vst v0  }
0xf0: {  	v53 =	vor.u32 v14, v35;
	v42 =	vadd.f32 v42, v50;
	v38 =	vadd.f32 v43, v38;
	v39 =	vld.idx.msk [tilespmem:v39+s2+$0x0], $0xffff  }
0xf1: {  	v62 =	vor.u32 v22, v37  }
0xf2: {  	v42 =	vadd.f32 v61, v42;
	v43 =	vld [tilespmem:$0x1FDF0];
	v38 =	vadd.f32 v48, v38  }
0xf3: {  	v56 =	vld.idx.msk [tilespmem:v59+s2+$0x0], $0xffff  }
0xf4: {  	v42 =	vadd.f32 v44, v42;
	v45 =	vadd.f32 v45, v46;
	v38 =	vmul.f32 $1.250000000e-01, v38;
	v41 =	vld.idx.msk [tilespmem:v63+s2+$0x0], $0xffff  }
0xf5: {  	v37 =	vor.u32 v23, v37;
	v55 =	vadd.f32 v51, v52;
	v52 =	vld.idx.msk [tilespmem:v53+s2+$0x0], $0xffff;
	[tilespmem:$0x1FE30] =	vst v39  }
0xf6: {  	v48 =	vor.u32 v16, v36;
	v45 =	vadd.f32 v54, v45;
	v44 =	vld.idx.msk [tilespmem:v62+s2+$0x0], $0xffff;
	[tilespmem:s25+$0x410] =	vst v38  }
0xf7: {  	v59 =	vor.u32 v17, v36;
	v0 =	vld [tilespmem:$0x1FE00]  }
0xf8: {  	v40 =	vadd.f32 v40, v45;
	v45 =	vld [tilespmem:$0x1FE10];
	_ =	sdelay $0x1  }
0xf9: {  	v47 =	vadd.f32 v57, v47;
	v54 =	vor.u32 v29, v43;
	v53 =	vld.idx.msk [tilespmem:v37+s2+$0x0], $0xffff  }
0xfa: {  	v42 =	vadd.f32 v60, v42;
	v63 =	vor.u32 v27, v43;
	v46 =	vld.idx.msk [tilespmem:v48+s2+$0x0], $0xffff  }
0xfb: {  	v47 =	vadd.f32 v49, v47;
	v61 =	vor.u32 v28, v43;
	v51 =	vor.u32 v18, v36;
	v58 =	vld.idx.msk [tilespmem:v59+s2+$0x0], $0xffff  }
0xfc: {  	v40 =	vadd.f32 v56, v40;
	v42 =	vadd.f32 v44, v42;
	v39 =	vor.u32 v45, v0;
	v0 =	vld [tilespmem:$0x1FE20]  }
0xfd: {  	v50 =	vor.u32 v19, v36  }
0xfe: {  	s23 =	simm.s32 $0x6;
	v57 =	vmul.f32 $1.250000000e-01, v47;
	v40 =	vadd.f32 v41, v40;
	v41 =	vld.idx.msk [tilespmem:v54+s2+$0x0], $0xffff;
	v54 =	vadd.f32 v53, v42  }
0xff: {  	v56 =	vor.u32 v20, v36;
	v62 =	vmov s23;
	v49 =	vld.idx.msk [tilespmem:v63+s2+$0x0], $0xffff;
	v59 =	vor.u32 v30, v43  }
0x100: {  	v60 =	vld.idx.msk [tilespmem:v61+s2+$0x0], $0xffff;
	v43 =	vor.u32 v31, v43;
	v46 =	vadd.f32 v58, v46;
	[tilespmem:s22+$0xC10] =	vst v57;
	v58 =	vmul.f32 $1.250000000e-01, v54  }
0x101: {  	v37 =	vshll.u32 v62, $0x9;
	v61 =	vld.idx.msk [tilespmem:v51+s2+$0x0], $0xffff;
	[tilespmem:s12+$0xC10] =	vst v0  }
0x102: {  	v63 =	vshll.u32 v62, $0x7;
	v62 =	vor.u32 v21, v36;
	v51 =	vld.idx.msk [tilespmem:v50+s2+$0x0], $0xffff;
	v48 =	vand.u32 $0x7000, v37;
	[tilespmem:s21+$0x10800] =	vst v58  }
0x103: {  	s31 =	simm.s32 $0x7;
	v38 =	vand.u32 $0x300, v63;
	v44 =	vadd.f32 v52, v40;
	v63 =	vor.u32 v24, v39;
	v0 =	vld [tilespmem:$0x1FE30]  }
0x104: {  	v40 =	vmov s31;
	v52 =	vld.idx.msk [tilespmem:v56+s2+$0x0], $0xffff;
	v45 =	vadd.f32 v49, v55;
	v53 =	vor.u32 v22, v36  }
0x105: {  	v49 =	vor.u32 v16, v35;
	v55 =	vor.u32 v23, v36;
	v43 =	vld.idx.msk [tilespmem:v43+s2+$0x0], $0xffff;
	v50 =	vor.u32 v25, v39  }
0x106: {  	v47 =	vor.u32 v26, v39;
	v42 =	vld.idx.msk [tilespmem:v59+s2+$0x0], $0xffff;
	v59 =	vshll.u32 v40, $0x9;
	v40 =	vshll.u32 v40, $0x7  }
0x107: {  	s29 =	simm.s32 $0x8;
	v57 =	vand.u32 $0x7000, v59;
	v40 =	vand.u32 $0x380, v40;
	v56 =	vadd.f32 v61, v46;
	v54 =	vld.idx.msk [tilespmem:v62+s2+$0x0], $0xffff  }
0x108: {  	s28 =	simm.s32 $0x0;
	s23 =	simm.s32 $0x0;
	s22 =	simm.s32 $0x10040;
	v45 =	vadd.f32 v60, v45;
	v40 =	vor.u32 v40, v57;
	v57 =	vadd.f32 v0, v44;
	v44 =	vld.idx.msk [tilespmem:v63+s2+$0x0], $0xffff  }
.LBB2_2:
0x109: {  	v46 =	vor.u32 v38, v48;
	v53 =	vld.idx.msk [tilespmem:v53+s23+$0x0], $0xffff  }
0x10a: {  	v48 =	vor.u32 v1, v40;
	v50 =	vld.idx.msk [tilespmem:v50+s28+$0x0], $0xffff;
	s26 =	sadd.s32 $0x20, s26;
	v51 =	vadd.f32 v51, v56;
	v57 =	vmul.f32 $1.250000000e-01, v57  }
0x10b: {  	v60 =	vor.u32 v2, v40;
	v62 =	vor.u32 v3, v40;
	v0 =	vld [tilespmem:$0x1FFF0];
	s30 =	sand.u32 $0x3E0, s26  }
0x10c: {  	v41 =	vadd.f32 v41, v45;
	v51 =	vadd.f32 v52, v51;
	v52 =	vld.idx.msk [tilespmem:v55+s23+$0x0], $0xffff;
	[tilespmem:s30+$0x10400] =	vst v57  }
0x10d: {  	v61 =	vor.u32 v1, v46;
	v47 =	vld.idx.msk [tilespmem:v47+s28+$0x0], $0xffff  }
0x10e: {  	s24 =	simm.s32 $0x0;
	v63 =	vor.u32 v2, v46;
	v42 =	vadd.f32 v42, v41;
	v41 =	vld.idx.msk [tilespmem:v49+s23+$0x0], $0xffff;
	v59 =	vadd.f32 v54, v51  }
0x10f: {  	v48 =	vld.idx.msk [tilespmem:v48+s24+$0x0], $0xffff;
	v51 =	vor.u32 v4, v40  }
0x110: {  	v42 =	vadd.f32 v43, v42;
	v43 =	vld.idx.msk [tilespmem:v60+s24+$0x0], $0xffff;
	v60 =	vor.u32 v6, v40;
	v49 =	vadd.f32 v53, v59  }
0x111: {  	v55 =	vld.idx.msk [tilespmem:v62+s24+$0x0], $0xffff;
	v53 =	vor.u32 v5, v40  }
0x112: {  	v44 =	vadd.f32 v50, v44;
	v62 =	vor.u32 v24, v36;
	v45 =	vld.idx.msk [tilespmem:v61+s24+$0x0], $0xffff;
	v49 =	vadd.f32 v52, v49  }
0x113: {  	v56 =	vld.idx.msk [tilespmem:v63+s24+$0x0], $0xffff;
	v63 =	vor.u32 v25, v36;
	v61 =	vmul.f32 $1.250000000e-01, v42  }
0x114: {  	v59 =	vor.u32 v7, v40;
	v42 =	vadd.f32 v47, v44;
	v44 =	vld.idx.msk [tilespmem:v51+s24+$0x0], $0xffff;
	v49 =	vmul.f32 $1.250000000e-01, v49  }
0x115: {  	[tilespmem:s20+$0x10C00] =	vst v61;
	v61 =	vor.u32 v8, v40;
	v50 =	vld.idx.msk [tilespmem:v60+s24+$0x0], $0xffff;
	v43 =	vadd.f32 v43, v48  }
0x116: {  	v60 =	vor.u32 v26, v36;
	v48 =	vld.idx.msk [tilespmem:v53+s24+$0x0], $0xffff;
	[tilespmem:s25+$0x810] =	vst v49  }
0x117: {  	v52 =	vor.u32 v27, v36;
	v49 =	vld.idx.msk [tilespmem:v62+s23+$0x0], $0xffff;
	v43 =	vadd.f32 v55, v43  }
0x118: {  	v62 =	vor.u32 v3, v46;
	v55 =	vld.idx.msk [tilespmem:v63+s23+$0x0], $0xffff  }
0x119: {  	v47 =	vld.idx.msk [tilespmem:v59+s24+$0x0], $0xffff;
	v63 =	vor.u32 v4, v46;
	v43 =	vadd.f32 v44, v43  }
0x11a: {  	v45 =	vadd.f32 v56, v45;
	v56 =	vor.u32 v28, v36;
	v51 =	vld.idx.msk [tilespmem:v61+s24+$0x0], $0xffff  }
0x11b: {  	v61 =	vor.u32 v29, v36;
	v60 =	vld.idx.msk [tilespmem:v60+s23+$0x0], $0xffff;
	v43 =	vadd.f32 v48, v43  }
0x11c: {  	v58 =	vor.u32 v5, v46;
	v48 =	vld.idx.msk [tilespmem:v52+s23+$0x0], $0xffff  }
0x11d: {  	v52 =	vld.idx.msk [tilespmem:v62+s24+$0x0], $0xffff;
	v62 =	vor.u32 v30, v36;
	v43 =	vadd.f32 v50, v43  }
0x11e: {  	v59 =	vor.u32 v6, v46;
	v49 =	vadd.f32 v55, v49;
	v55 =	vld.idx.msk [tilespmem:v63+s24+$0x0], $0xffff  }
0x11f: {  	v63 =	vor.u32 v31, v36;
	v50 =	vld.idx.msk [tilespmem:v56+s23+$0x0], $0xffff;
	v43 =	vadd.f32 v47, v43  }
0x120: {  	v36 =	vmov v40;
	v40 =	vor.u32 v7, v46;
	v44 =	vadd.f32 v60, v49;
	v47 =	vld.idx.msk [tilespmem:v61+s23+$0x0], $0xffff  }
0x121: {  	v49 =	vld.idx.msk [tilespmem:v58+s24+$0x0], $0xffff;
	v60 =	vor.u32 v8, v46;
	v43 =	vadd.f32 v51, v43  }
0x122: {  	v61 =	vor.u32 v9, v36;
	v44 =	vadd.f32 v48, v44;
	v48 =	vld.idx.msk [tilespmem:v62+s23+$0x0], $0xffff;
	v45 =	vadd.f32 v52, v45  }
0x123: {  	v52 =	vld.idx.msk [tilespmem:v59+s24+$0x0], $0xffff;
	v62 =	vor.u32 v0, v36  }
0x124: {  	v63 =	vld.idx.msk [tilespmem:v63+s23+$0x0], $0xffff;
	v59 =	vor.u32 v10, v36;
	v43 =	vmul.f32 $1.250000000e-01, v43;
	v45 =	vadd.f32 v55, v45  }
0x125: {  	v57 =	vor.u32 v17, v35;
	s25 =	sadd.s32 $0x20, s25;
	v40 =	vld.idx.msk [tilespmem:v40+s24+$0x0], $0xffff;
	v44 =	vadd.f32 v50, v44  }
0x126: {  	v53 =	vld.idx.msk [tilespmem:v60+s24+$0x0], $0xffff;
	v60 =	vor.u32 v18, v35;
	[tilespmem:s25+$0x10] =	vst v43;
	v45 =	vadd.f32 v49, v45  }
0x127: {  	v44 =	vadd.f32 v47, v44;
	v47 =	vld.idx.msk [tilespmem:v61+s24+$0x0], $0xffff;
	v61 =	vor.u32 v11, v36  }
0x128: {  	v51 =	vld.idx.msk [tilespmem:v62+s24+$0x0], $0xffff;
	v62 =	vor.u32 v19, v35;
	v45 =	vadd.f32 v52, v45  }
0x129: {  	v56 =	vor.u32 v20, v35;
	v55 =	vld.idx.msk [tilespmem:v59+s24+$0x0], $0xffff;
	v44 =	vadd.f32 v48, v44  }
0x12a: {  	v48 =	vor.u32 v12, v36;
	v52 =	vld.idx.msk [tilespmem:v57+s23+$0x0], $0xffff;
	v40 =	vadd.f32 v40, v45  }
0x12b: {  	v44 =	vadd.f32 v63, v44;
	v63 =	vor.u32 v13, v36;
	v43 =	vld.idx.msk [tilespmem:v60+s23+$0x0], $0xffff  }
0x12c: {  	v60 =	vor.u32 v21, v35;
	v49 =	vld.idx.msk [tilespmem:v61+s24+$0x0], $0xffff;
	v40 =	vadd.f32 v53, v40  }
0x12d: {  	v44 =	vmul.f32 $1.250000000e-01, v44;
	v61 =	vor.u32 v14, v36;
	v54 =	vld.idx.msk [tilespmem:v62+s23+$0x0], $0xffff  }
0x12e: {  	v62 =	vor.u32 v9, v46;
	v47 =	vadd.f32 v51, v47;
	v51 =	vld.idx.msk [tilespmem:v56+s23+$0x0], $0xffff;
	v40 =	vmul.f32 $1.250000000e-01, v40  }
0x12f: {  	v58 =	vor.u32 v0, v46;
	v48 =	vld.idx.msk [tilespmem:v48+s24+$0x0], $0xffff;
	v41 =	vadd.f32 v52, v41;
	[tilespmem:s22+$0xC10] =	vst v44  }
0x130: {  	v45 =	vld.idx.msk [tilespmem:v63+s24+$0x0], $0xffff;
	[tilespmem:s25+$0x0] =	vst v40  }
0x131: {  	v59 =	vor.u32 v10, v46;
	v41 =	vadd.f32 v43, v41;
	v43 =	vld.idx.msk [tilespmem:v60+s23+$0x0], $0xffff  }
0x132: {  	v44 =	vor.u32 v15, v36;
	v47 =	vadd.f32 v55, v47;
	v60 =	vld.idx.msk [tilespmem:v61+s24+$0x0], $0xffff  }
0x133: {  	v63 =	vor.u32 v11, v46;
	v53 =	vld.idx.msk [tilespmem:v62+s24+$0x0], $0xffff  }
0x134: {  	v47 =	vadd.f32 v49, v47;
	v61 =	vor.u32 v12, v46;
	v57 =	vld.idx.msk [tilespmem:v58+s24+$0x0], $0xffff  }
0x135: {  	v58 =	vor.u32 v14, v46  }
0x136: {  	v40 =	vld.idx.msk [tilespmem:v59+s24+$0x0], $0xffff;
	v59 =	vor.u32 v15, v46;
	v47 =	vadd.f32 v48, v47  }
0x137: {  	v62 =	vor.u32 v13, v46;
	v44 =	vld.idx.msk [tilespmem:v44+s24+$0x0], $0xffff  }
0x138: {  	v45 =	vadd.f32 v45, v47;
	v47 =	vld.idx.msk [tilespmem:v63+s24+$0x0], $0xffff;
	v63 =	vor.u32 v22, v35  }
0x139: {  	v41 =	vadd.f32 v54, v41;
	v50 =	vld.idx.msk [tilespmem:v61+s24+$0x0], $0xffff;
	v48 =	vadd.f32 v57, v53;
	v53 =	vor.u32 v28, v39  }
0x13a: {  	v52 =	vld.idx.msk [tilespmem:v58+s24+$0x0], $0xffff;
	v45 =	vadd.f32 v60, v45;
	v60 =	vor.u32 v23, v35  }
0x13b: {  	v41 =	vadd.f32 v51, v41;
	v61 =	vor.u32 v27, v39;
	v57 =	vld.idx.msk [tilespmem:v59+s24+$0x0], $0xffff  }
0x13c: {  	v35 =	vmov v46;
	v46 =	vld.idx.msk [tilespmem:v62+s24+$0x0], $0xffff;
	v62 =	vor.u32 v16, v36;
	v44 =	vadd.f32 v44, v45  }
0x13d: {  	v51 =	vor.u32 v17, v36;
	v41 =	vadd.f32 v43, v41;
	v40 =	vadd.f32 v40, v48;
	v43 =	vld.idx.msk [tilespmem:v63+s23+$0x0], $0xffff  }
0x13e: {  	v56 =	vor.u32 v18, v36;
	v54 =	vor.u32 v29, v39;
	v44 =	vmul.f32 $1.250000000e-01, v44;
	v0 =	vld.idx.msk [tilespmem:v53+s28+$0x0], $0xffff  }
0x13f: {  	v59 =	vor.u32 v19, v36;
	v63 =	vmov s29;
	v40 =	vadd.f32 v47, v40;
	v49 =	vld.idx.msk [tilespmem:v60+s23+$0x0], $0xffff  }
0x140: {  	v58 =	vshll.u32 v63, $0x9;
	v55 =	vshll.u32 v63, $0x7;
	v63 =	vor.u32 v34, v33;
	[tilespmem:s25+$0x410] =	vst v44;
	v44 =	vld.idx.msk [tilespmem:v61+s28+$0x0], $0xffff  }
0x141: {  	v34 =	vor.u32 v31, v39;
	v53 =	vor.u32 v22, v36;
	v61 =	vor.u32 v30, v39;
	v45 =	vld.idx.msk [tilespmem:v62+s24+$0x0], $0xffff  }
0x142: {  	v60 =	vand.u32 $0x300, v55;
	v40 =	vadd.f32 v50, v40;
	v55 =	vld.idx.msk [tilespmem:v51+s24+$0x0], $0xffff;
	v62 =	vor.u32 v20, v36  }
0x143: {  	v48 =	vand.u32 $0x7000, v58;
	v47 =	vor.u32 v26, v63;
	v56 =	vld.idx.msk [tilespmem:v56+s24+$0x0], $0xffff;
	v33 =	vadd.f32 v43, v41  }
0x144: {  	v50 =	vor.u32 v25, v63;
	v39 =	vadd.f32 v46, v40;
	v40 =	vor.u32 v21, v36;
	v51 =	vld.idx.msk [tilespmem:v59+s24+$0x0], $0xffff  }
0x145: {  	p0 =	slt.u32 s29, $0x3E;
	s31 =	sadd.s32 $0x1, s29;
	v46 =	vor.u32 v24, v63;
	v41 =	vld.idx.msk [tilespmem:v54+s28+$0x0], $0xffff;
	v43 =	vadd.f32 v49, v33;
	v49 =	vor.u32 v16, v35  }
.Ltmp0:
0x146: {  	v59 =	vadd.f32 v44, v42;
	v44 =	vadd.f32 v52, v39;
	v42 =	vld.idx.msk [tilespmem:v61+s28+$0x0], $0xffff;
	v39 =	vmov s31;
	(pc) =	sbr.rel @p0 .LBB2_2-.Ltmp0, $4  }
0x147: {  	s20 =	smov.u32 s21;
	v45 =	vadd.f32 v55, v45;
	v52 =	vld.idx.msk [tilespmem:v62+s24+$0x0], $0xffff;
	v61 =	vmul.f32 $1.250000000e-01, v43;
	v33 =	vmovc v37;
	v37 =	vmovc v58;
	v58 =	vshll.u32 v39, $0x9  }
0x148: {  	s21 =	smov.u32 s30;
	v62 =	vshll.u32 v39, $0x7;
	v55 =	vor.u32 v23, v36;
	v43 =	vld.idx.msk [tilespmem:v34+s28+$0x0], $0xffff;
	v34 =	vmovc v38;
	v38 =	vmovc v60;
	s28 =	smov.u32 s23;
	s23 =	smov.u32 s24;
	v58 =	vand.u32 $0x7000, v58  }
0x149: {  	v60 =	vand.u32 $0x380, v62;
	v54 =	vld.idx.msk [tilespmem:v40+s23+$0x0], $0xffff;
	v57 =	vadd.f32 v57, v44;
	v56 =	vadd.f32 v56, v45;
	[tilespmem:s21+$0x10800] =	vst v61  }
0x14a: {  	s22 =	smov.u32 s25;
	s29 =	sadd.s32 $0x2, s29;
	v39 =	vmov v63;
	v40 =	vor.u32 v60, v58;
	v45 =	vadd.f32 v0, v59;
	v44 =	vld.idx.msk [tilespmem:v46+s28+$0x0], $0xffff  }
0x14b: {  	_ =	sdelay $0x3  }
0x14c: {  	v46 =	vld.idx.msk [tilespmem:v50+s28+$0x0], $0xffff;
	_ =	sdelay $0x4  }
0x14d: {  	v53 =	vld.idx.msk [tilespmem:v53+s23+$0x0], $0xffff;
	[tilespmem:$0x1FD40] =	vst v46  }
0x14e: {  	v60 =	vld.idx.msk [tilespmem:v47+s28+$0x0], $0xffff  }
0x14f: {  	v51 =	vadd.f32 v51, v56  }
0x150: {  	v0 =	vor.u32 v1, v40;
	v63 =	vmul.f32 $1.250000000e-01, v57;
	s29 =	sadd.s32 $0x20, s26  }
0x151: {  	v58 =	vor.u32 v2, v40;
	s26 =	sand.u32 $0x3E0, s29;
	v51 =	vadd.f32 v52, v51  }
0x152: {  	v46 =	vor.u32 v3, v40;
	v52 =	vld.idx.msk [tilespmem:v55+s23+$0x0], $0xffff;
	[tilespmem:s26+$0x10400] =	vst v63  }
0x153: {  	v62 =	vadd.f32 v54, v51;
	[tilespmem:$0x1FD50] =	vst v60  }
0x154: {  	v48 =	vor.u32 v38, v48;
	v56 =	vld.idx.msk [tilespmem:v49+s23+$0x0], $0xffff  }
0x155: {  	v50 =	vor.u32 v1, v48;
	v0 =	vld.idx.msk [tilespmem:v0+s24+$0x0], $0xffff;
	v49 =	vadd.f32 v53, v62  }
0x156: {  	v61 =	vor.u32 v2, v48;
	v1 =	vld.idx.msk [tilespmem:v58+s24+$0x0], $0xffff  }
0x157: {  	v53 =	vld.idx.msk [tilespmem:v46+s24+$0x0], $0xffff;
	v46 =	vor.u32 v25, v36;
	v49 =	vadd.f32 v52, v49  }
0x158: {  	v63 =	vor.u32 v4, v40  }
0x159: {  	v2 =	vor.u32 v6, v40;
	v49 =	vmul.f32 $1.250000000e-01, v49  }
0x15a: {  	v47 =	vor.u32 v5, v40;
	v59 =	vld.idx.msk [tilespmem:v50+s24+$0x0], $0xffff  }
0x15b: {  	v55 =	vld.idx.msk [tilespmem:v61+s24+$0x0], $0xffff;
	v52 =	vor.u32 v24, v36;
	[tilespmem:s25+$0x810] =	vst v49  }
0x15c: {  	v0 =	vadd.f32 v1, v0;
	v1 =	vld.idx.msk [tilespmem:v46+s23+$0x0], $0xffff  }
0x15d: {  	v60 =	vor.u32 v7, v40;
	v51 =	vld.idx.msk [tilespmem:v63+s24+$0x0], $0xffff  }
0x15e: {  	v58 =	vld.idx.msk [tilespmem:v2+s24+$0x0], $0xffff;
	v61 =	vor.u32 v26, v36  }
0x15f: {  	v47 =	vld.idx.msk [tilespmem:v47+s24+$0x0], $0xffff;
	v62 =	vor.u32 v3, v48  }
0x160: {  	v63 =	vor.u32 v8, v40;
	v2 =	vld.idx.msk [tilespmem:v52+s23+$0x0], $0xffff  }
0x161: {  	v0 =	vadd.f32 v53, v0;
	v52 =	vor.u32 v4, v48;
	[tilespmem:$0x1FD30] =	vst v1;
	v1 =	vld [tilespmem:$0x1FFF0]  }
0x162: {  	v57 =	vor.u32 v27, v36;
	v60 =	vld.idx.msk [tilespmem:v60+s24+$0x0], $0xffff  }
0x163: {  	v0 =	vadd.f32 v51, v0;
	v51 =	vor.u32 v5, v48;
	v3 =	vld.idx.msk [tilespmem:v61+s23+$0x0], $0xffff  }
0x164: {  	v4 =	vor.u32 v6, v48;
	v62 =	vld.idx.msk [tilespmem:v62+s24+$0x0], $0xffff  }
0x165: {  	v6 =	vadd.f32 v55, v59;
	v59 =	vor.u32 v8, v48;
	v0 =	vadd.f32 v47, v0;
	v63 =	vld.idx.msk [tilespmem:v63+s24+$0x0], $0xffff  }
0x166: {  	v61 =	vor.u32 v28, v36;
	v49 =	vld.idx.msk [tilespmem:v52+s24+$0x0], $0xffff  }
0x167: {  	v55 =	vld.idx.msk [tilespmem:v57+s23+$0x0], $0xffff;
	v0 =	vadd.f32 v58, v0;
	v57 =	vor.u32 v7, v48  }
0x168: {  	v58 =	vor.u32 v30, v36;
	v51 =	vld.idx.msk [tilespmem:v51+s24+$0x0], $0xffff  }
0x169: {  	v5 =	vor.u32 v29, v36;
	v46 =	vld.idx.msk [tilespmem:v4+s24+$0x0], $0xffff;
	v0 =	vadd.f32 v60, v0;
	v52 =	vadd.f32 v62, v6  }
0x16a: {  	v53 =	vor.u32 v31, v36;
	v59 =	vld.idx.msk [tilespmem:v59+s24+$0x0], $0xffff  }
0x16b: {  	v47 =	vor.u32 v9, v40;
	v54 =	vld.idx.msk [tilespmem:v61+s23+$0x0], $0xffff;
	v0 =	vadd.f32 v63, v0;
	v49 =	vadd.f32 v49, v52  }
0x16c: {  	v36 =	vor.u32 v1, v40;
	v57 =	vld.idx.msk [tilespmem:v57+s24+$0x0], $0xffff  }
0x16d: {  	v4 =	vld.idx.msk [tilespmem:v58+s23+$0x0], $0xffff;
	v58 =	vor.u32 v17, v35;
	v0 =	vmul.f32 $1.250000000e-01, v0;
	v49 =	vadd.f32 v51, v49  }
0x16e: {  	s30 =	sadd.s32 $0x20, s25;
	v6 =	vld.idx.msk [tilespmem:v5+s23+$0x0], $0xffff;
	v52 =	vor.u32 v10, v40  }
0x16f: {  	v5 =	vld.idx.msk [tilespmem:v53+s23+$0x0], $0xffff;
	[tilespmem:s30+$0x10] =	vst v0;
	v46 =	vadd.f32 v46, v49;
	v49 =	vor.u32 v11, v40  }
0x170: {  	v0 =	vor.u32 v13, v40;
	v50 =	vld.idx.msk [tilespmem:v47+s24+$0x0], $0xffff  }
0x171: {  	v60 =	vld.idx.msk [tilespmem:v36+s24+$0x0], $0xffff;
	v36 =	vor.u32 v19, v35;
	v46 =	vadd.f32 v57, v46  }
0x172: {  	v58 =	vld.idx.msk [tilespmem:v58+s23+$0x0], $0xffff;
	v57 =	vor.u32 v12, v40  }
0x173: {  	v7 =	vor.u32 v9, v48;
	v62 =	vld.idx.msk [tilespmem:v52+s24+$0x0], $0xffff;
	v46 =	vadd.f32 v59, v46  }
0x174: {  	v63 =	vor.u32 v1, v48;
	v51 =	vld.idx.msk [tilespmem:v49+s24+$0x0], $0xffff  }
0x175: {  	v52 =	vor.u32 v14, v40;
	v0 =	vld.idx.msk [tilespmem:v0+s24+$0x0], $0xffff;
	v46 =	vmul.f32 $1.250000000e-01, v46  }
0x176: {  	v61 =	vld.idx.msk [tilespmem:v36+s23+$0x0], $0xffff;
	v36 =	vor.u32 v10, v48;
	v50 =	vadd.f32 v60, v50  }
0x177: {  	v57 =	vld.idx.msk [tilespmem:v57+s24+$0x0], $0xffff;
	[tilespmem:s30+$0x0] =	vst v46;
	v46 =	vor.u32 v11, v48  }
0x178: {  	v50 =	vadd.f32 v62, v50;
	v59 =	vld.idx.msk [tilespmem:v7+s24+$0x0], $0xffff;
	v7 =	vor.u32 v15, v40  }
0x179: {  	v53 =	vor.u32 v18, v35;
	v62 =	vld.idx.msk [tilespmem:v63+s24+$0x0], $0xffff  }
0x17a: {  	v47 =	vld.idx.msk [tilespmem:v52+s24+$0x0], $0xffff;
	v63 =	vor.u32 v12, v48;
	v50 =	vadd.f32 v51, v50  }
0x17b: {  	v51 =	vor.u32 v13, v48;
	v36 =	vld.idx.msk [tilespmem:v36+s24+$0x0], $0xffff  }
0x17c: {  	v52 =	vor.u32 v21, v35;
	v50 =	vadd.f32 v57, v50;
	v46 =	vld.idx.msk [tilespmem:v46+s24+$0x0], $0xffff  }
0x17d: {  	v57 =	vld.idx.msk [tilespmem:v7+s24+$0x0], $0xffff;
	v7 =	vor.u32 v14, v48  }
0x17e: {  	v53 =	vld.idx.msk [tilespmem:v53+s23+$0x0], $0xffff;
	v12 =	vor.u32 v15, v48;
	v59 =	vadd.f32 v62, v59;
	v0 =	vadd.f32 v0, v50  }
0x17f: {  	v13 =	vld.idx.msk [tilespmem:v63+s24+$0x0], $0xffff;
	v14 =	vor.u32 v22, v35  }
0x180: {  	v49 =	vor.u32 v20, v35;
	v36 =	vadd.f32 v36, v59;
	v0 =	vadd.f32 v47, v0;
	v47 =	vld.idx.msk [tilespmem:v51+s24+$0x0], $0xffff  }
0x181: {  	v51 =	vld.idx.msk [tilespmem:v52+s23+$0x0], $0xffff;
	v52 =	vor.u32 v27, v39  }
0x182: {  	v36 =	vadd.f32 v46, v36;
	v15 =	vld.idx.msk [tilespmem:v7+s24+$0x0], $0xffff;
	v0 =	vadd.f32 v57, v0;
	v7 =	vor.u32 v16, v40  }
0x183: {  	v59 =	vld.idx.msk [tilespmem:v12+s24+$0x0], $0xffff;
	v12 =	vor.u32 v17, v40  }
0x184: {  	v50 =	vld.idx.msk [tilespmem:v14+s23+$0x0], $0xffff;
	v14 =	vor.u32 v18, v40;
	v36 =	vadd.f32 v13, v36;
	v0 =	vmul.f32 $1.250000000e-01, v0  }
0x185: {  	v49 =	vld.idx.msk [tilespmem:v49+s23+$0x0], $0xffff;
	v13 =	vor.u32 v28, v39  }
0x186: {  	v35 =	vor.u32 v23, v35;
	v36 =	vadd.f32 v47, v36;
	[tilespmem:s30+$0x410] =	vst v0;
	v0 =	vld.idx.msk [tilespmem:v52+s28+$0x0], $0xffff  }
0x187: {  	v57 =	vor.u32 v19, v40;
	v52 =	vld.idx.msk [tilespmem:v7+s24+$0x0], $0xffff  }
0x188: {  	v47 =	vor.u32 v29, v39;
	v36 =	vadd.f32 v15, v36;
	v7 =	vld.idx.msk [tilespmem:v12+s24+$0x0], $0xffff  }
0x189: {  	v12 =	vor.u32 v20, v40;
	v14 =	vld.idx.msk [tilespmem:v14+s24+$0x0], $0xffff  }
0x18a: {  	v15 =	vadd.f32 v58, v56;
	v60 =	vld.idx.msk [tilespmem:v13+s28+$0x0], $0xffff;
	v13 =	vor.u32 v16, v48;
	v36 =	vadd.f32 v59, v36  }
0x18b: {  	v35 =	vld.idx.msk [tilespmem:v35+s23+$0x0], $0xffff;
	v16 =	vor.u32 v21, v40  }
0x18c: {  	s29 =	sadd.s32 $0x20, s29;
	v57 =	vld.idx.msk [tilespmem:v57+s24+$0x0], $0xffff;
	v46 =	vadd.f32 v53, v15;
	v15 =	vor.u32 v17, v48;
	v36 =	vmul.f32 $1.250000000e-01, v36  }
0x18d: {  	s29 =	sand.u32 $0x3E0, s29;
	v17 =	vor.u32 v18, v48;
	v18 =	vor.u32 v22, v40;
	v47 =	vld.idx.msk [tilespmem:v47+s28+$0x0], $0xffff;
	v52 =	vadd.f32 v7, v52  }
0x18e: {  	v58 =	vld.idx.msk [tilespmem:v12+s24+$0x0], $0xffff;
	[tilespmem:s29+$0x10400] =	vst v36  }
0x18f: {  	v46 =	vadd.f32 v61, v46;
	v12 =	vor.u32 v23, v40;
	v36 =	vld.idx.msk [tilespmem:v13+s24+$0x0], $0xffff;
	v52 =	vadd.f32 v14, v52  }
0x190: {  	v7 =	vor.u32 v19, v48;
	v14 =	vld.idx.msk [tilespmem:v16+s24+$0x0], $0xffff  }
0x191: {  	v46 =	vadd.f32 v49, v46;
	v13 =	vld.idx.msk [tilespmem:v15+s24+$0x0], $0xffff;
	v16 =	vor.u32 v30, v39;
	v52 =	vadd.f32 v57, v52  }
0x192: {  	v15 =	vor.u32 v20, v48;
	v56 =	vld.idx.msk [tilespmem:v18+s24+$0x0], $0xffff  }
0x193: {  	v17 =	vld.idx.msk [tilespmem:v17+s24+$0x0], $0xffff;
	v18 =	vor.u32 v21, v48;
	v46 =	vadd.f32 v51, v46;
	v19 =	vadd.f32 v58, v52  }
0x194: {  	v20 =	vor.u32 v31, v39;
	v62 =	vld.idx.msk [tilespmem:v12+s24+$0x0], $0xffff  }
0x195: {  	v46 =	vadd.f32 v50, v46;
	v21 =	vld.idx.msk [tilespmem:v7+s24+$0x0], $0xffff;
	v7 =	vor.u32 v22, v48;
	v12 =	vadd.f32 v14, v19  }
0x196: {  	v33 =	vor.u32 v34, v33;
	v48 =	vor.u32 v23, v48;
	v36 =	vadd.f32 v13, v36;
	v51 =	vld.idx.msk [tilespmem:v16+s28+$0x0], $0xffff  }
0x197: {  	v35 =	vadd.f32 v35, v46;
	v13 =	vor.u32 v24, v33;
	v14 =	vld.idx.msk [tilespmem:v15+s24+$0x0], $0xffff;
	v46 =	vadd.f32 v56, v12  }
0x198: {  	v16 =	vld.idx.msk [tilespmem:v18+s24+$0x0], $0xffff;
	v15 =	vor.u32 v25, v33;
	v36 =	vadd.f32 v17, v36  }
0x199: {  	v39 =	vld.idx.msk [tilespmem:v20+s28+$0x0], $0xffff;
	v35 =	vmul.f32 $1.250000000e-01, v35;
	v34 =	vadd.f32 v62, v46  }
0x19a: {  	v17 =	vor.u32 v26, v33;
	v19 =	vld.idx.msk [tilespmem:v7+s24+$0x0], $0xffff;
	v36 =	vadd.f32 v21, v36  }
0x19b: {  	v18 =	vor.u32 v24, v40;
	v48 =	vld.idx.msk [tilespmem:v48+s24+$0x0], $0xffff;
	[tilespmem:s26+$0x10800] =	vst v35;
	v34 =	vmul.f32 $1.250000000e-01, v34  }
0x19c: {  	v20 =	vor.u32 v25, v40;
	v49 =	vld.idx.msk [tilespmem:v13+s23+$0x0], $0xffff;
	v36 =	vadd.f32 v14, v36  }
0x19d: {  	v21 =	vor.u32 v26, v40;
	v56 =	vld.idx.msk [tilespmem:v15+s23+$0x0], $0xffff;
	[tilespmem:s30+$0x810] =	vst v34  }
0x19e: {  	v22 =	vor.u32 v27, v40;
	v36 =	vadd.f32 v16, v36;
	v61 =	vld [tilespmem:$0x1FD30]  }
0x19f: {  	v23 =	vor.u32 v28, v40;
	v52 =	vld.idx.msk [tilespmem:v17+s23+$0x0], $0xffff  }
0x1a0: {  	v37 =	vor.u32 v38, v37;
	v63 =	vor.u32 v29, v40;
	v35 =	vld.idx.msk [tilespmem:v18+s24+$0x0], $0xffff;
	v36 =	vadd.f32 v19, v36  }
0x1a1: {  	v15 =	vor.u32 v26, v37;
	v26 =	vor.u32 v30, v33;
	v50 =	vld.idx.msk [tilespmem:v20+s24+$0x0], $0xffff  }
0x1a2: {  	v12 =	vor.u32 v25, v37;
	v53 =	vld.idx.msk [tilespmem:v21+s24+$0x0], $0xffff;
	v36 =	vadd.f32 v48, v36  }
0x1a3: {  	v7 =	vld.idx.msk [tilespmem:v22+s24+$0x0], $0xffff;
	v62 =	vadd.f32 v61, v2  }
0x1a4: {  	v25 =	vor.u32 v29, v37;
	v34 =	vld.idx.msk [tilespmem:v23+s24+$0x0], $0xffff;
	v49 =	vadd.f32 v56, v49;
	v36 =	vmul.f32 $1.250000000e-01, v36  }
0x1a5: {  	v14 =	vld.idx.msk [tilespmem:v63+s24+$0x0], $0xffff;
	v19 =	vor.u32 v28, v33;
	v58 =	vadd.f32 v3, v62;
	v3 =	vor.u32 v24, v37  }
0x1a6: {  	v22 =	vor.u32 v29, v33;
	v63 =	vmov v29;
	v29 =	vadd.f32 v52, v49;
	v52 =	vld.idx.msk [tilespmem:v26+s23+$0x0], $0xffff;
	[tilespmem:s29+$0x10800] =	vst v36  }
0x1a7: {  	v41 =	vadd.f32 v41, v45;
	v57 =	vld.idx.msk [tilespmem:v12+s24+$0x0], $0xffff  }
0x1a8: {  	v16 =	vor.u32 v27, v33;
	v35 =	vadd.f32 v50, v35;
	v20 =	vld [tilespmem:$0x1FD40]  }
0x1a9: {  	v41 =	vadd.f32 v42, v41;
	v17 =	vor.u32 v27, v37;
	v23 =	vld [tilespmem:$0x1FD50]  }
0x1aa: {  	v2 =	vor.u32 v30, v40;
	v35 =	vadd.f32 v53, v35;
	v36 =	vld.idx.msk [tilespmem:v3+s24+$0x0], $0xffff  }
0x1ab: {  	v41 =	vadd.f32 v43, v41;
	v21 =	vor.u32 v28, v37;
	v27 =	vld.idx.msk [tilespmem:v19+s23+$0x0], $0xffff  }
0x1ac: {  	v46 =	vld.idx.msk [tilespmem:v15+s24+$0x0], $0xffff;
	v55 =	vadd.f32 v55, v58;
	v35 =	vadd.f32 v7, v35  }
0x1ad: {  	v13 =	vor.u32 v31, v40;
	v33 =	vor.u32 v31, v33;
	v24 =	vld.idx.msk [tilespmem:v16+s23+$0x0], $0xffff;
	v44 =	vadd.f32 v20, v44  }
0x1ae: {  	v61 =	vmov v28;
	v58 =	vld.idx.msk [tilespmem:v17+s24+$0x0], $0xffff;
	v54 =	vadd.f32 v54, v55;
	v34 =	vadd.f32 v34, v35  }
0x1af: {  	v28 =	vor.u32 v30, v37;
	v38 =	vld.idx.msk [tilespmem:v2+s24+$0x0], $0xffff;
	v44 =	vadd.f32 v23, v44;
	v36 =	vadd.f32 v57, v36  }
0x1b0: {  	v18 =	vadd.f32 v6, v54;
	v34 =	vadd.f32 v14, v34;
	v57 =	vmov v30;
	v30 =	vld.idx.msk [tilespmem:v21+s24+$0x0], $0xffff  }
0x1b1: {  	v43 =	vld.idx.msk [tilespmem:v22+s23+$0x0], $0xffff;
	v37 =	vor.u32 v31, v37;
	v0 =	vadd.f32 v0, v44;
	v36 =	vadd.f32 v46, v36  }
0x1b2: {  	v50 =	vld.idx.msk [tilespmem:v25+s24+$0x0], $0xffff;
	v42 =	vadd.f32 v4, v18;
	v44 =	vadd.f32 v24, v29  }
0x1b3: {  	v40 =	vld.idx.msk [tilespmem:v13+s24+$0x0], $0xffff;
	v0 =	vadd.f32 v60, v0;
	v36 =	vadd.f32 v58, v36  }
0x1b4: {  	v54 =	vld.idx.msk [tilespmem:v28+s24+$0x0], $0xffff;
	v34 =	vadd.f32 v38, v34;
	v44 =	vadd.f32 v27, v44  }
0x1b5: {  	v33 =	vld.idx.msk [tilespmem:v33+s23+$0x0], $0xffff;
	v0 =	vadd.f32 v47, v0;
	v36 =	vadd.f32 v30, v36  }
0x1b6: {  	v37 =	vld.idx.msk [tilespmem:v37+s24+$0x0], $0xffff;
	v42 =	vadd.f32 v5, v42;
	v43 =	vadd.f32 v43, v44  }
0x1b7: {  	v0 =	vadd.f32 v51, v0;
	v36 =	vadd.f32 v50, v36  }
0x1b8: {  	v55 =	vmul.f32 $1.250000000e-01, v41;
	v34 =	vadd.f32 v40, v34;
	v35 =	vadd.f32 v52, v43  }
0x1b9: {  	v56 =	vmul.f32 $1.250000000e-01, v42;
	v0 =	vadd.f32 v39, v0;
	v36 =	vadd.f32 v54, v36  }
0x1ba: {  	p3 =	por $0x1, $0x1;
	[tilespmem:s20+$0x10C00] =	vst v55;
	v34 =	vmul.f32 $1.250000000e-01, v34;
	v33 =	vadd.f32 v33, v35  }
.Ltmp1:
0x1bb: {  	s31 =	simm.s32 $0x0;
	s0 =	simm.s32 $0x1;
	[tilespmem:s22+$0xC10] =	vst v56;
	v0 =	vmul.f32 $1.250000000e-01, v0;
	v58 =	vadd.f32 v37, v36;
	(pc) =	sbr.rel @!p3 .LBB2_4-.Ltmp1, $4  }
0x1bc: {  	s28 =	sand.u32 $0xC00, s24;
	s23 =	sand.u32 $0xF, s0;
	s20 =	sand.u32 $0xE, s31;
	[tilespmem:s30+$0xC10] =	vst v34;
	v60 =	vmul.f32 $1.250000000e-01, v33  }
0x1bd: {  	p0 =	por $0x0, $0x0;
	s25 =	sor.u32 s23, s28;
	s20 =	sor.u32 s20, s28;
	[tilespmem:s21+$0x10C00] =	vst v0;
	v62 =	vmul.f32 $1.250000000e-01, v58  }
0x1be: {  	s31 =	sor.u32 $0x200, s20;
	v44 =	vor.u32 s25, v32;
	s30 =	sor.u32 $0x100, s20;
	[tilespmem:s26+$0x10C00] =	vst v60;
	v36 =	vor.u32 s20, v32;
	s20 =	sor.u32 $0x300, s20  }
0x1bf: {  	p1 =	por $0x0, $0x0;
	p2 =	por $0x0, $0x0;
	v9 =	vmovc v1;
	v59 =	vmovc v31;
	s22 =	simm.s32 $0x11080;
	v45 =	vor.u32 s30, v32;
	v35 =	vor.u32 s31, v32;
	v34 =	vor.u32 s20, v32;
	[tilespmem:s29+$0x10C00] =	vst v62  }
0x1c0: {  	_ =	sdelay $0x3  }
0x1c1: {  	v0 =	vld.idx.msk [tilespmem:v44+s12+$0x0], $0xffff;
	s20 =	sor.u32 $0x100, s25  }
0x1c2: {  	v33 =	vld.idx.msk [tilespmem:v36+s12+$0x0], $0xffff;
	v37 =	vor.u32 s20, v32;
	_ =	sdelay $0x3  }
0x1c3: {  	[tilespmem:s22+$0x0] =	vst v0  }
0x1c4: {  	[tilespmem:s22+$0xFFFFFF80] =	vst v33;
	v43 =	vld.idx.msk [tilespmem:v37+s12+$0x0], $0xffff  }
0x1c5: {  	v42 =	vld.idx.msk [tilespmem:v45+s12+$0x0], $0xffff  }
0x1c6: {  	v62 =	vld [tilespmem:$0x1FE40]  }
0x1c7: {  	v1 =	vld [tilespmem:$0x1FE50]  }
0x1c8: {  	v2 =	vld [tilespmem:$0x1FE60]  }
0x1c9: {  	v3 =	vld [tilespmem:$0x1FE70]  }
0x1ca: {  	v4 =	vld [tilespmem:$0x1FE80]  }
0x1cb: {  	v5 =	vld [tilespmem:$0x1FE90]  }
0x1cc: {  	v6 =	vld [tilespmem:$0x1FEA0]  }
0x1cd: {  	v7 =	vld [tilespmem:$0x1FEB0]  }
0x1ce: {  	v8 =	vld [tilespmem:$0x1FEC0]  }
0x1cf: {  	v10 =	vld [tilespmem:$0x1FED0]  }
0x1d0: {  	v11 =	vld [tilespmem:$0x1FEE0]  }
0x1d1: {  	v12 =	vld [tilespmem:$0x1FEF0]  }
0x1d2: {  	v13 =	vld [tilespmem:$0x1FF00]  }
0x1d3: {  	v14 =	vld [tilespmem:$0x1FF10]  }
0x1d4: {  	v15 =	vld [tilespmem:$0x1FF20]  }
0x1d5: {  	v16 =	vld [tilespmem:$0x1FF30]  }
0x1d6: {  	v17 =	vld [tilespmem:$0x1FF40]  }
0x1d7: {  	v18 =	vld [tilespmem:$0x1FF50]  }
0x1d8: {  	v19 =	vld [tilespmem:$0x1FF60]  }
0x1d9: {  	v20 =	vld [tilespmem:$0x1FF70]  }
0x1da: {  	v21 =	vld [tilespmem:$0x1FF80]  }
0x1db: {  	s29 =	simm.s32 $0x2;
	p3 =	por $0x1, $0x1;
	v22 =	vld [tilespmem:$0x1FF90]  }
.Ltmp2:
0x1dc: {  	s21 =	simm.s32 $0x3;
	s23 =	simm.s32 $0x80;
	v23 =	vld [tilespmem:$0x1FFA0];
	(pc) =	sbr.rel @!p3 .LBB2_6-.Ltmp2, $4  }
0x1dd: {  	s20 =	sand.u32 $0xE, s29;
	s23 =	sand.u32 $0xC00, s23;
	s21 =	sand.u32 $0xF, s21;
	v24 =	vld [tilespmem:$0x1FFB0]  }
0x1de: {  	s20 =	sor.u32 s20, s23;
	s26 =	sor.u32 s21, s23;
	v25 =	vld [tilespmem:$0x1FFC0]  }
0x1df: {  	v28 =	vmovc v61;
	v29 =	vmov v63;
	v36 =	vor.u32 s20, v32;
	s30 =	sor.u32 $0x100, s20;
	s31 =	sor.u32 $0x200, s20;
	s20 =	sor.u32 $0x300, s20;
	v44 =	vor.u32 s26, v32;
	v26 =	vld [tilespmem:$0x1FFD0]  }
0x1e0: {  	s28 =	sor.u32 $0x200, s25;
	p0 =	por $0x1, $0x1;
	v30 =	vmovc v57;
	v31 =	vmovc v59;
	v53 =	vor.u32 s30, v32;
	v51 =	vor.u32 s31, v32;
	v33 =	vor.u32 s20, v32;
	v27 =	vld [tilespmem:$0x1FFE0]  }
0x1e1: {  	_ =	sdelay $0x2  }
0x1e2: {  	v0 =	vor.u32 s28, v32  }
0x1e3: {  	v38 =	vld.idx.msk [tilespmem:v44+s12+$0x0], $0xffff;
	s20 =	sor.u32 $0x100, s26  }
0x1e4: {  	v39 =	vld.idx.msk [tilespmem:v36+s12+$0x0], $0xffff;
	s24 =	simm.s32 $0x4;
	v40 =	vor.u32 s20, v32  }
0x1e5: {  	s21 =	simm.s32 $0x100;
	s23 =	simm.s32 $0x5;
	p3 =	por $0x1, $0x1  }
.Ltmp3:
0x1e6: {  	[tilespmem:s22+$0x10] =	vst v43;
	s20 =	sand.u32 $0xE, s24;
	s21 =	sand.u32 $0xC00, s21;
	(pc) =	sbr.rel @!p3 .LBB2_8-.Ltmp3, $4  }
0x1e7: {  	[tilespmem:s22+$0xFFFFFF90] =	vst v42;
	s23 =	sand.u32 $0xF, s23;
	s28 =	sor.u32 s20, s21;
	s20 =	simm.s32 $0x11180;
	v37 =	vld.idx.msk [tilespmem:v0+s12+$0x0], $0xffff  }
0x1e8: {  	s24 =	sor.u32 s23, s21;
	v36 =	vor.u32 s28, v32;
	s29 =	sor.u32 $0x100, s28;
	[tilespmem:s20+$0x0] =	vst v38;
	v38 =	vld.idx.msk [tilespmem:v35+s12+$0x0], $0xffff  }
0x1e9: {  	s25 =	sor.u32 $0x300, s25;
	s30 =	sor.u32 $0x200, s28;
	s31 =	sor.u32 $0x300, s28;
	v44 =	vor.u32 s24, v32;
	v45 =	vor.u32 s29, v32;
	[tilespmem:s20+$0xFFFFFF80] =	vst v39;
	v43 =	vld.idx.msk [tilespmem:v40+s12+$0x0], $0xffff  }
0x1ea: {  	p1 =	por $0x1, $0x1;
	s28 =	sor.u32 $0x200, s26;
	v47 =	vor.u32 s30, v32;
	v49 =	vor.u32 s31, v32;
	v40 =	vor.u32 s25, v32;
	v42 =	vld.idx.msk [tilespmem:v53+s12+$0x0], $0xffff  }
0x1eb: {  	_ =	sdelay $0x2  }
0x1ec: {  	v0 =	vor.u32 s28, v32  }
0x1ed: {  	v35 =	vld.idx.msk [tilespmem:v44+s12+$0x0], $0xffff;
	s21 =	sor.u32 $0x100, s24  }
0x1ee: {  	v50 =	vld.idx.msk [tilespmem:v36+s12+$0x0], $0xffff;
	s25 =	simm.s32 $0x6;
	s29 =	simm.s32 $0x180;
	s31 =	simm.s32 $0x7;
	v52 =	vor.u32 s21, v32;
	[tilespmem:s22+$0x20] =	vst v37  }
0x1ef: {  	p3 =	por $0x1, $0x1;
	s28 =	sand.u32 $0xC00, s29;
	s21 =	sand.u32 $0xF, s31;
	[tilespmem:s22+$0xFFFFFFA0] =	vst v38;
	v39 =	vld.idx.msk [tilespmem:v40+s12+$0x0], $0xffff  }
.Ltmp4:
0x1f0: {  	s23 =	sand.u32 $0xE, s25;
	s21 =	sor.u32 s21, s28;
	[tilespmem:s20+$0x10] =	vst v43;
	v41 =	vld.idx.msk [tilespmem:v34+s12+$0x0], $0xffff;
	(pc) =	sbr.rel @!p3 .LBB2_10-.Ltmp4, $4  }
0x1f1: {  	s30 =	simm.s32 $0x11280;
	s23 =	sor.u32 s23, s28;
	v44 =	vor.u32 s21, v32;
	[tilespmem:s20+$0xFFFFFF90] =	vst v42;
	v46 =	vld.idx.msk [tilespmem:v0+s12+$0x0], $0xffff  }
0x1f2: {  	v36 =	vor.u32 s23, v32;
	s28 =	sor.u32 $0x100, s23;
	[tilespmem:s30+$0x0] =	vst v35;
	v48 =	vld.idx.msk [tilespmem:v51+s12+$0x0], $0xffff  }
0x1f3: {  	s26 =	sor.u32 $0x300, s26;
	v51 =	vor.u32 s28, v32;
	s28 =	sor.u32 $0x200, s23;
	s23 =	sor.u32 $0x300, s23;
	[tilespmem:s30+$0xFFFFFF80] =	vst v50;
	v43 =	vld.idx.msk [tilespmem:v52+s12+$0x0], $0xffff  }
0x1f4: {  	p2 =	por $0x1, $0x1;
	v50 =	vor.u32 s26, v32;
	v35 =	vor.u32 s28, v32;
	v53 =	vor.u32 s23, v32;
	v42 =	vld.idx.msk [tilespmem:v45+s12+$0x0], $0xffff;
	s28 =	sor.u32 $0x200, s24;
	s23 =	simm.s32 $0x11080  }
.LBB2_11:
0x1f5: {  	s26 =	smov.u32 s25  }
0x1f6: {  	v0 =	vld.idx.msk [tilespmem:v44+s12+$0x0], $0xffff;
	v45 =	vor.u32 s28, v32;
	[tilespmem:s23+$0x30] =	vst v39;
	s25 =	sadd.s32 $0x2, s25;
	s28 =	sor.u32 $0x100, s21;
	s29 =	sadd.s32 $0x80, s29  }
0x1f7: {  	s26 =	sadd.s32 $0x3, s26;
	v52 =	vld.idx.msk [tilespmem:v36+s12+$0x0], $0xffff;
	[tilespmem:s23+$0xFFFFFFB0] =	vst v41;
	s23 =	sand.u32 $0xE, s25;
	s31 =	sand.u32 $0xC00, s29  }
0x1f8: {  	v54 =	vor.u32 s28, v32;
	s26 =	sand.u32 $0xF, s26;
	[tilespmem:s20+$0x20] =	vst v46;
	s23 =	sor.u32 s23, s31  }
0x1f9: {  	p3 =	slt.u32 s25, $0x3E;
	s26 =	sor.u32 s26, s31;
	[tilespmem:s20+$0xFFFFFFA0] =	vst v48;
	v39 =	vld.idx.msk [tilespmem:v50+s12+$0x0], $0xffff;
	s28 =	sor.u32 $0x100, s23  }
.Ltmp5:
0x1fa: {  	v36 =	vor.u32 s23, v32;
	s31 =	sor.u32 $0x200, s23;
	s0 =	sor.u32 $0x300, s23;
	v44 =	vor.u32 s26, v32;
	[tilespmem:s30+$0x10] =	vst v43;
	v41 =	vld.idx.msk [tilespmem:v33+s12+$0x0], $0xffff;
	(pc) =	sbr.rel @p3 .LBB2_11-.Ltmp5, $4  }
0x1fb: {  	s23 =	smov.u32 s20;
	s20 =	smov.u32 s30;
	v55 =	vor.u32 s28, v32;
	v43 =	vor.u32 s31, v32;
	v33 =	vmovc v49;
	v49 =	vmov v53;
	[tilespmem:s30+$0xFFFFFF90] =	vst v42;
	v46 =	vld.idx.msk [tilespmem:v45+s12+$0x0], $0xffff;
	s30 =	sadd.s32 $0x100, s30  }
0x1fc: {  	v53 =	vor.u32 s0, v32;
	s0 =	sor.u32 $0x300, s24;
	s24 =	smov.u32 s21;
	s21 =	smov.u32 s26;
	[tilespmem:s30+$0x0] =	vst v0;
	v48 =	vld.idx.msk [tilespmem:v47+s12+$0x0], $0xffff;
	v47 =	vmov v35;
	v35 =	vmov v43  }
0x1fd: {  	v50 =	vor.u32 s0, v32;
	[tilespmem:s30+$0xFFFFFF80] =	vst v52;
	v43 =	vld.idx.msk [tilespmem:v54+s12+$0x0], $0xffff  }
0x1fe: {  	s28 =	sor.u32 $0x200, s24;
	v42 =	vld.idx.msk [tilespmem:v51+s12+$0x0], $0xffff;
	v51 =	vmov v55  }
0x1ff: {  	s29 =	smov.u32 s20;
	v54 =	vmovc v33;
	s20 =	smov.u32 s30;
	v52 =	vmovc v49;
	v33 =	vmov v53;
	v49 =	vmov v47;
	s25 =	smov.u32 s24;
	v45 =	vmov v51  }
.LBB2_13:
0x200: {  	_ =	sdelay $0x3  }
0x201: {  	v0 =	vld.idx.msk [tilespmem:v44+s12+$0x0], $0xffff;
	v44 =	vor.u32 @p0 s28, v32;
	s0 =	sor.u32 $0x100, s21  }
0x202: {  	v36 =	vld.idx.msk [tilespmem:v36+s12+$0x0], $0xffff;
	v47 =	vor.u32 s0, v32;
	_ =	sdelay $0x1  }
0x203: {  	s24 =	smov.u32 s22;
	s0 =	sadd.s32 @p0 $0x100, s20  }
0x204: {  	[tilespmem:s20+$0x10] =	vst @p0 v43;
	s24 =	smov.u32 @p0 s0  }
0x205: {  	v43 =	vld.idx.msk @p0 [tilespmem:v44+s12+$0x0], $0xffff;
	[tilespmem:s24+$0x0] =	vst v0  }
0x206: {  	s26 =	sor.u32 $0x200, s21;
	[tilespmem:s24+$0xFFFFFF80] =	vst v36;
	v0 =	vld.idx.msk [tilespmem:v47+s12+$0x0], $0xffff  }
0x207: {  	v60 =	vor.u32 s26, v32;
	v61 =	vld.idx.msk [tilespmem:v45+s12+$0x0], $0xffff;
	_ =	sdelay $0x1  }
0x208: {  	s0 =	sor.u32 @p0 $0x300, s25;
	[tilespmem:s20+$0xFFFFFF90] =	vst @p0 v42  }
0x209: {  	[tilespmem:s29+$0x20] =	vst @p1 v46;
	v44 =	vld.idx.msk @p0 [tilespmem:v49+s12+$0x0], $0xffff;
	v45 =	vor.u32 @p0 s0, v32  }
0x20a: {  	s0 =	smov.u32 @p0 s20;
	v40 =	vpsel p0, v45, v40;
	v45 =	vld.idx.msk @p1 [tilespmem:v50+s12+$0x0], $0xffff;
	[tilespmem:s24+$0x10] =	vst v0  }
0x20b: {  	s28 =	sor.u32 $0x300, s21;
	s22 =	smov.u32 @p0 s0;
	v0 =	vpsel p0, v43, v37;
	[tilespmem:s24+$0xFFFFFF90] =	vst v61;
	v36 =	vld.idx.msk [tilespmem:v60+s12+$0x0], $0xffff  }
0x20c: {  	v63 =	vor.u32 s28, v32;
	[tilespmem:s22+$0x20] =	vst @p0 v0;
	v0 =	vld.idx.msk [tilespmem:v35+s12+$0x0], $0xffff  }
0x20d: {  	v46 =	vmov @p0 v52  }
0x20e: {  	[tilespmem:s29+$0xFFFFFFA0] =	vst @p1 v48;
	v34 =	vpsel p0, v46, v34;
	v37 =	vpsel p0, v44, v38  }
0x20f: {  	v46 =	vld.idx.msk @p1 [tilespmem:v54+s12+$0x0], $0xffff;
	[tilespmem:s22+$0xFFFFFFA0] =	vst @p0 v37  }
0x210: {  	v37 =	vld.idx.msk @p0 [tilespmem:v40+s12+$0x0], $0xffff;
	[tilespmem:s24+$0x20] =	vst v36  }
0x211: {  	v36 =	vpsel p1, v45, v0;
	[tilespmem:s24+$0xFFFFFFA0] =	vst v0;
	v0 =	vld.idx.msk [tilespmem:v63+s12+$0x0], $0xffff  }
0x212: {  	v33 =	vld.idx.msk [tilespmem:v33+s12+$0x0], $0xffff  }
0x213: {  	[tilespmem:s23+$0x30] =	vst @p2 v39;
	s0 =	smov.u32 @p1 s29;
	v34 =	vld.idx.msk @p0 [tilespmem:v34+s12+$0x0], $0xffff  }
0x214: {  	[tilespmem:s23+$0xFFFFFFB0] =	vst @p2 v41;
	s29 =	simm.s32 $0x1;
	s0 =	smov.u32 @p1 s0  }
0x215: {  	v44 =	vmov s29;
	[tilespmem:s0+$0x30] =	vst @p1 v36  }
0x216: {  	v38 =	vshll.u32 v44, $0x7;
	[tilespmem:s24+$0x30] =	vst v0  }
0x217: {  	s21 =	smov.u32 @p0 s22;
	v45 =	vshll.u32 v44, $0x9;
	v35 =	vpsel p1, v46, v0;
	v46 =	vand.u32 $0x380, v38;
	[tilespmem:s24+$0xFFFFFFB0] =	vst v33  }
0x218: {  	s20 =	simm.s32 $0x0;
	[tilespmem:s0+$0xFFFFFFB0] =	vst @p1 v35;
	v35 =	vpsel p0, v37, v0;
	s0 =	smov.u32 @p0 s21;
	v37 =	vpsel p0, v34, v0;
	v0 =	vand.u32 $0x7000, v45  }
0x219: {  	v41 =	vmov s20;
	[tilespmem:s0+$0x30] =	vst @p0 v35;
	v33 =	vor.u32 v46, v0  }
0x21a: {  	v42 =	vshll.u32 v41, $0x7;
	v34 =	vshll.u32 v41, $0x9;
	[tilespmem:s0+$0xFFFFFFB0] =	vst @p0 v37;
	v0 =	vor.u32 v62, v33  }
0x21b: {  	v43 =	vand.u32 $0x7000, v34;
	v35 =	vand.u32 $0x300, v42;
	[tilespmem:s20], [sflag:$0x1] =	stream.linear.gather [hbm4b:s5+s20], $0x8000, $0x38;
	v37 =	vor.u32 v1, v33;
	[tilespmem:$0x15000] =	vst v63  }
0x21c: {  	v36 =	vor.u32 v35, v43;
	v49 =	vor.u32 v2, v33;
	_ =	swait.ge [sflag:s13], $0x8000  }
0x21d: {  	v47 =	vor.u32 v62, v36;
	[sflag:s13] =	ssyncset.done $0x0  }
0x21e: {  	v48 =	vor.u32 v1, v36;
	[sflag:s13] =	ssyncadd.s32 $0xFFFF8000  }
0x21f: {  	v51 =	vor.u32 v3, v33;
	v0 =	vld.idx.msk [tilespmem:v0+s10+$0x0], $0xffff  }
0x220: {  	v50 =	vor.u32 v2, v36;
	v37 =	vld.idx.msk [tilespmem:v37+s10+$0x0], $0xffff  }
0x221: {  	v53 =	vor.u32 v4, v33;
	v40 =	vld.idx.msk [tilespmem:v49+s10+$0x0], $0xffff  }
0x222: {  	v52 =	vor.u32 v3, v36;
	v38 =	vld.idx.msk [tilespmem:v47+s10+$0x0], $0xffff  }
0x223: {  	v55 =	vor.u32 v5, v33;
	v39 =	vld.idx.msk [tilespmem:v48+s10+$0x0], $0xffff  }
0x224: {  	v54 =	vor.u32 v4, v36;
	v42 =	vld.idx.msk [tilespmem:v51+s10+$0x0], $0xffff  }
0x225: {  	v57 =	vor.u32 v6, v33;
	v41 =	vld.idx.msk [tilespmem:v50+s10+$0x0], $0xffff;
	v0 =	vadd.f32 v37, v0  }
0x226: {  	v56 =	vor.u32 v5, v36;
	v44 =	vld.idx.msk [tilespmem:v53+s10+$0x0], $0xffff  }
0x227: {  	v59 =	vor.u32 v7, v33;
	v43 =	vld.idx.msk [tilespmem:v52+s10+$0x0], $0xffff;
	v0 =	vadd.f32 v40, v0  }
0x228: {  	v58 =	vor.u32 v6, v36;
	v60 =	vld.idx.msk [tilespmem:v55+s10+$0x0], $0xffff;
	v38 =	vadd.f32 v39, v38  }
0x229: {  	v45 =	vld.idx.msk [tilespmem:v54+s10+$0x0], $0xffff;
	v0 =	vadd.f32 v42, v0  }
0x22a: {  	v61 =	vor.u32 v7, v36;
	v47 =	vld.idx.msk [tilespmem:v57+s10+$0x0], $0xffff;
	v38 =	vadd.f32 v41, v38  }
0x22b: {  	v63 =	vld.idx.msk [tilespmem:v56+s10+$0x0], $0xffff;
	v0 =	vadd.f32 v44, v0  }
0x22c: {  	v48 =	vld.idx.msk [tilespmem:v59+s10+$0x0], $0xffff;
	v38 =	vadd.f32 v43, v38  }
0x22d: {  	v37 =	vld.idx.msk [tilespmem:v58+s10+$0x0], $0xffff;
	v0 =	vadd.f32 v60, v0  }
0x22e: {  	v38 =	vadd.f32 v45, v38  }
0x22f: {  	v49 =	vld.idx.msk [tilespmem:v61+s10+$0x0], $0xffff;
	v0 =	vadd.f32 v47, v0  }
0x230: {  	v38 =	vadd.f32 v63, v38  }
0x231: {  	v50 =	vor.u32 v8, v33;
	v0 =	vadd.f32 v48, v0  }
0x232: {  	v51 =	vor.u32 v9, v33;
	v37 =	vadd.f32 v37, v38  }
0x233: {  	v53 =	vor.u32 v10, v33;
	v0 =	vmul.f32 $1.250000000e-01, v0  }
0x234: {  	s24 =	simm.s32 $0x10000;
	v52 =	vor.u32 v8, v36;
	v37 =	vadd.f32 v49, v37  }
0x235: {  	v54 =	vor.u32 v9, v36;
	[tilespmem:s24+$0x10] =	vst v0  }
0x236: {  	v55 =	vor.u32 v11, v33;
	v37 =	vmul.f32 $1.250000000e-01, v37;
	v0 =	vld.idx.msk [tilespmem:v50+s10+$0x0], $0xffff  }
0x237: {  	v56 =	vor.u32 v10, v36;
	v40 =	vld.idx.msk [tilespmem:v51+s10+$0x0], $0xffff  }
0x238: {  	v57 =	vor.u32 v12, v33;
	[tilespmem:s24+$0x0] =	vst v37;
	v41 =	vld.idx.msk [tilespmem:v53+s10+$0x0], $0xffff  }
0x239: {  	v58 =	vor.u32 v11, v36;
	v39 =	vld.idx.msk [tilespmem:v52+s10+$0x0], $0xffff  }
0x23a: {  	v59 =	vor.u32 v13, v33;
	v42 =	vld.idx.msk [tilespmem:v54+s10+$0x0], $0xffff  }
0x23b: {  	s30 =	simm.s32 $0x2;
	v60 =	vor.u32 v12, v36;
	v61 =	vld.idx.msk [tilespmem:v55+s10+$0x0], $0xffff  }
0x23c: {  	v55 =	vmov s30;
	v63 =	vld.idx.msk [tilespmem:v56+s10+$0x0], $0xffff;
	v54 =	vor.u32 v14, v33;
	v0 =	vadd.f32 v40, v0  }
0x23d: {  	v43 =	vld.idx.msk [tilespmem:v57+s10+$0x0], $0xffff;
	v57 =	vor.u32 v15, v33;
	v56 =	vor.u32 v13, v36;
	v37 =	vshll.u32 v55, $0x9  }
0x23e: {  	v44 =	vld.idx.msk [tilespmem:v58+s10+$0x0], $0xffff;
	v38 =	vshll.u32 v55, $0x7;
	v58 =	vor.u32 v14, v36;
	v0 =	vadd.f32 v41, v0  }
0x23f: {  	v45 =	vld.idx.msk [tilespmem:v59+s10+$0x0], $0xffff;
	v51 =	vand.u32 $0x7000, v37;
	v38 =	vand.u32 $0x300, v38;
	v42 =	vadd.f32 v42, v39  }
0x240: {  	v59 =	vor.u32 v15, v36;
	v46 =	vld.idx.msk [tilespmem:v60+s10+$0x0], $0xffff;
	v39 =	vor.u32 v38, v51;
	v0 =	vadd.f32 v61, v0  }
0x241: {  	v49 =	vld.idx.msk [tilespmem:v54+s10+$0x0], $0xffff;
	v60 =	vor.u32 v7, v39;
	v42 =	vadd.f32 v63, v42  }
0x242: {  	v40 =	vld.idx.msk [tilespmem:v56+s10+$0x0], $0xffff;
	v54 =	vor.u32 v5, v39;
	v0 =	vadd.f32 v43, v0  }
0x243: {  	v51 =	vor.u32 v4, v39;
	v61 =	vld.idx.msk [tilespmem:v57+s10+$0x0], $0xffff;
	v42 =	vadd.f32 v44, v42  }
0x244: {  	v55 =	vld.idx.msk [tilespmem:v58+s10+$0x0], $0xffff;
	v56 =	vor.u32 v3, v39;
	v0 =	vadd.f32 v45, v0  }
0x245: {  	v47 =	vld.idx.msk [tilespmem:v59+s10+$0x0], $0xffff;
	v63 =	vor.u32 v6, v39;
	v42 =	vadd.f32 v46, v42  }
0x246: {  	v57 =	vor.u32 v62, v39;
	v41 =	vld.idx.msk [tilespmem:v60+s10+$0x0], $0xffff;
	v0 =	vadd.f32 v49, v0  }
0x247: {  	v43 =	vld.idx.msk [tilespmem:v54+s10+$0x0], $0xffff;
	v60 =	vor.u32 v1, v39;
	v40 =	vadd.f32 v40, v42  }
0x248: {  	v58 =	vor.u32 v16, v33;
	v44 =	vld.idx.msk [tilespmem:v51+s10+$0x0], $0xffff;
	v0 =	vadd.f32 v61, v0  }
0x249: {  	v59 =	vor.u32 v17, v33;
	v45 =	vld.idx.msk [tilespmem:v56+s10+$0x0], $0xffff;
	v40 =	vadd.f32 v55, v40  }
0x24a: {  	v42 =	vld.idx.msk [tilespmem:v63+s10+$0x0], $0xffff;
	v61 =	vor.u32 v18, v33;
	v0 =	vmul.f32 $1.250000000e-01, v0  }
0x24b: {  	v53 =	vor.u32 v19, v33;
	v46 =	vld.idx.msk [tilespmem:v57+s10+$0x0], $0xffff;
	v40 =	vadd.f32 v47, v40  }
0x24c: {  	v57 =	vor.u32 v20, v33;
	v47 =	vld.idx.msk [tilespmem:v60+s10+$0x0], $0xffff;
	[tilespmem:s24+$0x410] =	vst v0  }
0x24d: {  	v63 =	vor.u32 v16, v36;
	v40 =	vmul.f32 $1.250000000e-01, v40;
	v0 =	vld.idx.msk [tilespmem:v58+s10+$0x0], $0xffff  }
0x24e: {  	s21 =	sand.u32 $0x3E0, s20;
	v55 =	vor.u32 v17, v36;
	v50 =	vld.idx.msk [tilespmem:v59+s10+$0x0], $0xffff  }
0x24f: {  	[tilespmem:s21+$0x10400] =	vst v40;
	v40 =	vor.u32 v18, v36;
	v51 =	vld.idx.msk [tilespmem:v61+s10+$0x0], $0xffff  }
0x250: {  	v58 =	vor.u32 v21, v33;
	v54 =	vld.idx.msk [tilespmem:v53+s10+$0x0], $0xffff  }
0x251: {  	v61 =	vor.u32 v19, v36;
	v57 =	vld.idx.msk [tilespmem:v57+s10+$0x0], $0xffff  }
0x252: {  	s31 =	simm.s32 $0x3;
	v52 =	vor.u32 v21, v36;
	v56 =	vor.u32 v22, v33;
	v48 =	vld.idx.msk [tilespmem:v63+s10+$0x0], $0xffff  }
0x253: {  	v53 =	vor.u32 v20, v36;
	v49 =	vld.idx.msk [tilespmem:v55+s10+$0x0], $0xffff;
	v55 =	vmov s31;
	v0 =	vadd.f32 v50, v0  }
0x254: {  	v59 =	vor.u32 v23, v33;
	v60 =	vshll.u32 v55, $0x9;
	v55 =	vshll.u32 v55, $0x7;
	v50 =	vld.idx.msk [tilespmem:v40+s10+$0x0], $0xffff  }
0x255: {  	v55 =	vand.u32 $0x380, v55;
	v40 =	vand.u32 $0x7000, v60;
	v58 =	vld.idx.msk [tilespmem:v58+s10+$0x0], $0xffff;
	v60 =	vadd.f32 v51, v0  }
0x256: {  	s26 =	simm.s32 $0x4;
	s25 =	simm.s32 $0x0;
	s22 =	simm.s32 $0x10000;
	v40 =	vor.u32 v55, v40;
	v55 =	vor.u32 v22, v36;
	v51 =	vld.idx.msk [tilespmem:v61+s10+$0x0], $0xffff  }
.LBB2_14:
0x257: {  	p0 =	slt.u32 s26, $0x3E;
	v0 =	vor.u32 v62, v40;
	v54 =	vadd.f32 v54, v60;
	v56 =	vld.idx.msk [tilespmem:v56+s10+$0x0], $0xffff  }
0x258: {  	v60 =	vor.u32 v1, v40;
	v48 =	vadd.f32 v49, v48;
	v49 =	vld.idx.msk [tilespmem:v53+s10+$0x0], $0xffff  }
0x259: {  	v53 =	vor.u32 v23, v36;
	v36 =	vmov v39;
	v54 =	vadd.f32 v57, v54;
	v57 =	vld.idx.msk [tilespmem:v59+s10+$0x0], $0xffff  }
0x25a: {  	v39 =	vor.u32 v2, v40;
	v48 =	vadd.f32 v50, v48;
	v50 =	vld.idx.msk [tilespmem:v52+s10+$0x0], $0xffff  }
0x25b: {  	v52 =	vor.u32 v2, v36;
	v55 =	vld.idx.msk [tilespmem:v55+s10+$0x0], $0xffff;
	v54 =	vadd.f32 v58, v54  }
0x25c: {  	v58 =	vor.u32 v3, v40;
	v48 =	vadd.f32 v51, v48;
	v0 =	vld.idx.msk [tilespmem:v0+s10+$0x0], $0xffff  }
0x25d: {  	v59 =	vor.u32 v5, v40;
	v51 =	vld.idx.msk [tilespmem:v60+s10+$0x0], $0xffff;
	v54 =	vadd.f32 v56, v54  }
0x25e: {  	v56 =	vor.u32 v4, v40;
	v48 =	vadd.f32 v49, v48;
	v49 =	vld.idx.msk [tilespmem:v53+s10+$0x0], $0xffff  }
0x25f: {  	v39 =	vld.idx.msk [tilespmem:v39+s10+$0x0], $0xffff;
	v53 =	vadd.f32 v57, v54;
	v54 =	vor.u32 v24, v33  }
0x260: {  	v48 =	vadd.f32 v50, v48;
	v50 =	vor.u32 v25, v33;
	v52 =	vld.idx.msk [tilespmem:v52+s10+$0x0], $0xffff  }
0x261: {  	v57 =	vld.idx.msk [tilespmem:v58+s10+$0x0], $0xffff;
	v58 =	vor.u32 v6, v40;
	v53 =	vmul.f32 $1.250000000e-01, v53  }
0x262: {  	v60 =	vor.u32 v26, v33;
	v55 =	vadd.f32 v55, v48;
	v48 =	vor.u32 v35, v34;
	v59 =	vld.idx.msk [tilespmem:v59+s10+$0x0], $0xffff  }
0x263: {  	v34 =	vmov v37;
	v0 =	vadd.f32 v51, v0;
	v51 =	vld.idx.msk [tilespmem:v56+s10+$0x0], $0xffff;
	v56 =	vor.u32 v7, v40;
	[tilespmem:s24+$0x810] =	vst v53  }
0x264: {  	v37 =	vadd.f32 v47, v46;
	v46 =	vadd.f32 v49, v55;
	v49 =	vor.u32 v27, v33;
	v47 =	vld.idx.msk [tilespmem:v54+s10+$0x0], $0xffff  }
0x265: {  	v35 =	vmov v38;
	v0 =	vadd.f32 v39, v0;
	v39 =	vor.u32 v24, v48;
	v50 =	vld.idx.msk [tilespmem:v50+s10+$0x0], $0xffff  }
0x266: {  	v37 =	vadd.f32 v52, v37;
	v46 =	vmul.f32 $1.250000000e-01, v46;
	v52 =	vor.u32 v28, v33;
	v38 =	vld.idx.msk [tilespmem:v58+s10+$0x0], $0xffff  }
0x267: {  	v53 =	vor.u32 v25, v48;
	v0 =	vadd.f32 v57, v0;
	v54 =	vld.idx.msk [tilespmem:v60+s10+$0x0], $0xffff  }
0x268: {  	v37 =	vadd.f32 v45, v37;
	v45 =	vld.idx.msk [tilespmem:v56+s10+$0x0], $0xffff;
	[tilespmem:s21+$0x10800] =	vst v46;
	v46 =	vor.u32 v29, v33  }
0x269: {  	v0 =	vadd.f32 v51, v0;
	v51 =	vor.u32 v26, v48;
	v49 =	vld.idx.msk [tilespmem:v49+s10+$0x0], $0xffff  }
0x26a: {  	v37 =	vadd.f32 v44, v37;
	v44 =	vor.u32 v30, v33;
	v39 =	vld.idx.msk [tilespmem:v39+s10+$0x0], $0xffff  }
0x26b: {  	v55 =	vor.u32 v27, v48;
	v0 =	vadd.f32 v59, v0;
	v47 =	vadd.f32 v50, v47;
	v50 =	vld.idx.msk [tilespmem:v52+s10+$0x0], $0xffff  }
0x26c: {  	v37 =	vadd.f32 v43, v37;
	v52 =	vor.u32 v31, v33;
	v33 =	vmov v40;
	v43 =	vld.idx.msk [tilespmem:v53+s10+$0x0], $0xffff  }
0x26d: {  	v0 =	vadd.f32 v38, v0;
	v38 =	vor.u32 v28, v48;
	v40 =	vadd.f32 v54, v47;
	v46 =	vld.idx.msk [tilespmem:v46+s10+$0x0], $0xffff  }
0x26e: {  	v47 =	vor.u32 v29, v48;
	v37 =	vadd.f32 v42, v37;
	v42 =	vld.idx.msk [tilespmem:v51+s10+$0x0], $0xffff  }
0x26f: {  	v0 =	vadd.f32 v45, v0;
	v45 =	vor.u32 v8, v33;
	v40 =	vadd.f32 v49, v40;
	v44 =	vld.idx.msk [tilespmem:v44+s10+$0x0], $0xffff  }
0x270: {  	v37 =	vadd.f32 v41, v37;
	v41 =	vor.u32 v9, v33;
	v49 =	vld.idx.msk [tilespmem:v55+s10+$0x0], $0xffff  }
0x271: {  	v51 =	vor.u32 v8, v36;
	v0 =	vmul.f32 $1.250000000e-01, v0;
	v40 =	vadd.f32 v50, v40;
	v50 =	vld.idx.msk [tilespmem:v52+s10+$0x0], $0xffff  }
0x272: {  	s24 =	sadd.s32 $0x20, s24;
	v37 =	vmul.f32 $1.250000000e-01, v37;
	v52 =	vor.u32 v10, v33;
	v39 =	vadd.f32 v43, v39;
	v38 =	vld.idx.msk [tilespmem:v38+s10+$0x0], $0xffff  }
0x273: {  	v43 =	vor.u32 v9, v36;
	v40 =	vadd.f32 v46, v40;
	[tilespmem:s24+$0x10] =	vst v0;
	v0 =	vld.idx.msk [tilespmem:v47+s10+$0x0], $0xffff  }
0x274: {  	v39 =	vadd.f32 v42, v39;
	[tilespmem:s24+$0x0] =	vst v37;
	v37 =	vld.idx.msk [tilespmem:v45+s10+$0x0], $0xffff;
	v45 =	vor.u32 v11, v33  }
0x275: {  	v42 =	vor.u32 v10, v36;
	v40 =	vadd.f32 v44, v40;
	v41 =	vld.idx.msk [tilespmem:v41+s10+$0x0], $0xffff  }
0x276: {  	v46 =	vor.u32 v12, v33;
	v39 =	vadd.f32 v49, v39;
	v44 =	vld.idx.msk [tilespmem:v51+s10+$0x0], $0xffff  }
0x277: {  	v47 =	vor.u32 v11, v36;
	v40 =	vadd.f32 v50, v40;
	v49 =	vld.idx.msk [tilespmem:v52+s10+$0x0], $0xffff  }
0x278: {  	v50 =	vor.u32 v13, v33;
	v38 =	vadd.f32 v38, v39;
	v43 =	vld.idx.msk [tilespmem:v43+s10+$0x0], $0xffff  }
0x279: {  	v39 =	vor.u32 v12, v36;
	v40 =	vmul.f32 $1.250000000e-01, v40;
	v45 =	vld.idx.msk [tilespmem:v45+s10+$0x0], $0xffff  }
0x27a: {  	v51 =	vor.u32 v14, v33;
	v0 =	vadd.f32 v0, v38;
	v42 =	vld.idx.msk [tilespmem:v42+s10+$0x0], $0xffff  }
0x27b: {  	s23 =	simm.s32 $0x110C0;
	v52 =	vor.u32 v13, v36;
	v38 =	vmov s26;
	v41 =	vadd.f32 v41, v37;
	v46 =	vld.idx.msk [tilespmem:v46+s10+$0x0], $0xffff;
	[tilespmem:s22+$0xC10] =	vst v40;
	s22 =	smov.u32 s24  }
0x27c: {  	v37 =	vshll.u32 v38, $0x9;
	v40 =	vld.idx.msk [tilespmem:v47+s10+$0x0], $0xffff;
	v47 =	vor.u32 v15, v33  }
0x27d: {  	v53 =	vor.u32 v14, v36;
	v38 =	vshll.u32 v38, $0x7;
	v41 =	vadd.f32 v49, v41;
	v49 =	vld.idx.msk [tilespmem:v50+s10+$0x0], $0xffff  }
0x27e: {  	v54 =	vor.u32 v15, v36;
	v50 =	vand.u32 $0x7000, v37;
	v43 =	vadd.f32 v43, v44;
	v44 =	vld.idx.msk [tilespmem:v39+s10+$0x0], $0xffff  }
0x27f: {  	v38 =	vand.u32 $0x300, v38;
	v41 =	vadd.f32 v45, v41;
	v45 =	vld.idx.msk [tilespmem:v51+s10+$0x0], $0xffff;
	v51 =	vor.u32 v30, v48  }
0x280: {  	v39 =	vor.u32 v38, v50;
	v42 =	vadd.f32 v42, v43;
	v48 =	vor.u32 v31, v48;
	v43 =	vld.idx.msk [tilespmem:v52+s10+$0x0], $0xffff  }
0x281: {  	v50 =	vor.u32 v7, v39;
	v41 =	vadd.f32 v46, v41;
	v46 =	vld.idx.msk [tilespmem:v47+s10+$0x0], $0xffff  }
0x282: {  	v47 =	vor.u32 v6, v39;
	v40 =	vadd.f32 v40, v42;
	v52 =	vld.idx.msk [tilespmem:v53+s10+$0x0], $0xffff  }
0x283: {  	v53 =	vor.u32 v5, v39;
	v41 =	vadd.f32 v49, v41;
	v54 =	vld.idx.msk [tilespmem:v54+s10+$0x0], $0xffff  }
0x284: {  	v49 =	vor.u32 v4, v39;
	v40 =	vadd.f32 v44, v40;
	v51 =	vld.idx.msk [tilespmem:v51+s10+$0x0], $0xffff  }
0x285: {  	v55 =	vor.u32 v3, v39;
	v44 =	vadd.f32 v45, v41;
	v48 =	vld.idx.msk [tilespmem:v48+s10+$0x0], $0xffff  }
0x286: {  	v56 =	vor.u32 v62, v39;
	v40 =	vadd.f32 v43, v40;
	v41 =	vld.idx.msk [tilespmem:v50+s10+$0x0], $0xffff  }
0x287: {  	v45 =	vadd.f32 v46, v44;
	v42 =	vld.idx.msk [tilespmem:v47+s10+$0x0], $0xffff;
	v47 =	vor.u32 v16, v33  }
0x288: {  	v50 =	vor.u32 v17, v33;
	v40 =	vadd.f32 v52, v40;
	v43 =	vld.idx.msk [tilespmem:v53+s10+$0x0], $0xffff  }
0x289: {  	v52 =	vor.u32 v1, v39;
	v44 =	vld.idx.msk [tilespmem:v49+s10+$0x0], $0xffff;
	v49 =	vmul.f32 $1.250000000e-01, v45  }
0x28a: {  	v53 =	vor.u32 v18, v33;
	v40 =	vadd.f32 v54, v40;
	v0 =	vadd.f32 v51, v0;
	v45 =	vld.idx.msk [tilespmem:v55+s10+$0x0], $0xffff  }
0x28b: {  	v51 =	vor.u32 v16, v36;
	v46 =	vld.idx.msk [tilespmem:v56+s10+$0x0], $0xffff;
	[tilespmem:s24+$0x410] =	vst v49  }
0x28c: {  	s25 =	sadd.s32 $0x20, s25;
	v40 =	vmul.f32 $1.250000000e-01, v40;
	v49 =	vor.u32 v19, v33;
	v0 =	vadd.f32 v48, v0;
	v55 =	vld.idx.msk [tilespmem:v47+s10+$0x0], $0xffff  }
0x28d: {  	s0 =	sand.u32 $0x3E0, s25;
	v56 =	vor.u32 v17, v36;
	v50 =	vld.idx.msk [tilespmem:v50+s10+$0x0], $0xffff  }
0x28e: {  	v0 =	vmul.f32 $1.250000000e-01, v0;
	v47 =	vld.idx.msk [tilespmem:v52+s10+$0x0], $0xffff;
	[tilespmem:s0+$0x10400] =	vst v40;
	v40 =	vor.u32 v20, v33  }
0x28f: {  	v58 =	vor.u32 v18, v36;
	v60 =	vld.idx.msk [tilespmem:v53+s10+$0x0], $0xffff  }
0x290: {  	v48 =	vld.idx.msk [tilespmem:v51+s10+$0x0], $0xffff;
	v51 =	vor.u32 v21, v33;
	[tilespmem:s21+$0x10C00] =	vst v0;
	s21 =	smov.u32 s0  }
0x291: {  	v0 =	vor.u32 v19, v36;
	v54 =	vld.idx.msk [tilespmem:v49+s10+$0x0], $0xffff  }
.Ltmp6:
0x292: {  	v52 =	vor.u32 v21, v36;
	s0 =	sadd.s32 $0x1, s26;
	v49 =	vld.idx.msk [tilespmem:v56+s10+$0x0], $0xffff;
	v56 =	vor.u32 v22, v33;
	(pc) =	sbr.rel @p0 .LBB2_14-.Ltmp6, $4  }
0x293: {  	v53 =	vor.u32 v20, v36;
	v59 =	vmov s0;
	v55 =	vadd.f32 v50, v55;
	v57 =	vld.idx.msk [tilespmem:v40+s10+$0x0], $0xffff  }
0x294: {  	v61 =	vshll.u32 v59, $0x7;
	v40 =	vshll.u32 v59, $0x9;
	v59 =	vor.u32 v23, v33;
	v50 =	vld.idx.msk [tilespmem:v58+s10+$0x0], $0xffff  }
0x295: {  	v61 =	vand.u32 $0x380, v61;
	v40 =	vand.u32 $0x7000, v40;
	v60 =	vadd.f32 v60, v55;
	v58 =	vld.idx.msk [tilespmem:v51+s10+$0x0], $0xffff  }
0x296: {  	s26 =	sadd.s32 $0x2, s26;
	v55 =	vor.u32 v22, v36;
	v40 =	vor.u32 v61, v40;
	v51 =	vld.idx.msk [tilespmem:v0+s10+$0x0], $0xffff  }
0x297: {  	v0 =	vor.u32 v62, v40  }
0x298: {  	v61 =	vor.u32 v1, v40  }
0x299: {  	v63 =	vor.u32 v2, v39  }
0x29a: {  	v62 =	vor.u32 v2, v40;
	_ =	sdelay $0x1  }
0x29b: {  	v1 =	vld.idx.msk [tilespmem:v0+s10+$0x0], $0xffff;
	v0 =	vor.u32 v3, v40  }
0x29c: {  	v61 =	vld.idx.msk [tilespmem:v61+s10+$0x0], $0xffff  }
0x29d: {  	v4 =	vor.u32 v4, v40;
	v63 =	vld.idx.msk [tilespmem:v63+s10+$0x0], $0xffff  }
0x29e: {  	v62 =	vld.idx.msk [tilespmem:v62+s10+$0x0], $0xffff  }
0x29f: {  	v3 =	vor.u32 v5, v40  }
0x2a0: {  	v2 =	vor.u32 v6, v40;
	v46 =	vadd.f32 v47, v46;
	v0 =	vld.idx.msk [tilespmem:v0+s10+$0x0], $0xffff  }
0x2a1: {  	v61 =	vadd.f32 v61, v1  }
0x2a2: {  	v1 =	vld.idx.msk [tilespmem:v4+s10+$0x0], $0xffff;
	v46 =	vadd.f32 v63, v46  }
0x2a3: {  	v4 =	vor.u32 v7, v40;
	v6 =	vadd.f32 v62, v61  }
0x2a4: {  	v5 =	vld.idx.msk [tilespmem:v3+s10+$0x0], $0xffff;
	v45 =	vadd.f32 v45, v46  }
0x2a5: {  	v7 =	vld.idx.msk [tilespmem:v2+s10+$0x0], $0xffff;
	v0 =	vadd.f32 v0, v6  }
0x2a6: {  	v62 =	vld [tilespmem:$0x1FEC0];
	v44 =	vadd.f32 v44, v45  }
0x2a7: {  	v54 =	vadd.f32 v54, v60;
	v6 =	vld.idx.msk [tilespmem:v56+s10+$0x0], $0xffff;
	v0 =	vadd.f32 v1, v0  }
0x2a8: {  	v4 =	vld.idx.msk [tilespmem:v4+s10+$0x0], $0xffff;
	v43 =	vadd.f32 v43, v44  }
0x2a9: {  	v54 =	vadd.f32 v57, v54;
	v0 =	vadd.f32 v5, v0  }
0x2aa: {  	v63 =	vld.idx.msk [tilespmem:v59+s10+$0x0], $0xffff;
	v42 =	vadd.f32 v42, v43  }
0x2ab: {  	v36 =	vor.u32 v23, v36;
	v54 =	vadd.f32 v58, v54;
	v0 =	vadd.f32 v7, v0  }
0x2ac: {  	v60 =	vor.u32 v62, v39;
	v41 =	vadd.f32 v41, v42  }
0x2ad: {  	v47 =	vld.idx.msk [tilespmem:v52+s10+$0x0], $0xffff;
	v58 =	vor.u32 v62, v40;
	v5 =	vadd.f32 v6, v54;
	v0 =	vadd.f32 v4, v0  }
0x2ae: {  	v59 =	vor.u32 v9, v40;
	v46 =	vld.idx.msk [tilespmem:v53+s10+$0x0], $0xffff;
	v41 =	vmul.f32 $1.250000000e-01, v41  }
0x2af: {  	s30 =	sadd.s32 $0x20, s24;
	v53 =	vld.idx.msk [tilespmem:v55+s10+$0x0], $0xffff;
	v7 =	vor.u32 v24, v33;
	v6 =	vadd.f32 v63, v5;
	v0 =	vmul.f32 $1.250000000e-01, v0  }
0x2b0: {  	v61 =	vor.u32 v10, v40;
	v54 =	vld.idx.msk [tilespmem:v36+s10+$0x0], $0xffff;
	[tilespmem:s30+$0x0] =	vst v41  }
0x2b1: {  	v63 =	vor.u32 v9, v39;
	v44 =	vmul.f32 $1.250000000e-01, v6;
	v42 =	vld.idx.msk [tilespmem:v60+s10+$0x0], $0xffff;
	[tilespmem:s30+$0x10] =	vst v0  }
0x2b2: {  	v4 =	vor.u32 v11, v40;
	v0 =	vld.idx.msk [tilespmem:v58+s10+$0x0], $0xffff  }
0x2b3: {  	v5 =	vor.u32 v10, v39;
	[tilespmem:s24+$0x810] =	vst v44;
	v52 =	vld.idx.msk [tilespmem:v59+s10+$0x0], $0xffff  }
0x2b4: {  	v48 =	vadd.f32 v49, v48;
	v6 =	vor.u32 v12, v40;
	v36 =	vld.idx.msk [tilespmem:v7+s10+$0x0], $0xffff  }
0x2b5: {  	v7 =	vor.u32 v11, v39;
	v44 =	vld.idx.msk [tilespmem:v61+s10+$0x0], $0xffff  }
0x2b6: {  	v48 =	vadd.f32 v50, v48;
	v60 =	vor.u32 v13, v40;
	v45 =	vld.idx.msk [tilespmem:v63+s10+$0x0], $0xffff  }
0x2b7: {  	v61 =	vor.u32 v12, v39;
	v43 =	vld.idx.msk [tilespmem:v4+s10+$0x0], $0xffff  }
0x2b8: {  	v48 =	vadd.f32 v51, v48;
	v41 =	vld.idx.msk [tilespmem:v5+s10+$0x0], $0xffff;
	v63 =	vor.u32 v14, v40;
	v0 =	vadd.f32 v52, v0  }
0x2b9: {  	v4 =	vor.u32 v13, v39;
	v49 =	vld.idx.msk [tilespmem:v6+s10+$0x0], $0xffff  }
0x2ba: {  	v46 =	vadd.f32 v46, v48;
	v5 =	vor.u32 v15, v40;
	v48 =	vld.idx.msk [tilespmem:v7+s10+$0x0], $0xffff;
	v0 =	vadd.f32 v44, v0  }
0x2bb: {  	v6 =	vor.u32 v14, v39;
	v50 =	vld.idx.msk [tilespmem:v60+s10+$0x0], $0xffff;
	v42 =	vadd.f32 v45, v42  }
0x2bc: {  	v57 =	vor.u32 v25, v33;
	v58 =	vld.idx.msk [tilespmem:v61+s10+$0x0], $0xffff;
	v0 =	vadd.f32 v43, v0  }
0x2bd: {  	v59 =	vor.u32 v15, v39;
	v7 =	vadd.f32 v47, v46;
	v51 =	vld.idx.msk [tilespmem:v63+s10+$0x0], $0xffff;
	v41 =	vadd.f32 v41, v42  }
0x2be: {  	v63 =	vor.u32 v27, v33;
	v52 =	vld.idx.msk [tilespmem:v4+s10+$0x0], $0xffff;
	v0 =	vadd.f32 v49, v0  }
0x2bf: {  	v61 =	vor.u32 v26, v33;
	v4 =	vld.idx.msk [tilespmem:v5+s10+$0x0], $0xffff;
	v60 =	vadd.f32 v53, v7;
	v41 =	vadd.f32 v48, v41  }
0x2c0: {  	v34 =	vor.u32 v35, v34;
	v44 =	vld.idx.msk [tilespmem:v6+s10+$0x0], $0xffff;
	v6 =	vor.u32 v28, v33;
	v0 =	vadd.f32 v50, v0  }
0x2c1: {  	v46 =	vld.idx.msk [tilespmem:v57+s10+$0x0], $0xffff;
	v5 =	vor.u32 v24, v34;
	v42 =	vadd.f32 v54, v60;
	v41 =	vadd.f32 v58, v41  }
0x2c2: {  	v7 =	vor.u32 v25, v34;
	v43 =	vld.idx.msk [tilespmem:v59+s10+$0x0], $0xffff;
	v0 =	vadd.f32 v51, v0  }
0x2c3: {  	v54 =	vor.u32 v29, v33;
	v35 =	vld.idx.msk [tilespmem:v63+s10+$0x0], $0xffff;
	v42 =	vmul.f32 $1.250000000e-01, v42;
	v41 =	vadd.f32 v52, v41  }
0x2c4: {  	v55 =	vor.u32 v16, v40;
	v45 =	vld.idx.msk [tilespmem:v61+s10+$0x0], $0xffff;
	v0 =	vadd.f32 v4, v0  }
0x2c5: {  	v56 =	vor.u32 v17, v40;
	[tilespmem:s21+$0x10800] =	vst v42;
	v49 =	vld.idx.msk [tilespmem:v6+s10+$0x0], $0xffff;
	v41 =	vadd.f32 v44, v41  }
0x2c6: {  	v57 =	vor.u32 v18, v40;
	v48 =	vld.idx.msk [tilespmem:v5+s10+$0x0], $0xffff;
	v0 =	vmul.f32 $1.250000000e-01, v0  }
0x2c7: {  	v58 =	vor.u32 v16, v39;
	v47 =	vld.idx.msk [tilespmem:v7+s10+$0x0], $0xffff;
	v41 =	vadd.f32 v43, v41  }
0x2c8: {  	v59 =	vor.u32 v17, v39;
	v51 =	vld.idx.msk [tilespmem:v54+s10+$0x0], $0xffff;
	[tilespmem:s30+$0x410] =	vst v0  }
0x2c9: {  	s0 =	sadd.s32 $0x20, s25;
	v60 =	vor.u32 v19, v40;
	v41 =	vmul.f32 $1.250000000e-01, v41;
	v42 =	vld.idx.msk [tilespmem:v55+s10+$0x0], $0xffff  }
0x2ca: {  	s25 =	sand.u32 $0x3E0, s0;
	v61 =	vor.u32 v18, v39;
	v44 =	vld.idx.msk [tilespmem:v56+s10+$0x0], $0xffff  }
0x2cb: {  	v63 =	vor.u32 v20, v40;
	[tilespmem:s25+$0x10400] =	vst v41;
	v50 =	vld.idx.msk [tilespmem:v57+s10+$0x0], $0xffff  }
0x2cc: {  	v4 =	vor.u32 v19, v39;
	v43 =	vld.idx.msk [tilespmem:v58+s10+$0x0], $0xffff  }
0x2cd: {  	v6 =	vor.u32 v20, v39;
	v0 =	vld.idx.msk [tilespmem:v59+s10+$0x0], $0xffff  }
0x2ce: {  	v5 =	vor.u32 v21, v40;
	v52 =	vld.idx.msk [tilespmem:v60+s10+$0x0], $0xffff  }
0x2cf: {  	v53 =	vld.idx.msk [tilespmem:v61+s10+$0x0], $0xffff;
	v60 =	vor.u32 v21, v39  }
0x2d0: {  	v7 =	vor.u32 v22, v40;
	v41 =	vld.idx.msk [tilespmem:v63+s10+$0x0], $0xffff;
	v42 =	vadd.f32 v44, v42  }
0x2d1: {  	v61 =	vor.u32 v23, v40;
	v54 =	vld.idx.msk [tilespmem:v4+s10+$0x0], $0xffff  }
0x2d2: {  	v63 =	vor.u32 v22, v39;
	v56 =	vld.idx.msk [tilespmem:v6+s10+$0x0], $0xffff;
	v0 =	vadd.f32 v0, v43;
	v42 =	vadd.f32 v50, v42  }
0x2d3: {  	v4 =	vor.u32 v26, v34;
	v50 =	vld.idx.msk [tilespmem:v5+s10+$0x0], $0xffff  }
0x2d4: {  	v39 =	vor.u32 v23, v39;
	v6 =	vld.idx.msk [tilespmem:v60+s10+$0x0], $0xffff;
	v0 =	vadd.f32 v53, v0;
	v42 =	vadd.f32 v52, v42  }
0x2d5: {  	v5 =	vor.u32 v30, v33;
	v52 =	vld.idx.msk [tilespmem:v7+s10+$0x0], $0xffff  }
0x2d6: {  	v59 =	vld.idx.msk [tilespmem:v61+s10+$0x0], $0xffff;
	v60 =	vor.u32 v31, v33;
	v0 =	vadd.f32 v54, v0;
	v41 =	vadd.f32 v41, v42  }
0x2d7: {  	v61 =	vld.idx.msk [tilespmem:v63+s10+$0x0], $0xffff;
	v63 =	vor.u32 v28, v34  }
0x2d8: {  	v43 =	vld.idx.msk [tilespmem:v4+s10+$0x0], $0xffff;
	v7 =	vor.u32 v27, v34;
	v0 =	vadd.f32 v56, v0;
	v41 =	vadd.f32 v50, v41  }
0x2d9: {  	v4 =	vor.u32 v29, v34;
	v39 =	vld.idx.msk [tilespmem:v39+s10+$0x0], $0xffff  }
0x2da: {  	v53 =	vld.idx.msk [tilespmem:v5+s10+$0x0], $0xffff;
	v5 =	vor.u32 v30, v34;
	v0 =	vadd.f32 v6, v0;
	v41 =	vadd.f32 v52, v41  }
0x2db: {  	v33 =	vld.idx.msk [tilespmem:v60+s10+$0x0], $0xffff;
	v34 =	vor.u32 v31, v34  }
0x2dc: {  	v44 =	vld.idx.msk [tilespmem:v63+s10+$0x0], $0xffff;
	v6 =	vor.u32 v24, v40;
	v0 =	vadd.f32 v61, v0;
	v41 =	vadd.f32 v59, v41  }
0x2dd: {  	v37 =	vor.u32 v38, v37;
	v52 =	vld.idx.msk [tilespmem:v7+s10+$0x0], $0xffff;
	v7 =	vor.u32 v25, v40  }
0x2de: {  	v38 =	vld.idx.msk [tilespmem:v4+s10+$0x0], $0xffff;
	v60 =	vor.u32 v24, v37;
	v0 =	vadd.f32 v39, v0;
	v41 =	vmul.f32 $1.250000000e-01, v41  }
0x2df: {  	v61 =	vor.u32 v25, v37;
	v50 =	vld.idx.msk [tilespmem:v5+s10+$0x0], $0xffff  }
0x2e0: {  	v63 =	vor.u32 v26, v40;
	v34 =	vld.idx.msk [tilespmem:v34+s10+$0x0], $0xffff;
	v0 =	vmul.f32 $1.250000000e-01, v0;
	[tilespmem:s30+$0x810] =	vst v41  }
0x2e1: {  	v4 =	vor.u32 v26, v37;
	v41 =	vld.idx.msk [tilespmem:v6+s10+$0x0], $0xffff  }
0x2e2: {  	v5 =	vor.u32 v27, v40;
	[tilespmem:s25+$0x10800] =	vst v0;
	v54 =	vld.idx.msk [tilespmem:v7+s10+$0x0], $0xffff  }
0x2e3: {  	v0 =	vld.idx.msk [tilespmem:v60+s10+$0x0], $0xffff;
	v6 =	vor.u32 v27, v37  }
0x2e4: {  	v7 =	vor.u32 v28, v40;
	v55 =	vld.idx.msk [tilespmem:v61+s10+$0x0], $0xffff  }
0x2e5: {  	v56 =	vld.idx.msk [tilespmem:v63+s10+$0x0], $0xffff;
	v60 =	vor.u32 v28, v37  }
0x2e6: {  	v36 =	vadd.f32 v46, v36;
	v61 =	vor.u32 v29, v40;
	v42 =	vld.idx.msk [tilespmem:v4+s10+$0x0], $0xffff  }
0x2e7: {  	v47 =	vadd.f32 v47, v48;
	v63 =	vld.idx.msk [tilespmem:v5+s10+$0x0], $0xffff;
	v4 =	vor.u32 v29, v37  }
0x2e8: {  	v36 =	vadd.f32 v45, v36;
	v5 =	vor.u32 v30, v40;
	v41 =	vadd.f32 v54, v41;
	v39 =	vld.idx.msk [tilespmem:v6+s10+$0x0], $0xffff  }
0x2e9: {  	v43 =	vadd.f32 v43, v47;
	v6 =	vld.idx.msk [tilespmem:v7+s10+$0x0], $0xffff;
	v0 =	vadd.f32 v55, v0;
	v7 =	vor.u32 v30, v37  }
0x2ea: {  	v35 =	vadd.f32 v35, v36;
	v55 =	vor.u32 v31, v40;
	v60 =	vld.idx.msk [tilespmem:v60+s10+$0x0], $0xffff;
	v58 =	vadd.f32 v56, v41  }
0x2eb: {  	v43 =	vadd.f32 v52, v43;
	v46 =	vld.idx.msk [tilespmem:v61+s10+$0x0], $0xffff;
	v37 =	vor.u32 v31, v37;
	v0 =	vadd.f32 v42, v0  }
0x2ec: {  	v35 =	vadd.f32 v49, v35;
	v61 =	vld.idx.msk [tilespmem:v4+s10+$0x0], $0xffff;
	v40 =	vadd.f32 v63, v58  }
0x2ed: {  	v43 =	vadd.f32 v44, v43;
	v63 =	vld.idx.msk [tilespmem:v5+s10+$0x0], $0xffff;
	v0 =	vadd.f32 v39, v0  }
0x2ee: {  	v35 =	vadd.f32 v51, v35;
	v5 =	vld.idx.msk [tilespmem:v7+s10+$0x0], $0xffff;
	v4 =	vadd.f32 v6, v40  }
0x2ef: {  	v38 =	vadd.f32 v38, v43;
	v36 =	vld.idx.msk [tilespmem:v55+s10+$0x0], $0xffff;
	v0 =	vadd.f32 v60, v0  }
0x2f0: {  	v35 =	vadd.f32 v53, v35;
	v37 =	vld.idx.msk [tilespmem:v37+s10+$0x0], $0xffff;
	v39 =	vadd.f32 v46, v4  }
0x2f1: {  	v38 =	vadd.f32 v50, v38;
	v0 =	vadd.f32 v61, v0  }
0x2f2: {  	s31 =	simm.s32 $0x1;
	v33 =	vadd.f32 v33, v35;
	v6 =	vadd.f32 v63, v39  }
0x2f3: {  	s26 =	simm.s32 $0x0;
	s20 =	sand.u32 $0xC00, s20;
	s0 =	sand.u32 $0xF, s31;
	v34 =	vadd.f32 v34, v38;
	v0 =	vadd.f32 v5, v0  }
0x2f4: {  	s26 =	sand.u32 $0xE, s26;
	s0 =	sor.u32 s0, s20;
	v33 =	vmul.f32 $1.250000000e-01, v33;
	v35 =	vadd.f32 v36, v6  }
0x2f5: {  	s26 =	sor.u32 s26, s20;
	v34 =	vmul.f32 $1.250000000e-01, v34;
	v7 =	vor.u32 s0, v32;
	v0 =	vadd.f32 v37, v0  }
0x2f6: {  	[tilespmem:s22+$0xC10] =	vst v33;
	v41 =	vor.u32 s26, v32;
	v40 =	vmul.f32 $1.250000000e-01, v35  }
0x2f7: {  	[tilespmem:s21+$0x10C00] =	vst v34;
	v0 =	vmul.f32 $1.250000000e-01, v0  }
0x2f8: {  	s31 =	simm.s32 $0x2;
	s20 =	sor.u32 $0x100, s26;
	s29 =	sor.u32 $0x100, s0;
	[tilespmem:s30+$0xC10] =	vst v40  }
0x2f9: {  	v42 =	vor.u32 s29, v32;
	s29 =	sand.u32 $0xE, s31;
	s31 =	sor.u32 $0x200, s26;
	s30 =	simm.s32 $0x80;
	[tilespmem:s25+$0x10C00] =	vst v0  }
0x2fa: {  	s25 =	simm.s32 $0x3;
	s24 =	sand.u32 $0xC00, s30;
	s30 =	sor.u32 $0x200, s0;
	v0 =	vld.idx.msk [tilespmem:v7+s12+$0x0], $0xffff  }
0x2fb: {  	v33 =	vld.idx.msk [tilespmem:v41+s12+$0x0], $0xffff;
	s21 =	sand.u32 $0xF, s25;
	s22 =	sor.u32 s29, s24;
	v46 =	vor.u32 s30, v32;
	s30 =	simm.s32 $0x100  }
0x2fc: {  	v43 =	vor.u32 s20, v32;
	s29 =	simm.s32 $0x4;
	s28 =	sor.u32 s21, s24;
	s21 =	simm.s32 $0x5  }
0x2fd: {  	v47 =	vor.u32 s31, v32;
	s25 =	sand.u32 $0xC00, s30;
	v44 =	vor.u32 s28, v32;
	s31 =	sor.u32 $0x100, s28;
	s20 =	sand.u32 $0xF, s21  }
0x2fe: {  	v45 =	vor.u32 s22, v32;
	s24 =	sor.u32 $0x100, s22;
	v48 =	vor.u32 s31, v32;
	s31 =	sand.u32 $0xE, s29;
	s21 =	sor.u32 s20, s25  }
0x2ff: {  	v49 =	vor.u32 s24, v32;
	s24 =	sor.u32 s31, s25;
	v50 =	vor.u32 s21, v32;
	[tilespmem:s23+$0x0] =	vst v0  }
0x300: {  	[tilespmem:s23+$0xFFFFFF80] =	vst v33;
	v51 =	vor.u32 s24, v32;
	v0 =	vld.idx.msk [tilespmem:v42+s12+$0x0], $0xffff  }
0x301: {  	v33 =	vld.idx.msk [tilespmem:v43+s12+$0x0], $0xffff  }
0x302: {  	v36 =	vld.idx.msk [tilespmem:v44+s12+$0x0], $0xffff  }
0x303: {  	v37 =	vld.idx.msk [tilespmem:v45+s12+$0x0], $0xffff  }
0x304: {  	s25 =	sor.u32 $0x100, s21;
	v60 =	vld.idx.msk [tilespmem:v50+s12+$0x0], $0xffff  }
0x305: {  	s29 =	sor.u32 $0x300, s26;
	s26 =	sor.u32 $0x100, s24;
	v61 =	vor.u32 s25, v32;
	[tilespmem:s23+$0x10] =	vst v0;
	v0 =	vld.idx.msk [tilespmem:v51+s12+$0x0], $0xffff  }
0x306: {  	s0 =	sor.u32 $0x300, s0;
	s20 =	simm.s32 $0x111C0;
	v63 =	vor.u32 s26, v32;
	[tilespmem:s23+$0xFFFFFF90] =	vst v33;
	v52 =	vld.idx.msk [tilespmem:v46+s12+$0x0], $0xffff  }
0x307: {  	v54 =	vor.u32 s0, v32;
	s31 =	sor.u32 $0x200, s22;
	s22 =	sor.u32 $0x300, s22;
	[tilespmem:s20+$0x0] =	vst v36;
	v53 =	vld.idx.msk [tilespmem:v47+s12+$0x0], $0xffff  }
0x308: {  	s30 =	sor.u32 $0x200, s28;
	v55 =	vor.u32 s29, v32;
	s29 =	sor.u32 $0x200, s24;
	v34 =	vor.u32 s22, v32;
	s22 =	simm.s32 $0x112C0;
	[tilespmem:s20+$0xFFFFFF80] =	vst v37;
	v56 =	vld.idx.msk [tilespmem:v48+s12+$0x0], $0xffff  }
0x309: {  	v58 =	vor.u32 s30, v32;
	s0 =	sor.u32 $0x300, s24;
	s24 =	simm.s32 $0x7;
	s26 =	simm.s32 $0x180;
	v57 =	vld.idx.msk [tilespmem:v49+s12+$0x0], $0xffff;
	[tilespmem:s22+$0x0] =	vst v60  }
0x30a: {  	v59 =	vor.u32 s31, v32;
	s25 =	simm.s32 $0x6;
	s24 =	sand.u32 $0xF, s24;
	s31 =	sand.u32 $0xC00, s26;
	v45 =	vld.idx.msk [tilespmem:v61+s12+$0x0], $0xffff;
	[tilespmem:s22+$0xFFFFFF80] =	vst v0  }
0x30b: {  	s30 =	sand.u32 $0xE, s25;
	s24 =	sor.u32 s24, s31;
	[tilespmem:s23+$0x20] =	vst v52;
	v46 =	vld.idx.msk [tilespmem:v63+s12+$0x0], $0xffff  }
0x30c: {  	v35 =	vor.u32 s29, v32;
	s29 =	sor.u32 s30, s31;
	v47 =	vor.u32 s24, v32;
	[tilespmem:s23+$0xFFFFFFA0] =	vst v53;
	v40 =	vld.idx.msk [tilespmem:v54+s12+$0x0], $0xffff  }
0x30d: {  	s28 =	sor.u32 $0x300, s28;
	v43 =	vor.u32 s29, v32;
	s30 =	sor.u32 $0x100, s29;
	[tilespmem:s20+$0x10] =	vst v56;
	v41 =	vld.idx.msk [tilespmem:v55+s12+$0x0], $0xffff  }
0x30e: {  	v44 =	vor.u32 s28, v32;
	s31 =	sor.u32 $0x200, s29;
	s29 =	sor.u32 $0x300, s29;
	v39 =	vor.u32 s30, v32;
	[tilespmem:s20+$0xFFFFFF90] =	vst v57;
	v38 =	vld.idx.msk [tilespmem:v58+s12+$0x0], $0xffff  }
0x30f: {  	s28 =	sor.u32 $0x200, s21;
	v33 =	vor.u32 s0, v32;
	v37 =	vor.u32 s31, v32;
	v36 =	vor.u32 s29, v32;
	v42 =	vld.idx.msk [tilespmem:v59+s12+$0x0], $0xffff  }
.LBB2_16:
0x310: {  	s0 =	smov.u32 s25  }
0x311: {  	v0 =	vld.idx.msk [tilespmem:v47+s12+$0x0], $0xffff;
	v48 =	vor.u32 s28, v32;
	[tilespmem:s23+$0x30] =	vst v40;
	s25 =	sadd.s32 $0x2, s25;
	s28 =	sor.u32 $0x100, s24;
	s26 =	sadd.s32 $0x80, s26  }
0x312: {  	s0 =	sadd.s32 $0x3, s0;
	v49 =	vld.idx.msk [tilespmem:v43+s12+$0x0], $0xffff;
	[tilespmem:s23+$0xFFFFFFB0] =	vst v41;
	s23 =	sand.u32 $0xE, s25;
	s29 =	sand.u32 $0xC00, s26  }
0x313: {  	v50 =	vor.u32 s28, v32;
	s0 =	sand.u32 $0xF, s0;
	[tilespmem:s20+$0x20] =	vst v38;
	s23 =	sor.u32 s23, s29  }
0x314: {  	p0 =	slt.u32 s25, $0x3E;
	s0 =	sor.u32 s0, s29;
	[tilespmem:s20+$0xFFFFFFA0] =	vst v42;
	v40 =	vld.idx.msk [tilespmem:v44+s12+$0x0], $0xffff;
	s28 =	sor.u32 $0x100, s23  }
.Ltmp7:
0x315: {  	v43 =	vor.u32 s23, v32;
	s29 =	sor.u32 $0x200, s23;
	s30 =	sor.u32 $0x300, s23;
	v47 =	vor.u32 s0, v32;
	[tilespmem:s22+$0x10] =	vst v45;
	v41 =	vld.idx.msk [tilespmem:v34+s12+$0x0], $0xffff;
	(pc) =	sbr.rel @p0 .LBB2_16-.Ltmp7, $4  }
0x316: {  	s23 =	smov.u32 s20;
	s20 =	smov.u32 s22;
	v51 =	vor.u32 s28, v32;
	v44 =	vor.u32 s29, v32;
	v34 =	vmovc v33;
	v33 =	vmov v36;
	[tilespmem:s22+$0xFFFFFF90] =	vst v46;
	v38 =	vld.idx.msk [tilespmem:v48+s12+$0x0], $0xffff;
	s22 =	sadd.s32 $0x100, s22  }
0x317: {  	v36 =	vor.u32 s30, v32;
	s28 =	sor.u32 $0x300, s21;
	s21 =	smov.u32 s24;
	s24 =	smov.u32 s0;
	[tilespmem:s22+$0x0] =	vst v0;
	v42 =	vld.idx.msk [tilespmem:v35+s12+$0x0], $0xffff;
	v35 =	vmov v37;
	v37 =	vmov v44  }
0x318: {  	v44 =	vor.u32 s28, v32;
	[tilespmem:s22+$0xFFFFFF80] =	vst v49;
	v45 =	vld.idx.msk [tilespmem:v50+s12+$0x0], $0xffff  }
0x319: {  	s28 =	sor.u32 $0x200, s21;
	v46 =	vld.idx.msk [tilespmem:v39+s12+$0x0], $0xffff;
	v39 =	vmov v51  }
0x31a: {  	_ =	sdelay $0x3  }
0x31b: {  	v0 =	vld.idx.msk [tilespmem:v47+s12+$0x0], $0xffff;
	s0 =	sor.u32 $0x100, s24  }
0x31c: {  	v43 =	vld.idx.msk [tilespmem:v43+s12+$0x0], $0xffff;
	v57 =	vor.u32 s0, v32;
	_ =	sdelay $0x2  }
0x31d: {  	s26 =	sadd.s32 $0x100, s22  }
0x31e: {  	v48 =	vor.u32 s28, v32;
	[tilespmem:s26+$0x0] =	vst v0  }
0x31f: {  	s25 =	sor.u32 $0x200, s24;
	[tilespmem:s26+$0xFFFFFF80] =	vst v43;
	v0 =	vld.idx.msk [tilespmem:v57+s12+$0x0], $0xffff  }
0x320: {  	[tilespmem:s23+$0x30] =	vst v40;
	v58 =	vor.u32 s25, v32;
	v39 =	vld.idx.msk [tilespmem:v39+s12+$0x0], $0xffff  }
0x321: {  	[tilespmem:s23+$0xFFFFFFB0] =	vst v41  }
0x322: {  	[tilespmem:s22+$0x10] =	vst v45  }
0x323: {  	s21 =	sor.u32 $0x300, s21;
	[tilespmem:s22+$0xFFFFFF90] =	vst v46;
	v59 =	vld.idx.msk [tilespmem:v48+s12+$0x0], $0xffff  }
0x324: {  	v60 =	vor.u32 s21, v32;
	v35 =	vld.idx.msk [tilespmem:v35+s12+$0x0], $0xffff;
	[tilespmem:s26+$0x10] =	vst v0  }
0x325: {  	s28 =	sor.u32 $0x300, s24;
	[tilespmem:s26+$0xFFFFFF90] =	vst v39;
	v0 =	vld.idx.msk [tilespmem:v58+s12+$0x0], $0xffff  }
0x326: {  	[tilespmem:s20+$0x20] =	vst v38;
	v61 =	vor.u32 s28, v32;
	v37 =	vld.idx.msk [tilespmem:v37+s12+$0x0], $0xffff  }
0x327: {  	[tilespmem:s20+$0xFFFFFFA0] =	vst v42;
	v63 =	vld.idx.msk [tilespmem:v44+s12+$0x0], $0xffff  }
0x328: {  	v34 =	vld.idx.msk [tilespmem:v34+s12+$0x0], $0xffff;
	[tilespmem:s22+$0x20] =	vst v59  }
0x329: {  	[tilespmem:s22+$0xFFFFFFA0] =	vst v35;
	v42 =	vld.idx.msk [tilespmem:v60+s12+$0x0], $0xffff  }
0x32a: {  	v33 =	vld.idx.msk [tilespmem:v33+s12+$0x0], $0xffff;
	[tilespmem:s26+$0x20] =	vst v0  }
0x32b: {  	[tilespmem:s26+$0xFFFFFFA0] =	vst v37;
	v0 =	vld.idx.msk [tilespmem:v61+s12+$0x0], $0xffff  }
0x32c: {  	[tilespmem:s20+$0x30] =	vst v63;
	v36 =	vld.idx.msk [tilespmem:v36+s12+$0x0], $0xffff  }
0x32d: {  	[tilespmem:s20+$0xFFFFFFB0] =	vst v34  }
0x32e: {  	[tilespmem:s22+$0x30] =	vst v42  }
0x32f: {  	[tilespmem:s22+$0xFFFFFFB0] =	vst v33  }
0x330: {  	[tilespmem:s26+$0x30] =	vst v0  }
0x331: {  	s24 =	simm.s32 $0x10000;
	[tilespmem:s26+$0xFFFFFFB0] =	vst v36  }
0x332: {  	[hbm4b:s6+s14] =	stream.strided.scatter [tilespmem:s15], [sflag:$0x3], $0x2000, s24, s14, $0x38;
	[tilespmem:$0x15000] =	vst v63  }
0x333: {  	s20 =	simm.s32 $0x0  }
0x334: {  	v43 =	vmov s20;
	v1 =	vld [tilespmem:$0x1FE40];
	[tilespmem:s10], [sflag:$0x2] =	stream.linear.gather [hbm4b:s7+s20], $0x8000, $0x38  }
0x335: {  	s29 =	simm.s32 $0x1;
	v34 =	vshll.u32 v43, $0x9;
	_ =	swait.ge [sflag:s11], $0x8000  }
0x336: {  	v45 =	vmov s29;
	v44 =	vand.u32 $0x7000, v34;
	v0 =	vshll.u32 v43, $0x7;
	v2 =	vld [tilespmem:$0x1FE50]  }
0x337: {  	v37 =	vshll.u32 v45, $0x7;
	v35 =	vand.u32 $0x300, v0;
	v0 =	vshll.u32 v45, $0x9  }
0x338: {  	v46 =	vand.u32 $0x380, v37;
	v36 =	vor.u32 v35, v44;
	v0 =	vand.u32 $0x7000, v0;
	v3 =	vld [tilespmem:$0x1FE60]  }
0x339: {  	v33 =	vor.u32 v46, v0;
	v4 =	vld [tilespmem:$0x1FE70];
	v47 =	vor.u32 v1, v36  }
0x33a: {  	v5 =	vld [tilespmem:$0x1FE80];
	v0 =	vor.u32 v1, v33  }
0x33b: {  	v6 =	vld [tilespmem:$0x1FE90];
	v48 =	vor.u32 v2, v33  }
0x33c: {  	[sflag:s11] =	ssyncset.done $0x0;
	v7 =	vld [tilespmem:$0x1FEA0];
	v49 =	vor.u32 v2, v36  }
0x33d: {  	v8 =	vld [tilespmem:$0x1FEB0];
	[sflag:s11] =	ssyncadd.s32 $0xFFFF8000;
	v50 =	vor.u32 v3, v33  }
0x33e: {  	v51 =	vor.u32 v3, v36;
	v37 =	vld.idx.msk [tilespmem:v47+s20+$0x0], $0xffff  }
0x33f: {  	v52 =	vor.u32 v4, v33;
	v0 =	vld.idx.msk [tilespmem:v0+s20+$0x0], $0xffff  }
0x340: {  	v53 =	vor.u32 v4, v36;
	v38 =	vld.idx.msk [tilespmem:v48+s20+$0x0], $0xffff  }
0x341: {  	v54 =	vor.u32 v5, v33;
	v39 =	vld.idx.msk [tilespmem:v49+s20+$0x0], $0xffff  }
0x342: {  	v55 =	vor.u32 v5, v36;
	v40 =	vld.idx.msk [tilespmem:v50+s20+$0x0], $0xffff  }
0x343: {  	v56 =	vor.u32 v6, v33;
	v41 =	vld.idx.msk [tilespmem:v51+s20+$0x0], $0xffff  }
0x344: {  	v57 =	vor.u32 v6, v36;
	v42 =	vld.idx.msk [tilespmem:v52+s20+$0x0], $0xffff  }
0x345: {  	v58 =	vor.u32 v7, v33;
	v43 =	vld.idx.msk [tilespmem:v53+s20+$0x0], $0xffff;
	v0 =	vadd.f32 v38, v0  }
0x346: {  	v59 =	vor.u32 v7, v36;
	v44 =	vld.idx.msk [tilespmem:v54+s20+$0x0], $0xffff  }
0x347: {  	v45 =	vld.idx.msk [tilespmem:v55+s20+$0x0], $0xffff;
	v49 =	vor.u32 v8, v33;
	v37 =	vadd.f32 v39, v37;
	v0 =	vadd.f32 v40, v0  }
0x348: {  	v60 =	vld.idx.msk [tilespmem:v56+s20+$0x0], $0xffff  }
0x349: {  	v61 =	vor.u32 v8, v36;
	v63 =	vld.idx.msk [tilespmem:v57+s20+$0x0], $0xffff;
	v37 =	vadd.f32 v41, v37;
	v0 =	vadd.f32 v42, v0  }
0x34a: {  	v48 =	vld.idx.msk [tilespmem:v58+s20+$0x0], $0xffff  }
0x34b: {  	v38 =	vld.idx.msk [tilespmem:v59+s20+$0x0], $0xffff;
	v37 =	vadd.f32 v43, v37;
	v0 =	vadd.f32 v44, v0  }
0x34c: {  	v50 =	vld.idx.msk [tilespmem:v49+s20+$0x0], $0xffff  }
0x34d: {  	v37 =	vadd.f32 v45, v37;
	v0 =	vadd.f32 v60, v0  }
0x34e: {  	v51 =	vld.idx.msk [tilespmem:v61+s20+$0x0], $0xffff  }
0x34f: {  	v37 =	vadd.f32 v63, v37;
	v0 =	vadd.f32 v48, v0;
	_ =	sdelay $0x1  }
0x350: {  	v52 =	vor.u32 v62, v33;
	v37 =	vadd.f32 v38, v37;
	v0 =	vadd.f32 v50, v0  }
0x351: {  	v53 =	vor.u32 v9, v33  }
0x352: {  	v54 =	vor.u32 v62, v36;
	v37 =	vadd.f32 v51, v37;
	v0 =	vmul.f32 $1.250000000e-01, v0  }
0x353: {  	v55 =	vor.u32 v10, v33  }
0x354: {  	v56 =	vor.u32 v9, v36;
	v37 =	vmul.f32 $1.250000000e-01, v37;
	[tilespmem:s24+$0x10] =	vst v0  }
0x355: {  	v57 =	vor.u32 v11, v33;
	v0 =	vld.idx.msk [tilespmem:v52+s20+$0x0], $0xffff  }
0x356: {  	v58 =	vor.u32 v10, v36;
	[tilespmem:s24+$0x0] =	vst v37;
	v40 =	vld.idx.msk [tilespmem:v53+s20+$0x0], $0xffff  }
0x357: {  	v59 =	vor.u32 v12, v33;
	v39 =	vld.idx.msk [tilespmem:v54+s20+$0x0], $0xffff  }
0x358: {  	v60 =	vor.u32 v11, v36;
	v41 =	vld.idx.msk [tilespmem:v55+s20+$0x0], $0xffff  }
0x359: {  	v61 =	vor.u32 v13, v33;
	v42 =	vld.idx.msk [tilespmem:v56+s20+$0x0], $0xffff  }
0x35a: {  	v63 =	vor.u32 v12, v36;
	v54 =	vld.idx.msk [tilespmem:v57+s20+$0x0], $0xffff  }
0x35b: {  	s30 =	simm.s32 $0x2;
	v50 =	vor.u32 v15, v33;
	v55 =	vld.idx.msk [tilespmem:v58+s20+$0x0], $0xffff;
	v56 =	vor.u32 v14, v33;
	v0 =	vadd.f32 v40, v0  }
0x35c: {  	v57 =	vmov s30;
	v58 =	vor.u32 v13, v36;
	v43 =	vld.idx.msk [tilespmem:v59+s20+$0x0], $0xffff;
	v59 =	vor.u32 v14, v36  }
0x35d: {  	v44 =	vld.idx.msk [tilespmem:v60+s20+$0x0], $0xffff;
	v37 =	vshll.u32 v57, $0x9;
	v38 =	vshll.u32 v57, $0x7;
	v0 =	vadd.f32 v41, v0  }
0x35e: {  	v45 =	vld.idx.msk [tilespmem:v61+s20+$0x0], $0xffff;
	v51 =	vand.u32 $0x7000, v37;
	v38 =	vand.u32 $0x300, v38;
	v42 =	vadd.f32 v42, v39  }
0x35f: {  	v46 =	vld.idx.msk [tilespmem:v63+s20+$0x0], $0xffff;
	v60 =	vor.u32 v15, v36;
	v39 =	vor.u32 v38, v51;
	v0 =	vadd.f32 v54, v0  }
0x360: {  	v49 =	vld.idx.msk [tilespmem:v56+s20+$0x0], $0xffff;
	v61 =	vor.u32 v8, v39;
	v42 =	vadd.f32 v55, v42  }
0x361: {  	v40 =	vld.idx.msk [tilespmem:v58+s20+$0x0], $0xffff;
	v51 =	vor.u32 v5, v39;
	v0 =	vadd.f32 v43, v0  }
0x362: {  	v63 =	vld.idx.msk [tilespmem:v50+s20+$0x0], $0xffff;
	v58 =	vor.u32 v1, v39;
	v42 =	vadd.f32 v44, v42  }
0x363: {  	v56 =	vld.idx.msk [tilespmem:v59+s20+$0x0], $0xffff;
	v55 =	vor.u32 v6, v39;
	v0 =	vadd.f32 v45, v0  }
0x364: {  	v47 =	vld.idx.msk [tilespmem:v60+s20+$0x0], $0xffff;
	v57 =	vor.u32 v4, v39;
	v42 =	vadd.f32 v46, v42  }
0x365: {  	v54 =	vor.u32 v7, v39;
	v41 =	vld.idx.msk [tilespmem:v61+s20+$0x0], $0xffff;
	v0 =	vadd.f32 v49, v0  }
0x366: {  	v52 =	vor.u32 v2, v39;
	v44 =	vld.idx.msk [tilespmem:v51+s20+$0x0], $0xffff;
	v40 =	vadd.f32 v40, v42  }
0x367: {  	v59 =	vor.u32 v16, v33;
	v46 =	vld.idx.msk [tilespmem:v58+s20+$0x0], $0xffff;
	v0 =	vadd.f32 v63, v0  }
0x368: {  	v60 =	vor.u32 v17, v33;
	v43 =	vld.idx.msk [tilespmem:v55+s20+$0x0], $0xffff;
	v40 =	vadd.f32 v56, v40  }
0x369: {  	v61 =	vor.u32 v18, v33;
	v45 =	vld.idx.msk [tilespmem:v57+s20+$0x0], $0xffff;
	v0 =	vmul.f32 $1.250000000e-01, v0  }
0x36a: {  	v42 =	vld.idx.msk [tilespmem:v54+s20+$0x0], $0xffff;
	v40 =	vadd.f32 v47, v40;
	v63 =	vor.u32 v16, v36  }
0x36b: {  	v53 =	vor.u32 v19, v33;
	v47 =	vld.idx.msk [tilespmem:v52+s20+$0x0], $0xffff;
	[tilespmem:s24+$0x410] =	vst v0  }
0x36c: {  	v55 =	vor.u32 v17, v36;
	v40 =	vmul.f32 $1.250000000e-01, v40;
	v0 =	vld.idx.msk [tilespmem:v59+s20+$0x0], $0xffff  }
0x36d: {  	s21 =	sand.u32 $0x3E0, s20;
	v57 =	vor.u32 v20, v33;
	v50 =	vld.idx.msk [tilespmem:v60+s20+$0x0], $0xffff  }
0x36e: {  	v58 =	vor.u32 v21, v33;
	[tilespmem:s21+$0x10400] =	vst v40;
	v51 =	vld.idx.msk [tilespmem:v61+s20+$0x0], $0xffff  }
0x36f: {  	v40 =	vor.u32 v18, v36;
	v48 =	vld.idx.msk [tilespmem:v63+s20+$0x0], $0xffff  }
0x370: {  	v61 =	vor.u32 v19, v36;
	v54 =	vld.idx.msk [tilespmem:v53+s20+$0x0], $0xffff  }
0x371: {  	s31 =	simm.s32 $0x3;
	v56 =	vor.u32 v22, v33;
	v52 =	vor.u32 v21, v36;
	v49 =	vld.idx.msk [tilespmem:v55+s20+$0x0], $0xffff  }
0x372: {  	v55 =	vmov s31;
	v53 =	vor.u32 v20, v36;
	v57 =	vld.idx.msk [tilespmem:v57+s20+$0x0], $0xffff;
	v0 =	vadd.f32 v50, v0  }
0x373: {  	v59 =	vor.u32 v23, v33;
	v58 =	vld.idx.msk [tilespmem:v58+s20+$0x0], $0xffff;
	v60 =	vshll.u32 v55, $0x9;
	v55 =	vshll.u32 v55, $0x7  }
0x374: {  	v55 =	vand.u32 $0x380, v55;
	v50 =	vld.idx.msk [tilespmem:v40+s20+$0x0], $0xffff;
	v40 =	vand.u32 $0x7000, v60;
	v60 =	vadd.f32 v51, v0  }
0x375: {  	s25 =	simm.s32 $0x0;
	s22 =	simm.s32 $0x10000;
	s26 =	simm.s32 $0x4;
	v40 =	vor.u32 v55, v40;
	v55 =	vor.u32 v22, v36;
	v51 =	vld.idx.msk [tilespmem:v61+s20+$0x0], $0xffff  }
.LBB2_18:
0x376: {  	p0 =	slt.u32 s26, $0x3E;
	v0 =	vor.u32 v1, v40;
	v54 =	vadd.f32 v54, v60;
	v56 =	vld.idx.msk [tilespmem:v56+s20+$0x0], $0xffff  }
0x377: {  	v60 =	vor.u32 v2, v40;
	v48 =	vadd.f32 v49, v48;
	v49 =	vld.idx.msk [tilespmem:v53+s20+$0x0], $0xffff  }
0x378: {  	v53 =	vor.u32 v23, v36;
	v36 =	vmov v39;
	v54 =	vadd.f32 v57, v54;
	v57 =	vld.idx.msk [tilespmem:v59+s20+$0x0], $0xffff  }
0x379: {  	v39 =	vor.u32 v3, v40;
	v48 =	vadd.f32 v50, v48;
	v50 =	vld.idx.msk [tilespmem:v52+s20+$0x0], $0xffff  }
0x37a: {  	v52 =	vor.u32 v3, v36;
	v55 =	vld.idx.msk [tilespmem:v55+s20+$0x0], $0xffff;
	v54 =	vadd.f32 v58, v54  }
0x37b: {  	v58 =	vor.u32 v4, v40;
	v48 =	vadd.f32 v51, v48;
	v0 =	vld.idx.msk [tilespmem:v0+s20+$0x0], $0xffff  }
0x37c: {  	v59 =	vor.u32 v6, v40;
	v51 =	vld.idx.msk [tilespmem:v60+s20+$0x0], $0xffff;
	v54 =	vadd.f32 v56, v54  }
0x37d: {  	v56 =	vor.u32 v5, v40;
	v48 =	vadd.f32 v49, v48;
	v49 =	vld.idx.msk [tilespmem:v53+s20+$0x0], $0xffff  }
0x37e: {  	v39 =	vld.idx.msk [tilespmem:v39+s20+$0x0], $0xffff;
	v53 =	vadd.f32 v57, v54;
	v54 =	vor.u32 v24, v33  }
0x37f: {  	v48 =	vadd.f32 v50, v48;
	v50 =	vor.u32 v25, v33;
	v52 =	vld.idx.msk [tilespmem:v52+s20+$0x0], $0xffff  }
0x380: {  	v57 =	vld.idx.msk [tilespmem:v58+s20+$0x0], $0xffff;
	v58 =	vor.u32 v7, v40;
	v53 =	vmul.f32 $1.250000000e-01, v53  }
0x381: {  	v60 =	vor.u32 v26, v33;
	v55 =	vadd.f32 v55, v48;
	v48 =	vor.u32 v35, v34;
	v59 =	vld.idx.msk [tilespmem:v59+s20+$0x0], $0xffff  }
0x382: {  	v34 =	vmov v37;
	v0 =	vadd.f32 v51, v0;
	v51 =	vld.idx.msk [tilespmem:v56+s20+$0x0], $0xffff;
	v56 =	vor.u32 v8, v40;
	[tilespmem:s24+$0x810] =	vst v53  }
0x383: {  	v37 =	vadd.f32 v47, v46;
	v46 =	vadd.f32 v49, v55;
	v49 =	vor.u32 v27, v33;
	v47 =	vld.idx.msk [tilespmem:v54+s20+$0x0], $0xffff  }
0x384: {  	v35 =	vmov v38;
	v0 =	vadd.f32 v39, v0;
	v39 =	vor.u32 v24, v48;
	v50 =	vld.idx.msk [tilespmem:v50+s20+$0x0], $0xffff  }
0x385: {  	v37 =	vadd.f32 v52, v37;
	v46 =	vmul.f32 $1.250000000e-01, v46;
	v52 =	vor.u32 v28, v33;
	v38 =	vld.idx.msk [tilespmem:v58+s20+$0x0], $0xffff  }
0x386: {  	v53 =	vor.u32 v25, v48;
	v0 =	vadd.f32 v57, v0;
	v54 =	vld.idx.msk [tilespmem:v60+s20+$0x0], $0xffff  }
0x387: {  	v37 =	vadd.f32 v45, v37;
	v45 =	vld.idx.msk [tilespmem:v56+s20+$0x0], $0xffff;
	[tilespmem:s21+$0x10800] =	vst v46;
	v46 =	vor.u32 v29, v33  }
0x388: {  	v0 =	vadd.f32 v51, v0;
	v51 =	vor.u32 v26, v48;
	v49 =	vld.idx.msk [tilespmem:v49+s20+$0x0], $0xffff  }
0x389: {  	v37 =	vadd.f32 v44, v37;
	v44 =	vor.u32 v30, v33;
	v39 =	vld.idx.msk [tilespmem:v39+s20+$0x0], $0xffff  }
0x38a: {  	v55 =	vor.u32 v27, v48;
	v0 =	vadd.f32 v59, v0;
	v47 =	vadd.f32 v50, v47;
	v50 =	vld.idx.msk [tilespmem:v52+s20+$0x0], $0xffff  }
0x38b: {  	v37 =	vadd.f32 v43, v37;
	v52 =	vor.u32 v31, v33;
	v33 =	vmov v40;
	v43 =	vld.idx.msk [tilespmem:v53+s20+$0x0], $0xffff  }
0x38c: {  	v0 =	vadd.f32 v38, v0;
	v38 =	vor.u32 v28, v48;
	v40 =	vadd.f32 v54, v47;
	v46 =	vld.idx.msk [tilespmem:v46+s20+$0x0], $0xffff  }
0x38d: {  	v47 =	vor.u32 v29, v48;
	v37 =	vadd.f32 v42, v37;
	v42 =	vld.idx.msk [tilespmem:v51+s20+$0x0], $0xffff  }
0x38e: {  	v0 =	vadd.f32 v45, v0;
	v45 =	vor.u32 v62, v33;
	v40 =	vadd.f32 v49, v40;
	v44 =	vld.idx.msk [tilespmem:v44+s20+$0x0], $0xffff  }
0x38f: {  	v37 =	vadd.f32 v41, v37;
	v41 =	vor.u32 v9, v33;
	v49 =	vld.idx.msk [tilespmem:v55+s20+$0x0], $0xffff  }
0x390: {  	v51 =	vor.u32 v62, v36;
	v0 =	vmul.f32 $1.250000000e-01, v0;
	v40 =	vadd.f32 v50, v40;
	v50 =	vld.idx.msk [tilespmem:v52+s20+$0x0], $0xffff  }
0x391: {  	s24 =	sadd.s32 $0x20, s24;
	v37 =	vmul.f32 $1.250000000e-01, v37;
	v52 =	vor.u32 v10, v33;
	v39 =	vadd.f32 v43, v39;
	v38 =	vld.idx.msk [tilespmem:v38+s20+$0x0], $0xffff  }
0x392: {  	v43 =	vor.u32 v9, v36;
	v40 =	vadd.f32 v46, v40;
	[tilespmem:s24+$0x10] =	vst v0;
	v0 =	vld.idx.msk [tilespmem:v47+s20+$0x0], $0xffff  }
0x393: {  	v39 =	vadd.f32 v42, v39;
	[tilespmem:s24+$0x0] =	vst v37;
	v37 =	vld.idx.msk [tilespmem:v45+s20+$0x0], $0xffff;
	v45 =	vor.u32 v11, v33  }
0x394: {  	v42 =	vor.u32 v10, v36;
	v40 =	vadd.f32 v44, v40;
	v41 =	vld.idx.msk [tilespmem:v41+s20+$0x0], $0xffff  }
0x395: {  	v46 =	vor.u32 v12, v33;
	v39 =	vadd.f32 v49, v39;
	v44 =	vld.idx.msk [tilespmem:v51+s20+$0x0], $0xffff  }
0x396: {  	v47 =	vor.u32 v11, v36;
	v40 =	vadd.f32 v50, v40;
	v49 =	vld.idx.msk [tilespmem:v52+s20+$0x0], $0xffff  }
0x397: {  	v50 =	vor.u32 v13, v33;
	v38 =	vadd.f32 v38, v39;
	v43 =	vld.idx.msk [tilespmem:v43+s20+$0x0], $0xffff  }
0x398: {  	v39 =	vor.u32 v12, v36;
	v40 =	vmul.f32 $1.250000000e-01, v40;
	v45 =	vld.idx.msk [tilespmem:v45+s20+$0x0], $0xffff  }
0x399: {  	v51 =	vor.u32 v14, v33;
	v0 =	vadd.f32 v0, v38;
	v42 =	vld.idx.msk [tilespmem:v42+s20+$0x0], $0xffff  }
0x39a: {  	s23 =	simm.s32 $0x13080;
	v52 =	vor.u32 v13, v36;
	v38 =	vmov s26;
	v41 =	vadd.f32 v41, v37;
	v46 =	vld.idx.msk [tilespmem:v46+s20+$0x0], $0xffff;
	[tilespmem:s22+$0xC10] =	vst v40;
	s22 =	smov.u32 s24  }
0x39b: {  	v37 =	vshll.u32 v38, $0x9;
	v40 =	vld.idx.msk [tilespmem:v47+s20+$0x0], $0xffff;
	v47 =	vor.u32 v15, v33  }
0x39c: {  	v53 =	vor.u32 v14, v36;
	v38 =	vshll.u32 v38, $0x7;
	v41 =	vadd.f32 v49, v41;
	v49 =	vld.idx.msk [tilespmem:v50+s20+$0x0], $0xffff  }
0x39d: {  	v54 =	vor.u32 v15, v36;
	v50 =	vand.u32 $0x7000, v37;
	v43 =	vadd.f32 v43, v44;
	v44 =	vld.idx.msk [tilespmem:v39+s20+$0x0], $0xffff  }
0x39e: {  	v38 =	vand.u32 $0x300, v38;
	v41 =	vadd.f32 v45, v41;
	v45 =	vld.idx.msk [tilespmem:v51+s20+$0x0], $0xffff;
	v51 =	vor.u32 v30, v48  }
0x39f: {  	v39 =	vor.u32 v38, v50;
	v42 =	vadd.f32 v42, v43;
	v48 =	vor.u32 v31, v48;
	v43 =	vld.idx.msk [tilespmem:v52+s20+$0x0], $0xffff  }
0x3a0: {  	v50 =	vor.u32 v8, v39;
	v41 =	vadd.f32 v46, v41;
	v46 =	vld.idx.msk [tilespmem:v47+s20+$0x0], $0xffff  }
0x3a1: {  	v47 =	vor.u32 v7, v39;
	v40 =	vadd.f32 v40, v42;
	v52 =	vld.idx.msk [tilespmem:v53+s20+$0x0], $0xffff  }
0x3a2: {  	v53 =	vor.u32 v6, v39;
	v41 =	vadd.f32 v49, v41;
	v54 =	vld.idx.msk [tilespmem:v54+s20+$0x0], $0xffff  }
0x3a3: {  	v49 =	vor.u32 v5, v39;
	v40 =	vadd.f32 v44, v40;
	v51 =	vld.idx.msk [tilespmem:v51+s20+$0x0], $0xffff  }
0x3a4: {  	v55 =	vor.u32 v4, v39;
	v44 =	vadd.f32 v45, v41;
	v48 =	vld.idx.msk [tilespmem:v48+s20+$0x0], $0xffff  }
0x3a5: {  	v56 =	vor.u32 v1, v39;
	v40 =	vadd.f32 v43, v40;
	v41 =	vld.idx.msk [tilespmem:v50+s20+$0x0], $0xffff  }
0x3a6: {  	v45 =	vadd.f32 v46, v44;
	v42 =	vld.idx.msk [tilespmem:v47+s20+$0x0], $0xffff;
	v47 =	vor.u32 v16, v33  }
0x3a7: {  	v50 =	vor.u32 v17, v33;
	v40 =	vadd.f32 v52, v40;
	v43 =	vld.idx.msk [tilespmem:v53+s20+$0x0], $0xffff  }
0x3a8: {  	v52 =	vor.u32 v2, v39;
	v44 =	vld.idx.msk [tilespmem:v49+s20+$0x0], $0xffff;
	v49 =	vmul.f32 $1.250000000e-01, v45  }
0x3a9: {  	v53 =	vor.u32 v18, v33;
	v40 =	vadd.f32 v54, v40;
	v0 =	vadd.f32 v51, v0;
	v45 =	vld.idx.msk [tilespmem:v55+s20+$0x0], $0xffff  }
0x3aa: {  	v51 =	vor.u32 v16, v36;
	v46 =	vld.idx.msk [tilespmem:v56+s20+$0x0], $0xffff;
	[tilespmem:s24+$0x410] =	vst v49  }
0x3ab: {  	s25 =	sadd.s32 $0x20, s25;
	v40 =	vmul.f32 $1.250000000e-01, v40;
	v49 =	vor.u32 v19, v33;
	v0 =	vadd.f32 v48, v0;
	v55 =	vld.idx.msk [tilespmem:v47+s20+$0x0], $0xffff  }
0x3ac: {  	s0 =	sand.u32 $0x3E0, s25;
	v56 =	vor.u32 v17, v36;
	v50 =	vld.idx.msk [tilespmem:v50+s20+$0x0], $0xffff  }
0x3ad: {  	v0 =	vmul.f32 $1.250000000e-01, v0;
	v47 =	vld.idx.msk [tilespmem:v52+s20+$0x0], $0xffff;
	[tilespmem:s0+$0x10400] =	vst v40;
	v40 =	vor.u32 v20, v33  }
0x3ae: {  	v58 =	vor.u32 v18, v36;
	v60 =	vld.idx.msk [tilespmem:v53+s20+$0x0], $0xffff  }
0x3af: {  	v48 =	vld.idx.msk [tilespmem:v51+s20+$0x0], $0xffff;
	v51 =	vor.u32 v21, v33;
	[tilespmem:s21+$0x10C00] =	vst v0;
	s21 =	smov.u32 s0  }
0x3b0: {  	v0 =	vor.u32 v19, v36;
	v54 =	vld.idx.msk [tilespmem:v49+s20+$0x0], $0xffff  }
.Ltmp8:
0x3b1: {  	v52 =	vor.u32 v21, v36;
	s0 =	sadd.s32 $0x1, s26;
	v49 =	vld.idx.msk [tilespmem:v56+s20+$0x0], $0xffff;
	v56 =	vor.u32 v22, v33;
	(pc) =	sbr.rel @p0 .LBB2_18-.Ltmp8, $4  }
0x3b2: {  	v53 =	vor.u32 v20, v36;
	v59 =	vmov s0;
	v55 =	vadd.f32 v50, v55;
	v57 =	vld.idx.msk [tilespmem:v40+s20+$0x0], $0xffff  }
0x3b3: {  	v61 =	vshll.u32 v59, $0x7;
	v40 =	vshll.u32 v59, $0x9;
	v59 =	vor.u32 v23, v33;
	v50 =	vld.idx.msk [tilespmem:v58+s20+$0x0], $0xffff  }
0x3b4: {  	v61 =	vand.u32 $0x380, v61;
	v40 =	vand.u32 $0x7000, v40;
	v60 =	vadd.f32 v60, v55;
	v58 =	vld.idx.msk [tilespmem:v51+s20+$0x0], $0xffff  }
0x3b5: {  	s26 =	sadd.s32 $0x2, s26;
	v55 =	vor.u32 v22, v36;
	v40 =	vor.u32 v61, v40;
	v51 =	vld.idx.msk [tilespmem:v0+s20+$0x0], $0xffff  }
0x3b6: {  	v0 =	vor.u32 v1, v40  }
0x3b7: {  	v63 =	vor.u32 v3, v39  }
0x3b8: {  	v61 =	vor.u32 v2, v40;
	_ =	sdelay $0x1  }
0x3b9: {  	v62 =	vor.u32 v3, v40  }
0x3ba: {  	v1 =	vld.idx.msk [tilespmem:v0+s20+$0x0], $0xffff  }
0x3bb: {  	v0 =	vor.u32 v4, v40;
	v63 =	vld.idx.msk [tilespmem:v63+s20+$0x0], $0xffff  }
0x3bc: {  	v6 =	vor.u32 v6, v40;
	v61 =	vld.idx.msk [tilespmem:v61+s20+$0x0], $0xffff  }
0x3bd: {  	v4 =	vor.u32 v5, v40  }
0x3be: {  	v46 =	vadd.f32 v47, v46;
	v62 =	vld.idx.msk [tilespmem:v62+s20+$0x0], $0xffff;
	_ =	sdelay $0x1  }
0x3bf: {  	v0 =	vld.idx.msk [tilespmem:v0+s20+$0x0], $0xffff;
	v46 =	vadd.f32 v63, v46  }
0x3c0: {  	v2 =	vor.u32 v7, v40;
	v5 =	vld.idx.msk [tilespmem:v6+s20+$0x0], $0xffff;
	v61 =	vadd.f32 v61, v1  }
0x3c1: {  	v1 =	vld.idx.msk [tilespmem:v4+s20+$0x0], $0xffff;
	v45 =	vadd.f32 v45, v46  }
0x3c2: {  	v54 =	vadd.f32 v54, v60;
	v6 =	vld.idx.msk [tilespmem:v56+s20+$0x0], $0xffff;
	v7 =	vadd.f32 v62, v61  }
0x3c3: {  	v4 =	vor.u32 v8, v40;
	v63 =	vld.idx.msk [tilespmem:v59+s20+$0x0], $0xffff;
	v44 =	vadd.f32 v44, v45  }
0x3c4: {  	v54 =	vadd.f32 v57, v54;
	v62 =	vld [tilespmem:$0x1FEC0];
	v0 =	vadd.f32 v0, v7  }
0x3c5: {  	v7 =	vld.idx.msk [tilespmem:v2+s20+$0x0], $0xffff;
	v43 =	vadd.f32 v43, v44  }
0x3c6: {  	v54 =	vadd.f32 v58, v54;
	v0 =	vadd.f32 v1, v0  }
0x3c7: {  	v42 =	vadd.f32 v42, v43  }
0x3c8: {  	v36 =	vor.u32 v23, v36;
	v4 =	vld.idx.msk [tilespmem:v4+s20+$0x0], $0xffff;
	v0 =	vadd.f32 v5, v0;
	v5 =	vadd.f32 v6, v54  }
0x3c9: {  	v60 =	vor.u32 v62, v39;
	v41 =	vadd.f32 v41, v42  }
0x3ca: {  	v47 =	vld.idx.msk [tilespmem:v52+s20+$0x0], $0xffff;
	v0 =	vadd.f32 v7, v0;
	v6 =	vadd.f32 v63, v5;
	v7 =	vor.u32 v24, v33  }
0x3cb: {  	v46 =	vld.idx.msk [tilespmem:v53+s20+$0x0], $0xffff;
	v63 =	vor.u32 v9, v39;
	v41 =	vmul.f32 $1.250000000e-01, v41  }
0x3cc: {  	s29 =	sadd.s32 $0x20, s24;
	v53 =	vld.idx.msk [tilespmem:v55+s20+$0x0], $0xffff;
	v5 =	vor.u32 v10, v39;
	v44 =	vmul.f32 $1.250000000e-01, v6  }
0x3cd: {  	v58 =	vor.u32 v62, v40;
	v54 =	vld.idx.msk [tilespmem:v36+s20+$0x0], $0xffff;
	v0 =	vadd.f32 v4, v0;
	[tilespmem:s29+$0x0] =	vst v41  }
0x3ce: {  	v61 =	vor.u32 v10, v40;
	[tilespmem:s24+$0x810] =	vst v44;
	v42 =	vld.idx.msk [tilespmem:v60+s20+$0x0], $0xffff  }
0x3cf: {  	v59 =	vor.u32 v9, v40;
	v0 =	vmul.f32 $1.250000000e-01, v0;
	v36 =	vld.idx.msk [tilespmem:v7+s20+$0x0], $0xffff  }
0x3d0: {  	v48 =	vadd.f32 v49, v48;
	v4 =	vor.u32 v11, v40;
	v45 =	vld.idx.msk [tilespmem:v63+s20+$0x0], $0xffff  }
0x3d1: {  	v7 =	vor.u32 v11, v39;
	v41 =	vld.idx.msk [tilespmem:v5+s20+$0x0], $0xffff;
	[tilespmem:s29+$0x10] =	vst v0  }
0x3d2: {  	v48 =	vadd.f32 v50, v48;
	v6 =	vor.u32 v12, v40;
	v0 =	vld.idx.msk [tilespmem:v58+s20+$0x0], $0xffff  }
0x3d3: {  	v44 =	vld.idx.msk [tilespmem:v61+s20+$0x0], $0xffff;
	v61 =	vor.u32 v12, v39  }
0x3d4: {  	v48 =	vadd.f32 v51, v48;
	v60 =	vor.u32 v13, v40;
	v52 =	vld.idx.msk [tilespmem:v59+s20+$0x0], $0xffff  }
0x3d5: {  	v43 =	vld.idx.msk [tilespmem:v4+s20+$0x0], $0xffff;
	v4 =	vor.u32 v13, v39  }
0x3d6: {  	v46 =	vadd.f32 v46, v48;
	v63 =	vor.u32 v14, v40;
	v48 =	vld.idx.msk [tilespmem:v7+s20+$0x0], $0xffff  }
0x3d7: {  	v49 =	vld.idx.msk [tilespmem:v6+s20+$0x0], $0xffff;
	v6 =	vor.u32 v14, v39;
	v42 =	vadd.f32 v45, v42  }
0x3d8: {  	v58 =	vld.idx.msk [tilespmem:v61+s20+$0x0], $0xffff  }
0x3d9: {  	v59 =	vor.u32 v15, v39;
	v50 =	vld.idx.msk [tilespmem:v60+s20+$0x0], $0xffff;
	v0 =	vadd.f32 v52, v0;
	v41 =	vadd.f32 v41, v42  }
0x3da: {  	v5 =	vor.u32 v15, v40;
	v7 =	vadd.f32 v47, v46;
	v52 =	vld.idx.msk [tilespmem:v4+s20+$0x0], $0xffff  }
0x3db: {  	v57 =	vor.u32 v25, v33;
	v51 =	vld.idx.msk [tilespmem:v63+s20+$0x0], $0xffff;
	v0 =	vadd.f32 v44, v0;
	v41 =	vadd.f32 v48, v41  }
0x3dc: {  	v63 =	vor.u32 v27, v33;
	v60 =	vadd.f32 v53, v7;
	v44 =	vld.idx.msk [tilespmem:v6+s20+$0x0], $0xffff  }
0x3dd: {  	v61 =	vor.u32 v26, v33;
	v0 =	vadd.f32 v43, v0;
	v41 =	vadd.f32 v58, v41  }
0x3de: {  	v34 =	vor.u32 v35, v34;
	v42 =	vadd.f32 v54, v60;
	v43 =	vld.idx.msk [tilespmem:v59+s20+$0x0], $0xffff  }
0x3df: {  	v4 =	vld.idx.msk [tilespmem:v5+s20+$0x0], $0xffff;
	v5 =	vor.u32 v24, v34;
	v0 =	vadd.f32 v49, v0;
	v41 =	vadd.f32 v52, v41  }
0x3e0: {  	v46 =	vld.idx.msk [tilespmem:v57+s20+$0x0], $0xffff;
	v7 =	vor.u32 v25, v34;
	v6 =	vor.u32 v28, v33  }
0x3e1: {  	v35 =	vld.idx.msk [tilespmem:v63+s20+$0x0], $0xffff;
	v42 =	vmul.f32 $1.250000000e-01, v42;
	v0 =	vadd.f32 v50, v0;
	v41 =	vadd.f32 v44, v41  }
0x3e2: {  	v54 =	vor.u32 v29, v33;
	v45 =	vld.idx.msk [tilespmem:v61+s20+$0x0], $0xffff  }
0x3e3: {  	v58 =	vor.u32 v16, v39;
	[tilespmem:s21+$0x10800] =	vst v42;
	v0 =	vadd.f32 v51, v0;
	v41 =	vadd.f32 v43, v41  }
0x3e4: {  	v59 =	vor.u32 v17, v39;
	v48 =	vld.idx.msk [tilespmem:v5+s20+$0x0], $0xffff  }
0x3e5: {  	s0 =	sadd.s32 $0x20, s25;
	v61 =	vor.u32 v18, v39;
	v49 =	vld.idx.msk [tilespmem:v6+s20+$0x0], $0xffff;
	v0 =	vadd.f32 v4, v0;
	v41 =	vmul.f32 $1.250000000e-01, v41  }
0x3e6: {  	s25 =	sand.u32 $0x3E0, s0;
	v55 =	vor.u32 v16, v40;
	v47 =	vld.idx.msk [tilespmem:v7+s20+$0x0], $0xffff  }
0x3e7: {  	v56 =	vor.u32 v17, v40;
	v51 =	vld.idx.msk [tilespmem:v54+s20+$0x0], $0xffff;
	v0 =	vmul.f32 $1.250000000e-01, v0;
	[tilespmem:s25+$0x10400] =	vst v41  }
0x3e8: {  	v57 =	vor.u32 v18, v40;
	v43 =	vld.idx.msk [tilespmem:v58+s20+$0x0], $0xffff  }
0x3e9: {  	v60 =	vor.u32 v19, v40;
	[tilespmem:s29+$0x410] =	vst v0;
	v0 =	vld.idx.msk [tilespmem:v59+s20+$0x0], $0xffff  }
0x3ea: {  	v4 =	vor.u32 v19, v39;
	v53 =	vld.idx.msk [tilespmem:v61+s20+$0x0], $0xffff  }
0x3eb: {  	v63 =	vor.u32 v20, v40;
	v42 =	vld.idx.msk [tilespmem:v55+s20+$0x0], $0xffff  }
0x3ec: {  	v6 =	vor.u32 v20, v39;
	v44 =	vld.idx.msk [tilespmem:v56+s20+$0x0], $0xffff  }
0x3ed: {  	v61 =	vor.u32 v23, v40;
	v50 =	vld.idx.msk [tilespmem:v57+s20+$0x0], $0xffff  }
0x3ee: {  	v52 =	vld.idx.msk [tilespmem:v60+s20+$0x0], $0xffff;
	v60 =	vor.u32 v21, v39  }
0x3ef: {  	v5 =	vor.u32 v21, v40;
	v54 =	vld.idx.msk [tilespmem:v4+s20+$0x0], $0xffff  }
0x3f0: {  	v41 =	vld.idx.msk [tilespmem:v63+s20+$0x0], $0xffff;
	v63 =	vor.u32 v22, v39;
	v0 =	vadd.f32 v0, v43  }
0x3f1: {  	v7 =	vor.u32 v22, v40;
	v56 =	vld.idx.msk [tilespmem:v6+s20+$0x0], $0xffff;
	v42 =	vadd.f32 v44, v42  }
0x3f2: {  	v39 =	vor.u32 v23, v39;
	v59 =	vld.idx.msk [tilespmem:v61+s20+$0x0], $0xffff;
	v0 =	vadd.f32 v53, v0  }
0x3f3: {  	v4 =	vor.u32 v26, v34;
	v6 =	vld.idx.msk [tilespmem:v60+s20+$0x0], $0xffff;
	v42 =	vadd.f32 v50, v42  }
0x3f4: {  	v50 =	vld.idx.msk [tilespmem:v5+s20+$0x0], $0xffff;
	v0 =	vadd.f32 v54, v0  }
0x3f5: {  	v61 =	vld.idx.msk [tilespmem:v63+s20+$0x0], $0xffff;
	v5 =	vor.u32 v30, v33;
	v42 =	vadd.f32 v52, v42  }
0x3f6: {  	v60 =	vor.u32 v31, v33;
	v52 =	vld.idx.msk [tilespmem:v7+s20+$0x0], $0xffff;
	v0 =	vadd.f32 v56, v0  }
0x3f7: {  	v63 =	vor.u32 v28, v34;
	v39 =	vld.idx.msk [tilespmem:v39+s20+$0x0], $0xffff;
	v41 =	vadd.f32 v41, v42  }
0x3f8: {  	v43 =	vld.idx.msk [tilespmem:v4+s20+$0x0], $0xffff;
	v4 =	vor.u32 v29, v34;
	v0 =	vadd.f32 v6, v0  }
0x3f9: {  	v7 =	vor.u32 v27, v34;
	v41 =	vadd.f32 v50, v41  }
0x3fa: {  	v53 =	vld.idx.msk [tilespmem:v5+s20+$0x0], $0xffff;
	v5 =	vor.u32 v30, v34;
	v0 =	vadd.f32 v61, v0  }
0x3fb: {  	v37 =	vor.u32 v38, v37;
	v33 =	vld.idx.msk [tilespmem:v60+s20+$0x0], $0xffff;
	v34 =	vor.u32 v31, v34;
	v41 =	vadd.f32 v52, v41  }
0x3fc: {  	v44 =	vld.idx.msk [tilespmem:v63+s20+$0x0], $0xffff;
	v60 =	vor.u32 v24, v37;
	v0 =	vadd.f32 v39, v0  }
0x3fd: {  	v38 =	vld.idx.msk [tilespmem:v4+s20+$0x0], $0xffff;
	v6 =	vor.u32 v24, v40;
	v41 =	vadd.f32 v59, v41  }
0x3fe: {  	v52 =	vld.idx.msk [tilespmem:v7+s20+$0x0], $0xffff;
	v7 =	vor.u32 v25, v40;
	v0 =	vmul.f32 $1.250000000e-01, v0  }
0x3ff: {  	v61 =	vor.u32 v25, v37;
	v50 =	vld.idx.msk [tilespmem:v5+s20+$0x0], $0xffff;
	v41 =	vmul.f32 $1.250000000e-01, v41  }
0x400: {  	v63 =	vor.u32 v26, v40;
	v34 =	vld.idx.msk [tilespmem:v34+s20+$0x0], $0xffff;
	[tilespmem:s25+$0x10800] =	vst v0  }
0x401: {  	v4 =	vor.u32 v26, v37;
	[tilespmem:s29+$0x810] =	vst v41;
	v0 =	vld.idx.msk [tilespmem:v60+s20+$0x0], $0xffff  }
0x402: {  	v5 =	vor.u32 v27, v40;
	v41 =	vld.idx.msk [tilespmem:v6+s20+$0x0], $0xffff  }
0x403: {  	v54 =	vld.idx.msk [tilespmem:v7+s20+$0x0], $0xffff;
	v6 =	vor.u32 v27, v37  }
0x404: {  	v55 =	vld.idx.msk [tilespmem:v61+s20+$0x0], $0xffff;
	v7 =	vor.u32 v28, v40  }
0x405: {  	v60 =	vor.u32 v28, v37;
	v56 =	vld.idx.msk [tilespmem:v63+s20+$0x0], $0xffff  }
0x406: {  	v36 =	vadd.f32 v46, v36;
	v61 =	vor.u32 v29, v40;
	v42 =	vld.idx.msk [tilespmem:v4+s20+$0x0], $0xffff  }
0x407: {  	v47 =	vadd.f32 v47, v48;
	v4 =	vor.u32 v29, v37;
	v63 =	vld.idx.msk [tilespmem:v5+s20+$0x0], $0xffff  }
0x408: {  	v36 =	vadd.f32 v45, v36;
	v5 =	vor.u32 v30, v40;
	v41 =	vadd.f32 v54, v41;
	v39 =	vld.idx.msk [tilespmem:v6+s20+$0x0], $0xffff  }
0x409: {  	v43 =	vadd.f32 v43, v47;
	v0 =	vadd.f32 v55, v0;
	v6 =	vld.idx.msk [tilespmem:v7+s20+$0x0], $0xffff;
	v7 =	vor.u32 v30, v37  }
0x40a: {  	v35 =	vadd.f32 v35, v36;
	v55 =	vor.u32 v31, v40;
	v60 =	vld.idx.msk [tilespmem:v60+s20+$0x0], $0xffff;
	v58 =	vadd.f32 v56, v41  }
0x40b: {  	v43 =	vadd.f32 v52, v43;
	v46 =	vld.idx.msk [tilespmem:v61+s20+$0x0], $0xffff;
	v37 =	vor.u32 v31, v37;
	v0 =	vadd.f32 v42, v0  }
0x40c: {  	v35 =	vadd.f32 v49, v35;
	v61 =	vld.idx.msk [tilespmem:v4+s20+$0x0], $0xffff;
	v40 =	vadd.f32 v63, v58  }
0x40d: {  	v43 =	vadd.f32 v44, v43;
	v63 =	vld.idx.msk [tilespmem:v5+s20+$0x0], $0xffff;
	v0 =	vadd.f32 v39, v0  }
0x40e: {  	v35 =	vadd.f32 v51, v35;
	v5 =	vld.idx.msk [tilespmem:v7+s20+$0x0], $0xffff;
	v4 =	vadd.f32 v6, v40  }
0x40f: {  	v38 =	vadd.f32 v38, v43;
	v36 =	vld.idx.msk [tilespmem:v55+s20+$0x0], $0xffff;
	v0 =	vadd.f32 v60, v0  }
0x410: {  	v35 =	vadd.f32 v53, v35;
	v37 =	vld.idx.msk [tilespmem:v37+s20+$0x0], $0xffff;
	v39 =	vadd.f32 v46, v4  }
0x411: {  	v38 =	vadd.f32 v50, v38;
	v0 =	vadd.f32 v61, v0  }
0x412: {  	s30 =	simm.s32 $0x1;
	v33 =	vadd.f32 v33, v35;
	v6 =	vadd.f32 v63, v39  }
0x413: {  	s26 =	simm.s32 $0x0;
	s31 =	sand.u32 $0xC00, s20;
	s0 =	sand.u32 $0xF, s30;
	v34 =	vadd.f32 v34, v38;
	v0 =	vadd.f32 v5, v0  }
0x414: {  	s26 =	sand.u32 $0xE, s26;
	s0 =	sor.u32 s0, s31;
	v33 =	vmul.f32 $1.250000000e-01, v33;
	v35 =	vadd.f32 v36, v6  }
0x415: {  	s26 =	sor.u32 s26, s31;
	v34 =	vmul.f32 $1.250000000e-01, v34;
	v7 =	vor.u32 s0, v32;
	v0 =	vadd.f32 v37, v0  }
0x416: {  	[tilespmem:s22+$0xC10] =	vst v33;
	v41 =	vor.u32 s26, v32;
	v40 =	vmul.f32 $1.250000000e-01, v35  }
0x417: {  	[tilespmem:s21+$0x10C00] =	vst v34;
	v0 =	vmul.f32 $1.250000000e-01, v0  }
0x418: {  	s30 =	simm.s32 $0x80;
	s31 =	simm.s32 $0x2;
	[tilespmem:s29+$0xC10] =	vst v40  }
0x419: {  	s24 =	sand.u32 $0xC00, s30;
	s20 =	sor.u32 $0x100, s26;
	s29 =	sor.u32 $0x100, s0;
	[tilespmem:s25+$0x10C00] =	vst v0  }
0x41a: {  	s25 =	simm.s32 $0x3;
	v42 =	vor.u32 s29, v32;
	s29 =	sand.u32 $0xE, s31;
	s31 =	sor.u32 $0x200, s26;
	v0 =	vld.idx.msk [tilespmem:v7+s12+$0x0], $0xffff  }
0x41b: {  	v33 =	vld.idx.msk [tilespmem:v41+s12+$0x0], $0xffff;
	s21 =	sand.u32 $0xF, s25;
	s22 =	sor.u32 s29, s24;
	v47 =	vor.u32 s31, v32;
	s31 =	simm.s32 $0x100  }
0x41c: {  	v43 =	vor.u32 s20, v32;
	s29 =	simm.s32 $0x4;
	s28 =	sor.u32 s21, s24;
	s21 =	simm.s32 $0x5  }
0x41d: {  	s24 =	sor.u32 $0x100, s22;
	s25 =	sand.u32 $0xC00, s31;
	v44 =	vor.u32 s28, v32;
	s20 =	sand.u32 $0xF, s21  }
0x41e: {  	v45 =	vor.u32 s22, v32;
	v49 =	vor.u32 s24, v32;
	s24 =	sand.u32 $0xE, s29;
	s20 =	sor.u32 s20, s25  }
0x41f: {  	s24 =	sor.u32 s24, s25;
	v50 =	vor.u32 s20, v32;
	[tilespmem:s23+$0x0] =	vst v0  }
0x420: {  	s30 =	sor.u32 $0x200, s0;
	v51 =	vor.u32 s24, v32;
	[tilespmem:s23+$0xFFFFFF80] =	vst v33;
	v0 =	vld.idx.msk [tilespmem:v42+s12+$0x0], $0xffff  }
0x421: {  	v46 =	vor.u32 s30, v32;
	v33 =	vld.idx.msk [tilespmem:v43+s12+$0x0], $0xffff  }
0x422: {  	s30 =	sor.u32 $0x100, s28;
	v36 =	vld.idx.msk [tilespmem:v44+s12+$0x0], $0xffff  }
0x423: {  	v48 =	vor.u32 s30, v32;
	v37 =	vld.idx.msk [tilespmem:v45+s12+$0x0], $0xffff  }
0x424: {  	s25 =	sor.u32 $0x100, s20;
	v60 =	vld.idx.msk [tilespmem:v50+s12+$0x0], $0xffff  }
0x425: {  	s29 =	sor.u32 $0x300, s26;
	s26 =	sor.u32 $0x100, s24;
	v61 =	vor.u32 s25, v32;
	[tilespmem:s23+$0x10] =	vst v0;
	v0 =	vld.idx.msk [tilespmem:v51+s12+$0x0], $0xffff  }
0x426: {  	s0 =	sor.u32 $0x300, s0;
	s21 =	simm.s32 $0x13180;
	v63 =	vor.u32 s26, v32;
	[tilespmem:s23+$0xFFFFFF90] =	vst v33;
	v52 =	vld.idx.msk [tilespmem:v46+s12+$0x0], $0xffff  }
0x427: {  	v54 =	vor.u32 s0, v32;
	s31 =	sor.u32 $0x200, s22;
	s22 =	sor.u32 $0x300, s22;
	[tilespmem:s21+$0x0] =	vst v36;
	v53 =	vld.idx.msk [tilespmem:v47+s12+$0x0], $0xffff  }
0x428: {  	v34 =	vor.u32 s22, v32;
	s22 =	simm.s32 $0x13280;
	v55 =	vor.u32 s29, v32;
	s30 =	sor.u32 $0x200, s28;
	s29 =	sor.u32 $0x200, s24;
	[tilespmem:s21+$0xFFFFFF80] =	vst v37;
	v56 =	vld.idx.msk [tilespmem:v48+s12+$0x0], $0xffff  }
0x429: {  	v58 =	vor.u32 s30, v32;
	s0 =	sor.u32 $0x300, s24;
	s24 =	simm.s32 $0x7;
	s26 =	simm.s32 $0x180;
	v57 =	vld.idx.msk [tilespmem:v49+s12+$0x0], $0xffff;
	[tilespmem:s22+$0x0] =	vst v60  }
0x42a: {  	v59 =	vor.u32 s31, v32;
	s25 =	simm.s32 $0x6;
	s24 =	sand.u32 $0xF, s24;
	s31 =	sand.u32 $0xC00, s26;
	v45 =	vld.idx.msk [tilespmem:v61+s12+$0x0], $0xffff;
	[tilespmem:s22+$0xFFFFFF80] =	vst v0  }
0x42b: {  	s30 =	sand.u32 $0xE, s25;
	s24 =	sor.u32 s24, s31;
	[tilespmem:s23+$0x20] =	vst v52;
	v46 =	vld.idx.msk [tilespmem:v63+s12+$0x0], $0xffff  }
0x42c: {  	v35 =	vor.u32 s29, v32;
	s29 =	sor.u32 s30, s31;
	v47 =	vor.u32 s24, v32;
	[tilespmem:s23+$0xFFFFFFA0] =	vst v53;
	v40 =	vld.idx.msk [tilespmem:v54+s12+$0x0], $0xffff  }
0x42d: {  	s28 =	sor.u32 $0x300, s28;
	v43 =	vor.u32 s29, v32;
	s30 =	sor.u32 $0x100, s29;
	[tilespmem:s21+$0x10] =	vst v56;
	v41 =	vld.idx.msk [tilespmem:v55+s12+$0x0], $0xffff  }
0x42e: {  	v44 =	vor.u32 s28, v32;
	s31 =	sor.u32 $0x200, s29;
	s29 =	sor.u32 $0x300, s29;
	v39 =	vor.u32 s30, v32;
	[tilespmem:s21+$0xFFFFFF90] =	vst v57;
	v38 =	vld.idx.msk [tilespmem:v58+s12+$0x0], $0xffff  }
0x42f: {  	s28 =	sor.u32 $0x200, s20;
	v33 =	vor.u32 s0, v32;
	v37 =	vor.u32 s31, v32;
	v36 =	vor.u32 s29, v32;
	v42 =	vld.idx.msk [tilespmem:v59+s12+$0x0], $0xffff  }
.LBB2_20:
0x430: {  	s0 =	smov.u32 s25  }
0x431: {  	v0 =	vld.idx.msk [tilespmem:v47+s12+$0x0], $0xffff;
	v48 =	vor.u32 s28, v32;
	[tilespmem:s23+$0x30] =	vst v40;
	s25 =	sadd.s32 $0x2, s25;
	s28 =	sor.u32 $0x100, s24;
	s26 =	sadd.s32 $0x80, s26  }
0x432: {  	s0 =	sadd.s32 $0x3, s0;
	v49 =	vld.idx.msk [tilespmem:v43+s12+$0x0], $0xffff;
	[tilespmem:s23+$0xFFFFFFB0] =	vst v41;
	s23 =	sand.u32 $0xE, s25;
	s29 =	sand.u32 $0xC00, s26  }
0x433: {  	v50 =	vor.u32 s28, v32;
	s0 =	sand.u32 $0xF, s0;
	[tilespmem:s21+$0x20] =	vst v38;
	s23 =	sor.u32 s23, s29  }
0x434: {  	p0 =	slt.u32 s25, $0x3E;
	s0 =	sor.u32 s0, s29;
	[tilespmem:s21+$0xFFFFFFA0] =	vst v42;
	v40 =	vld.idx.msk [tilespmem:v44+s12+$0x0], $0xffff;
	s28 =	sor.u32 $0x100, s23  }
.Ltmp9:
0x435: {  	v43 =	vor.u32 s23, v32;
	s29 =	sor.u32 $0x200, s23;
	s30 =	sor.u32 $0x300, s23;
	v47 =	vor.u32 s0, v32;
	[tilespmem:s22+$0x10] =	vst v45;
	v41 =	vld.idx.msk [tilespmem:v34+s12+$0x0], $0xffff;
	(pc) =	sbr.rel @p0 .LBB2_20-.Ltmp9, $4  }
0x436: {  	s23 =	smov.u32 s21;
	s21 =	smov.u32 s22;
	v51 =	vor.u32 s28, v32;
	v44 =	vor.u32 s29, v32;
	v34 =	vmovc v33;
	v33 =	vmov v36;
	[tilespmem:s22+$0xFFFFFF90] =	vst v46;
	v38 =	vld.idx.msk [tilespmem:v48+s12+$0x0], $0xffff;
	s22 =	sadd.s32 $0x100, s22  }
0x437: {  	v36 =	vor.u32 s30, v32;
	s28 =	sor.u32 $0x300, s20;
	s20 =	smov.u32 s24;
	s24 =	smov.u32 s0;
	[tilespmem:s22+$0x0] =	vst v0;
	v42 =	vld.idx.msk [tilespmem:v35+s12+$0x0], $0xffff;
	v35 =	vmov v37;
	v37 =	vmov v44  }
0x438: {  	v44 =	vor.u32 s28, v32;
	[tilespmem:s22+$0xFFFFFF80] =	vst v49;
	v45 =	vld.idx.msk [tilespmem:v50+s12+$0x0], $0xffff  }
0x439: {  	s28 =	sor.u32 $0x200, s20;
	v46 =	vld.idx.msk [tilespmem:v39+s12+$0x0], $0xffff;
	v39 =	vmov v51  }
0x43a: {  	_ =	sdelay $0x3  }
0x43b: {  	v0 =	vld.idx.msk [tilespmem:v47+s12+$0x0], $0xffff;
	s0 =	sor.u32 $0x100, s24  }
0x43c: {  	v43 =	vld.idx.msk [tilespmem:v43+s12+$0x0], $0xffff;
	v63 =	vor.u32 s0, v32;
	_ =	sdelay $0x2  }
0x43d: {  	s26 =	sadd.s32 $0x100, s22  }
0x43e: {  	v48 =	vor.u32 s28, v32;
	[tilespmem:s26+$0x0] =	vst v0  }
0x43f: {  	s25 =	sor.u32 $0x200, s24;
	[tilespmem:s26+$0xFFFFFF80] =	vst v43;
	v0 =	vld.idx.msk [tilespmem:v63+s12+$0x0], $0xffff  }
0x440: {  	[tilespmem:s23+$0x30] =	vst v40;
	v51 =	vor.u32 s25, v32;
	v39 =	vld.idx.msk [tilespmem:v39+s12+$0x0], $0xffff  }
0x441: {  	[tilespmem:s23+$0xFFFFFFB0] =	vst v41  }
0x442: {  	[tilespmem:s22+$0x10] =	vst v45  }
0x443: {  	s20 =	sor.u32 $0x300, s20;
	[tilespmem:s22+$0xFFFFFF90] =	vst v46;
	v52 =	vld.idx.msk [tilespmem:v48+s12+$0x0], $0xffff  }
0x444: {  	v53 =	vor.u32 s20, v32;
	v35 =	vld.idx.msk [tilespmem:v35+s12+$0x0], $0xffff;
	[tilespmem:s26+$0x10] =	vst v0  }
0x445: {  	s28 =	sor.u32 $0x300, s24;
	[tilespmem:s26+$0xFFFFFF90] =	vst v39;
	v0 =	vld.idx.msk [tilespmem:v51+s12+$0x0], $0xffff  }
0x446: {  	[tilespmem:s21+$0x20] =	vst v38;
	v54 =	vor.u32 s28, v32;
	v37 =	vld.idx.msk [tilespmem:v37+s12+$0x0], $0xffff  }
0x447: {  	[tilespmem:s21+$0xFFFFFFA0] =	vst v42;
	v55 =	vld.idx.msk [tilespmem:v44+s12+$0x0], $0xffff  }
0x448: {  	v42 =	vld.idx.msk [tilespmem:v34+s12+$0x0], $0xffff;
	[tilespmem:s22+$0x20] =	vst v52  }
0x449: {  	[tilespmem:s22+$0xFFFFFFA0] =	vst v35;
	v56 =	vld.idx.msk [tilespmem:v53+s12+$0x0], $0xffff  }
0x44a: {  	v33 =	vld.idx.msk [tilespmem:v33+s12+$0x0], $0xffff;
	[tilespmem:s26+$0x20] =	vst v0  }
0x44b: {  	[tilespmem:s26+$0xFFFFFFA0] =	vst v37;
	v0 =	vld.idx.msk [tilespmem:v54+s12+$0x0], $0xffff  }
0x44c: {  	[tilespmem:s21+$0x30] =	vst v55;
	v58 =	vld.idx.msk [tilespmem:v36+s12+$0x0], $0xffff  }
0x44d: {  	[tilespmem:s21+$0xFFFFFFB0] =	vst v42  }
0x44e: {  	[tilespmem:s22+$0x30] =	vst v56  }
0x44f: {  	[tilespmem:s22+$0xFFFFFFB0] =	vst v33  }
0x450: {  	s20 =	simm.s32 $0x0;
	[tilespmem:s26+$0x30] =	vst v0  }
0x451: {  	v57 =	vmov s20;
	v1 =	vld [tilespmem:$0x1FE40];
	[tilespmem:s26+$0xFFFFFFB0] =	vst v58  }
0x452: {  	s29 =	simm.s32 $0x1;
	v34 =	vshll.u32 v57, $0x9;
	_ =	swait.ge [sflag:s13], $0x8000  }
0x453: {  	v61 =	vmov s29;
	v59 =	vshll.u32 v57, $0x7;
	v60 =	vand.u32 $0x7000, v34;
	v2 =	vld [tilespmem:$0x1FE50]  }
0x454: {  	v63 =	vshll.u32 v61, $0x9;
	v35 =	vand.u32 $0x300, v59;
	v39 =	vshll.u32 v61, $0x7  }
0x455: {  	v44 =	vand.u32 $0x7000, v63;
	v45 =	vand.u32 $0x380, v39;
	v36 =	vor.u32 v35, v60;
	v3 =	vld [tilespmem:$0x1FE60]  }
0x456: {  	v33 =	vor.u32 v45, v44;
	v4 =	vld [tilespmem:$0x1FE70];
	v0 =	vor.u32 v1, v36  }
0x457: {  	v5 =	vld [tilespmem:$0x1FE80];
	v37 =	vor.u32 v1, v33  }
0x458: {  	v6 =	vld [tilespmem:$0x1FE90];
	v46 =	vor.u32 v2, v33  }
0x459: {  	[sflag:s13] =	ssyncset.done $0x0;
	v7 =	vld [tilespmem:$0x1FEA0];
	v47 =	vor.u32 v2, v36  }
0x45a: {  	v8 =	vld [tilespmem:$0x1FEB0];
	[sflag:s13] =	ssyncadd.s32 $0xFFFF8000;
	v48 =	vor.u32 v3, v33  }
0x45b: {  	v49 =	vor.u32 v3, v36;
	v0 =	vld.idx.msk [tilespmem:v0+s10+$0x0], $0xffff  }
0x45c: {  	v50 =	vor.u32 v4, v33;
	v37 =	vld.idx.msk [tilespmem:v37+s10+$0x0], $0xffff  }
0x45d: {  	v51 =	vor.u32 v4, v36;
	v38 =	vld.idx.msk [tilespmem:v46+s10+$0x0], $0xffff  }
0x45e: {  	v52 =	vor.u32 v5, v33;
	v39 =	vld.idx.msk [tilespmem:v47+s10+$0x0], $0xffff  }
0x45f: {  	v53 =	vor.u32 v5, v36;
	v40 =	vld.idx.msk [tilespmem:v48+s10+$0x0], $0xffff  }
0x460: {  	v54 =	vor.u32 v6, v33;
	v41 =	vld.idx.msk [tilespmem:v49+s10+$0x0], $0xffff  }
0x461: {  	v55 =	vor.u32 v6, v36;
	v42 =	vld.idx.msk [tilespmem:v50+s10+$0x0], $0xffff  }
0x462: {  	v56 =	vor.u32 v7, v33;
	v43 =	vld.idx.msk [tilespmem:v51+s10+$0x0], $0xffff;
	v37 =	vadd.f32 v38, v37  }
0x463: {  	v57 =	vor.u32 v7, v36;
	v44 =	vld.idx.msk [tilespmem:v52+s10+$0x0], $0xffff  }
0x464: {  	v45 =	vld.idx.msk [tilespmem:v53+s10+$0x0], $0xffff;
	v49 =	vor.u32 v8, v33;
	v0 =	vadd.f32 v39, v0;
	v37 =	vadd.f32 v40, v37  }
0x465: {  	v58 =	vld.idx.msk [tilespmem:v54+s10+$0x0], $0xffff  }
0x466: {  	v59 =	vor.u32 v8, v36;
	v60 =	vld.idx.msk [tilespmem:v55+s10+$0x0], $0xffff;
	v0 =	vadd.f32 v41, v0;
	v37 =	vadd.f32 v42, v37  }
0x467: {  	v61 =	vld.idx.msk [tilespmem:v56+s10+$0x0], $0xffff  }
0x468: {  	v38 =	vld.idx.msk [tilespmem:v57+s10+$0x0], $0xffff;
	v0 =	vadd.f32 v43, v0;
	v37 =	vadd.f32 v44, v37  }
0x469: {  	v63 =	vld.idx.msk [tilespmem:v49+s10+$0x0], $0xffff  }
0x46a: {  	v0 =	vadd.f32 v45, v0;
	v37 =	vadd.f32 v58, v37  }
0x46b: {  	v45 =	vld.idx.msk [tilespmem:v59+s10+$0x0], $0xffff  }
0x46c: {  	v0 =	vadd.f32 v60, v0;
	v37 =	vadd.f32 v61, v37;
	_ =	sdelay $0x1  }
0x46d: {  	v46 =	vor.u32 v62, v33;
	v0 =	vadd.f32 v38, v0;
	v37 =	vadd.f32 v63, v37  }
0x46e: {  	v47 =	vor.u32 v9, v33  }
0x46f: {  	v48 =	vor.u32 v62, v36;
	v0 =	vadd.f32 v45, v0;
	v37 =	vmul.f32 $1.250000000e-01, v37  }
0x470: {  	s24 =	simm.s32 $0x10000;
	v49 =	vor.u32 v10, v33  }
0x471: {  	v50 =	vor.u32 v9, v36;
	v0 =	vmul.f32 $1.250000000e-01, v0;
	[tilespmem:s24+$0x10] =	vst v37  }
0x472: {  	v51 =	vor.u32 v11, v33;
	v37 =	vld.idx.msk [tilespmem:v46+s10+$0x0], $0xffff  }
0x473: {  	v52 =	vor.u32 v12, v33;
	[tilespmem:s24+$0x0] =	vst v0;
	v40 =	vld.idx.msk [tilespmem:v47+s10+$0x0], $0xffff  }
0x474: {  	v0 =	vor.u32 v10, v36;
	v39 =	vld.idx.msk [tilespmem:v48+s10+$0x0], $0xffff  }
0x475: {  	v53 =	vor.u32 v11, v36;
	v41 =	vld.idx.msk [tilespmem:v49+s10+$0x0], $0xffff  }
0x476: {  	s30 =	simm.s32 $0x2;
	v54 =	vor.u32 v13, v33;
	v42 =	vld.idx.msk [tilespmem:v50+s10+$0x0], $0xffff  }
0x477: {  	v55 =	vor.u32 v12, v36;
	v59 =	vmov s30;
	v56 =	vld.idx.msk [tilespmem:v51+s10+$0x0], $0xffff  }
0x478: {  	v57 =	vor.u32 v14, v33;
	v61 =	vshll.u32 v59, $0x7;
	v43 =	vld.idx.msk [tilespmem:v52+s10+$0x0], $0xffff;
	v58 =	vadd.f32 v40, v37  }
0x479: {  	v60 =	vor.u32 v13, v36;
	v38 =	vand.u32 $0x300, v61;
	v0 =	vld.idx.msk [tilespmem:v0+s10+$0x0], $0xffff  }
0x47a: {  	v44 =	vld.idx.msk [tilespmem:v53+s10+$0x0], $0xffff;
	v50 =	vor.u32 v15, v33;
	v37 =	vshll.u32 v59, $0x9;
	v41 =	vadd.f32 v41, v58  }
0x47b: {  	v63 =	vor.u32 v14, v36;
	v45 =	vld.idx.msk [tilespmem:v54+s10+$0x0], $0xffff;
	v53 =	vor.u32 v15, v36;
	v51 =	vand.u32 $0x7000, v37  }
0x47c: {  	v46 =	vld.idx.msk [tilespmem:v55+s10+$0x0], $0xffff;
	v42 =	vadd.f32 v42, v39;
	v39 =	vor.u32 v38, v51;
	v41 =	vadd.f32 v56, v41  }
0x47d: {  	v48 =	vld.idx.msk [tilespmem:v57+s10+$0x0], $0xffff;
	v57 =	vor.u32 v7, v39  }
0x47e: {  	v54 =	vld.idx.msk [tilespmem:v60+s10+$0x0], $0xffff;
	v58 =	vor.u32 v6, v39;
	v0 =	vadd.f32 v0, v42;
	v41 =	vadd.f32 v43, v41  }
0x47f: {  	v59 =	vor.u32 v5, v39;
	v56 =	vld.idx.msk [tilespmem:v50+s10+$0x0], $0xffff  }
0x480: {  	v40 =	vld.idx.msk [tilespmem:v63+s10+$0x0], $0xffff;
	v60 =	vor.u32 v4, v39;
	v0 =	vadd.f32 v44, v0;
	v41 =	vadd.f32 v45, v41  }
0x481: {  	v47 =	vld.idx.msk [tilespmem:v53+s10+$0x0], $0xffff;
	v51 =	vor.u32 v1, v39  }
0x482: {  	v55 =	vor.u32 v8, v39;
	v0 =	vadd.f32 v46, v0;
	v42 =	vld.idx.msk [tilespmem:v57+s10+$0x0], $0xffff;
	v48 =	vadd.f32 v48, v41  }
0x483: {  	v43 =	vld.idx.msk [tilespmem:v58+s10+$0x0], $0xffff;
	v57 =	vor.u32 v2, v39  }
0x484: {  	v61 =	vor.u32 v16, v33;
	v44 =	vld.idx.msk [tilespmem:v59+s10+$0x0], $0xffff;
	v0 =	vadd.f32 v54, v0;
	v48 =	vadd.f32 v56, v48  }
0x485: {  	v63 =	vor.u32 v17, v33;
	v45 =	vld.idx.msk [tilespmem:v60+s10+$0x0], $0xffff  }
0x486: {  	v52 =	vor.u32 v18, v33;
	v46 =	vld.idx.msk [tilespmem:v51+s10+$0x0], $0xffff;
	v0 =	vadd.f32 v40, v0;
	v48 =	vmul.f32 $1.250000000e-01, v48  }
0x487: {  	v59 =	vor.u32 v19, v33;
	v41 =	vld.idx.msk [tilespmem:v55+s10+$0x0], $0xffff  }
0x488: {  	v58 =	vor.u32 v16, v36;
	v0 =	vadd.f32 v47, v0;
	v47 =	vld.idx.msk [tilespmem:v57+s10+$0x0], $0xffff;
	[tilespmem:s24+$0x410] =	vst v48  }
0x489: {  	v53 =	vor.u32 v17, v36;
	v55 =	vld.idx.msk [tilespmem:v61+s10+$0x0], $0xffff  }
0x48a: {  	v40 =	vor.u32 v20, v33;
	v0 =	vmul.f32 $1.250000000e-01, v0;
	v50 =	vld.idx.msk [tilespmem:v63+s10+$0x0], $0xffff  }
0x48b: {  	s21 =	sand.u32 $0x3E0, s20;
	v51 =	vor.u32 v21, v33;
	v60 =	vld.idx.msk [tilespmem:v52+s10+$0x0], $0xffff  }
0x48c: {  	v54 =	vld.idx.msk [tilespmem:v59+s10+$0x0], $0xffff;
	[tilespmem:s21+$0x10400] =	vst v0;
	v0 =	vor.u32 v18, v36  }
0x48d: {  	s31 =	simm.s32 $0x3;
	v61 =	vor.u32 v19, v36;
	v48 =	vld.idx.msk [tilespmem:v58+s10+$0x0], $0xffff  }
0x48e: {  	v56 =	vor.u32 v22, v33;
	v49 =	vld.idx.msk [tilespmem:v53+s10+$0x0], $0xffff;
	v58 =	vmov s31;
	v53 =	vor.u32 v20, v36  }
0x48f: {  	v57 =	vld.idx.msk [tilespmem:v40+s10+$0x0], $0xffff;
	v63 =	vshll.u32 v58, $0x9;
	v58 =	vshll.u32 v58, $0x7;
	v40 =	vadd.f32 v50, v55  }
0x490: {  	v59 =	vor.u32 v23, v33;
	v55 =	vand.u32 $0x380, v58;
	v58 =	vld.idx.msk [tilespmem:v51+s10+$0x0], $0xffff  }
0x491: {  	v52 =	vor.u32 v21, v36;
	v50 =	vld.idx.msk [tilespmem:v0+s10+$0x0], $0xffff;
	v0 =	vand.u32 $0x7000, v63;
	v60 =	vadd.f32 v60, v40  }
0x492: {  	s25 =	simm.s32 $0x0;
	s22 =	simm.s32 $0x10000;
	s26 =	simm.s32 $0x4;
	v51 =	vld.idx.msk [tilespmem:v61+s10+$0x0], $0xffff;
	v40 =	vor.u32 v55, v0;
	v55 =	vor.u32 v22, v36  }
.LBB2_22:
0x493: {  	p0 =	slt.u32 s26, $0x3E;
	v0 =	vor.u32 v1, v40;
	v54 =	vadd.f32 v54, v60;
	v56 =	vld.idx.msk [tilespmem:v56+s10+$0x0], $0xffff  }
0x494: {  	v60 =	vor.u32 v2, v40;
	v48 =	vadd.f32 v49, v48;
	v49 =	vld.idx.msk [tilespmem:v53+s10+$0x0], $0xffff  }
0x495: {  	v53 =	vor.u32 v23, v36;
	v36 =	vmov v39;
	v54 =	vadd.f32 v57, v54;
	v57 =	vld.idx.msk [tilespmem:v59+s10+$0x0], $0xffff  }
0x496: {  	v39 =	vor.u32 v3, v40;
	v48 =	vadd.f32 v50, v48;
	v50 =	vld.idx.msk [tilespmem:v52+s10+$0x0], $0xffff  }
0x497: {  	v52 =	vor.u32 v3, v36;
	v55 =	vld.idx.msk [tilespmem:v55+s10+$0x0], $0xffff;
	v54 =	vadd.f32 v58, v54  }
0x498: {  	v58 =	vor.u32 v4, v40;
	v48 =	vadd.f32 v51, v48;
	v0 =	vld.idx.msk [tilespmem:v0+s10+$0x0], $0xffff  }
0x499: {  	v59 =	vor.u32 v6, v40;
	v51 =	vld.idx.msk [tilespmem:v60+s10+$0x0], $0xffff;
	v54 =	vadd.f32 v56, v54  }
0x49a: {  	v56 =	vor.u32 v5, v40;
	v48 =	vadd.f32 v49, v48;
	v49 =	vld.idx.msk [tilespmem:v53+s10+$0x0], $0xffff  }
0x49b: {  	v39 =	vld.idx.msk [tilespmem:v39+s10+$0x0], $0xffff;
	v53 =	vadd.f32 v57, v54;
	v54 =	vor.u32 v24, v33  }
0x49c: {  	v48 =	vadd.f32 v50, v48;
	v50 =	vor.u32 v25, v33;
	v52 =	vld.idx.msk [tilespmem:v52+s10+$0x0], $0xffff  }
0x49d: {  	v57 =	vld.idx.msk [tilespmem:v58+s10+$0x0], $0xffff;
	v58 =	vor.u32 v7, v40;
	v53 =	vmul.f32 $1.250000000e-01, v53  }
0x49e: {  	v60 =	vor.u32 v26, v33;
	v55 =	vadd.f32 v55, v48;
	v48 =	vor.u32 v35, v34;
	v59 =	vld.idx.msk [tilespmem:v59+s10+$0x0], $0xffff  }
0x49f: {  	v34 =	vmov v37;
	v0 =	vadd.f32 v51, v0;
	v51 =	vld.idx.msk [tilespmem:v56+s10+$0x0], $0xffff;
	v56 =	vor.u32 v8, v40;
	[tilespmem:s24+$0x810] =	vst v53  }
0x4a0: {  	v37 =	vadd.f32 v47, v46;
	v46 =	vadd.f32 v49, v55;
	v49 =	vor.u32 v27, v33;
	v47 =	vld.idx.msk [tilespmem:v54+s10+$0x0], $0xffff  }
0x4a1: {  	v35 =	vmov v38;
	v0 =	vadd.f32 v39, v0;
	v39 =	vor.u32 v24, v48;
	v50 =	vld.idx.msk [tilespmem:v50+s10+$0x0], $0xffff  }
0x4a2: {  	v37 =	vadd.f32 v52, v37;
	v46 =	vmul.f32 $1.250000000e-01, v46;
	v52 =	vor.u32 v28, v33;
	v38 =	vld.idx.msk [tilespmem:v58+s10+$0x0], $0xffff  }
0x4a3: {  	v53 =	vor.u32 v25, v48;
	v0 =	vadd.f32 v57, v0;
	v54 =	vld.idx.msk [tilespmem:v60+s10+$0x0], $0xffff  }
0x4a4: {  	v37 =	vadd.f32 v45, v37;
	v45 =	vld.idx.msk [tilespmem:v56+s10+$0x0], $0xffff;
	[tilespmem:s21+$0x10800] =	vst v46;
	v46 =	vor.u32 v29, v33  }
0x4a5: {  	v0 =	vadd.f32 v51, v0;
	v51 =	vor.u32 v26, v48;
	v49 =	vld.idx.msk [tilespmem:v49+s10+$0x0], $0xffff  }
0x4a6: {  	v37 =	vadd.f32 v44, v37;
	v44 =	vor.u32 v30, v33;
	v39 =	vld.idx.msk [tilespmem:v39+s10+$0x0], $0xffff  }
0x4a7: {  	v55 =	vor.u32 v27, v48;
	v0 =	vadd.f32 v59, v0;
	v47 =	vadd.f32 v50, v47;
	v50 =	vld.idx.msk [tilespmem:v52+s10+$0x0], $0xffff  }
0x4a8: {  	v37 =	vadd.f32 v43, v37;
	v52 =	vor.u32 v31, v33;
	v33 =	vmov v40;
	v43 =	vld.idx.msk [tilespmem:v53+s10+$0x0], $0xffff  }
0x4a9: {  	v0 =	vadd.f32 v38, v0;
	v38 =	vor.u32 v28, v48;
	v40 =	vadd.f32 v54, v47;
	v46 =	vld.idx.msk [tilespmem:v46+s10+$0x0], $0xffff  }
0x4aa: {  	v47 =	vor.u32 v29, v48;
	v37 =	vadd.f32 v42, v37;
	v42 =	vld.idx.msk [tilespmem:v51+s10+$0x0], $0xffff  }
0x4ab: {  	v0 =	vadd.f32 v45, v0;
	v45 =	vor.u32 v62, v33;
	v40 =	vadd.f32 v49, v40;
	v44 =	vld.idx.msk [tilespmem:v44+s10+$0x0], $0xffff  }
0x4ac: {  	v37 =	vadd.f32 v41, v37;
	v41 =	vor.u32 v9, v33;
	v49 =	vld.idx.msk [tilespmem:v55+s10+$0x0], $0xffff  }
0x4ad: {  	v51 =	vor.u32 v62, v36;
	v0 =	vmul.f32 $1.250000000e-01, v0;
	v40 =	vadd.f32 v50, v40;
	v50 =	vld.idx.msk [tilespmem:v52+s10+$0x0], $0xffff  }
0x4ae: {  	s24 =	sadd.s32 $0x20, s24;
	v37 =	vmul.f32 $1.250000000e-01, v37;
	v52 =	vor.u32 v10, v33;
	v39 =	vadd.f32 v43, v39;
	v38 =	vld.idx.msk [tilespmem:v38+s10+$0x0], $0xffff  }
0x4af: {  	v43 =	vor.u32 v9, v36;
	v40 =	vadd.f32 v46, v40;
	[tilespmem:s24+$0x10] =	vst v0;
	v0 =	vld.idx.msk [tilespmem:v47+s10+$0x0], $0xffff  }
0x4b0: {  	v39 =	vadd.f32 v42, v39;
	[tilespmem:s24+$0x0] =	vst v37;
	v37 =	vld.idx.msk [tilespmem:v45+s10+$0x0], $0xffff;
	v45 =	vor.u32 v11, v33  }
0x4b1: {  	v42 =	vor.u32 v10, v36;
	v40 =	vadd.f32 v44, v40;
	v41 =	vld.idx.msk [tilespmem:v41+s10+$0x0], $0xffff  }
0x4b2: {  	v46 =	vor.u32 v12, v33;
	v39 =	vadd.f32 v49, v39;
	v44 =	vld.idx.msk [tilespmem:v51+s10+$0x0], $0xffff  }
0x4b3: {  	v47 =	vor.u32 v11, v36;
	v40 =	vadd.f32 v50, v40;
	v49 =	vld.idx.msk [tilespmem:v52+s10+$0x0], $0xffff  }
0x4b4: {  	v50 =	vor.u32 v13, v33;
	v38 =	vadd.f32 v38, v39;
	v43 =	vld.idx.msk [tilespmem:v43+s10+$0x0], $0xffff  }
0x4b5: {  	v39 =	vor.u32 v12, v36;
	v40 =	vmul.f32 $1.250000000e-01, v40;
	v45 =	vld.idx.msk [tilespmem:v45+s10+$0x0], $0xffff  }
0x4b6: {  	v51 =	vor.u32 v14, v33;
	v0 =	vadd.f32 v0, v38;
	v42 =	vld.idx.msk [tilespmem:v42+s10+$0x0], $0xffff  }
0x4b7: {  	s23 =	simm.s32 $0x130C0;
	v52 =	vor.u32 v13, v36;
	v38 =	vmov s26;
	v41 =	vadd.f32 v41, v37;
	v46 =	vld.idx.msk [tilespmem:v46+s10+$0x0], $0xffff;
	[tilespmem:s22+$0xC10] =	vst v40;
	s22 =	smov.u32 s24  }
0x4b8: {  	v37 =	vshll.u32 v38, $0x9;
	v40 =	vld.idx.msk [tilespmem:v47+s10+$0x0], $0xffff;
	v47 =	vor.u32 v15, v33  }
0x4b9: {  	v53 =	vor.u32 v14, v36;
	v38 =	vshll.u32 v38, $0x7;
	v41 =	vadd.f32 v49, v41;
	v49 =	vld.idx.msk [tilespmem:v50+s10+$0x0], $0xffff  }
0x4ba: {  	v54 =	vor.u32 v15, v36;
	v50 =	vand.u32 $0x7000, v37;
	v43 =	vadd.f32 v43, v44;
	v44 =	vld.idx.msk [tilespmem:v39+s10+$0x0], $0xffff  }
0x4bb: {  	v38 =	vand.u32 $0x300, v38;
	v41 =	vadd.f32 v45, v41;
	v45 =	vld.idx.msk [tilespmem:v51+s10+$0x0], $0xffff;
	v51 =	vor.u32 v30, v48  }
0x4bc: {  	v39 =	vor.u32 v38, v50;
	v42 =	vadd.f32 v42, v43;
	v48 =	vor.u32 v31, v48;
	v43 =	vld.idx.msk [tilespmem:v52+s10+$0x0], $0xffff  }
0x4bd: {  	v50 =	vor.u32 v8, v39;
	v41 =	vadd.f32 v46, v41;
	v46 =	vld.idx.msk [tilespmem:v47+s10+$0x0], $0xffff  }
0x4be: {  	v47 =	vor.u32 v7, v39;
	v40 =	vadd.f32 v40, v42;
	v52 =	vld.idx.msk [tilespmem:v53+s10+$0x0], $0xffff  }
0x4bf: {  	v53 =	vor.u32 v6, v39;
	v41 =	vadd.f32 v49, v41;
	v54 =	vld.idx.msk [tilespmem:v54+s10+$0x0], $0xffff  }
0x4c0: {  	v49 =	vor.u32 v5, v39;
	v40 =	vadd.f32 v44, v40;
	v51 =	vld.idx.msk [tilespmem:v51+s10+$0x0], $0xffff  }
0x4c1: {  	v55 =	vor.u32 v4, v39;
	v44 =	vadd.f32 v45, v41;
	v48 =	vld.idx.msk [tilespmem:v48+s10+$0x0], $0xffff  }
0x4c2: {  	v56 =	vor.u32 v1, v39;
	v40 =	vadd.f32 v43, v40;
	v41 =	vld.idx.msk [tilespmem:v50+s10+$0x0], $0xffff  }
0x4c3: {  	v45 =	vadd.f32 v46, v44;
	v42 =	vld.idx.msk [tilespmem:v47+s10+$0x0], $0xffff;
	v47 =	vor.u32 v16, v33  }
0x4c4: {  	v50 =	vor.u32 v17, v33;
	v40 =	vadd.f32 v52, v40;
	v43 =	vld.idx.msk [tilespmem:v53+s10+$0x0], $0xffff  }
0x4c5: {  	v52 =	vor.u32 v2, v39;
	v44 =	vld.idx.msk [tilespmem:v49+s10+$0x0], $0xffff;
	v49 =	vmul.f32 $1.250000000e-01, v45  }
0x4c6: {  	v53 =	vor.u32 v18, v33;
	v40 =	vadd.f32 v54, v40;
	v0 =	vadd.f32 v51, v0;
	v45 =	vld.idx.msk [tilespmem:v55+s10+$0x0], $0xffff  }
0x4c7: {  	v51 =	vor.u32 v16, v36;
	v46 =	vld.idx.msk [tilespmem:v56+s10+$0x0], $0xffff;
	[tilespmem:s24+$0x410] =	vst v49  }
0x4c8: {  	s25 =	sadd.s32 $0x20, s25;
	v40 =	vmul.f32 $1.250000000e-01, v40;
	v49 =	vor.u32 v19, v33;
	v0 =	vadd.f32 v48, v0;
	v55 =	vld.idx.msk [tilespmem:v47+s10+$0x0], $0xffff  }
0x4c9: {  	s0 =	sand.u32 $0x3E0, s25;
	v56 =	vor.u32 v17, v36;
	v50 =	vld.idx.msk [tilespmem:v50+s10+$0x0], $0xffff  }
0x4ca: {  	v0 =	vmul.f32 $1.250000000e-01, v0;
	v47 =	vld.idx.msk [tilespmem:v52+s10+$0x0], $0xffff;
	[tilespmem:s0+$0x10400] =	vst v40;
	v40 =	vor.u32 v20, v33  }
0x4cb: {  	v58 =	vor.u32 v18, v36;
	v60 =	vld.idx.msk [tilespmem:v53+s10+$0x0], $0xffff  }
0x4cc: {  	v48 =	vld.idx.msk [tilespmem:v51+s10+$0x0], $0xffff;
	v51 =	vor.u32 v21, v33;
	[tilespmem:s21+$0x10C00] =	vst v0;
	s21 =	smov.u32 s0  }
0x4cd: {  	v0 =	vor.u32 v19, v36;
	v54 =	vld.idx.msk [tilespmem:v49+s10+$0x0], $0xffff  }
.Ltmp10:
0x4ce: {  	v52 =	vor.u32 v21, v36;
	s0 =	sadd.s32 $0x1, s26;
	v49 =	vld.idx.msk [tilespmem:v56+s10+$0x0], $0xffff;
	v56 =	vor.u32 v22, v33;
	(pc) =	sbr.rel @p0 .LBB2_22-.Ltmp10, $4  }
0x4cf: {  	v53 =	vor.u32 v20, v36;
	v59 =	vmov s0;
	v55 =	vadd.f32 v50, v55;
	v57 =	vld.idx.msk [tilespmem:v40+s10+$0x0], $0xffff  }
0x4d0: {  	v61 =	vshll.u32 v59, $0x7;
	v40 =	vshll.u32 v59, $0x9;
	v59 =	vor.u32 v23, v33;
	v50 =	vld.idx.msk [tilespmem:v58+s10+$0x0], $0xffff  }
0x4d1: {  	v61 =	vand.u32 $0x380, v61;
	v40 =	vand.u32 $0x7000, v40;
	v60 =	vadd.f32 v60, v55;
	v58 =	vld.idx.msk [tilespmem:v51+s10+$0x0], $0xffff  }
0x4d2: {  	s26 =	sadd.s32 $0x2, s26;
	v55 =	vor.u32 v22, v36;
	v40 =	vor.u32 v61, v40;
	v51 =	vld.idx.msk [tilespmem:v0+s10+$0x0], $0xffff  }
0x4d3: {  	v0 =	vor.u32 v1, v40  }
0x4d4: {  	v63 =	vor.u32 v3, v39  }
0x4d5: {  	v61 =	vor.u32 v2, v40;
	_ =	sdelay $0x1  }
0x4d6: {  	v62 =	vor.u32 v3, v40  }
0x4d7: {  	v1 =	vld.idx.msk [tilespmem:v0+s10+$0x0], $0xffff  }
0x4d8: {  	v0 =	vor.u32 v4, v40;
	v63 =	vld.idx.msk [tilespmem:v63+s10+$0x0], $0xffff  }
0x4d9: {  	v6 =	vor.u32 v6, v40;
	v61 =	vld.idx.msk [tilespmem:v61+s10+$0x0], $0xffff  }
0x4da: {  	v4 =	vor.u32 v5, v40  }
0x4db: {  	v46 =	vadd.f32 v47, v46;
	v62 =	vld.idx.msk [tilespmem:v62+s10+$0x0], $0xffff;
	_ =	sdelay $0x1  }
0x4dc: {  	v0 =	vld.idx.msk [tilespmem:v0+s10+$0x0], $0xffff;
	v46 =	vadd.f32 v63, v46  }
0x4dd: {  	v2 =	vor.u32 v7, v40;
	v5 =	vld.idx.msk [tilespmem:v6+s10+$0x0], $0xffff;
	v61 =	vadd.f32 v61, v1  }
0x4de: {  	v1 =	vld.idx.msk [tilespmem:v4+s10+$0x0], $0xffff;
	v45 =	vadd.f32 v45, v46  }
0x4df: {  	v54 =	vadd.f32 v54, v60;
	v6 =	vld.idx.msk [tilespmem:v56+s10+$0x0], $0xffff;
	v7 =	vadd.f32 v62, v61  }
0x4e0: {  	v4 =	vor.u32 v8, v40;
	v63 =	vld [tilespmem:$0x1FEC0];
	v44 =	vadd.f32 v44, v45  }
0x4e1: {  	v54 =	vadd.f32 v57, v54;
	v62 =	vld.idx.msk [tilespmem:v59+s10+$0x0], $0xffff;
	v0 =	vadd.f32 v0, v7  }
0x4e2: {  	v7 =	vld.idx.msk [tilespmem:v2+s10+$0x0], $0xffff;
	v43 =	vadd.f32 v43, v44  }
0x4e3: {  	v54 =	vadd.f32 v58, v54;
	v0 =	vadd.f32 v1, v0  }
0x4e4: {  	v42 =	vadd.f32 v42, v43  }
0x4e5: {  	v36 =	vor.u32 v23, v36;
	v4 =	vld.idx.msk [tilespmem:v4+s10+$0x0], $0xffff;
	v0 =	vadd.f32 v5, v0;
	v5 =	vadd.f32 v6, v54  }
0x4e6: {  	v60 =	vor.u32 v63, v39;
	v41 =	vadd.f32 v41, v42  }
0x4e7: {  	v47 =	vld.idx.msk [tilespmem:v52+s10+$0x0], $0xffff;
	v0 =	vadd.f32 v7, v0;
	v6 =	vadd.f32 v62, v5;
	v7 =	vor.u32 v24, v33  }
0x4e8: {  	v46 =	vld.idx.msk [tilespmem:v53+s10+$0x0], $0xffff;
	v62 =	vor.u32 v9, v39;
	v41 =	vmul.f32 $1.250000000e-01, v41  }
0x4e9: {  	s30 =	sadd.s32 $0x20, s24;
	v53 =	vld.idx.msk [tilespmem:v55+s10+$0x0], $0xffff;
	v5 =	vor.u32 v10, v39;
	v44 =	vmul.f32 $1.250000000e-01, v6  }
0x4ea: {  	v58 =	vor.u32 v63, v40;
	v54 =	vld.idx.msk [tilespmem:v36+s10+$0x0], $0xffff;
	v0 =	vadd.f32 v4, v0;
	[tilespmem:s30+$0x0] =	vst v41  }
0x4eb: {  	v61 =	vor.u32 v10, v40;
	[tilespmem:s24+$0x810] =	vst v44;
	v42 =	vld.idx.msk [tilespmem:v60+s10+$0x0], $0xffff  }
0x4ec: {  	v59 =	vor.u32 v9, v40;
	v0 =	vmul.f32 $1.250000000e-01, v0;
	v36 =	vld.idx.msk [tilespmem:v7+s10+$0x0], $0xffff  }
0x4ed: {  	v48 =	vadd.f32 v49, v48;
	v4 =	vor.u32 v11, v40;
	v45 =	vld.idx.msk [tilespmem:v62+s10+$0x0], $0xffff  }
0x4ee: {  	v7 =	vor.u32 v11, v39;
	v41 =	vld.idx.msk [tilespmem:v5+s10+$0x0], $0xffff;
	[tilespmem:s30+$0x10] =	vst v0  }
0x4ef: {  	v48 =	vadd.f32 v50, v48;
	v6 =	vor.u32 v12, v40;
	v0 =	vld.idx.msk [tilespmem:v58+s10+$0x0], $0xffff  }
0x4f0: {  	v44 =	vld.idx.msk [tilespmem:v61+s10+$0x0], $0xffff;
	v61 =	vor.u32 v12, v39  }
0x4f1: {  	v48 =	vadd.f32 v51, v48;
	v60 =	vor.u32 v13, v40;
	v52 =	vld.idx.msk [tilespmem:v59+s10+$0x0], $0xffff  }
0x4f2: {  	v43 =	vld.idx.msk [tilespmem:v4+s10+$0x0], $0xffff;
	v4 =	vor.u32 v13, v39  }
0x4f3: {  	v46 =	vadd.f32 v46, v48;
	v62 =	vor.u32 v14, v40;
	v48 =	vld.idx.msk [tilespmem:v7+s10+$0x0], $0xffff  }
0x4f4: {  	v49 =	vld.idx.msk [tilespmem:v6+s10+$0x0], $0xffff;
	v6 =	vor.u32 v14, v39;
	v42 =	vadd.f32 v45, v42  }
0x4f5: {  	v58 =	vld.idx.msk [tilespmem:v61+s10+$0x0], $0xffff  }
0x4f6: {  	v59 =	vor.u32 v15, v39;
	v50 =	vld.idx.msk [tilespmem:v60+s10+$0x0], $0xffff;
	v0 =	vadd.f32 v52, v0;
	v41 =	vadd.f32 v41, v42  }
0x4f7: {  	v5 =	vor.u32 v15, v40;
	v7 =	vadd.f32 v47, v46;
	v52 =	vld.idx.msk [tilespmem:v4+s10+$0x0], $0xffff  }
0x4f8: {  	v57 =	vor.u32 v25, v33;
	v51 =	vld.idx.msk [tilespmem:v62+s10+$0x0], $0xffff;
	v0 =	vadd.f32 v44, v0;
	v41 =	vadd.f32 v48, v41  }
0x4f9: {  	v62 =	vor.u32 v27, v33;
	v60 =	vadd.f32 v53, v7;
	v44 =	vld.idx.msk [tilespmem:v6+s10+$0x0], $0xffff  }
0x4fa: {  	v61 =	vor.u32 v26, v33;
	v0 =	vadd.f32 v43, v0;
	v41 =	vadd.f32 v58, v41  }
0x4fb: {  	v34 =	vor.u32 v35, v34;
	v42 =	vadd.f32 v54, v60;
	v43 =	vld.idx.msk [tilespmem:v59+s10+$0x0], $0xffff  }
0x4fc: {  	v4 =	vld.idx.msk [tilespmem:v5+s10+$0x0], $0xffff;
	v5 =	vor.u32 v24, v34;
	v0 =	vadd.f32 v49, v0;
	v41 =	vadd.f32 v52, v41  }
0x4fd: {  	v46 =	vld.idx.msk [tilespmem:v57+s10+$0x0], $0xffff;
	v7 =	vor.u32 v25, v34;
	v6 =	vor.u32 v28, v33  }
0x4fe: {  	v35 =	vld.idx.msk [tilespmem:v62+s10+$0x0], $0xffff;
	v42 =	vmul.f32 $1.250000000e-01, v42;
	v0 =	vadd.f32 v50, v0;
	v41 =	vadd.f32 v44, v41  }
0x4ff: {  	v54 =	vor.u32 v29, v33;
	v45 =	vld.idx.msk [tilespmem:v61+s10+$0x0], $0xffff  }
0x500: {  	v58 =	vor.u32 v16, v39;
	[tilespmem:s21+$0x10800] =	vst v42;
	v0 =	vadd.f32 v51, v0;
	v41 =	vadd.f32 v43, v41  }
0x501: {  	v59 =	vor.u32 v17, v39;
	v48 =	vld.idx.msk [tilespmem:v5+s10+$0x0], $0xffff  }
0x502: {  	s0 =	sadd.s32 $0x20, s25;
	v61 =	vor.u32 v18, v39;
	v49 =	vld.idx.msk [tilespmem:v6+s10+$0x0], $0xffff;
	v0 =	vadd.f32 v4, v0;
	v41 =	vmul.f32 $1.250000000e-01, v41  }
0x503: {  	s25 =	sand.u32 $0x3E0, s0;
	v55 =	vor.u32 v16, v40;
	v47 =	vld.idx.msk [tilespmem:v7+s10+$0x0], $0xffff  }
0x504: {  	v56 =	vor.u32 v17, v40;
	v51 =	vld.idx.msk [tilespmem:v54+s10+$0x0], $0xffff;
	v0 =	vmul.f32 $1.250000000e-01, v0;
	[tilespmem:s25+$0x10400] =	vst v41  }
0x505: {  	v57 =	vor.u32 v18, v40;
	v43 =	vld.idx.msk [tilespmem:v58+s10+$0x0], $0xffff  }
0x506: {  	v60 =	vor.u32 v19, v40;
	[tilespmem:s30+$0x410] =	vst v0;
	v0 =	vld.idx.msk [tilespmem:v59+s10+$0x0], $0xffff  }
0x507: {  	v4 =	vor.u32 v19, v39;
	v53 =	vld.idx.msk [tilespmem:v61+s10+$0x0], $0xffff  }
0x508: {  	v62 =	vor.u32 v20, v40;
	v42 =	vld.idx.msk [tilespmem:v55+s10+$0x0], $0xffff  }
0x509: {  	v6 =	vor.u32 v20, v39;
	v44 =	vld.idx.msk [tilespmem:v56+s10+$0x0], $0xffff  }
0x50a: {  	v61 =	vor.u32 v23, v40;
	v50 =	vld.idx.msk [tilespmem:v57+s10+$0x0], $0xffff  }
0x50b: {  	v52 =	vld.idx.msk [tilespmem:v60+s10+$0x0], $0xffff;
	v60 =	vor.u32 v21, v39  }
0x50c: {  	v5 =	vor.u32 v21, v40;
	v54 =	vld.idx.msk [tilespmem:v4+s10+$0x0], $0xffff  }
0x50d: {  	v41 =	vld.idx.msk [tilespmem:v62+s10+$0x0], $0xffff;
	v62 =	vor.u32 v22, v39;
	v0 =	vadd.f32 v0, v43  }
0x50e: {  	v7 =	vor.u32 v22, v40;
	v56 =	vld.idx.msk [tilespmem:v6+s10+$0x0], $0xffff;
	v42 =	vadd.f32 v44, v42  }
0x50f: {  	v39 =	vor.u32 v23, v39;
	v59 =	vld.idx.msk [tilespmem:v61+s10+$0x0], $0xffff;
	v0 =	vadd.f32 v53, v0  }
0x510: {  	v4 =	vor.u32 v26, v34;
	v6 =	vld.idx.msk [tilespmem:v60+s10+$0x0], $0xffff;
	v42 =	vadd.f32 v50, v42  }
0x511: {  	v50 =	vld.idx.msk [tilespmem:v5+s10+$0x0], $0xffff;
	v0 =	vadd.f32 v54, v0  }
0x512: {  	v61 =	vld.idx.msk [tilespmem:v62+s10+$0x0], $0xffff;
	v5 =	vor.u32 v30, v33;
	v42 =	vadd.f32 v52, v42  }
0x513: {  	v60 =	vor.u32 v31, v33;
	v52 =	vld.idx.msk [tilespmem:v7+s10+$0x0], $0xffff;
	v0 =	vadd.f32 v56, v0  }
0x514: {  	v62 =	vor.u32 v28, v34;
	v39 =	vld.idx.msk [tilespmem:v39+s10+$0x0], $0xffff;
	v41 =	vadd.f32 v41, v42  }
0x515: {  	v43 =	vld.idx.msk [tilespmem:v4+s10+$0x0], $0xffff;
	v4 =	vor.u32 v29, v34;
	v0 =	vadd.f32 v6, v0  }
0x516: {  	v7 =	vor.u32 v27, v34;
	v41 =	vadd.f32 v50, v41  }
0x517: {  	v53 =	vld.idx.msk [tilespmem:v5+s10+$0x0], $0xffff;
	v5 =	vor.u32 v30, v34;
	v0 =	vadd.f32 v61, v0  }
0x518: {  	v37 =	vor.u32 v38, v37;
	v33 =	vld.idx.msk [tilespmem:v60+s10+$0x0], $0xffff;
	v34 =	vor.u32 v31, v34;
	v41 =	vadd.f32 v52, v41  }
0x519: {  	v44 =	vld.idx.msk [tilespmem:v62+s10+$0x0], $0xffff;
	v60 =	vor.u32 v24, v37;
	v0 =	vadd.f32 v39, v0  }
0x51a: {  	v38 =	vld.idx.msk [tilespmem:v4+s10+$0x0], $0xffff;
	v6 =	vor.u32 v24, v40;
	v41 =	vadd.f32 v59, v41  }
0x51b: {  	v52 =	vld.idx.msk [tilespmem:v7+s10+$0x0], $0xffff;
	v7 =	vor.u32 v25, v40;
	v0 =	vmul.f32 $1.250000000e-01, v0  }
0x51c: {  	v61 =	vor.u32 v25, v37;
	v50 =	vld.idx.msk [tilespmem:v5+s10+$0x0], $0xffff;
	v41 =	vmul.f32 $1.250000000e-01, v41  }
0x51d: {  	v62 =	vor.u32 v26, v40;
	v34 =	vld.idx.msk [tilespmem:v34+s10+$0x0], $0xffff;
	[tilespmem:s25+$0x10800] =	vst v0  }
0x51e: {  	v4 =	vor.u32 v26, v37;
	[tilespmem:s30+$0x810] =	vst v41;
	v0 =	vld.idx.msk [tilespmem:v60+s10+$0x0], $0xffff  }
0x51f: {  	v5 =	vor.u32 v27, v40;
	v41 =	vld.idx.msk [tilespmem:v6+s10+$0x0], $0xffff  }
0x520: {  	v54 =	vld.idx.msk [tilespmem:v7+s10+$0x0], $0xffff;
	v6 =	vor.u32 v27, v37  }
0x521: {  	v55 =	vld.idx.msk [tilespmem:v61+s10+$0x0], $0xffff;
	v7 =	vor.u32 v28, v40  }
0x522: {  	v60 =	vor.u32 v28, v37;
	v56 =	vld.idx.msk [tilespmem:v62+s10+$0x0], $0xffff  }
0x523: {  	v36 =	vadd.f32 v46, v36;
	v61 =	vor.u32 v29, v40;
	v42 =	vld.idx.msk [tilespmem:v4+s10+$0x0], $0xffff  }
0x524: {  	v47 =	vadd.f32 v47, v48;
	v4 =	vor.u32 v29, v37;
	v62 =	vld.idx.msk [tilespmem:v5+s10+$0x0], $0xffff  }
0x525: {  	v36 =	vadd.f32 v45, v36;
	v5 =	vor.u32 v30, v40;
	v41 =	vadd.f32 v54, v41;
	v39 =	vld.idx.msk [tilespmem:v6+s10+$0x0], $0xffff  }
0x526: {  	v43 =	vadd.f32 v43, v47;
	v0 =	vadd.f32 v55, v0;
	v6 =	vld.idx.msk [tilespmem:v7+s10+$0x0], $0xffff;
	v7 =	vor.u32 v30, v37  }
0x527: {  	v35 =	vadd.f32 v35, v36;
	v55 =	vor.u32 v31, v40;
	v60 =	vld.idx.msk [tilespmem:v60+s10+$0x0], $0xffff;
	v58 =	vadd.f32 v56, v41  }
0x528: {  	v43 =	vadd.f32 v52, v43;
	v46 =	vld.idx.msk [tilespmem:v61+s10+$0x0], $0xffff;
	v37 =	vor.u32 v31, v37;
	v0 =	vadd.f32 v42, v0  }
0x529: {  	v35 =	vadd.f32 v49, v35;
	v61 =	vld.idx.msk [tilespmem:v4+s10+$0x0], $0xffff;
	v40 =	vadd.f32 v62, v58  }
0x52a: {  	v43 =	vadd.f32 v44, v43;
	v62 =	vld.idx.msk [tilespmem:v5+s10+$0x0], $0xffff;
	v0 =	vadd.f32 v39, v0  }
0x52b: {  	v35 =	vadd.f32 v51, v35;
	v5 =	vld.idx.msk [tilespmem:v7+s10+$0x0], $0xffff;
	v4 =	vadd.f32 v6, v40  }
0x52c: {  	v38 =	vadd.f32 v38, v43;
	v36 =	vld.idx.msk [tilespmem:v55+s10+$0x0], $0xffff;
	v0 =	vadd.f32 v60, v0  }
0x52d: {  	v35 =	vadd.f32 v53, v35;
	v37 =	vld.idx.msk [tilespmem:v37+s10+$0x0], $0xffff;
	v39 =	vadd.f32 v46, v4  }
0x52e: {  	v38 =	vadd.f32 v50, v38;
	v0 =	vadd.f32 v61, v0  }
0x52f: {  	s31 =	simm.s32 $0x1;
	v33 =	vadd.f32 v33, v35;
	v6 =	vadd.f32 v62, v39  }
0x530: {  	s26 =	simm.s32 $0x0;
	s20 =	sand.u32 $0xC00, s20;
	s0 =	sand.u32 $0xF, s31;
	v34 =	vadd.f32 v34, v38;
	v0 =	vadd.f32 v5, v0  }
0x531: {  	s26 =	sand.u32 $0xE, s26;
	s0 =	sor.u32 s0, s20;
	v33 =	vmul.f32 $1.250000000e-01, v33;
	v35 =	vadd.f32 v36, v6  }
0x532: {  	s26 =	sor.u32 s26, s20;
	v34 =	vmul.f32 $1.250000000e-01, v34;
	v7 =	vor.u32 s0, v32;
	v0 =	vadd.f32 v37, v0  }
0x533: {  	[tilespmem:s22+$0xC10] =	vst v33;
	v41 =	vor.u32 s26, v32;
	v40 =	vmul.f32 $1.250000000e-01, v35  }
0x534: {  	[tilespmem:s21+$0x10C00] =	vst v34;
	v0 =	vmul.f32 $1.250000000e-01, v0  }
0x535: {  	s31 =	simm.s32 $0x2;
	s20 =	sor.u32 $0x100, s26;
	s29 =	sor.u32 $0x100, s0;
	[tilespmem:s30+$0xC10] =	vst v40  }
0x536: {  	v42 =	vor.u32 s29, v32;
	s29 =	sand.u32 $0xE, s31;
	s31 =	sor.u32 $0x200, s26;
	s30 =	simm.s32 $0x80;
	[tilespmem:s25+$0x10C00] =	vst v0  }
0x537: {  	s25 =	simm.s32 $0x3;
	s24 =	sand.u32 $0xC00, s30;
	s30 =	sor.u32 $0x200, s0;
	v0 =	vld.idx.msk [tilespmem:v7+s12+$0x0], $0xffff  }
0x538: {  	v33 =	vld.idx.msk [tilespmem:v41+s12+$0x0], $0xffff;
	s21 =	sand.u32 $0xF, s25;
	s22 =	sor.u32 s29, s24;
	v46 =	vor.u32 s30, v32;
	s30 =	simm.s32 $0x100  }
0x539: {  	v43 =	vor.u32 s20, v32;
	s29 =	simm.s32 $0x4;
	s28 =	sor.u32 s21, s24;
	s21 =	simm.s32 $0x5  }
0x53a: {  	v47 =	vor.u32 s31, v32;
	s25 =	sand.u32 $0xC00, s30;
	v44 =	vor.u32 s28, v32;
	s31 =	sor.u32 $0x100, s28;
	s20 =	sand.u32 $0xF, s21  }
0x53b: {  	v45 =	vor.u32 s22, v32;
	s24 =	sor.u32 $0x100, s22;
	v48 =	vor.u32 s31, v32;
	s31 =	sand.u32 $0xE, s29;
	s21 =	sor.u32 s20, s25  }
0x53c: {  	v49 =	vor.u32 s24, v32;
	s24 =	sor.u32 s31, s25;
	v50 =	vor.u32 s21, v32;
	[tilespmem:s23+$0x0] =	vst v0  }
0x53d: {  	[tilespmem:s23+$0xFFFFFF80] =	vst v33;
	v51 =	vor.u32 s24, v32;
	v0 =	vld.idx.msk [tilespmem:v42+s12+$0x0], $0xffff  }
0x53e: {  	v33 =	vld.idx.msk [tilespmem:v43+s12+$0x0], $0xffff  }
0x53f: {  	v36 =	vld.idx.msk [tilespmem:v44+s12+$0x0], $0xffff  }
0x540: {  	v37 =	vld.idx.msk [tilespmem:v45+s12+$0x0], $0xffff  }
0x541: {  	s25 =	sor.u32 $0x100, s21;
	v60 =	vld.idx.msk [tilespmem:v50+s12+$0x0], $0xffff  }
0x542: {  	s29 =	sor.u32 $0x300, s26;
	s26 =	sor.u32 $0x100, s24;
	v61 =	vor.u32 s25, v32;
	[tilespmem:s23+$0x10] =	vst v0;
	v0 =	vld.idx.msk [tilespmem:v51+s12+$0x0], $0xffff  }
0x543: {  	s0 =	sor.u32 $0x300, s0;
	s20 =	simm.s32 $0x131C0;
	v62 =	vor.u32 s26, v32;
	[tilespmem:s23+$0xFFFFFF90] =	vst v33;
	v52 =	vld.idx.msk [tilespmem:v46+s12+$0x0], $0xffff  }
0x544: {  	v54 =	vor.u32 s0, v32;
	s31 =	sor.u32 $0x200, s22;
	s22 =	sor.u32 $0x300, s22;
	[tilespmem:s20+$0x0] =	vst v36;
	v53 =	vld.idx.msk [tilespmem:v47+s12+$0x0], $0xffff  }
0x545: {  	s30 =	sor.u32 $0x200, s28;
	v55 =	vor.u32 s29, v32;
	s29 =	sor.u32 $0x200, s24;
	v34 =	vor.u32 s22, v32;
	s22 =	simm.s32 $0x132C0;
	[tilespmem:s20+$0xFFFFFF80] =	vst v37;
	v56 =	vld.idx.msk [tilespmem:v48+s12+$0x0], $0xffff  }
0x546: {  	v58 =	vor.u32 s30, v32;
	s0 =	sor.u32 $0x300, s24;
	s24 =	simm.s32 $0x7;
	s26 =	simm.s32 $0x180;
	v57 =	vld.idx.msk [tilespmem:v49+s12+$0x0], $0xffff;
	[tilespmem:s22+$0x0] =	vst v60  }
0x547: {  	v59 =	vor.u32 s31, v32;
	s25 =	simm.s32 $0x6;
	s24 =	sand.u32 $0xF, s24;
	s31 =	sand.u32 $0xC00, s26;
	v45 =	vld.idx.msk [tilespmem:v61+s12+$0x0], $0xffff;
	[tilespmem:s22+$0xFFFFFF80] =	vst v0  }
0x548: {  	s30 =	sand.u32 $0xE, s25;
	s24 =	sor.u32 s24, s31;
	[tilespmem:s23+$0x20] =	vst v52;
	v46 =	vld.idx.msk [tilespmem:v62+s12+$0x0], $0xffff  }
0x549: {  	v35 =	vor.u32 s29, v32;
	s29 =	sor.u32 s30, s31;
	v47 =	vor.u32 s24, v32;
	[tilespmem:s23+$0xFFFFFFA0] =	vst v53;
	v40 =	vld.idx.msk [tilespmem:v54+s12+$0x0], $0xffff  }
0x54a: {  	s28 =	sor.u32 $0x300, s28;
	v43 =	vor.u32 s29, v32;
	s30 =	sor.u32 $0x100, s29;
	[tilespmem:s20+$0x10] =	vst v56;
	v41 =	vld.idx.msk [tilespmem:v55+s12+$0x0], $0xffff  }
0x54b: {  	v44 =	vor.u32 s28, v32;
	s31 =	sor.u32 $0x200, s29;
	s29 =	sor.u32 $0x300, s29;
	v39 =	vor.u32 s30, v32;
	[tilespmem:s20+$0xFFFFFF90] =	vst v57;
	v38 =	vld.idx.msk [tilespmem:v58+s12+$0x0], $0xffff  }
0x54c: {  	s28 =	sor.u32 $0x200, s21;
	v33 =	vor.u32 s0, v32;
	v37 =	vor.u32 s31, v32;
	v36 =	vor.u32 s29, v32;
	v42 =	vld.idx.msk [tilespmem:v59+s12+$0x0], $0xffff  }
.LBB2_24:
0x54d: {  	s0 =	smov.u32 s25  }
0x54e: {  	v0 =	vld.idx.msk [tilespmem:v47+s12+$0x0], $0xffff;
	v48 =	vor.u32 s28, v32;
	[tilespmem:s23+$0x30] =	vst v40;
	s25 =	sadd.s32 $0x2, s25;
	s28 =	sor.u32 $0x100, s24;
	s26 =	sadd.s32 $0x80, s26  }
0x54f: {  	s0 =	sadd.s32 $0x3, s0;
	v49 =	vld.idx.msk [tilespmem:v43+s12+$0x0], $0xffff;
	[tilespmem:s23+$0xFFFFFFB0] =	vst v41;
	s23 =	sand.u32 $0xE, s25;
	s29 =	sand.u32 $0xC00, s26  }
0x550: {  	v50 =	vor.u32 s28, v32;
	s0 =	sand.u32 $0xF, s0;
	[tilespmem:s20+$0x20] =	vst v38;
	s23 =	sor.u32 s23, s29  }
0x551: {  	p0 =	slt.u32 s25, $0x3E;
	s0 =	sor.u32 s0, s29;
	[tilespmem:s20+$0xFFFFFFA0] =	vst v42;
	v40 =	vld.idx.msk [tilespmem:v44+s12+$0x0], $0xffff;
	s28 =	sor.u32 $0x100, s23  }
.Ltmp11:
0x552: {  	v43 =	vor.u32 s23, v32;
	s29 =	sor.u32 $0x200, s23;
	s30 =	sor.u32 $0x300, s23;
	v47 =	vor.u32 s0, v32;
	[tilespmem:s22+$0x10] =	vst v45;
	v41 =	vld.idx.msk [tilespmem:v34+s12+$0x0], $0xffff;
	(pc) =	sbr.rel @p0 .LBB2_24-.Ltmp11, $4  }
0x553: {  	s23 =	smov.u32 s20;
	s20 =	smov.u32 s22;
	v51 =	vor.u32 s28, v32;
	v44 =	vor.u32 s29, v32;
	v34 =	vmovc v33;
	v33 =	vmov v36;
	[tilespmem:s22+$0xFFFFFF90] =	vst v46;
	v38 =	vld.idx.msk [tilespmem:v48+s12+$0x0], $0xffff;
	s22 =	sadd.s32 $0x100, s22  }
0x554: {  	v36 =	vor.u32 s30, v32;
	s28 =	sor.u32 $0x300, s21;
	s21 =	smov.u32 s24;
	s24 =	smov.u32 s0;
	[tilespmem:s22+$0x0] =	vst v0;
	v42 =	vld.idx.msk [tilespmem:v35+s12+$0x0], $0xffff;
	v35 =	vmov v37;
	v37 =	vmov v44  }
0x555: {  	v44 =	vor.u32 s28, v32;
	[tilespmem:s22+$0xFFFFFF80] =	vst v49;
	v45 =	vld.idx.msk [tilespmem:v50+s12+$0x0], $0xffff  }
0x556: {  	s28 =	sor.u32 $0x200, s21;
	v46 =	vld.idx.msk [tilespmem:v39+s12+$0x0], $0xffff;
	v39 =	vmov v51  }
0x557: {  	_ =	sdelay $0x3  }
0x558: {  	v0 =	vld.idx.msk [tilespmem:v47+s12+$0x0], $0xffff;
	s0 =	sor.u32 $0x100, s24  }
0x559: {  	v43 =	vld.idx.msk [tilespmem:v43+s12+$0x0], $0xffff;
	v55 =	vor.u32 s0, v32;
	_ =	sdelay $0x2  }
0x55a: {  	s30 =	sadd.s32 $0x100, s22  }
0x55b: {  	[tilespmem:s30+$0x0] =	vst v0  }
0x55c: {  	s25 =	sor.u32 $0x200, s24;
	v0 =	vor.u32 s28, v32;
	[tilespmem:s30+$0xFFFFFF80] =	vst v43;
	v56 =	vld.idx.msk [tilespmem:v55+s12+$0x0], $0xffff  }
0x55d: {  	[tilespmem:s23+$0x30] =	vst v40;
	v57 =	vor.u32 s25, v32;
	v39 =	vld.idx.msk [tilespmem:v39+s12+$0x0], $0xffff  }
0x55e: {  	[tilespmem:s23+$0xFFFFFFB0] =	vst v41  }
0x55f: {  	[tilespmem:s22+$0xFFFFFF90] =	vst v46  }
0x560: {  	[tilespmem:s22+$0x10] =	vst v45;
	v35 =	vld.idx.msk [tilespmem:v35+s12+$0x0], $0xffff  }
0x561: {  	s21 =	sor.u32 $0x300, s21;
	v0 =	vld.idx.msk [tilespmem:v0+s12+$0x0], $0xffff;
	[tilespmem:s30+$0x10] =	vst v56  }
0x562: {  	s31 =	sor.u32 $0x300, s24;
	v58 =	vor.u32 s21, v32;
	[tilespmem:s30+$0xFFFFFF90] =	vst v39;
	v59 =	vld.idx.msk [tilespmem:v57+s12+$0x0], $0xffff  }
0x563: {  	[tilespmem:s20+$0x20] =	vst v38;
	v60 =	vor.u32 s31, v32;
	v37 =	vld.idx.msk [tilespmem:v37+s12+$0x0], $0xffff  }
0x564: {  	[tilespmem:s20+$0xFFFFFFA0] =	vst v42;
	v61 =	vld.idx.msk [tilespmem:v44+s12+$0x0], $0xffff  }
0x565: {  	v34 =	vld.idx.msk [tilespmem:v34+s12+$0x0], $0xffff;
	[tilespmem:s22+$0xFFFFFFA0] =	vst v35  }
0x566: {  	v33 =	vld.idx.msk [tilespmem:v33+s12+$0x0], $0xffff;
	[tilespmem:s22+$0x20] =	vst v0  }
0x567: {  	v0 =	vld.idx.msk [tilespmem:v58+s12+$0x0], $0xffff;
	[tilespmem:s30+$0x20] =	vst v59  }
0x568: {  	[tilespmem:s30+$0xFFFFFFA0] =	vst v37;
	v62 =	vld.idx.msk [tilespmem:v60+s12+$0x0], $0xffff  }
0x569: {  	[tilespmem:s20+$0x30] =	vst v61;
	v36 =	vld.idx.msk [tilespmem:v36+s12+$0x0], $0xffff  }
0x56a: {  	[tilespmem:s20+$0xFFFFFFB0] =	vst v34  }
0x56b: {  	[tilespmem:s22+$0xFFFFFFB0] =	vst v33  }
0x56c: {  	[tilespmem:s22+$0x30] =	vst v0  }
0x56d: {  	[tilespmem:s30+$0x30] =	vst v62  }
0x56e: {  	[tilespmem:s30+$0xFFFFFFB0] =	vst v36  }
0x56f: {  	[hbm4b:s8+s14] =	stream.strided.scatter [tilespmem:s16], [sflag:$0x4], $0x2000, s12, s14, $0x38;
	[tilespmem:$0x15000] =	vst v63  }
0x570: {  	_ =	swait.ge [sflag:s17], $0x2000  }
0x571: {  	[sflag:s17] =	ssyncset.done $0x0  }
0x572: {  	[sflag:s17] =	ssyncadd.s32 $0xFFFFE000  }
0x573: {  	_ =	swait.ge [sflag:s18], $0x2000  }
0x574: {  	v1 =	vld [tilespmem:$0x1FE40]  }
0x575: {  	s19 =	sadd.s32 $0x1, s19;
	v2 =	vld [tilespmem:$0x1FE50]  }
0x576: {  	p0 =	sne.s32 s19, s9;
	v3 =	vld [tilespmem:$0x1FE60]  }
.Ltmp12:
0x577: {  	v4 =	vld [tilespmem:$0x1FE70];
	(pc) =	sbr.rel @p0 .LBB2_1-.Ltmp12, $4  }
.Ltmp13:
0x578: {  	v5 =	vld [tilespmem:$0x1FE80];
	(pc) =	sbr.rel @!p0 .LBB2_26-.Ltmp13, $4  }
0x579: {  	v6 =	vld [tilespmem:$0x1FE90]  }
0x57a: {  	[sflag:s18] =	ssyncset.done $0x0;
	v7 =	vld [tilespmem:$0x1FEA0]  }
0x57b: {  	v8 =	vld [tilespmem:$0x1FEB0];
	[sflag:s18] =	ssyncadd.s32 $0xFFFFE000  }
0x57c: {  	_ = 	snop  }
.LBB2_4:
0x57d: {  	v62 =	vld [tilespmem:$0x1FE40]  }
0x57e: {  	v1 =	vld [tilespmem:$0x1FE50]  }
0x57f: {  	v2 =	vld [tilespmem:$0x1FE60]  }
0x580: {  	v3 =	vld [tilespmem:$0x1FE70]  }
0x581: {  	v4 =	vld [tilespmem:$0x1FE80]  }
0x582: {  	v5 =	vld [tilespmem:$0x1FE90]  }
0x583: {  	v6 =	vld [tilespmem:$0x1FEA0]  }
0x584: {  	v7 =	vld [tilespmem:$0x1FEB0]  }
0x585: {  	v8 =	vld [tilespmem:$0x1FEC0]  }
0x586: {  	v10 =	vld [tilespmem:$0x1FED0]  }
0x587: {  	v11 =	vld [tilespmem:$0x1FEE0]  }
0x588: {  	v12 =	vld [tilespmem:$0x1FEF0]  }
0x589: {  	v13 =	vld [tilespmem:$0x1FF00]  }
0x58a: {  	v14 =	vld [tilespmem:$0x1FF10]  }
0x58b: {  	v15 =	vld [tilespmem:$0x1FF20]  }
0x58c: {  	v16 =	vld [tilespmem:$0x1FF30]  }
0x58d: {  	v17 =	vld [tilespmem:$0x1FF40]  }
0x58e: {  	v18 =	vld [tilespmem:$0x1FF50]  }
0x58f: {  	v19 =	vld [tilespmem:$0x1FF60]  }
0x590: {  	v20 =	vld [tilespmem:$0x1FF70]  }
0x591: {  	v21 =	vld [tilespmem:$0x1FF80]  }
0x592: {  	v22 =	vld [tilespmem:$0x1FF90]  }
.Ltmp14:
0x593: {  	v23 =	vld [tilespmem:$0x1FFA0];
	(pc) =	sbr.rel .LBB2_13-.Ltmp14, $4  }
0x594: {  	v24 =	vld [tilespmem:$0x1FFB0]  }
0x595: {  	v25 =	vld [tilespmem:$0x1FFC0]  }
0x596: {  	v26 =	vld [tilespmem:$0x1FFD0]  }
0x597: {  	s21 =	smov.u32 s25;
	v33 =	vmovc v34;
	s20 =	simm.s32 $0x11080;
	v27 =	vld [tilespmem:$0x1FFE0];
	v28 =	vmovc v61;
	v29 =	vmov v63;
	v30 =	vmov v57;
	v31 =	vmov v59  }
.LBB2_6:
.Ltmp15:
0x598: {  	(pc) =	sbr.rel .LBB2_13-.Ltmp15, $2  }
0x599: {  	_ =	sdelay $0x2  }
0x59a: {  	v52 =	vmovc v34;
	v49 =	vmov v35;
	s21 =	smov.u32 s26;
	s20 =	simm.s32 $0x11080;
	v35 =	vmov v51;
	v45 =	vmov v53  }
.LBB2_8:
.Ltmp16:
0x59b: {  	(pc) =	sbr.rel .LBB2_13-.Ltmp16, $3  }
0x59c: {  	_ =	sdelay $0x1  }
0x59d: {  	v52 =	vmov v33;
	v50 =	vmov v40;
	v54 =	vmov v34  }
0x59e: {  	s21 =	smov.u32 s24;
	s29 =	simm.s32 $0x11080;
	v33 =	vmovc v49;
	v49 =	vmovc v51;
	s25 =	smov.u32 s26;
	v35 =	vmov v47;
	v46 =	vmov v37;
	v48 =	vmov v38  }
.LBB2_10:
.Ltmp17:
0x59f: {  	(pc) =	sbr.rel .LBB2_13-.Ltmp17, $3  }
0x5a0: {  	_ =	sdelay $0x1  }
0x5a1: {  	s23 =	simm.s32 $0x11080  }
0x5a2: {  	v54 =	vmovc v33;
	s29 =	simm.s32 $0x11180;
	s20 =	simm.s32 $0x11280;
	v52 =	vmovc v49;
	v33 =	vmov v53;
	v49 =	vmov v47;
	s25 =	smov.u32 s24;
	v45 =	vmov v51  }
.LBB2_26:
0x5a3: {  	_ =	sfence.sel $0x180000  }
0x5a4: {  	[bflag:$0x0] =	sbarrier.arrive $0xFFFF  }
0x5a5: {  	_ =	strace $0x90000047  }
0x5a6: {  	[bflag:$0x2] =	sbarrier.arrive $0xFFFF  }
0x5a7: {  	p0 =	sne.s32 s1, $0x0;
	s0 =	rddreg [dreg:$0x2]  }
0x5a8: {  	s0 =	sadd.s32 @!p0 $0x100000, s0  }
0x5a9: {  	[sflag:s0] =	ssyncadd.tile.s32 @!p0 $0x1;
	_ =	shalt  }
.Lfunc_end2:
_tile_overlayer_lowered:
.L_overlay_start_2:
0x5aa: {  	(tag) =	ssettag $0x2  }
0x5ab: {  	s0 =	rddreg [dreg:$0x0];
	s2 =	stileid.u32  }
0x5ac: {  	s1 =	rddreg [dreg:$0x1];
	p0 =	sne.s32 s2, $0x0  }
0x5ad: {  	s3 =	rddreg [dreg:$0x2];
	[bflag:$0x3] =	sbarrier.arrive $0xFFFF;
	s2 =	simm.s32 @!p0 $0x1C05  }
0x5ae: {  	[timem:s3], [sflag:s2] =	dma.local @!p0 [hbm:s0], s1  }
0x5af: {  	s0 =	simm.s32 @!p0 $0x5  }
0x5b0: {  	_ =	swait.ge @!p0 [sflag:s0], s1  }
0x5b1: {  	s1 =	ssub.s32 @!p0 $0x0, s1;
	[sflag:s0] =	ssyncset.done @!p0 $0x0  }
0x5b2: {  	[sflag:s0] =	ssyncadd.s32 @!p0 s1  }
0x5b3: {  	[bflag:$0x3] =	sbarrier.arrive $0xFFFF  }
0x5b4: {  	_ =	shalt  }

</sc_bundles>
